<compile_context>
chip_gen: v7x
topology: tpu7x:2x2x1
jax: 0.10.2.dev20260603
libtpu: 0.0.44.dev20260713+nightly
codegen_flags: <defaults>
</compile_context>

<pallas_src>
import functools

import jax
import jax.numpy as jnp
import numpy as np
from jax import lax
from jax.experimental import pallas as pl
from jax.experimental.pallas import tpu as pltpu
from jax.experimental.pallas import tpu_sc as plsc

B, L, H, K, V, NE, ND = 4, 1024, 128, 30, 20, 3, 3
BL = B * L
N = BL * K
RF = 256
R = 128
RK = R * K

_MU = np.linspace(2.0, 22.0, 16, dtype=np.float32)
_SIGMA = np.float32((22.0 - 2.0) / 16.0)
_FREQ = np.exp(-np.arange(8, dtype=np.float32) * (np.log(10000.0) / 8.0)).astype(np.float32)


def _ln(x):
    mu = jnp.mean(x, -1, keepdims=True)
    d = x - mu
    var = jnp.mean(d * d, -1, keepdims=True)
    return d / jnp.sqrt(var + 1e-5)


def _features_body(x2_ref, xfull_ref, xblk_ref, s_ref, vf_ref,
                   we_ref, be_ref, wv_ref, bv_ref, ws_ref,
                   eidx_ref, he_ref, hs_ref, hv0_ref):
    b = pl.program_id(0)
    i = pl.program_id(1)
    xf = xfull_ref[0]
    xb = xblk_ref[0]
    x2f = x2_ref[0]
    x2b = jnp.sum(xb * xb, axis=-1, keepdims=True)
    dot = lax.dot_general(xb, xf, (((1,), (1,)), ((), ())))
    d2 = x2b + x2f - 2.0 * dot
    negd = -jnp.sqrt(jnp.maximum(d2, 1e-8))
    ii = lax.broadcasted_iota(jnp.int32, (RF, L), 1)
    li = lax.broadcasted_iota(jnp.int32, (RF, 1), 0) + i * RF
    mu = 2.0 + lax.broadcasted_iota(jnp.int32, (1, 16), 1).astype(jnp.float32) \
        * np.float32(20.0 / 15.0)
    freq = jnp.exp(lax.broadcasted_iota(jnp.int32, (1, 8), 1).astype(jnp.float32)
                   * np.float32(-np.log(10000.0) / 8.0))
    for k in range(K):
        mx = jnp.max(negd, axis=-1, keepdims=True)
        idx = jnp.min(jnp.where(negd == mx, ii, L), axis=-1,
                      keepdims=True)
        negd = jnp.where(ii == idx, -3.4e38, negd)
        dn = -mx
        rbf = jnp.exp(-(((dn - mu) / _SIGMA) ** 2))
        ang = (idx - li).astype(jnp.float32) * freq
        ef = jnp.concatenate([rbf, jnp.cos(ang), jnp.sin(ang)], axis=-1)
        he_ref[:, k, :] = jnp.dot(ef, we_ref[...]) + be_ref[...]
        eidx_ref[:, k:k + 1] = idx + b * L
    s = s_ref[...]
    oh = (s == lax.broadcasted_iota(jnp.int32, (RF, V), 1)).astype(jnp.float32)
    hs_ref[...] = jnp.dot(oh, ws_ref[...])
    hv0_ref[...] = jnp.dot(vf_ref[...], wv_ref[...]) + bv_ref[...]


def _features_call(x2, xpad, s2, vfp, we, be, wv, bv, ws):
    nb = L // RF
    return pl.pallas_call(
        _features_body,
        grid=(B, nb),
        in_specs=[
            pl.BlockSpec((1, 1, L), lambda b, i: (b, 0, 0)),
            pl.BlockSpec((1, L, 8), lambda b, i: (b, 0, 0)),
            pl.BlockSpec((1, RF, 8), lambda b, i: (b, i, 0)),
            pl.BlockSpec((RF, 1), lambda b, i: (b * nb + i, 0)),
            pl.BlockSpec((RF, 8), lambda b, i: (b * nb + i, 0)),
            pl.BlockSpec((32, H), lambda b, i: (0, 0)),
            pl.BlockSpec((1, H), lambda b, i: (0, 0)),
            pl.BlockSpec((8, H), lambda b, i: (0, 0)),
            pl.BlockSpec((1, H), lambda b, i: (0, 0)),
            pl.BlockSpec((V, H), lambda b, i: (0, 0)),
        ],
        out_specs=[
            pl.BlockSpec((RF, K), lambda b, i: (b * nb + i, 0)),
            pl.BlockSpec((RF, K, H), lambda b, i: (b * nb + i, 0, 0)),
            pl.BlockSpec((RF, H), lambda b, i: (b * nb + i, 0)),
            pl.BlockSpec((RF, H), lambda b, i: (b * nb + i, 0)),
        ],
        out_shape=[
            jax.ShapeDtypeStruct((BL, K), jnp.int32),
            jax.ShapeDtypeStruct((BL, K, H), jnp.float32),
            jax.ShapeDtypeStruct((BL, H), jnp.float32),
            jax.ShapeDtypeStruct((BL, H), jnp.float32),
        ],
    )(x2, xpad, xpad, s2, vfp, we, be, wv, bv, ws)


@functools.cache
def _make_sc_gather(hw):
    nc, ns = 2, 16
    nw = nc * ns
    per_w = N // nw
    ch = 128
    n_ch = per_w // ch
    mesh = plsc.VectorSubcoreMesh(core_axis_name="c", subcore_axis_name="s")

    @functools.partial(
        pl.kernel, mesh=mesh,
        out_type=jax.ShapeDtypeStruct((N, hw), jnp.float32),
        scratch_types=[
            pltpu.VMEM((per_w,), jnp.int32),
            pltpu.VMEM((2, ch, hw), jnp.float32),
            pltpu.SemaphoreType.DMA,
        ],
    )
    def gather_k(table_hbm, idx_hbm, out_hbm, idx_v, rows_v, sem):
        wid = lax.axis_index("s") * nc + lax.axis_index("c")
        base = wid * per_w
        pltpu.sync_copy(idx_hbm.at[pl.ds(base, per_w)], idx_v)

        def gsrc(c):
            return table_hbm.at[idx_v.at[pl.ds(c * ch, ch)]]

        def wait_slot(slot):
            pltpu.make_async_copy(gsrc(0), rows_v.at[slot], sem).wait()

        pltpu.async_copy(gsrc(0), rows_v.at[0], sem)

        def body(c, carry):
            slot = lax.rem(c, 2)
            wait_slot(slot)
            pltpu.async_copy(gsrc(c + 1), rows_v.at[1 - slot], sem)
            pltpu.sync_copy(rows_v.at[slot], out_hbm.at[pl.ds(base + c * ch, ch)])
            return carry

        lax.fori_loop(0, n_ch - 1, body, 0)
        lslot = (n_ch - 1) % 2
        wait_slot(lslot)
        pltpu.sync_copy(rows_v.at[lslot],
                        out_hbm.at[pl.ds(base + (n_ch - 1) * ch, ch)])

    return gather_k


def _pack_bf16(x):
    x16 = x.astype(jnp.bfloat16)
    return lax.bitcast_convert_type(x16.reshape(x.shape[0], -1, 2), jnp.float32)


def _unpack_bf16(x):
    return lax.bitcast_convert_type(x, jnp.bfloat16).reshape(x.shape[0], -1)


def _gather_h(tbl, idx):
    return _make_sc_gather(H)(tbl, idx)


def _gather_2h(tbl, idx):
    return _make_sc_gather(2 * H)(tbl, idx)


def _bmat():
    e = lax.broadcasted_iota(jnp.int32, (RK, R), 0) // K
    r = lax.broadcasted_iota(jnp.int32, (RK, R), 1)
    return (e == r).astype(jnp.float32)


def _ksum(bmat, m):
    return lax.dot_general(bmat, m, (((0,), (0,)), ((), ())))


def _enc_body(hv_ref, g_ref, he_ref, w1a, w1b, w1c, b1, w2, b2, w3, b3,
              w11, b11, w12, b12, out_ref):
    hv = hv_ref[...]
    bmat = _bmat()
    hvb = jnp.dot(bmat, jnp.dot(hv, w1a[...]))
    m = hvb + jnp.dot(g_ref[...], w1b[...]) + jnp.dot(he_ref[...], w1c[...]) + b1[...]
    m = jnp.maximum(m, 0.0)
    m = jnp.maximum(jnp.dot(m, w2[...]) + b2[...], 0.0)
    m = jnp.dot(m, w3[...]) + b3[...]
    dh = _ksum(bmat, m) / K
    h = _ln(hv + dh)
    ffn = jnp.dot(jnp.maximum(jnp.dot(h, w11[...]) + b11[...], 0.0), w12[...]) + b12[...]
    out_ref[...] = _ln(h + ffn)


def _enc_call(hv, g, he2, w):
    gsteps = BL // R
    wspecs = [
        pl.BlockSpec((H, H), lambda i: (0, 0)),
        pl.BlockSpec((H, H), lambda i: (0, 0)),
        pl.BlockSpec((H, H), lambda i: (0, 0)),
        pl.BlockSpec((1, H), lambda i: (0, 0)),
        pl.BlockSpec((H, H), lambda i: (0, 0)),
        pl.BlockSpec((1, H), lambda i: (0, 0)),
        pl.BlockSpec((H, H), lambda i: (0, 0)),
        pl.BlockSpec((1, H), lambda i: (0, 0)),
        pl.BlockSpec((H, 4 * H), lambda i: (0, 0)),
        pl.BlockSpec((1, 4 * H), lambda i: (0, 0)),
        pl.BlockSpec((4 * H, H), lambda i: (0, 0)),
        pl.BlockSpec((1, H), lambda i: (0, 0)),
    ]
    return pl.pallas_call(
        _enc_body,
        grid=(gsteps,),
        in_specs=[
            pl.BlockSpec((R, H), lambda i: (i, 0)),
            pl.BlockSpec((RK, H), lambda i: (i, 0)),
            pl.BlockSpec((RK, H), lambda i: (i, 0)),
        ] + wspecs,
        out_specs=pl.BlockSpec((R, H), lambda i: (i, 0)),
        out_shape=jax.ShapeDtypeStruct((BL, H), jnp.float32),
    )(hv, g, he2, *w)


def _dec_body(hv_ref, g_ref, gfix_ref, he_ref, ar_ref,
              w1a, w1b, w1c, w1d, b1, w2, b2, w3, b3, w11, b11, w12, b12,
              out_ref):
    hv = hv_ref[...]
    arb = ar_ref[...] != 0
    gfix = gfix_ref[...]
    seg0 = jnp.where(arb, g_ref[...], gfix[:, :H])
    seg1 = jnp.where(arb, gfix[:, H:], 0.0)
    bmat = _bmat()
    hvb = jnp.dot(bmat, jnp.dot(hv, w1a[...]))
    m = (hvb + jnp.dot(seg0, w1b[...]) + jnp.dot(seg1, w1c[...])
         + jnp.dot(he_ref[...], w1d[...]) + b1[...])
    m = jnp.maximum(m, 0.0)
    m = jnp.maximum(jnp.dot(m, w2[...]) + b2[...], 0.0)
    m = jnp.dot(m, w3[...]) + b3[...]
    dh = _ksum(bmat, m) / K
    h = _ln(hv + dh)
    ffn = jnp.dot(jnp.maximum(jnp.dot(h, w11[...]) + b11[...], 0.0), w12[...]) + b12[...]
    out_ref[...] = _ln(h + ffn)


def _dec_call(hv, g, gfix, he2, ar2, w):
    gsteps = BL // R
    wspecs = [
        pl.BlockSpec((H, H), lambda i: (0, 0)),
        pl.BlockSpec((H, H), lambda i: (0, 0)),
        pl.BlockSpec((H, H), lambda i: (0, 0)),
        pl.BlockSpec((H, H), lambda i: (0, 0)),
        pl.BlockSpec((1, H), lambda i: (0, 0)),
        pl.BlockSpec((H, H), lambda i: (0, 0)),
        pl.BlockSpec((1, H), lambda i: (0, 0)),
        pl.BlockSpec((H, H), lambda i: (0, 0)),
        pl.BlockSpec((1, H), lambda i: (0, 0)),
        pl.BlockSpec((H, 4 * H), lambda i: (0, 0)),
        pl.BlockSpec((1, 4 * H), lambda i: (0, 0)),
        pl.BlockSpec((4 * H, H), lambda i: (0, 0)),
        pl.BlockSpec((1, H), lambda i: (0, 0)),
    ]
    return pl.pallas_call(
        _dec_body,
        grid=(gsteps,),
        in_specs=[
            pl.BlockSpec((R, H), lambda i: (i, 0)),
            pl.BlockSpec((RK, H), lambda i: (i, 0)),
            pl.BlockSpec((RK, 2 * H), lambda i: (i, 0)),
            pl.BlockSpec((RK, H), lambda i: (i, 0)),
            pl.BlockSpec((RK, 1), lambda i: (i, 0)),
        ] + wspecs,
        out_specs=pl.BlockSpec((R, H), lambda i: (i, 0)),
        out_shape=jax.ShapeDtypeStruct((BL, H), jnp.float32),
    )(hv, g, gfix, he2, ar2, *w)


def _out_body(hv_ref, wo_ref, bo_ref, out_ref):
    x = jnp.dot(hv_ref[...], wo_ref[...]) + bo_ref[...]
    sh = x - jnp.max(x, axis=-1, keepdims=True)
    out_ref[...] = sh - jnp.log(jnp.sum(jnp.exp(sh), axis=-1, keepdims=True))


def _out_call(hv, wo, bo):
    return pl.pallas_call(
        _out_body,
        grid=(BL // RF,),
        in_specs=[
            pl.BlockSpec((RF, H), lambda i: (i, 0)),
            pl.BlockSpec((H, V), lambda i: (0, 0)),
            pl.BlockSpec((1, V), lambda i: (0, 0)),
        ],
        out_specs=pl.BlockSpec((RF, V), lambda i: (i, 0)),
        out_shape=jax.ShapeDtypeStruct((BL, V), jnp.float32),
    )(hv, wo, bo)


def _vf_features(xca):
    dx = xca[:, 1:, :] - xca[:, :-1, :]
    u = dx / (jnp.linalg.norm(dx, axis=-1, keepdims=True) + 1e-6)
    u2, u1, u0 = u[:, :-2], u[:, 1:-1], u[:, 2:]
    n2 = jnp.cross(u2, u1)
    n2 = n2 / (jnp.linalg.norm(n2, axis=-1, keepdims=True) + 1e-6)
    n1 = jnp.cross(u1, u0)
    n1 = n1 / (jnp.linalg.norm(n1, axis=-1, keepdims=True) + 1e-6)
    cosa = jnp.clip(-jnp.sum(u1 * u0, -1), -1.0 + 1e-6, 1.0 - 1e-6)
    a = jnp.arccos(cosa)
    cosd = jnp.clip(jnp.sum(n2 * n1, -1), -1.0 + 1e-6, 1.0 - 1e-6)
    dih = jnp.sign(jnp.sum(u2 * n1, -1)) * jnp.arccos(cosd)
    a = jnp.pad(a, ((0, 0), (1, 2)))
    dih = jnp.pad(dih, ((0, 0), (1, 2)))
    return jnp.stack([jnp.cos(a), jnp.sin(a), jnp.cos(dih), jnp.sin(dih)], -1)


def _enc_weights(lp):
    w1, b1 = lp['W1']
    return (w1[:H], w1[H:2 * H], w1[2 * H:], b1.reshape(1, H),
            lp['W2'][0], lp['W2'][1].reshape(1, H),
            lp['W3'][0], lp['W3'][1].reshape(1, H),
            lp['W11'][0], lp['W11'][1].reshape(1, 4 * H),
            lp['W12'][0], lp['W12'][1].reshape(1, H))


def _dec_weights(lp):
    w1, b1 = lp['W1']
    return (w1[:H], w1[H:2 * H], w1[2 * H:3 * H], w1[3 * H:], b1.reshape(1, H),
            lp['W2'][0], lp['W2'][1].reshape(1, H),
            lp['W3'][0], lp['W3'][1].reshape(1, H),
            lp['W11'][0], lp['W11'][1].reshape(1, 4 * H),
            lp['W12'][0], lp['W12'][1].reshape(1, H))


def kernel(X, S, lengths, mask, params):
    p = params
    xca = X[:, :, 1, :]
    x2 = jnp.sum(xca * xca, -1).reshape(B, 1, L)
    xpad = jnp.pad(xca, ((0, 0), (0, 0), (0, 5)))
    vfp = jnp.pad(_vf_features(xca), ((0, 0), (0, 0), (0, 4))).reshape(BL, 8)
    s2 = S.reshape(BL, 1).astype(jnp.int32)
    wv = jnp.pad(p['W_v'][0], ((0, 4), (0, 0)))
    eidx, he, hs, hv = _features_call(
        x2, xpad, s2, vfp,
        p['W_e'][0], p['W_e'][1].reshape(1, H),
        wv, p['W_v'][1].reshape(1, H), p['W_s'])
    he2 = he.reshape(N, H)
    idxg = eidx.reshape(N)
    for lp in p['enc']:
        g = _gather_h(hv, idxg)
        hv = _enc_call(hv, g, he2, _enc_weights(lp))
    gfix = _gather_2h(jnp.concatenate([hv, hs], -1), idxg)
    nid = jnp.arange(N, dtype=jnp.int32) // K
    ar2 = (idxg < nid).astype(jnp.float32).reshape(N, 1)
    for lp in p['dec']:
        g = _gather_h(hv, idxg)
        hv = _dec_call(hv, g, gfix, he2, ar2, _dec_weights(lp))
    out = _out_call(hv, p['W_out'][0], p['W_out'][1].reshape(1, V))
    return out.reshape(B, L, V)

# --- scband reference (transcript-rebuilt; emitter-appended) ---
"""Pipeline reference for scband-nips19-model-61804579389538 (READ-ONLY COPY).

The authoritative reference and input builder live on the scoring server;
editing this copy changes nothing except your own understanding.
"""

import jax, jax.numpy as jnp
import numpy as np

B, L, H, K, V, NE, ND = 4, 1024, 128, 30, 20, 3, 3

def _norm(x):
    mu = jnp.mean(x, -1, keepdims=True)
    var = jnp.var(x, -1, keepdims=True)
    return (x - mu) / jnp.sqrt(var + 1e-5)

def _gather_nodes(h, E_idx):
    return jax.vmap(lambda hb, eb: hb[eb])(h, E_idx)

def _lin(x, Wb):
    return x @ Wb[0] + Wb[1]

def _features(X, mask):
    Xca = X[:, :, 1, :]
    x2 = jnp.sum(Xca * Xca, -1)
    D2 = x2[:, :, None] + x2[:, None, :] - 2.0 * jnp.einsum('bld,bmd->blm', Xca, Xca)
    D = jnp.sqrt(jnp.maximum(D2, 1e-8))
    mask2 = mask[:, :, None] * mask[:, None, :]
    Dadj = D + (1.0 - mask2) * 1e6
    negD, E_idx = jax.lax.top_k(-Dadj, K)
    Dn = -negD
    mu = jnp.linspace(2.0, 22.0, 16)
    sigma = (22.0 - 2.0) / 16.0
    rbf = jnp.exp(-(((Dn[..., None] - mu) / sigma) ** 2))
    offset = (E_idx - jnp.arange(L)[None, :, None]).astype(jnp.float32)
    freq = jnp.exp(-jnp.arange(8, dtype=jnp.float32) * (np.log(10000.0) / 8.0))
    ang = offset[..., None] * freq
    Ef = jnp.concatenate([rbf, jnp.cos(ang), jnp.sin(ang)], -1)
    dX = Xca[:, 1:, :] - Xca[:, :-1, :]
    U = dX / (jnp.linalg.norm(dX, axis=-1, keepdims=True) + 1e-6)
    u2, u1, u0 = U[:, :-2], U[:, 1:-1], U[:, 2:]
    n2 = jnp.cross(u2, u1)
    n2 = n2 / (jnp.linalg.norm(n2, axis=-1, keepdims=True) + 1e-6)
    n1 = jnp.cross(u1, u0)
    n1 = n1 / (jnp.linalg.norm(n1, axis=-1, keepdims=True) + 1e-6)
    cosA = jnp.clip(-jnp.sum(u1 * u0, -1), -1.0 + 1e-6, 1.0 - 1e-6)
    A = jnp.arccos(cosA)
    cosDih = jnp.clip(jnp.sum(n2 * n1, -1), -1.0 + 1e-6, 1.0 - 1e-6)
    Dih = jnp.sign(jnp.sum(u2 * n1, -1)) * jnp.arccos(cosDih)
    A = jnp.pad(A, ((0, 0), (1, 2)))
    Dih = jnp.pad(Dih, ((0, 0), (1, 2)))
    Vf = jnp.stack([jnp.cos(A), jnp.sin(A), jnp.cos(Dih), jnp.sin(Dih)], -1)
    return Vf, Ef, E_idx

def _mpnn_layer(h_V, h_in, lp, mask, mask_attend):
    h_Vx = jnp.broadcast_to(h_V[:, :, None, :], h_in.shape[:3] + (h_V.shape[-1],))
    m = jnp.concatenate([h_Vx, h_in], -1)
    m = _lin(jax.nn.relu(_lin(jax.nn.relu(_lin(m, lp['W1'])), lp['W2'])), lp['W3'])
    if mask_attend is not None:
        m = m * mask_attend[..., None]
    dh = jnp.sum(m, 2) / K
    h_V = _norm(h_V + dh)
    dh = _lin(jax.nn.relu(_lin(h_V, lp['W11'])), lp['W12'])
    h_V = _norm(h_V + dh)
    return h_V * mask[..., None]

def _forward(X, S, mask, p):
    Vf, Ef, E_idx = _features(X, mask)
    h_V = Vf @ p['W_v'][0] + p['W_v'][1]
    h_E = Ef @ p['W_e'][0] + p['W_e'][1]
    mask_nb = jax.vmap(lambda mb, eb: mb[eb])(mask, E_idx)
    mask_attend = mask[:, :, None] * mask_nb
    for lp in p['enc']:
        h_EV = jnp.concatenate([_gather_nodes(h_V, E_idx), h_E], -1)
        h_V = _mpnn_layer(h_V, h_EV, lp, mask, mask_attend)
    h_S = p['W_s'][S]
    h_ES = jnp.concatenate([_gather_nodes(h_S, E_idx), h_E], -1)
    h_ES_enc = jnp.concatenate([jnp.zeros_like(h_E), h_E], -1)
    h_ESV_enc = jnp.concatenate([_gather_nodes(h_V, E_idx), h_ES_enc], -1)
    ar = (E_idx < jnp.arange(L)[None, :, None]).astype(jnp.float32)[..., None]
    mask1D = mask[:, :, None, None]
    mask_bw = mask1D * ar
    h_ESV_enc = (mask1D * (1.0 - ar)) * h_ESV_enc
    for lp in p['dec']:
        h_ESV = jnp.concatenate([_gather_nodes(h_V, E_idx), h_ES], -1)
        h_ESV = mask_bw * h_ESV + h_ESV_enc
        h_V = _mpnn_layer(h_V, h_ESV, lp, mask, None)
    logits = h_V @ p['W_out'][0] + p['W_out'][1]
    return jax.nn.log_softmax(logits, -1)

def setup_inputs(seed: int = 0):
    key = jax.random.key(seed)
    kk = lambda j: jax.random.fold_in(key, j)
    X = jax.random.normal(kk(0), (B, L, 4, 3), dtype=jnp.float32) * 4.0
    S = jax.random.randint(kk(1), (B, L), 0, V)
    lengths = jnp.full((B,), L, dtype=jnp.int32)
    mask = jnp.ones((B, L), dtype=jnp.float32)
    def lin(k, di, do):
        return (jax.random.normal(k, (di, do), dtype=jnp.float32) / np.sqrt(di), jnp.zeros((do,), jnp.float32))
    def layer(base, din1):
        return {'W1': lin(kk(base), din1, H), 'W2': lin(kk(base + 1), H, H), 'W3': lin(kk(base + 2), H, H), 'W11': lin(kk(base + 3), H, 4 * H), 'W12': lin(kk(base + 4), 4 * H, H)}
    p = {'W_v': lin(kk(2), 4, H), 'W_e': lin(kk(3), 32, H), 'W_s': jax.random.normal(kk(4), (V, H), jnp.float32) * 0.1, 'W_out': lin(kk(5), H, V), 'enc': [layer(10 + 5 * i, 3 * H) for i in range(NE)], 'dec': [layer(40 + 5 * i, 4 * H) for i in range(ND)]}
    return {'X': X, 'S': S, 'lengths': lengths, 'mask': mask, 'params': p}

def reference(X, S, lengths, mask, params):
    return _forward(X, S, mask, params)

if __name__ == "__main__":
    import jax
    _d = setup_inputs()
    print(jax.jit(kernel)(*tuple(_d.values())))

</pallas_src>

<mosaic_0001>
#map = affine_map<(d0, d1) -> (0, 0)>
#map1 = affine_map<(d0, d1) -> (0)>
module attributes {stable_mosaic.version = 14 : i64} {
  func.func @gather_k(%arg0: i32, %arg1: i32, %arg2: memref<4096x128xf32, #tpu.memory_space<hbm>>, %arg3: memref<122880xi32, #tpu.memory_space<hbm>>, %arg4: memref<122880x128xf32, #tpu.memory_space<hbm>>, %arg5: memref<3840xi32, #tpu.memory_space<vmem>>, %arg6: memref<2x128x128xf32, #tpu.memory_space<vmem>>, %arg7: memref<!tpu.dma_semaphore, #tpu.memory_space<semaphore_mem>>) attributes {dimension_semantics = [#tpu.dimension_semantics<core_parallel>, #tpu.dimension_semantics<subcore_parallel>], iteration_bounds = array<i64: 2, 16>, scalar_prefetch = 0 : i64, scratch_operands = 3 : i64, tpu.core_type = #tpu.core_type<sc_vector_subcore>, window_params = [{transform_indices = #map}, {transform_indices = #map1}, {transform_indices = #map}]} {
    %mul3A = arith.constant 2 : i32
    %mul3A_0 = arith.muli %arg1, %mul3A : i32
    %add3A = arith.addi %mul3A_0, %arg0 : i32
    %mul3A_1 = arith.constant 3840 : i32
    %mul3A_2 = arith.muli %add3A, %mul3A_1 : i32
    "tpu.region"() ({
      %run_scoped3A_28 = tpu.sem_alloc : memref<!tpu.dma_semaphore, #tpu.memory_space<semaphore_mem>>
      %dma_start3A_29 = tpu.memref_slice %arg3[%mul3A_2] : memref<122880xi32, #tpu.memory_space<hbm>> -> memref<3840xi32, #tpu.memory_space<hbm>>
      %dma_start3A_30 = tpu.memref_slice %arg3[%mul3A_2] : memref<122880xi32, #tpu.memory_space<hbm>> -> memref<3840xi32, #tpu.memory_space<hbm>>
      tpu.enqueue_dma source(%dma_start3A_30 : memref<3840xi32, #tpu.memory_space<hbm>>) target(%arg5 : memref<3840xi32, #tpu.memory_space<vmem>>) target_semaphore(%run_scoped3A_28 : memref<!tpu.dma_semaphore, #tpu.memory_space<semaphore_mem>>)
      %dma_wait3A_31 = tpu.memref_slice %arg3[%mul3A_2] : memref<122880xi32, #tpu.memory_space<hbm>> -> memref<3840xi32, #tpu.memory_space<hbm>>
      %dma_wait3A_32 = tpu.memref_slice %arg3[%mul3A_2] : memref<122880xi32, #tpu.memory_space<hbm>> -> memref<3840xi32, #tpu.memory_space<hbm>>
      tpu.wait_dma2 semaphore(%run_scoped3A_28 : memref<!tpu.dma_semaphore, #tpu.memory_space<semaphore_mem>>) src(%dma_wait3A_32 : memref<3840xi32, #tpu.memory_space<hbm>>) dst(%arg5 : memref<3840xi32, #tpu.memory_space<vmem>>)
      tpu.yield
    }) : () -> ()
    %dma_start3A = arith.constant 0 : i32
    %dma_start3A_3 = arith.constant 0 : i32
    %dma_start3A_4 = arith.constant 0 : i32
    %dma_start3A_5 = tpu.memref_slice %arg6[%dma_start3A, %dma_start3A_3, %dma_start3A_4] : memref<2x128x128xf32, #tpu.memory_space<vmem>> -> memref<1x128x128xf32, #tpu.memory_space<vmem>>
    %dma_start3A_6 = tpu.memref_squeeze %dma_start3A_5 : memref<1x128x128xf32, #tpu.memory_space<vmem>> -> memref<128x128xf32, #tpu.memory_space<vmem>>
    %dma_start3A_7 = arith.constant 0 : i32
    %dma_start3A_8 = tpu.memref_slice %arg5[%dma_start3A_7] : memref<3840xi32, #tpu.memory_space<vmem>> -> memref<128xi32, #tpu.memory_space<vmem>>
    %dma_start3A_9 = arith.constant 0 : i32
    %dma_start3A_10 = arith.constant 0 : i32
    %dma_start3A_11 = tpu.memref_slice %arg2[%dma_start3A_9, %dma_start3A_10] : memref<4096x128xf32, #tpu.memory_space<hbm>> -> memref<4096x128xf32, #tpu.memory_space<hbm>>
    tpu.enqueue_indirect_dma source(%dma_start3A_11 : memref<4096x128xf32, #tpu.memory_space<hbm>>) target(%dma_start3A_6 : memref<128x128xf32, #tpu.memory_space<vmem>>) offsets(%dma_start3A_8 : memref<128xi32, #tpu.memory_space<vmem>>) semaphore(%arg7 : memref<!tpu.dma_semaphore, #tpu.memory_space<semaphore_mem>>)
    %scan3A = arith.constant 0 : i32
    %scan3A_12 = arith.constant 0 : i32
    %scan3A_13 = arith.constant 29 : i32
    %scan3A_14 = arith.addi %scan3A_12, %scan3A_13 : i32
    %scan3A_15 = arith.constant 1 : i32
    scf.for %scan3A_28 = %scan3A_12 to %scan3A_14 step %scan3A_15  : i32 {
      %rem3A = arith.constant 2 : i32
      %rem3A_29 = arith.remsi %scan3A_28, %rem3A : i32
      %dma_wait3A_30 = arith.constant 0 : i32
      %dma_wait3A_31 = arith.constant 0 : i32
      %dma_wait3A_32 = tpu.memref_slice %arg6[%rem3A_29, %dma_wait3A_30, %dma_wait3A_31] : memref<2x128x128xf32, #tpu.memory_space<vmem>> -> memref<1x128x128xf32, #tpu.memory_space<vmem>>
      %dma_wait3A_33 = tpu.memref_squeeze %dma_wait3A_32 : memref<1x128x128xf32, #tpu.memory_space<vmem>> -> memref<128x128xf32, #tpu.memory_space<vmem>>
      %dma_wait3A_34 = arith.constant 0 : i32
      %dma_wait3A_35 = tpu.memref_slice %arg5[%dma_wait3A_34] : memref<3840xi32, #tpu.memory_space<vmem>> -> memref<128xi32, #tpu.memory_space<vmem>>
      %dma_wait3A_36 = arith.constant 0 : i32
      %dma_wait3A_37 = arith.constant 0 : i32
      %dma_wait3A_38 = tpu.memref_slice %arg2[%dma_wait3A_36, %dma_wait3A_37] : memref<4096x128xf32, #tpu.memory_space<hbm>> -> memref<4096x128xf32, #tpu.memory_space<hbm>>
      tpu.wait_indirect_dma semaphore(%arg7 : memref<!tpu.dma_semaphore, #tpu.memory_space<semaphore_mem>>) src(%dma_wait3A_38 : memref<4096x128xf32, #tpu.memory_space<hbm>>) dst(%dma_wait3A_33 : memref<128x128xf32, #tpu.memory_space<vmem>>)
      %add3A_39 = arith.constant 1 : i32
      %add3A_40 = arith.addi %scan3A_28, %add3A_39 : i32
      %mul3A_41 = arith.constant 128 : i32
      %mul3A_42 = arith.muli %add3A_40, %mul3A_41 : i32
      %sub3A = arith.constant 1 : i32
      %sub3A_43 = arith.subi %sub3A, %rem3A_29 : i32
      %dma_start3A_44 = arith.constant 0 : i32
      %dma_start3A_45 = arith.constant 0 : i32
      %dma_start3A_46 = tpu.memref_slice %arg6[%sub3A_43, %dma_start3A_44, %dma_start3A_45] : memref<2x128x128xf32, #tpu.memory_space<vmem>> -> memref<1x128x128xf32, #tpu.memory_space<vmem>>
      %dma_start3A_47 = tpu.memref_squeeze %dma_start3A_46 : memref<1x128x128xf32, #tpu.memory_space<vmem>> -> memref<128x128xf32, #tpu.memory_space<vmem>>
      %dma_start3A_48 = tpu.memref_slice %arg5[%mul3A_42] : memref<3840xi32, #tpu.memory_space<vmem>> -> memref<128xi32, #tpu.memory_space<vmem>>
      %dma_start3A_49 = arith.constant 0 : i32
      %dma_start3A_50 = arith.constant 0 : i32
      %dma_start3A_51 = tpu.memref_slice %arg2[%dma_start3A_49, %dma_start3A_50] : memref<4096x128xf32, #tpu.memory_space<hbm>> -> memref<4096x128xf32, #tpu.memory_space<hbm>>
      tpu.enqueue_indirect_dma source(%dma_start3A_51 : memref<4096x128xf32, #tpu.memory_space<hbm>>) target(%dma_start3A_47 : memref<128x128xf32, #tpu.memory_space<vmem>>) offsets(%dma_start3A_48 : memref<128xi32, #tpu.memory_space<vmem>>) semaphore(%arg7 : memref<!tpu.dma_semaphore, #tpu.memory_space<semaphore_mem>>)
      %mul3A_52 = arith.constant 128 : i32
      %mul3A_53 = arith.muli %scan3A_28, %mul3A_52 : i32
      %add3A_54 = arith.addi %mul3A_2, %mul3A_53 : i32
      "tpu.region"() ({
        %run_scoped3A_55 = tpu.sem_alloc : memref<!tpu.dma_semaphore, #tpu.memory_space<semaphore_mem>>
        %dma_start3A_56 = arith.constant 0 : i32
        %dma_start3A_57 = arith.constant 0 : i32
        %dma_start3A_58 = tpu.memref_slice %arg6[%rem3A_29, %dma_start3A_56, %dma_start3A_57] : memref<2x128x128xf32, #tpu.memory_space<vmem>> -> memref<1x128x128xf32, #tpu.memory_space<vmem>>
        %dma_start3A_59 = tpu.memref_squeeze %dma_start3A_58 : memref<1x128x128xf32, #tpu.memory_space<vmem>> -> memref<128x128xf32, #tpu.memory_space<vmem>>
        %dma_start3A_60 = arith.constant 0 : i32
        %dma_start3A_61 = tpu.memref_slice %arg4[%add3A_54, %dma_start3A_60] : memref<122880x128xf32, #tpu.memory_space<hbm>> -> memref<128x128xf32, #tpu.memory_space<hbm>>
        %dma_start3A_62 = arith.constant 0 : i32
        %dma_start3A_63 = tpu.memref_slice %arg4[%add3A_54, %dma_start3A_62] : memref<122880x128xf32, #tpu.memory_space<hbm>> -> memref<128x128xf32, #tpu.memory_space<hbm>>
        %dma_start3A_64 = arith.constant 0 : i32
        %dma_start3A_65 = arith.constant 0 : i32
        %dma_start3A_66 = tpu.memref_slice %arg6[%rem3A_29, %dma_start3A_64, %dma_start3A_65] : memref<2x128x128xf32, #tpu.memory_space<vmem>> -> memref<1x128x128xf32, #tpu.memory_space<vmem>>
        %dma_start3A_67 = tpu.memref_squeeze %dma_start3A_66 : memref<1x128x128xf32, #tpu.memory_space<vmem>> -> memref<128x128xf32, #tpu.memory_space<vmem>>
        tpu.enqueue_dma source(%dma_start3A_67 : memref<128x128xf32, #tpu.memory_space<vmem>>) target(%dma_start3A_63 : memref<128x128xf32, #tpu.memory_space<hbm>>) target_semaphore(%run_scoped3A_55 : memref<!tpu.dma_semaphore, #tpu.memory_space<semaphore_mem>>)
        %dma_wait3A_68 = arith.constant 0 : i32
        %dma_wait3A_69 = arith.constant 0 : i32
        %dma_wait3A_70 = tpu.memref_slice %arg6[%rem3A_29, %dma_wait3A_68, %dma_wait3A_69] : memref<2x128x128xf32, #tpu.memory_space<vmem>> -> memref<1x128x128xf32, #tpu.memory_space<vmem>>
        %dma_wait3A_71 = tpu.memref_squeeze %dma_wait3A_70 : memref<1x128x128xf32, #tpu.memory_space<vmem>> -> memref<128x128xf32, #tpu.memory_space<vmem>>
        %dma_wait3A_72 = arith.constant 0 : i32
        %dma_wait3A_73 = tpu.memref_slice %arg4[%add3A_54, %dma_wait3A_72] : memref<122880x128xf32, #tpu.memory_space<hbm>> -> memref<128x128xf32, #tpu.memory_space<hbm>>
        %dma_wait3A_74 = arith.constant 0 : i32
        %dma_wait3A_75 = tpu.memref_slice %arg4[%add3A_54, %dma_wait3A_74] : memref<122880x128xf32, #tpu.memory_space<hbm>> -> memref<128x128xf32, #tpu.memory_space<hbm>>
        %dma_wait3A_76 = arith.constant 0 : i32
        %dma_wait3A_77 = arith.constant 0 : i32
        %dma_wait3A_78 = tpu.memref_slice %arg6[%rem3A_29, %dma_wait3A_76, %dma_wait3A_77] : memref<2x128x128xf32, #tpu.memory_space<vmem>> -> memref<1x128x128xf32, #tpu.memory_space<vmem>>
        %dma_wait3A_79 = tpu.memref_squeeze %dma_wait3A_78 : memref<1x128x128xf32, #tpu.memory_space<vmem>> -> memref<128x128xf32, #tpu.memory_space<vmem>>
        tpu.wait_dma2 semaphore(%run_scoped3A_55 : memref<!tpu.dma_semaphore, #tpu.memory_space<semaphore_mem>>) src(%dma_wait3A_79 : memref<128x128xf32, #tpu.memory_space<vmem>>) dst(%dma_wait3A_75 : memref<128x128xf32, #tpu.memory_space<hbm>>)
        tpu.yield
      }) : () -> ()
    }
    %scan3A_16 = arith.constant 29 : i32
    %dma_wait3A = arith.constant 1 : i32
    %dma_wait3A_17 = arith.constant 0 : i32
    %dma_wait3A_18 = arith.constant 0 : i32
    %dma_wait3A_19 = tpu.memref_slice %arg6[%dma_wait3A, %dma_wait3A_17, %dma_wait3A_18] : memref<2x128x128xf32, #tpu.memory_space<vmem>> -> memref<1x128x128xf32, #tpu.memory_space<vmem>>
    %dma_wait3A_20 = tpu.memref_squeeze %dma_wait3A_19 : memref<1x128x128xf32, #tpu.memory_space<vmem>> -> memref<128x128xf32, #tpu.memory_space<vmem>>
    %dma_wait3A_21 = arith.constant 0 : i32
    %dma_wait3A_22 = tpu.memref_slice %arg5[%dma_wait3A_21] : memref<3840xi32, #tpu.memory_space<vmem>> -> memref<128xi32, #tpu.memory_space<vmem>>
    %dma_wait3A_23 = arith.constant 0 : i32
    %dma_wait3A_24 = arith.constant 0 : i32
    %dma_wait3A_25 = tpu.memref_slice %arg2[%dma_wait3A_23, %dma_wait3A_24] : memref<4096x128xf32, #tpu.memory_space<hbm>> -> memref<4096x128xf32, #tpu.memory_space<hbm>>
    tpu.wait_indirect_dma semaphore(%arg7 : memref<!tpu.dma_semaphore, #tpu.memory_space<semaphore_mem>>) src(%dma_wait3A_25 : memref<4096x128xf32, #tpu.memory_space<hbm>>) dst(%dma_wait3A_20 : memref<128x128xf32, #tpu.memory_space<vmem>>)
    %add3A_26 = arith.constant 3712 : i32
    %add3A_27 = arith.addi %mul3A_2, %add3A_26 : i32
    %run_scoped3A = arith.constant 1 : i32
    "tpu.region"() ({
      %run_scoped3A_28 = tpu.sem_alloc : memref<!tpu.dma_semaphore, #tpu.memory_space<semaphore_mem>>
      %dma_start3A_29 = arith.constant 0 : i32
      %dma_start3A_30 = arith.constant 0 : i32
      %dma_start3A_31 = tpu.memref_slice %arg6[%run_scoped3A, %dma_start3A_29, %dma_start3A_30] : memref<2x128x128xf32, #tpu.memory_space<vmem>> -> memref<1x128x128xf32, #tpu.memory_space<vmem>>
      %dma_start3A_32 = tpu.memref_squeeze %dma_start3A_31 : memref<1x128x128xf32, #tpu.memory_space<vmem>> -> memref<128x128xf32, #tpu.memory_space<vmem>>
      %dma_start3A_33 = arith.constant 0 : i32
      %dma_start3A_34 = tpu.memref_slice %arg4[%add3A_27, %dma_start3A_33] : memref<122880x128xf32, #tpu.memory_space<hbm>> -> memref<128x128xf32, #tpu.memory_space<hbm>>
      %dma_start3A_35 = arith.constant 0 : i32
      %dma_start3A_36 = tpu.memref_slice %arg4[%add3A_27, %dma_start3A_35] : memref<122880x128xf32, #tpu.memory_space<hbm>> -> memref<128x128xf32, #tpu.memory_space<hbm>>
      %dma_start3A_37 = arith.constant 0 : i32
      %dma_start3A_38 = arith.constant 0 : i32
      %dma_start3A_39 = tpu.memref_slice %arg6[%run_scoped3A, %dma_start3A_37, %dma_start3A_38] : memref<2x128x128xf32, #tpu.memory_space<vmem>> -> memref<1x128x128xf32, #tpu.memory_space<vmem>>
      %dma_start3A_40 = tpu.memref_squeeze %dma_start3A_39 : memref<1x128x128xf32, #tpu.memory_space<vmem>> -> memref<128x128xf32, #tpu.memory_space<vmem>>
      tpu.enqueue_dma source(%dma_start3A_40 : memref<128x128xf32, #tpu.memory_space<vmem>>) target(%dma_start3A_36 : memref<128x128xf32, #tpu.memory_space<hbm>>) target_semaphore(%run_scoped3A_28 : memref<!tpu.dma_semaphore, #tpu.memory_space<semaphore_mem>>)
      %dma_wait3A_41 = arith.constant 0 : i32
      %dma_wait3A_42 = arith.constant 0 : i32
      %dma_wait3A_43 = tpu.memref_slice %arg6[%run_scoped3A, %dma_wait3A_41, %dma_wait3A_42] : memref<2x128x128xf32, #tpu.memory_space<vmem>> -> memref<1x128x128xf32, #tpu.memory_space<vmem>>
      %dma_wait3A_44 = tpu.memref_squeeze %dma_wait3A_43 : memref<1x128x128xf32, #tpu.memory_space<vmem>> -> memref<128x128xf32, #tpu.memory_space<vmem>>
      %dma_wait3A_45 = arith.constant 0 : i32
      %dma_wait3A_46 = tpu.memref_slice %arg4[%add3A_27, %dma_wait3A_45] : memref<122880x128xf32, #tpu.memory_space<hbm>> -> memref<128x128xf32, #tpu.memory_space<hbm>>
      %dma_wait3A_47 = arith.constant 0 : i32
      %dma_wait3A_48 = tpu.memref_slice %arg4[%add3A_27, %dma_wait3A_47] : memref<122880x128xf32, #tpu.memory_space<hbm>> -> memref<128x128xf32, #tpu.memory_space<hbm>>
      %dma_wait3A_49 = arith.constant 0 : i32
      %dma_wait3A_50 = arith.constant 0 : i32
      %dma_wait3A_51 = tpu.memref_slice %arg6[%run_scoped3A, %dma_wait3A_49, %dma_wait3A_50] : memref<2x128x128xf32, #tpu.memory_space<vmem>> -> memref<1x128x128xf32, #tpu.memory_space<vmem>>
      %dma_wait3A_52 = tpu.memref_squeeze %dma_wait3A_51 : memref<1x128x128xf32, #tpu.memory_space<vmem>> -> memref<128x128xf32, #tpu.memory_space<vmem>>
      tpu.wait_dma2 semaphore(%run_scoped3A_28 : memref<!tpu.dma_semaphore, #tpu.memory_space<semaphore_mem>>) src(%dma_wait3A_52 : memref<128x128xf32, #tpu.memory_space<vmem>>) dst(%dma_wait3A_48 : memref<128x128xf32, #tpu.memory_space<hbm>>)
      tpu.yield
    }) : () -> ()
    return
  }
}

#map = affine_map<(d0, d1) -> (0, 0)>
#map1 = affine_map<(d0, d1) -> (0)>
module attributes {stable_mosaic.version = 14 : i64} {
  func.func @gather_k(%arg0: i32, %arg1: i32, %arg2: memref<4096x128xf32, #tpu.memory_space<hbm>>, %arg3: memref<122880xi32, #tpu.memory_space<hbm>>, %arg4: memref<122880x128xf32, #tpu.memory_space<hbm>>, %arg5: memref<3840xi32, #tpu.memory_space<vmem>>, %arg6: memref<2x128x128xf32, #tpu.memory_space<vmem>>, %arg7: memref<!tpu.dma_semaphore, #tpu.memory_space<semaphore_mem>>) attributes {dimension_semantics = [#tpu.dimension_semantics<core_parallel>, #tpu.dimension_semantics<subcore_parallel>], iteration_bounds = array<i64: 2, 16>, scalar_prefetch = 0 : i64, scratch_operands = 3 : i64, tpu.core_type = #tpu.core_type<sc_vector_subcore>, window_params = [{transform_indices = #map}, {transform_indices = #map1}, {transform_indices = #map}]} {
    %mul3A = arith.constant 2 : i32
    %mul3A_0 = arith.muli %arg1, %mul3A : i32
    %add3A = arith.addi %mul3A_0, %arg0 : i32
    %mul3A_1 = arith.constant 3840 : i32
    %mul3A_2 = arith.muli %add3A, %mul3A_1 : i32
    "tpu.region"() ({
      %run_scoped3A_28 = tpu.sem_alloc : memref<!tpu.dma_semaphore, #tpu.memory_space<semaphore_mem>>
      %dma_start3A_29 = tpu.memref_slice %arg3[%mul3A_2] : memref<122880xi32, #tpu.memory_space<hbm>> -> memref<3840xi32, #tpu.memory_space<hbm>>
      %dma_start3A_30 = tpu.memref_slice %arg3[%mul3A_2] : memref<122880xi32, #tpu.memory_space<hbm>> -> memref<3840xi32, #tpu.memory_space<hbm>>
      tpu.enqueue_dma source(%dma_start3A_30 : memref<3840xi32, #tpu.memory_space<hbm>>) target(%arg5 : memref<3840xi32, #tpu.memory_space<vmem>>) target_semaphore(%run_scoped3A_28 : memref<!tpu.dma_semaphore, #tpu.memory_space<semaphore_mem>>)
      %dma_wait3A_31 = tpu.memref_slice %arg3[%mul3A_2] : memref<122880xi32, #tpu.memory_space<hbm>> -> memref<3840xi32, #tpu.memory_space<hbm>>
      %dma_wait3A_32 = tpu.memref_slice %arg3[%mul3A_2] : memref<122880xi32, #tpu.memory_space<hbm>> -> memref<3840xi32, #tpu.memory_space<hbm>>
      tpu.wait_dma2 semaphore(%run_scoped3A_28 : memref<!tpu.dma_semaphore, #tpu.memory_space<semaphore_mem>>) src(%dma_wait3A_32 : memref<3840xi32, #tpu.memory_space<hbm>>) dst(%arg5 : memref<3840xi32, #tpu.memory_space<vmem>>)
      tpu.yield
    }) : () -> ()
    %dma_start3A = arith.constant 0 : i32
    %dma_start3A_3 = arith.constant 0 : i32
    %dma_start3A_4 = arith.constant 0 : i32
    %dma_start3A_5 = tpu.memref_slice %arg6[%dma_start3A, %dma_start3A_3, %dma_start3A_4] : memref<2x128x128xf32, #tpu.memory_space<vmem>> -> memref<1x128x128xf32, #tpu.memory_space<vmem>>
    %dma_start3A_6 = tpu.memref_squeeze %dma_start3A_5 : memref<1x128x128xf32, #tpu.memory_space<vmem>> -> memref<128x128xf32, #tpu.memory_space<vmem>>
    %dma_start3A_7 = arith.constant 0 : i32
    %dma_start3A_8 = tpu.memref_slice %arg5[%dma_start3A_7] : memref<3840xi32, #tpu.memory_space<vmem>> -> memref<128xi32, #tpu.memory_space<vmem>>
    %dma_start3A_9 = arith.constant 0 : i32
    %dma_start3A_10 = arith.constant 0 : i32
    %dma_start3A_11 = tpu.memref_slice %arg2[%dma_start3A_9, %dma_start3A_10] : memref<4096x128xf32, #tpu.memory_space<hbm>> -> memref<4096x128xf32, #tpu.memory_space<hbm>>
    tpu.enqueue_indirect_dma source(%dma_start3A_11 : memref<4096x128xf32, #tpu.memory_space<hbm>>) target(%dma_start3A_6 : memref<128x128xf32, #tpu.memory_space<vmem>>) offsets(%dma_start3A_8 : memref<128xi32, #tpu.memory_space<vmem>>) semaphore(%arg7 : memref<!tpu.dma_semaphore, #tpu.memory_space<semaphore_mem>>)
    %scan3A = arith.constant 0 : i32
    %scan3A_12 = arith.constant 0 : i32
    %scan3A_13 = arith.constant 29 : i32
    %scan3A_14 = arith.addi %scan3A_12, %scan3A_13 : i32
    %scan3A_15 = arith.constant 1 : i32
    scf.for %scan3A_28 = %scan3A_12 to %scan3A_14 step %scan3A_15  : i32 {
      %rem3A = arith.constant 2 : i32
      %rem3A_29 = arith.remsi %scan3A_28, %rem3A : i32
      %dma_wait3A_30 = arith.constant 0 : i32
      %dma_wait3A_31 = arith.constant 0 : i32
      %dma_wait3A_32 = tpu.memref_slice %arg6[%rem3A_29, %dma_wait3A_30, %dma_wait3A_31] : memref<2x128x128xf32, #tpu.memory_space<vmem>> -> memref<1x128x128xf32, #tpu.memory_space<vmem>>
      %dma_wait3A_33 = tpu.memref_squeeze %dma_wait3A_32 : memref<1x128x128xf32, #tpu.memory_space<vmem>> -> memref<128x128xf32, #tpu.memory_space<vmem>>
      %dma_wait3A_34 = arith.constant 0 : i32
      %dma_wait3A_35 = tpu.memref_slice %arg5[%dma_wait3A_34] : memref<3840xi32, #tpu.memory_space<vmem>> -> memref<128xi32, #tpu.memory_space<vmem>>
      %dma_wait3A_36 = arith.constant 0 : i32
      %dma_wait3A_37 = arith.constant 0 : i32
      %dma_wait3A_38 = tpu.memref_slice %arg2[%dma_wait3A_36, %dma_wait3A_37] : memref<4096x128xf32, #tpu.memory_space<hbm>> -> memref<4096x128xf32, #tpu.memory_space<hbm>>
      tpu.wait_indirect_dma semaphore(%arg7 : memref<!tpu.dma_semaphore, #tpu.memory_space<semaphore_mem>>) src(%dma_wait3A_38 : memref<4096x128xf32, #tpu.memory_space<hbm>>) dst(%dma_wait3A_33 : memref<128x128xf32, #tpu.memory_space<vmem>>)
      %add3A_39 = arith.constant 1 : i32
      %add3A_40 = arith.addi %scan3A_28, %add3A_39 : i32
      %mul3A_41 = arith.constant 128 : i32
      %mul3A_42 = arith.muli %add3A_40, %mul3A_41 : i32
      %sub3A = arith.constant 1 : i32
      %sub3A_43 = arith.subi %sub3A, %rem3A_29 : i32
      %dma_start3A_44 = arith.constant 0 : i32
      %dma_start3A_45 = arith.constant 0 : i32
      %dma_start3A_46 = tpu.memref_slice %arg6[%sub3A_43, %dma_start3A_44, %dma_start3A_45] : memref<2x128x128xf32, #tpu.memory_space<vmem>> -> memref<1x128x128xf32, #tpu.memory_space<vmem>>
      %dma_start3A_47 = tpu.memref_squeeze %dma_start3A_46 : memref<1x128x128xf32, #tpu.memory_space<vmem>> -> memref<128x128xf32, #tpu.memory_space<vmem>>
      %dma_start3A_48 = tpu.memref_slice %arg5[%mul3A_42] : memref<3840xi32, #tpu.memory_space<vmem>> -> memref<128xi32, #tpu.memory_space<vmem>>
      %dma_start3A_49 = arith.constant 0 : i32
      %dma_start3A_50 = arith.constant 0 : i32
      %dma_start3A_51 = tpu.memref_slice %arg2[%dma_start3A_49, %dma_start3A_50] : memref<4096x128xf32, #tpu.memory_space<hbm>> -> memref<4096x128xf32, #tpu.memory_space<hbm>>
      tpu.enqueue_indirect_dma source(%dma_start3A_51 : memref<4096x128xf32, #tpu.memory_space<hbm>>) target(%dma_start3A_47 : memref<128x128xf32, #tpu.memory_space<vmem>>) offsets(%dma_start3A_48 : memref<128xi32, #tpu.memory_space<vmem>>) semaphore(%arg7 : memref<!tpu.dma_semaphore, #tpu.memory_space<semaphore_mem>>)
      %mul3A_52 = arith.constant 128 : i32
      %mul3A_53 = arith.muli %scan3A_28, %mul3A_52 : i32
      %add3A_54 = arith.addi %mul3A_2, %mul3A_53 : i32
      "tpu.region"() ({
        %run_scoped3A_55 = tpu.sem_alloc : memref<!tpu.dma_semaphore, #tpu.memory_space<semaphore_mem>>
        %dma_start3A_56 = arith.constant 0 : i32
        %dma_start3A_57 = arith.constant 0 : i32
        %dma_start3A_58 = tpu.memref_slice %arg6[%rem3A_29, %dma_start3A_56, %dma_start3A_57] : memref<2x128x128xf32, #tpu.memory_space<vmem>> -> memref<1x128x128xf32, #tpu.memory_space<vmem>>
        %dma_start3A_59 = tpu.memref_squeeze %dma_start3A_58 : memref<1x128x128xf32, #tpu.memory_space<vmem>> -> memref<128x128xf32, #tpu.memory_space<vmem>>
        %dma_start3A_60 = arith.constant 0 : i32
        %dma_start3A_61 = tpu.memref_slice %arg4[%add3A_54, %dma_start3A_60] : memref<122880x128xf32, #tpu.memory_space<hbm>> -> memref<128x128xf32, #tpu.memory_space<hbm>>
        %dma_start3A_62 = arith.constant 0 : i32
        %dma_start3A_63 = tpu.memref_slice %arg4[%add3A_54, %dma_start3A_62] : memref<122880x128xf32, #tpu.memory_space<hbm>> -> memref<128x128xf32, #tpu.memory_space<hbm>>
        %dma_start3A_64 = arith.constant 0 : i32
        %dma_start3A_65 = arith.constant 0 : i32
        %dma_start3A_66 = tpu.memref_slice %arg6[%rem3A_29, %dma_start3A_64, %dma_start3A_65] : memref<2x128x128xf32, #tpu.memory_space<vmem>> -> memref<1x128x128xf32, #tpu.memory_space<vmem>>
        %dma_start3A_67 = tpu.memref_squeeze %dma_start3A_66 : memref<1x128x128xf32, #tpu.memory_space<vmem>> -> memref<128x128xf32, #tpu.memory_space<vmem>>
        tpu.enqueue_dma source(%dma_start3A_67 : memref<128x128xf32, #tpu.memory_space<vmem>>) target(%dma_start3A_63 : memref<128x128xf32, #tpu.memory_space<hbm>>) target_semaphore(%run_scoped3A_55 : memref<!tpu.dma_semaphore, #tpu.memory_space<semaphore_mem>>)
        %dma_wait3A_68 = arith.constant 0 : i32
        %dma_wait3A_69 = arith.constant 0 : i32
        %dma_wait3A_70 = tpu.memref_slice %arg6[%rem3A_29, %dma_wait3A_68, %dma_wait3A_69] : memref<2x128x128xf32, #tpu.memory_space<vmem>> -> memref<1x128x128xf32, #tpu.memory_space<vmem>>
        %dma_wait3A_71 = tpu.memref_squeeze %dma_wait3A_70 : memref<1x128x128xf32, #tpu.memory_space<vmem>> -> memref<128x128xf32, #tpu.memory_space<vmem>>
        %dma_wait3A_72 = arith.constant 0 : i32
        %dma_wait3A_73 = tpu.memref_slice %arg4[%add3A_54, %dma_wait3A_72] : memref<122880x128xf32, #tpu.memory_space<hbm>> -> memref<128x128xf32, #tpu.memory_space<hbm>>
        %dma_wait3A_74 = arith.constant 0 : i32
        %dma_wait3A_75 = tpu.memref_slice %arg4[%add3A_54, %dma_wait3A_74] : memref<122880x128xf32, #tpu.memory_space<hbm>> -> memref<128x128xf32, #tpu.memory_space<hbm>>
        %dma_wait3A_76 = arith.constant 0 : i32
        %dma_wait3A_77 = arith.constant 0 : i32
        %dma_wait3A_78 = tpu.memref_slice %arg6[%rem3A_29, %dma_wait3A_76, %dma_wait3A_77] : memref<2x128x128xf32, #tpu.memory_space<vmem>> -> memref<1x128x128xf32, #tpu.memory_space<vmem>>
        %dma_wait3A_79 = tpu.memref_squeeze %dma_wait3A_78 : memref<1x128x128xf32, #tpu.memory_space<vmem>> -> memref<128x128xf32, #tpu.memory_space<vmem>>
        tpu.wait_dma2 semaphore(%run_scoped3A_55 : memref<!tpu.dma_semaphore, #tpu.memory_space<semaphore_mem>>) src(%dma_wait3A_79 : memref<128x128xf32, #tpu.memory_space<vmem>>) dst(%dma_wait3A_75 : memref<128x128xf32, #tpu.memory_space<hbm>>)
        tpu.yield
      }) : () -> ()
    }
    %scan3A_16 = arith.constant 29 : i32
    %dma_wait3A = arith.constant 1 : i32
    %dma_wait3A_17 = arith.constant 0 : i32
    %dma_wait3A_18 = arith.constant 0 : i32
    %dma_wait3A_19 = tpu.memref_slice %arg6[%dma_wait3A, %dma_wait3A_17, %dma_wait3A_18] : memref<2x128x128xf32, #tpu.memory_space<vmem>> -> memref<1x128x128xf32, #tpu.memory_space<vmem>>
    %dma_wait3A_20 = tpu.memref_squeeze %dma_wait3A_19 : memref<1x128x128xf32, #tpu.memory_space<vmem>> -> memref<128x128xf32, #tpu.memory_space<vmem>>
    %dma_wait3A_21 = arith.constant 0 : i32
    %dma_wait3A_22 = tpu.memref_slice %arg5[%dma_wait3A_21] : memref<3840xi32, #tpu.memory_space<vmem>> -> memref<128xi32, #tpu.memory_space<vmem>>
    %dma_wait3A_23 = arith.constant 0 : i32
    %dma_wait3A_24 = arith.constant 0 : i32
    %dma_wait3A_25 = tpu.memref_slice %arg2[%dma_wait3A_23, %dma_wait3A_24] : memref<4096x128xf32, #tpu.memory_space<hbm>> -> memref<4096x128xf32, #tpu.memory_space<hbm>>
    tpu.wait_indirect_dma semaphore(%arg7 : memref<!tpu.dma_semaphore, #tpu.memory_space<semaphore_mem>>) src(%dma_wait3A_25 : memref<4096x128xf32, #tpu.memory_space<hbm>>) dst(%dma_wait3A_20 : memref<128x128xf32, #tpu.memory_space<vmem>>)
    %add3A_26 = arith.constant 3712 : i32
    %add3A_27 = arith.addi %mul3A_2, %add3A_26 : i32
    %run_scoped3A = arith.constant 1 : i32
    "tpu.region"() ({
      %run_scoped3A_28 = tpu.sem_alloc : memref<!tpu.dma_semaphore, #tpu.memory_space<semaphore_mem>>
      %dma_start3A_29 = arith.constant 0 : i32
      %dma_start3A_30 = arith.constant 0 : i32
      %dma_start3A_31 = tpu.memref_slice %arg6[%run_scoped3A, %dma_start3A_29, %dma_start3A_30] : memref<2x128x128xf32, #tpu.memory_space<vmem>> -> memref<1x128x128xf32, #tpu.memory_space<vmem>>
      %dma_start3A_32 = tpu.memref_squeeze %dma_start3A_31 : memref<1x128x128xf32, #tpu.memory_space<vmem>> -> memref<128x128xf32, #tpu.memory_space<vmem>>
      %dma_start3A_33 = arith.constant 0 : i32
      %dma_start3A_34 = tpu.memref_slice %arg4[%add3A_27, %dma_start3A_33] : memref<122880x128xf32, #tpu.memory_space<hbm>> -> memref<128x128xf32, #tpu.memory_space<hbm>>
      %dma_start3A_35 = arith.constant 0 : i32
      %dma_start3A_36 = tpu.memref_slice %arg4[%add3A_27, %dma_start3A_35] : memref<122880x128xf32, #tpu.memory_space<hbm>> -> memref<128x128xf32, #tpu.memory_space<hbm>>
      %dma_start3A_37 = arith.constant 0 : i32
      %dma_start3A_38 = arith.constant 0 : i32
      %dma_start3A_39 = tpu.memref_slice %arg6[%run_scoped3A, %dma_start3A_37, %dma_start3A_38] : memref<2x128x128xf32, #tpu.memory_space<vmem>> -> memref<1x128x128xf32, #tpu.memory_space<vmem>>
      %dma_start3A_40 = tpu.memref_squeeze %dma_start3A_39 : memref<1x128x128xf32, #tpu.memory_space<vmem>> -> memref<128x128xf32, #tpu.memory_space<vmem>>
      tpu.enqueue_dma source(%dma_start3A_40 : memref<128x128xf32, #tpu.memory_space<vmem>>) target(%dma_start3A_36 : memref<128x128xf32, #tpu.memory_space<hbm>>) target_semaphore(%run_scoped3A_28 : memref<!tpu.dma_semaphore, #tpu.memory_space<semaphore_mem>>)
      %dma_wait3A_41 = arith.constant 0 : i32
      %dma_wait3A_42 = arith.constant 0 : i32
      %dma_wait3A_43 = tpu.memref_slice %arg6[%run_scoped3A, %dma_wait3A_41, %dma_wait3A_42] : memref<2x128x128xf32, #tpu.memory_space<vmem>> -> memref<1x128x128xf32, #tpu.memory_space<vmem>>
      %dma_wait3A_44 = tpu.memref_squeeze %dma_wait3A_43 : memref<1x128x128xf32, #tpu.memory_space<vmem>> -> memref<128x128xf32, #tpu.memory_space<vmem>>
      %dma_wait3A_45 = arith.constant 0 : i32
      %dma_wait3A_46 = tpu.memref_slice %arg4[%add3A_27, %dma_wait3A_45] : memref<122880x128xf32, #tpu.memory_space<hbm>> -> memref<128x128xf32, #tpu.memory_space<hbm>>
      %dma_wait3A_47 = arith.constant 0 : i32
      %dma_wait3A_48 = tpu.memref_slice %arg4[%add3A_27, %dma_wait3A_47] : memref<122880x128xf32, #tpu.memory_space<hbm>> -> memref<128x128xf32, #tpu.memory_space<hbm>>
      %dma_wait3A_49 = arith.constant 0 : i32
      %dma_wait3A_50 = arith.constant 0 : i32
      %dma_wait3A_51 = tpu.memref_slice %arg6[%run_scoped3A, %dma_wait3A_49, %dma_wait3A_50] : memref<2x128x128xf32, #tpu.memory_space<vmem>> -> memref<1x128x128xf32, #tpu.memory_space<vmem>>
      %dma_wait3A_52 = tpu.memref_squeeze %dma_wait3A_51 : memref<1x128x128xf32, #tpu.memory_space<vmem>> -> memref<128x128xf32, #tpu.memory_space<vmem>>
      tpu.wait_dma2 semaphore(%run_scoped3A_28 : memref<!tpu.dma_semaphore, #tpu.memory_space<semaphore_mem>>) src(%dma_wait3A_52 : memref<128x128xf32, #tpu.memory_space<vmem>>) dst(%dma_wait3A_48 : memref<128x128xf32, #tpu.memory_space<hbm>>)
      tpu.yield
    }) : () -> ()
    return
  }
}

#map = affine_map<(d0, d1) -> (0, 0)>
#map1 = affine_map<(d0, d1) -> (0)>
module attributes {stable_mosaic.version = 14 : i64} {
  func.func @gather_k(%arg0: i32, %arg1: i32, %arg2: memref<4096x256xf32, #tpu.memory_space<hbm>>, %arg3: memref<122880xi32, #tpu.memory_space<hbm>>, %arg4: memref<122880x256xf32, #tpu.memory_space<hbm>>, %arg5: memref<3840xi32, #tpu.memory_space<vmem>>, %arg6: memref<2x128x256xf32, #tpu.memory_space<vmem>>, %arg7: memref<!tpu.dma_semaphore, #tpu.memory_space<semaphore_mem>>) attributes {dimension_semantics = [#tpu.dimension_semantics<core_parallel>, #tpu.dimension_semantics<subcore_parallel>], iteration_bounds = array<i64: 2, 16>, scalar_prefetch = 0 : i64, scratch_operands = 3 : i64, tpu.core_type = #tpu.core_type<sc_vector_subcore>, window_params = [{transform_indices = #map}, {transform_indices = #map1}, {transform_indices = #map}]} {
    %mul3A = arith.constant 2 : i32
    %mul3A_0 = arith.muli %arg1, %mul3A : i32
    %add3A = arith.addi %mul3A_0, %arg0 : i32
    %mul3A_1 = arith.constant 3840 : i32
    %mul3A_2 = arith.muli %add3A, %mul3A_1 : i32
    "tpu.region"() ({
      %run_scoped3A_28 = tpu.sem_alloc : memref<!tpu.dma_semaphore, #tpu.memory_space<semaphore_mem>>
      %dma_start3A_29 = tpu.memref_slice %arg3[%mul3A_2] : memref<122880xi32, #tpu.memory_space<hbm>> -> memref<3840xi32, #tpu.memory_space<hbm>>
      %dma_start3A_30 = tpu.memref_slice %arg3[%mul3A_2] : memref<122880xi32, #tpu.memory_space<hbm>> -> memref<3840xi32, #tpu.memory_space<hbm>>
      tpu.enqueue_dma source(%dma_start3A_30 : memref<3840xi32, #tpu.memory_space<hbm>>) target(%arg5 : memref<3840xi32, #tpu.memory_space<vmem>>) target_semaphore(%run_scoped3A_28 : memref<!tpu.dma_semaphore, #tpu.memory_space<semaphore_mem>>)
      %dma_wait3A_31 = tpu.memref_slice %arg3[%mul3A_2] : memref<122880xi32, #tpu.memory_space<hbm>> -> memref<3840xi32, #tpu.memory_space<hbm>>
      %dma_wait3A_32 = tpu.memref_slice %arg3[%mul3A_2] : memref<122880xi32, #tpu.memory_space<hbm>> -> memref<3840xi32, #tpu.memory_space<hbm>>
      tpu.wait_dma2 semaphore(%run_scoped3A_28 : memref<!tpu.dma_semaphore, #tpu.memory_space<semaphore_mem>>) src(%dma_wait3A_32 : memref<3840xi32, #tpu.memory_space<hbm>>) dst(%arg5 : memref<3840xi32, #tpu.memory_space<vmem>>)
      tpu.yield
    }) : () -> ()
    %dma_start3A = arith.constant 0 : i32
    %dma_start3A_3 = arith.constant 0 : i32
    %dma_start3A_4 = arith.constant 0 : i32
    %dma_start3A_5 = tpu.memref_slice %arg6[%dma_start3A, %dma_start3A_3, %dma_start3A_4] : memref<2x128x256xf32, #tpu.memory_space<vmem>> -> memref<1x128x256xf32, #tpu.memory_space<vmem>>
    %dma_start3A_6 = tpu.memref_squeeze %dma_start3A_5 : memref<1x128x256xf32, #tpu.memory_space<vmem>> -> memref<128x256xf32, #tpu.memory_space<vmem>>
    %dma_start3A_7 = arith.constant 0 : i32
    %dma_start3A_8 = tpu.memref_slice %arg5[%dma_start3A_7] : memref<3840xi32, #tpu.memory_space<vmem>> -> memref<128xi32, #tpu.memory_space<vmem>>
    %dma_start3A_9 = arith.constant 0 : i32
    %dma_start3A_10 = arith.constant 0 : i32
    %dma_start3A_11 = tpu.memref_slice %arg2[%dma_start3A_9, %dma_start3A_10] : memref<4096x256xf32, #tpu.memory_space<hbm>> -> memref<4096x256xf32, #tpu.memory_space<hbm>>
    tpu.enqueue_indirect_dma source(%dma_start3A_11 : memref<4096x256xf32, #tpu.memory_space<hbm>>) target(%dma_start3A_6 : memref<128x256xf32, #tpu.memory_space<vmem>>) offsets(%dma_start3A_8 : memref<128xi32, #tpu.memory_space<vmem>>) semaphore(%arg7 : memref<!tpu.dma_semaphore, #tpu.memory_space<semaphore_mem>>)
    %scan3A = arith.constant 0 : i32
    %scan3A_12 = arith.constant 0 : i32
    %scan3A_13 = arith.constant 29 : i32
    %scan3A_14 = arith.addi %scan3A_12, %scan3A_13 : i32
    %scan3A_15 = arith.constant 1 : i32
    scf.for %scan3A_28 = %scan3A_12 to %scan3A_14 step %scan3A_15  : i32 {
      %rem3A = arith.constant 2 : i32
      %rem3A_29 = arith.remsi %scan3A_28, %rem3A : i32
      %dma_wait3A_30 = arith.constant 0 : i32
      %dma_wait3A_31 = arith.constant 0 : i32
      %dma_wait3A_32 = tpu.memref_slice %arg6[%rem3A_29, %dma_wait3A_30, %dma_wait3A_31] : memref<2x128x256xf32, #tpu.memory_space<vmem>> -> memref<1x128x256xf32, #tpu.memory_space<vmem>>
      %dma_wait3A_33 = tpu.memref_squeeze %dma_wait3A_32 : memref<1x128x256xf32, #tpu.memory_space<vmem>> -> memref<128x256xf32, #tpu.memory_space<vmem>>
      %dma_wait3A_34 = arith.constant 0 : i32
      %dma_wait3A_35 = tpu.memref_slice %arg5[%dma_wait3A_34] : memref<3840xi32, #tpu.memory_space<vmem>> -> memref<128xi32, #tpu.memory_space<vmem>>
      %dma_wait3A_36 = arith.constant 0 : i32
      %dma_wait3A_37 = arith.constant 0 : i32
      %dma_wait3A_38 = tpu.memref_slice %arg2[%dma_wait3A_36, %dma_wait3A_37] : memref<4096x256xf32, #tpu.memory_space<hbm>> -> memref<4096x256xf32, #tpu.memory_space<hbm>>
      tpu.wait_indirect_dma semaphore(%arg7 : memref<!tpu.dma_semaphore, #tpu.memory_space<semaphore_mem>>) src(%dma_wait3A_38 : memref<4096x256xf32, #tpu.memory_space<hbm>>) dst(%dma_wait3A_33 : memref<128x256xf32, #tpu.memory_space<vmem>>)
      %add3A_39 = arith.constant 1 : i32
      %add3A_40 = arith.addi %scan3A_28, %add3A_39 : i32
      %mul3A_41 = arith.constant 128 : i32
      %mul3A_42 = arith.muli %add3A_40, %mul3A_41 : i32
      %sub3A = arith.constant 1 : i32
      %sub3A_43 = arith.subi %sub3A, %rem3A_29 : i32
      %dma_start3A_44 = arith.constant 0 : i32
      %dma_start3A_45 = arith.constant 0 : i32
      %dma_start3A_46 = tpu.memref_slice %arg6[%sub3A_43, %dma_start3A_44, %dma_start3A_45] : memref<2x128x256xf32, #tpu.memory_space<vmem>> -> memref<1x128x256xf32, #tpu.memory_space<vmem>>
      %dma_start3A_47 = tpu.memref_squeeze %dma_start3A_46 : memref<1x128x256xf32, #tpu.memory_space<vmem>> -> memref<128x256xf32, #tpu.memory_space<vmem>>
      %dma_start3A_48 = tpu.memref_slice %arg5[%mul3A_42] : memref<3840xi32, #tpu.memory_space<vmem>> -> memref<128xi32, #tpu.memory_space<vmem>>
      %dma_start3A_49 = arith.constant 0 : i32
      %dma_start3A_50 = arith.constant 0 : i32
      %dma_start3A_51 = tpu.memref_slice %arg2[%dma_start3A_49, %dma_start3A_50] : memref<4096x256xf32, #tpu.memory_space<hbm>> -> memref<4096x256xf32, #tpu.memory_space<hbm>>
      tpu.enqueue_indirect_dma source(%dma_start3A_51 : memref<4096x256xf32, #tpu.memory_space<hbm>>) target(%dma_start3A_47 : memref<128x256xf32, #tpu.memory_space<vmem>>) offsets(%dma_start3A_48 : memref<128xi32, #tpu.memory_space<vmem>>) semaphore(%arg7 : memref<!tpu.dma_semaphore, #tpu.memory_space<semaphore_mem>>)
      %mul3A_52 = arith.constant 128 : i32
      %mul3A_53 = arith.muli %scan3A_28, %mul3A_52 : i32
      %add3A_54 = arith.addi %mul3A_2, %mul3A_53 : i32
      "tpu.region"() ({
        %run_scoped3A_55 = tpu.sem_alloc : memref<!tpu.dma_semaphore, #tpu.memory_space<semaphore_mem>>
        %dma_start3A_56 = arith.constant 0 : i32
        %dma_start3A_57 = arith.constant 0 : i32
        %dma_start3A_58 = tpu.memref_slice %arg6[%rem3A_29, %dma_start3A_56, %dma_start3A_57] : memref<2x128x256xf32, #tpu.memory_space<vmem>> -> memref<1x128x256xf32, #tpu.memory_space<vmem>>
        %dma_start3A_59 = tpu.memref_squeeze %dma_start3A_58 : memref<1x128x256xf32, #tpu.memory_space<vmem>> -> memref<128x256xf32, #tpu.memory_space<vmem>>
        %dma_start3A_60 = arith.constant 0 : i32
        %dma_start3A_61 = tpu.memref_slice %arg4[%add3A_54, %dma_start3A_60] : memref<122880x256xf32, #tpu.memory_space<hbm>> -> memref<128x256xf32, #tpu.memory_space<hbm>>
        %dma_start3A_62 = arith.constant 0 : i32
        %dma_start3A_63 = tpu.memref_slice %arg4[%add3A_54, %dma_start3A_62] : memref<122880x256xf32, #tpu.memory_space<hbm>> -> memref<128x256xf32, #tpu.memory_space<hbm>>
        %dma_start3A_64 = arith.constant 0 : i32
        %dma_start3A_65 = arith.constant 0 : i32
        %dma_start3A_66 = tpu.memref_slice %arg6[%rem3A_29, %dma_start3A_64, %dma_start3A_65] : memref<2x128x256xf32, #tpu.memory_space<vmem>> -> memref<1x128x256xf32, #tpu.memory_space<vmem>>
        %dma_start3A_67 = tpu.memref_squeeze %dma_start3A_66 : memref<1x128x256xf32, #tpu.memory_space<vmem>> -> memref<128x256xf32, #tpu.memory_space<vmem>>
        tpu.enqueue_dma source(%dma_start3A_67 : memref<128x256xf32, #tpu.memory_space<vmem>>) target(%dma_start3A_63 : memref<128x256xf32, #tpu.memory_space<hbm>>) target_semaphore(%run_scoped3A_55 : memref<!tpu.dma_semaphore, #tpu.memory_space<semaphore_mem>>)
        %dma_wait3A_68 = arith.constant 0 : i32
        %dma_wait3A_69 = arith.constant 0 : i32
        %dma_wait3A_70 = tpu.memref_slice %arg6[%rem3A_29, %dma_wait3A_68, %dma_wait3A_69] : memref<2x128x256xf32, #tpu.memory_space<vmem>> -> memref<1x128x256xf32, #tpu.memory_space<vmem>>
        %dma_wait3A_71 = tpu.memref_squeeze %dma_wait3A_70 : memref<1x128x256xf32, #tpu.memory_space<vmem>> -> memref<128x256xf32, #tpu.memory_space<vmem>>
        %dma_wait3A_72 = arith.constant 0 : i32
        %dma_wait3A_73 = tpu.memref_slice %arg4[%add3A_54, %dma_wait3A_72] : memref<122880x256xf32, #tpu.memory_space<hbm>> -> memref<128x256xf32, #tpu.memory_space<hbm>>
        %dma_wait3A_74 = arith.constant 0 : i32
        %dma_wait3A_75 = tpu.memref_slice %arg4[%add3A_54, %dma_wait3A_74] : memref<122880x256xf32, #tpu.memory_space<hbm>> -> memref<128x256xf32, #tpu.memory_space<hbm>>
        %dma_wait3A_76 = arith.constant 0 : i32
        %dma_wait3A_77 = arith.constant 0 : i32
        %dma_wait3A_78 = tpu.memref_slice %arg6[%rem3A_29, %dma_wait3A_76, %dma_wait3A_77] : memref<2x128x256xf32, #tpu.memory_space<vmem>> -> memref<1x128x256xf32, #tpu.memory_space<vmem>>
        %dma_wait3A_79 = tpu.memref_squeeze %dma_wait3A_78 : memref<1x128x256xf32, #tpu.memory_space<vmem>> -> memref<128x256xf32, #tpu.memory_space<vmem>>
        tpu.wait_dma2 semaphore(%run_scoped3A_55 : memref<!tpu.dma_semaphore, #tpu.memory_space<semaphore_mem>>) src(%dma_wait3A_79 : memref<128x256xf32, #tpu.memory_space<vmem>>) dst(%dma_wait3A_75 : memref<128x256xf32, #tpu.memory_space<hbm>>)
        tpu.yield
      }) : () -> ()
    }
    %scan3A_16 = arith.constant 29 : i32
    %dma_wait3A = arith.constant 1 : i32
    %dma_wait3A_17 = arith.constant 0 : i32
    %dma_wait3A_18 = arith.constant 0 : i32
    %dma_wait3A_19 = tpu.memref_slice %arg6[%dma_wait3A, %dma_wait3A_17, %dma_wait3A_18] : memref<2x128x256xf32, #tpu.memory_space<vmem>> -> memref<1x128x256xf32, #tpu.memory_space<vmem>>
    %dma_wait3A_20 = tpu.memref_squeeze %dma_wait3A_19 : memref<1x128x256xf32, #tpu.memory_space<vmem>> -> memref<128x256xf32, #tpu.memory_space<vmem>>
    %dma_wait3A_21 = arith.constant 0 : i32
    %dma_wait3A_22 = tpu.memref_slice %arg5[%dma_wait3A_21] : memref<3840xi32, #tpu.memory_space<vmem>> -> memref<128xi32, #tpu.memory_space<vmem>>
    %dma_wait3A_23 = arith.constant 0 : i32
    %dma_wait3A_24 = arith.constant 0 : i32
    %dma_wait3A_25 = tpu.memref_slice %arg2[%dma_wait3A_23, %dma_wait3A_24] : memref<4096x256xf32, #tpu.memory_space<hbm>> -> memref<4096x256xf32, #tpu.memory_space<hbm>>
    tpu.wait_indirect_dma semaphore(%arg7 : memref<!tpu.dma_semaphore, #tpu.memory_space<semaphore_mem>>) src(%dma_wait3A_25 : memref<4096x256xf32, #tpu.memory_space<hbm>>) dst(%dma_wait3A_20 : memref<128x256xf32, #tpu.memory_space<vmem>>)
    %add3A_26 = arith.constant 3712 : i32
    %add3A_27 = arith.addi %mul3A_2, %add3A_26 : i32
    %run_scoped3A = arith.constant 1 : i32
    "tpu.region"() ({
      %run_scoped3A_28 = tpu.sem_alloc : memref<!tpu.dma_semaphore, #tpu.memory_space<semaphore_mem>>
      %dma_start3A_29 = arith.constant 0 : i32
      %dma_start3A_30 = arith.constant 0 : i32
      %dma_start3A_31 = tpu.memref_slice %arg6[%run_scoped3A, %dma_start3A_29, %dma_start3A_30] : memref<2x128x256xf32, #tpu.memory_space<vmem>> -> memref<1x128x256xf32, #tpu.memory_space<vmem>>
      %dma_start3A_32 = tpu.memref_squeeze %dma_start3A_31 : memref<1x128x256xf32, #tpu.memory_space<vmem>> -> memref<128x256xf32, #tpu.memory_space<vmem>>
      %dma_start3A_33 = arith.constant 0 : i32
      %dma_start3A_34 = tpu.memref_slice %arg4[%add3A_27, %dma_start3A_33] : memref<122880x256xf32, #tpu.memory_space<hbm>> -> memref<128x256xf32, #tpu.memory_space<hbm>>
      %dma_start3A_35 = arith.constant 0 : i32
      %dma_start3A_36 = tpu.memref_slice %arg4[%add3A_27, %dma_start3A_35] : memref<122880x256xf32, #tpu.memory_space<hbm>> -> memref<128x256xf32, #tpu.memory_space<hbm>>
      %dma_start3A_37 = arith.constant 0 : i32
      %dma_start3A_38 = arith.constant 0 : i32
      %dma_start3A_39 = tpu.memref_slice %arg6[%run_scoped3A, %dma_start3A_37, %dma_start3A_38] : memref<2x128x256xf32, #tpu.memory_space<vmem>> -> memref<1x128x256xf32, #tpu.memory_space<vmem>>
      %dma_start3A_40 = tpu.memref_squeeze %dma_start3A_39 : memref<1x128x256xf32, #tpu.memory_space<vmem>> -> memref<128x256xf32, #tpu.memory_space<vmem>>
      tpu.enqueue_dma source(%dma_start3A_40 : memref<128x256xf32, #tpu.memory_space<vmem>>) target(%dma_start3A_36 : memref<128x256xf32, #tpu.memory_space<hbm>>) target_semaphore(%run_scoped3A_28 : memref<!tpu.dma_semaphore, #tpu.memory_space<semaphore_mem>>)
      %dma_wait3A_41 = arith.constant 0 : i32
      %dma_wait3A_42 = arith.constant 0 : i32
      %dma_wait3A_43 = tpu.memref_slice %arg6[%run_scoped3A, %dma_wait3A_41, %dma_wait3A_42] : memref<2x128x256xf32, #tpu.memory_space<vmem>> -> memref<1x128x256xf32, #tpu.memory_space<vmem>>
      %dma_wait3A_44 = tpu.memref_squeeze %dma_wait3A_43 : memref<1x128x256xf32, #tpu.memory_space<vmem>> -> memref<128x256xf32, #tpu.memory_space<vmem>>
      %dma_wait3A_45 = arith.constant 0 : i32
      %dma_wait3A_46 = tpu.memref_slice %arg4[%add3A_27, %dma_wait3A_45] : memref<122880x256xf32, #tpu.memory_space<hbm>> -> memref<128x256xf32, #tpu.memory_space<hbm>>
      %dma_wait3A_47 = arith.constant 0 : i32
      %dma_wait3A_48 = tpu.memref_slice %arg4[%add3A_27, %dma_wait3A_47] : memref<122880x256xf32, #tpu.memory_space<hbm>> -> memref<128x256xf32, #tpu.memory_space<hbm>>
      %dma_wait3A_49 = arith.constant 0 : i32
      %dma_wait3A_50 = arith.constant 0 : i32
      %dma_wait3A_51 = tpu.memref_slice %arg6[%run_scoped3A, %dma_wait3A_49, %dma_wait3A_50] : memref<2x128x256xf32, #tpu.memory_space<vmem>> -> memref<1x128x256xf32, #tpu.memory_space<vmem>>
      %dma_wait3A_52 = tpu.memref_squeeze %dma_wait3A_51 : memref<1x128x256xf32, #tpu.memory_space<vmem>> -> memref<128x256xf32, #tpu.memory_space<vmem>>
      tpu.wait_dma2 semaphore(%run_scoped3A_28 : memref<!tpu.dma_semaphore, #tpu.memory_space<semaphore_mem>>) src(%dma_wait3A_52 : memref<128x256xf32, #tpu.memory_space<vmem>>) dst(%dma_wait3A_48 : memref<128x256xf32, #tpu.memory_space<hbm>>)
      tpu.yield
    }) : () -> ()
    return
  }
}

#map = affine_map<(d0, d1) -> (0, 0)>
#map1 = affine_map<(d0, d1) -> (0)>
module attributes {stable_mosaic.version = 14 : i64} {
  func.func @gather_k(%arg0: i32, %arg1: i32, %arg2: memref<4096x128xf32, #tpu.memory_space<hbm>>, %arg3: memref<122880xi32, #tpu.memory_space<hbm>>, %arg4: memref<122880x128xf32, #tpu.memory_space<hbm>>, %arg5: memref<3840xi32, #tpu.memory_space<vmem>>, %arg6: memref<2x128x128xf32, #tpu.memory_space<vmem>>, %arg7: memref<!tpu.dma_semaphore, #tpu.memory_space<semaphore_mem>>) attributes {dimension_semantics = [#tpu.dimension_semantics<core_parallel>, #tpu.dimension_semantics<subcore_parallel>], iteration_bounds = array<i64: 2, 16>, scalar_prefetch = 0 : i64, scratch_operands = 3 : i64, tpu.core_type = #tpu.core_type<sc_vector_subcore>, window_params = [{transform_indices = #map}, {transform_indices = #map1}, {transform_indices = #map}]} {
    %mul3A = arith.constant 2 : i32
    %mul3A_0 = arith.muli %arg1, %mul3A : i32
    %add3A = arith.addi %mul3A_0, %arg0 : i32
    %mul3A_1 = arith.constant 3840 : i32
    %mul3A_2 = arith.muli %add3A, %mul3A_1 : i32
    "tpu.region"() ({
      %run_scoped3A_28 = tpu.sem_alloc : memref<!tpu.dma_semaphore, #tpu.memory_space<semaphore_mem>>
      %dma_start3A_29 = tpu.memref_slice %arg3[%mul3A_2] : memref<122880xi32, #tpu.memory_space<hbm>> -> memref<3840xi32, #tpu.memory_space<hbm>>
      %dma_start3A_30 = tpu.memref_slice %arg3[%mul3A_2] : memref<122880xi32, #tpu.memory_space<hbm>> -> memref<3840xi32, #tpu.memory_space<hbm>>
      tpu.enqueue_dma source(%dma_start3A_30 : memref<3840xi32, #tpu.memory_space<hbm>>) target(%arg5 : memref<3840xi32, #tpu.memory_space<vmem>>) target_semaphore(%run_scoped3A_28 : memref<!tpu.dma_semaphore, #tpu.memory_space<semaphore_mem>>)
      %dma_wait3A_31 = tpu.memref_slice %arg3[%mul3A_2] : memref<122880xi32, #tpu.memory_space<hbm>> -> memref<3840xi32, #tpu.memory_space<hbm>>
      %dma_wait3A_32 = tpu.memref_slice %arg3[%mul3A_2] : memref<122880xi32, #tpu.memory_space<hbm>> -> memref<3840xi32, #tpu.memory_space<hbm>>
      tpu.wait_dma2 semaphore(%run_scoped3A_28 : memref<!tpu.dma_semaphore, #tpu.memory_space<semaphore_mem>>) src(%dma_wait3A_32 : memref<3840xi32, #tpu.memory_space<hbm>>) dst(%arg5 : memref<3840xi32, #tpu.memory_space<vmem>>)
      tpu.yield
    }) : () -> ()
    %dma_start3A = arith.constant 0 : i32
    %dma_start3A_3 = arith.constant 0 : i32
    %dma_start3A_4 = arith.constant 0 : i32
    %dma_start3A_5 = tpu.memref_slice %arg6[%dma_start3A, %dma_start3A_3, %dma_start3A_4] : memref<2x128x128xf32, #tpu.memory_space<vmem>> -> memref<1x128x128xf32, #tpu.memory_space<vmem>>
    %dma_start3A_6 = tpu.memref_squeeze %dma_start3A_5 : memref<1x128x128xf32, #tpu.memory_space<vmem>> -> memref<128x128xf32, #tpu.memory_space<vmem>>
    %dma_start3A_7 = arith.constant 0 : i32
    %dma_start3A_8 = tpu.memref_slice %arg5[%dma_start3A_7] : memref<3840xi32, #tpu.memory_space<vmem>> -> memref<128xi32, #tpu.memory_space<vmem>>
    %dma_start3A_9 = arith.constant 0 : i32
    %dma_start3A_10 = arith.constant 0 : i32
    %dma_start3A_11 = tpu.memref_slice %arg2[%dma_start3A_9, %dma_start3A_10] : memref<4096x128xf32, #tpu.memory_space<hbm>> -> memref<4096x128xf32, #tpu.memory_space<hbm>>
    tpu.enqueue_indirect_dma source(%dma_start3A_11 : memref<4096x128xf32, #tpu.memory_space<hbm>>) target(%dma_start3A_6 : memref<128x128xf32, #tpu.memory_space<vmem>>) offsets(%dma_start3A_8 : memref<128xi32, #tpu.memory_space<vmem>>) semaphore(%arg7 : memref<!tpu.dma_semaphore, #tpu.memory_space<semaphore_mem>>)
    %scan3A = arith.constant 0 : i32
    %scan3A_12 = arith.constant 0 : i32
    %scan3A_13 = arith.constant 29 : i32
    %scan3A_14 = arith.addi %scan3A_12, %scan3A_13 : i32
    %scan3A_15 = arith.constant 1 : i32
    scf.for %scan3A_28 = %scan3A_12 to %scan3A_14 step %scan3A_15  : i32 {
      %rem3A = arith.constant 2 : i32
      %rem3A_29 = arith.remsi %scan3A_28, %rem3A : i32
      %dma_wait3A_30 = arith.constant 0 : i32
      %dma_wait3A_31 = arith.constant 0 : i32
      %dma_wait3A_32 = tpu.memref_slice %arg6[%rem3A_29, %dma_wait3A_30, %dma_wait3A_31] : memref<2x128x128xf32, #tpu.memory_space<vmem>> -> memref<1x128x128xf32, #tpu.memory_space<vmem>>
      %dma_wait3A_33 = tpu.memref_squeeze %dma_wait3A_32 : memref<1x128x128xf32, #tpu.memory_space<vmem>> -> memref<128x128xf32, #tpu.memory_space<vmem>>
      %dma_wait3A_34 = arith.constant 0 : i32
      %dma_wait3A_35 = tpu.memref_slice %arg5[%dma_wait3A_34] : memref<3840xi32, #tpu.memory_space<vmem>> -> memref<128xi32, #tpu.memory_space<vmem>>
      %dma_wait3A_36 = arith.constant 0 : i32
      %dma_wait3A_37 = arith.constant 0 : i32
      %dma_wait3A_38 = tpu.memref_slice %arg2[%dma_wait3A_36, %dma_wait3A_37] : memref<4096x128xf32, #tpu.memory_space<hbm>> -> memref<4096x128xf32, #tpu.memory_space<hbm>>
      tpu.wait_indirect_dma semaphore(%arg7 : memref<!tpu.dma_semaphore, #tpu.memory_space<semaphore_mem>>) src(%dma_wait3A_38 : memref<4096x128xf32, #tpu.memory_space<hbm>>) dst(%dma_wait3A_33 : memref<128x128xf32, #tpu.memory_space<vmem>>)
      %add3A_39 = arith.constant 1 : i32
      %add3A_40 = arith.addi %scan3A_28, %add3A_39 : i32
      %mul3A_41 = arith.constant 128 : i32
      %mul3A_42 = arith.muli %add3A_40, %mul3A_41 : i32
      %sub3A = arith.constant 1 : i32
      %sub3A_43 = arith.subi %sub3A, %rem3A_29 : i32
      %dma_start3A_44 = arith.constant 0 : i32
      %dma_start3A_45 = arith.constant 0 : i32
      %dma_start3A_46 = tpu.memref_slice %arg6[%sub3A_43, %dma_start3A_44, %dma_start3A_45] : memref<2x128x128xf32, #tpu.memory_space<vmem>> -> memref<1x128x128xf32, #tpu.memory_space<vmem>>
      %dma_start3A_47 = tpu.memref_squeeze %dma_start3A_46 : memref<1x128x128xf32, #tpu.memory_space<vmem>> -> memref<128x128xf32, #tpu.memory_space<vmem>>
      %dma_start3A_48 = tpu.memref_slice %arg5[%mul3A_42] : memref<3840xi32, #tpu.memory_space<vmem>> -> memref<128xi32, #tpu.memory_space<vmem>>
      %dma_start3A_49 = arith.constant 0 : i32
      %dma_start3A_50 = arith.constant 0 : i32
      %dma_start3A_51 = tpu.memref_slice %arg2[%dma_start3A_49, %dma_start3A_50] : memref<4096x128xf32, #tpu.memory_space<hbm>> -> memref<4096x128xf32, #tpu.memory_space<hbm>>
      tpu.enqueue_indirect_dma source(%dma_start3A_51 : memref<4096x128xf32, #tpu.memory_space<hbm>>) target(%dma_start3A_47 : memref<128x128xf32, #tpu.memory_space<vmem>>) offsets(%dma_start3A_48 : memref<128xi32, #tpu.memory_space<vmem>>) semaphore(%arg7 : memref<!tpu.dma_semaphore, #tpu.memory_space<semaphore_mem>>)
      %mul3A_52 = arith.constant 128 : i32
      %mul3A_53 = arith.muli %scan3A_28, %mul3A_52 : i32
      %add3A_54 = arith.addi %mul3A_2, %mul3A_53 : i32
      "tpu.region"() ({
        %run_scoped3A_55 = tpu.sem_alloc : memref<!tpu.dma_semaphore, #tpu.memory_space<semaphore_mem>>
        %dma_start3A_56 = arith.constant 0 : i32
        %dma_start3A_57 = arith.constant 0 : i32
        %dma_start3A_58 = tpu.memref_slice %arg6[%rem3A_29, %dma_start3A_56, %dma_start3A_57] : memref<2x128x128xf32, #tpu.memory_space<vmem>> -> memref<1x128x128xf32, #tpu.memory_space<vmem>>
        %dma_start3A_59 = tpu.memref_squeeze %dma_start3A_58 : memref<1x128x128xf32, #tpu.memory_space<vmem>> -> memref<128x128xf32, #tpu.memory_space<vmem>>
        %dma_start3A_60 = arith.constant 0 : i32
        %dma_start3A_61 = tpu.memref_slice %arg4[%add3A_54, %dma_start3A_60] : memref<122880x128xf32, #tpu.memory_space<hbm>> -> memref<128x128xf32, #tpu.memory_space<hbm>>
        %dma_start3A_62 = arith.constant 0 : i32
        %dma_start3A_63 = tpu.memref_slice %arg4[%add3A_54, %dma_start3A_62] : memref<122880x128xf32, #tpu.memory_space<hbm>> -> memref<128x128xf32, #tpu.memory_space<hbm>>
        %dma_start3A_64 = arith.constant 0 : i32
        %dma_start3A_65 = arith.constant 0 : i32
        %dma_start3A_66 = tpu.memref_slice %arg6[%rem3A_29, %dma_start3A_64, %dma_start3A_65] : memref<2x128x128xf32, #tpu.memory_space<vmem>> -> memref<1x128x128xf32, #tpu.memory_space<vmem>>
        %dma_start3A_67 = tpu.memref_squeeze %dma_start3A_66 : memref<1x128x128xf32, #tpu.memory_space<vmem>> -> memref<128x128xf32, #tpu.memory_space<vmem>>
        tpu.enqueue_dma source(%dma_start3A_67 : memref<128x128xf32, #tpu.memory_space<vmem>>) target(%dma_start3A_63 : memref<128x128xf32, #tpu.memory_space<hbm>>) target_semaphore(%run_scoped3A_55 : memref<!tpu.dma_semaphore, #tpu.memory_space<semaphore_mem>>)
        %dma_wait3A_68 = arith.constant 0 : i32
        %dma_wait3A_69 = arith.constant 0 : i32
        %dma_wait3A_70 = tpu.memref_slice %arg6[%rem3A_29, %dma_wait3A_68, %dma_wait3A_69] : memref<2x128x128xf32, #tpu.memory_space<vmem>> -> memref<1x128x128xf32, #tpu.memory_space<vmem>>
        %dma_wait3A_71 = tpu.memref_squeeze %dma_wait3A_70 : memref<1x128x128xf32, #tpu.memory_space<vmem>> -> memref<128x128xf32, #tpu.memory_space<vmem>>
        %dma_wait3A_72 = arith.constant 0 : i32
        %dma_wait3A_73 = tpu.memref_slice %arg4[%add3A_54, %dma_wait3A_72] : memref<122880x128xf32, #tpu.memory_space<hbm>> -> memref<128x128xf32, #tpu.memory_space<hbm>>
        %dma_wait3A_74 = arith.constant 0 : i32
        %dma_wait3A_75 = tpu.memref_slice %arg4[%add3A_54, %dma_wait3A_74] : memref<122880x128xf32, #tpu.memory_space<hbm>> -> memref<128x128xf32, #tpu.memory_space<hbm>>
        %dma_wait3A_76 = arith.constant 0 : i32
        %dma_wait3A_77 = arith.constant 0 : i32
        %dma_wait3A_78 = tpu.memref_slice %arg6[%rem3A_29, %dma_wait3A_76, %dma_wait3A_77] : memref<2x128x128xf32, #tpu.memory_space<vmem>> -> memref<1x128x128xf32, #tpu.memory_space<vmem>>
        %dma_wait3A_79 = tpu.memref_squeeze %dma_wait3A_78 : memref<1x128x128xf32, #tpu.memory_space<vmem>> -> memref<128x128xf32, #tpu.memory_space<vmem>>
        tpu.wait_dma2 semaphore(%run_scoped3A_55 : memref<!tpu.dma_semaphore, #tpu.memory_space<semaphore_mem>>) src(%dma_wait3A_79 : memref<128x128xf32, #tpu.memory_space<vmem>>) dst(%dma_wait3A_75 : memref<128x128xf32, #tpu.memory_space<hbm>>)
        tpu.yield
      }) : () -> ()
    }
    %scan3A_16 = arith.constant 29 : i32
    %dma_wait3A = arith.constant 1 : i32
    %dma_wait3A_17 = arith.constant 0 : i32
    %dma_wait3A_18 = arith.constant 0 : i32
    %dma_wait3A_19 = tpu.memref_slice %arg6[%dma_wait3A, %dma_wait3A_17, %dma_wait3A_18] : memref<2x128x128xf32, #tpu.memory_space<vmem>> -> memref<1x128x128xf32, #tpu.memory_space<vmem>>
    %dma_wait3A_20 = tpu.memref_squeeze %dma_wait3A_19 : memref<1x128x128xf32, #tpu.memory_space<vmem>> -> memref<128x128xf32, #tpu.memory_space<vmem>>
    %dma_wait3A_21 = arith.constant 0 : i32
    %dma_wait3A_22 = tpu.memref_slice %arg5[%dma_wait3A_21] : memref<3840xi32, #tpu.memory_space<vmem>> -> memref<128xi32, #tpu.memory_space<vmem>>
    %dma_wait3A_23 = arith.constant 0 : i32
    %dma_wait3A_24 = arith.constant 0 : i32
    %dma_wait3A_25 = tpu.memref_slice %arg2[%dma_wait3A_23, %dma_wait3A_24] : memref<4096x128xf32, #tpu.memory_space<hbm>> -> memref<4096x128xf32, #tpu.memory_space<hbm>>
    tpu.wait_indirect_dma semaphore(%arg7 : memref<!tpu.dma_semaphore, #tpu.memory_space<semaphore_mem>>) src(%dma_wait3A_25 : memref<4096x128xf32, #tpu.memory_space<hbm>>) dst(%dma_wait3A_20 : memref<128x128xf32, #tpu.memory_space<vmem>>)
    %add3A_26 = arith.constant 3712 : i32
    %add3A_27 = arith.addi %mul3A_2, %add3A_26 : i32
    %run_scoped3A = arith.constant 1 : i32
    "tpu.region"() ({
      %run_scoped3A_28 = tpu.sem_alloc : memref<!tpu.dma_semaphore, #tpu.memory_space<semaphore_mem>>
      %dma_start3A_29 = arith.constant 0 : i32
      %dma_start3A_30 = arith.constant 0 : i32
      %dma_start3A_31 = tpu.memref_slice %arg6[%run_scoped3A, %dma_start3A_29, %dma_start3A_30] : memref<2x128x128xf32, #tpu.memory_space<vmem>> -> memref<1x128x128xf32, #tpu.memory_space<vmem>>
      %dma_start3A_32 = tpu.memref_squeeze %dma_start3A_31 : memref<1x128x128xf32, #tpu.memory_space<vmem>> -> memref<128x128xf32, #tpu.memory_space<vmem>>
      %dma_start3A_33 = arith.constant 0 : i32
      %dma_start3A_34 = tpu.memref_slice %arg4[%add3A_27, %dma_start3A_33] : memref<122880x128xf32, #tpu.memory_space<hbm>> -> memref<128x128xf32, #tpu.memory_space<hbm>>
      %dma_start3A_35 = arith.constant 0 : i32
      %dma_start3A_36 = tpu.memref_slice %arg4[%add3A_27, %dma_start3A_35] : memref<122880x128xf32, #tpu.memory_space<hbm>> -> memref<128x128xf32, #tpu.memory_space<hbm>>
      %dma_start3A_37 = arith.constant 0 : i32
      %dma_start3A_38 = arith.constant 0 : i32
      %dma_start3A_39 = tpu.memref_slice %arg6[%run_scoped3A, %dma_start3A_37, %dma_start3A_38] : memref<2x128x128xf32, #tpu.memory_space<vmem>> -> memref<1x128x128xf32, #tpu.memory_space<vmem>>
      %dma_start3A_40 = tpu.memref_squeeze %dma_start3A_39 : memref<1x128x128xf32, #tpu.memory_space<vmem>> -> memref<128x128xf32, #tpu.memory_space<vmem>>
      tpu.enqueue_dma source(%dma_start3A_40 : memref<128x128xf32, #tpu.memory_space<vmem>>) target(%dma_start3A_36 : memref<128x128xf32, #tpu.memory_space<hbm>>) target_semaphore(%run_scoped3A_28 : memref<!tpu.dma_semaphore, #tpu.memory_space<semaphore_mem>>)
      %dma_wait3A_41 = arith.constant 0 : i32
      %dma_wait3A_42 = arith.constant 0 : i32
      %dma_wait3A_43 = tpu.memref_slice %arg6[%run_scoped3A, %dma_wait3A_41, %dma_wait3A_42] : memref<2x128x128xf32, #tpu.memory_space<vmem>> -> memref<1x128x128xf32, #tpu.memory_space<vmem>>
      %dma_wait3A_44 = tpu.memref_squeeze %dma_wait3A_43 : memref<1x128x128xf32, #tpu.memory_space<vmem>> -> memref<128x128xf32, #tpu.memory_space<vmem>>
      %dma_wait3A_45 = arith.constant 0 : i32
      %dma_wait3A_46 = tpu.memref_slice %arg4[%add3A_27, %dma_wait3A_45] : memref<122880x128xf32, #tpu.memory_space<hbm>> -> memref<128x128xf32, #tpu.memory_space<hbm>>
      %dma_wait3A_47 = arith.constant 0 : i32
      %dma_wait3A_48 = tpu.memref_slice %arg4[%add3A_27, %dma_wait3A_47] : memref<122880x128xf32, #tpu.memory_space<hbm>> -> memref<128x128xf32, #tpu.memory_space<hbm>>
      %dma_wait3A_49 = arith.constant 0 : i32
      %dma_wait3A_50 = arith.constant 0 : i32
      %dma_wait3A_51 = tpu.memref_slice %arg6[%run_scoped3A, %dma_wait3A_49, %dma_wait3A_50] : memref<2x128x128xf32, #tpu.memory_space<vmem>> -> memref<1x128x128xf32, #tpu.memory_space<vmem>>
      %dma_wait3A_52 = tpu.memref_squeeze %dma_wait3A_51 : memref<1x128x128xf32, #tpu.memory_space<vmem>> -> memref<128x128xf32, #tpu.memory_space<vmem>>
      tpu.wait_dma2 semaphore(%run_scoped3A_28 : memref<!tpu.dma_semaphore, #tpu.memory_space<semaphore_mem>>) src(%dma_wait3A_52 : memref<128x128xf32, #tpu.memory_space<vmem>>) dst(%dma_wait3A_48 : memref<128x128xf32, #tpu.memory_space<hbm>>)
      tpu.yield
    }) : () -> ()
    return
  }
}

#map = affine_map<(d0, d1) -> (0, 0)>
#map1 = affine_map<(d0, d1) -> (0)>
module attributes {stable_mosaic.version = 14 : i64} {
  func.func @gather_k(%arg0: i32, %arg1: i32, %arg2: memref<4096x128xf32, #tpu.memory_space<hbm>>, %arg3: memref<122880xi32, #tpu.memory_space<hbm>>, %arg4: memref<122880x128xf32, #tpu.memory_space<hbm>>, %arg5: memref<3840xi32, #tpu.memory_space<vmem>>, %arg6: memref<2x128x128xf32, #tpu.memory_space<vmem>>, %arg7: memref<!tpu.dma_semaphore, #tpu.memory_space<semaphore_mem>>) attributes {dimension_semantics = [#tpu.dimension_semantics<core_parallel>, #tpu.dimension_semantics<subcore_parallel>], iteration_bounds = array<i64: 2, 16>, scalar_prefetch = 0 : i64, scratch_operands = 3 : i64, tpu.core_type = #tpu.core_type<sc_vector_subcore>, window_params = [{transform_indices = #map}, {transform_indices = #map1}, {transform_indices = #map}]} {
    %mul3A = arith.constant 2 : i32
    %mul3A_0 = arith.muli %arg1, %mul3A : i32
    %add3A = arith.addi %mul3A_0, %arg0 : i32
    %mul3A_1 = arith.constant 3840 : i32
    %mul3A_2 = arith.muli %add3A, %mul3A_1 : i32
    "tpu.region"() ({
      %run_scoped3A_28 = tpu.sem_alloc : memref<!tpu.dma_semaphore, #tpu.memory_space<semaphore_mem>>
      %dma_start3A_29 = tpu.memref_slice %arg3[%mul3A_2] : memref<122880xi32, #tpu.memory_space<hbm>> -> memref<3840xi32, #tpu.memory_space<hbm>>
      %dma_start3A_30 = tpu.memref_slice %arg3[%mul3A_2] : memref<122880xi32, #tpu.memory_space<hbm>> -> memref<3840xi32, #tpu.memory_space<hbm>>
      tpu.enqueue_dma source(%dma_start3A_30 : memref<3840xi32, #tpu.memory_space<hbm>>) target(%arg5 : memref<3840xi32, #tpu.memory_space<vmem>>) target_semaphore(%run_scoped3A_28 : memref<!tpu.dma_semaphore, #tpu.memory_space<semaphore_mem>>)
      %dma_wait3A_31 = tpu.memref_slice %arg3[%mul3A_2] : memref<122880xi32, #tpu.memory_space<hbm>> -> memref<3840xi32, #tpu.memory_space<hbm>>
      %dma_wait3A_32 = tpu.memref_slice %arg3[%mul3A_2] : memref<122880xi32, #tpu.memory_space<hbm>> -> memref<3840xi32, #tpu.memory_space<hbm>>
      tpu.wait_dma2 semaphore(%run_scoped3A_28 : memref<!tpu.dma_semaphore, #tpu.memory_space<semaphore_mem>>) src(%dma_wait3A_32 : memref<3840xi32, #tpu.memory_space<hbm>>) dst(%arg5 : memref<3840xi32, #tpu.memory_space<vmem>>)
      tpu.yield
    }) : () -> ()
    %dma_start3A = arith.constant 0 : i32
    %dma_start3A_3 = arith.constant 0 : i32
    %dma_start3A_4 = arith.constant 0 : i32
    %dma_start3A_5 = tpu.memref_slice %arg6[%dma_start3A, %dma_start3A_3, %dma_start3A_4] : memref<2x128x128xf32, #tpu.memory_space<vmem>> -> memref<1x128x128xf32, #tpu.memory_space<vmem>>
    %dma_start3A_6 = tpu.memref_squeeze %dma_start3A_5 : memref<1x128x128xf32, #tpu.memory_space<vmem>> -> memref<128x128xf32, #tpu.memory_space<vmem>>
    %dma_start3A_7 = arith.constant 0 : i32
    %dma_start3A_8 = tpu.memref_slice %arg5[%dma_start3A_7] : memref<3840xi32, #tpu.memory_space<vmem>> -> memref<128xi32, #tpu.memory_space<vmem>>
    %dma_start3A_9 = arith.constant 0 : i32
    %dma_start3A_10 = arith.constant 0 : i32
    %dma_start3A_11 = tpu.memref_slice %arg2[%dma_start3A_9, %dma_start3A_10] : memref<4096x128xf32, #tpu.memory_space<hbm>> -> memref<4096x128xf32, #tpu.memory_space<hbm>>
    tpu.enqueue_indirect_dma source(%dma_start3A_11 : memref<4096x128xf32, #tpu.memory_space<hbm>>) target(%dma_start3A_6 : memref<128x128xf32, #tpu.memory_space<vmem>>) offsets(%dma_start3A_8 : memref<128xi32, #tpu.memory_space<vmem>>) semaphore(%arg7 : memref<!tpu.dma_semaphore, #tpu.memory_space<semaphore_mem>>)
    %scan3A = arith.constant 0 : i32
    %scan3A_12 = arith.constant 0 : i32
    %scan3A_13 = arith.constant 29 : i32
    %scan3A_14 = arith.addi %scan3A_12, %scan3A_13 : i32
    %scan3A_15 = arith.constant 1 : i32
    scf.for %scan3A_28 = %scan3A_12 to %scan3A_14 step %scan3A_15  : i32 {
      %rem3A = arith.constant 2 : i32
      %rem3A_29 = arith.remsi %scan3A_28, %rem3A : i32
      %dma_wait3A_30 = arith.constant 0 : i32
      %dma_wait3A_31 = arith.constant 0 : i32
      %dma_wait3A_32 = tpu.memref_slice %arg6[%rem3A_29, %dma_wait3A_30, %dma_wait3A_31] : memref<2x128x128xf32, #tpu.memory_space<vmem>> -> memref<1x128x128xf32, #tpu.memory_space<vmem>>
      %dma_wait3A_33 = tpu.memref_squeeze %dma_wait3A_32 : memref<1x128x128xf32, #tpu.memory_space<vmem>> -> memref<128x128xf32, #tpu.memory_space<vmem>>
      %dma_wait3A_34 = arith.constant 0 : i32
      %dma_wait3A_35 = tpu.memref_slice %arg5[%dma_wait3A_34] : memref<3840xi32, #tpu.memory_space<vmem>> -> memref<128xi32, #tpu.memory_space<vmem>>
      %dma_wait3A_36 = arith.constant 0 : i32
      %dma_wait3A_37 = arith.constant 0 : i32
      %dma_wait3A_38 = tpu.memref_slice %arg2[%dma_wait3A_36, %dma_wait3A_37] : memref<4096x128xf32, #tpu.memory_space<hbm>> -> memref<4096x128xf32, #tpu.memory_space<hbm>>
      tpu.wait_indirect_dma semaphore(%arg7 : memref<!tpu.dma_semaphore, #tpu.memory_space<semaphore_mem>>) src(%dma_wait3A_38 : memref<4096x128xf32, #tpu.memory_space<hbm>>) dst(%dma_wait3A_33 : memref<128x128xf32, #tpu.memory_space<vmem>>)
      %add3A_39 = arith.constant 1 : i32
      %add3A_40 = arith.addi %scan3A_28, %add3A_39 : i32
      %mul3A_41 = arith.constant 128 : i32
      %mul3A_42 = arith.muli %add3A_40, %mul3A_41 : i32
      %sub3A = arith.constant 1 : i32
      %sub3A_43 = arith.subi %sub3A, %rem3A_29 : i32
      %dma_start3A_44 = arith.constant 0 : i32
      %dma_start3A_45 = arith.constant 0 : i32
      %dma_start3A_46 = tpu.memref_slice %arg6[%sub3A_43, %dma_start3A_44, %dma_start3A_45] : memref<2x128x128xf32, #tpu.memory_space<vmem>> -> memref<1x128x128xf32, #tpu.memory_space<vmem>>
      %dma_start3A_47 = tpu.memref_squeeze %dma_start3A_46 : memref<1x128x128xf32, #tpu.memory_space<vmem>> -> memref<128x128xf32, #tpu.memory_space<vmem>>
      %dma_start3A_48 = tpu.memref_slice %arg5[%mul3A_42] : memref<3840xi32, #tpu.memory_space<vmem>> -> memref<128xi32, #tpu.memory_space<vmem>>
      %dma_start3A_49 = arith.constant 0 : i32
      %dma_start3A_50 = arith.constant 0 : i32
      %dma_start3A_51 = tpu.memref_slice %arg2[%dma_start3A_49, %dma_start3A_50] : memref<4096x128xf32, #tpu.memory_space<hbm>> -> memref<4096x128xf32, #tpu.memory_space<hbm>>
      tpu.enqueue_indirect_dma source(%dma_start3A_51 : memref<4096x128xf32, #tpu.memory_space<hbm>>) target(%dma_start3A_47 : memref<128x128xf32, #tpu.memory_space<vmem>>) offsets(%dma_start3A_48 : memref<128xi32, #tpu.memory_space<vmem>>) semaphore(%arg7 : memref<!tpu.dma_semaphore, #tpu.memory_space<semaphore_mem>>)
      %mul3A_52 = arith.constant 128 : i32
      %mul3A_53 = arith.muli %scan3A_28, %mul3A_52 : i32
      %add3A_54 = arith.addi %mul3A_2, %mul3A_53 : i32
      "tpu.region"() ({
        %run_scoped3A_55 = tpu.sem_alloc : memref<!tpu.dma_semaphore, #tpu.memory_space<semaphore_mem>>
        %dma_start3A_56 = arith.constant 0 : i32
        %dma_start3A_57 = arith.constant 0 : i32
        %dma_start3A_58 = tpu.memref_slice %arg6[%rem3A_29, %dma_start3A_56, %dma_start3A_57] : memref<2x128x128xf32, #tpu.memory_space<vmem>> -> memref<1x128x128xf32, #tpu.memory_space<vmem>>
        %dma_start3A_59 = tpu.memref_squeeze %dma_start3A_58 : memref<1x128x128xf32, #tpu.memory_space<vmem>> -> memref<128x128xf32, #tpu.memory_space<vmem>>
        %dma_start3A_60 = arith.constant 0 : i32
        %dma_start3A_61 = tpu.memref_slice %arg4[%add3A_54, %dma_start3A_60] : memref<122880x128xf32, #tpu.memory_space<hbm>> -> memref<128x128xf32, #tpu.memory_space<hbm>>
        %dma_start3A_62 = arith.constant 0 : i32
        %dma_start3A_63 = tpu.memref_slice %arg4[%add3A_54, %dma_start3A_62] : memref<122880x128xf32, #tpu.memory_space<hbm>> -> memref<128x128xf32, #tpu.memory_space<hbm>>
        %dma_start3A_64 = arith.constant 0 : i32
        %dma_start3A_65 = arith.constant 0 : i32
        %dma_start3A_66 = tpu.memref_slice %arg6[%rem3A_29, %dma_start3A_64, %dma_start3A_65] : memref<2x128x128xf32, #tpu.memory_space<vmem>> -> memref<1x128x128xf32, #tpu.memory_space<vmem>>
        %dma_start3A_67 = tpu.memref_squeeze %dma_start3A_66 : memref<1x128x128xf32, #tpu.memory_space<vmem>> -> memref<128x128xf32, #tpu.memory_space<vmem>>
        tpu.enqueue_dma source(%dma_start3A_67 : memref<128x128xf32, #tpu.memory_space<vmem>>) target(%dma_start3A_63 : memref<128x128xf32, #tpu.memory_space<hbm>>) target_semaphore(%run_scoped3A_55 : memref<!tpu.dma_semaphore, #tpu.memory_space<semaphore_mem>>)
        %dma_wait3A_68 = arith.constant 0 : i32
        %dma_wait3A_69 = arith.constant 0 : i32
        %dma_wait3A_70 = tpu.memref_slice %arg6[%rem3A_29, %dma_wait3A_68, %dma_wait3A_69] : memref<2x128x128xf32, #tpu.memory_space<vmem>> -> memref<1x128x128xf32, #tpu.memory_space<vmem>>
        %dma_wait3A_71 = tpu.memref_squeeze %dma_wait3A_70 : memref<1x128x128xf32, #tpu.memory_space<vmem>> -> memref<128x128xf32, #tpu.memory_space<vmem>>
        %dma_wait3A_72 = arith.constant 0 : i32
        %dma_wait3A_73 = tpu.memref_slice %arg4[%add3A_54, %dma_wait3A_72] : memref<122880x128xf32, #tpu.memory_space<hbm>> -> memref<128x128xf32, #tpu.memory_space<hbm>>
        %dma_wait3A_74 = arith.constant 0 : i32
        %dma_wait3A_75 = tpu.memref_slice %arg4[%add3A_54, %dma_wait3A_74] : memref<122880x128xf32, #tpu.memory_space<hbm>> -> memref<128x128xf32, #tpu.memory_space<hbm>>
        %dma_wait3A_76 = arith.constant 0 : i32
        %dma_wait3A_77 = arith.constant 0 : i32
        %dma_wait3A_78 = tpu.memref_slice %arg6[%rem3A_29, %dma_wait3A_76, %dma_wait3A_77] : memref<2x128x128xf32, #tpu.memory_space<vmem>> -> memref<1x128x128xf32, #tpu.memory_space<vmem>>
        %dma_wait3A_79 = tpu.memref_squeeze %dma_wait3A_78 : memref<1x128x128xf32, #tpu.memory_space<vmem>> -> memref<128x128xf32, #tpu.memory_space<vmem>>
        tpu.wait_dma2 semaphore(%run_scoped3A_55 : memref<!tpu.dma_semaphore, #tpu.memory_space<semaphore_mem>>) src(%dma_wait3A_79 : memref<128x128xf32, #tpu.memory_space<vmem>>) dst(%dma_wait3A_75 : memref<128x128xf32, #tpu.memory_space<hbm>>)
        tpu.yield
      }) : () -> ()
    }
    %scan3A_16 = arith.constant 29 : i32
    %dma_wait3A = arith.constant 1 : i32
    %dma_wait3A_17 = arith.constant 0 : i32
    %dma_wait3A_18 = arith.constant 0 : i32
    %dma_wait3A_19 = tpu.memref_slice %arg6[%dma_wait3A, %dma_wait3A_17, %dma_wait3A_18] : memref<2x128x128xf32, #tpu.memory_space<vmem>> -> memref<1x128x128xf32, #tpu.memory_space<vmem>>
    %dma_wait3A_20 = tpu.memref_squeeze %dma_wait3A_19 : memref<1x128x128xf32, #tpu.memory_space<vmem>> -> memref<128x128xf32, #tpu.memory_space<vmem>>
    %dma_wait3A_21 = arith.constant 0 : i32
    %dma_wait3A_22 = tpu.memref_slice %arg5[%dma_wait3A_21] : memref<3840xi32, #tpu.memory_space<vmem>> -> memref<128xi32, #tpu.memory_space<vmem>>
    %dma_wait3A_23 = arith.constant 0 : i32
    %dma_wait3A_24 = arith.constant 0 : i32
    %dma_wait3A_25 = tpu.memref_slice %arg2[%dma_wait3A_23, %dma_wait3A_24] : memref<4096x128xf32, #tpu.memory_space<hbm>> -> memref<4096x128xf32, #tpu.memory_space<hbm>>
    tpu.wait_indirect_dma semaphore(%arg7 : memref<!tpu.dma_semaphore, #tpu.memory_space<semaphore_mem>>) src(%dma_wait3A_25 : memref<4096x128xf32, #tpu.memory_space<hbm>>) dst(%dma_wait3A_20 : memref<128x128xf32, #tpu.memory_space<vmem>>)
    %add3A_26 = arith.constant 3712 : i32
    %add3A_27 = arith.addi %mul3A_2, %add3A_26 : i32
    %run_scoped3A = arith.constant 1 : i32
    "tpu.region"() ({
      %run_scoped3A_28 = tpu.sem_alloc : memref<!tpu.dma_semaphore, #tpu.memory_space<semaphore_mem>>
      %dma_start3A_29 = arith.constant 0 : i32
      %dma_start3A_30 = arith.constant 0 : i32
      %dma_start3A_31 = tpu.memref_slice %arg6[%run_scoped3A, %dma_start3A_29, %dma_start3A_30] : memref<2x128x128xf32, #tpu.memory_space<vmem>> -> memref<1x128x128xf32, #tpu.memory_space<vmem>>
      %dma_start3A_32 = tpu.memref_squeeze %dma_start3A_31 : memref<1x128x128xf32, #tpu.memory_space<vmem>> -> memref<128x128xf32, #tpu.memory_space<vmem>>
      %dma_start3A_33 = arith.constant 0 : i32
      %dma_start3A_34 = tpu.memref_slice %arg4[%add3A_27, %dma_start3A_33] : memref<122880x128xf32, #tpu.memory_space<hbm>> -> memref<128x128xf32, #tpu.memory_space<hbm>>
      %dma_start3A_35 = arith.constant 0 : i32
      %dma_start3A_36 = tpu.memref_slice %arg4[%add3A_27, %dma_start3A_35] : memref<122880x128xf32, #tpu.memory_space<hbm>> -> memref<128x128xf32, #tpu.memory_space<hbm>>
      %dma_start3A_37 = arith.constant 0 : i32
      %dma_start3A_38 = arith.constant 0 : i32
      %dma_start3A_39 = tpu.memref_slice %arg6[%run_scoped3A, %dma_start3A_37, %dma_start3A_38] : memref<2x128x128xf32, #tpu.memory_space<vmem>> -> memref<1x128x128xf32, #tpu.memory_space<vmem>>
      %dma_start3A_40 = tpu.memref_squeeze %dma_start3A_39 : memref<1x128x128xf32, #tpu.memory_space<vmem>> -> memref<128x128xf32, #tpu.memory_space<vmem>>
      tpu.enqueue_dma source(%dma_start3A_40 : memref<128x128xf32, #tpu.memory_space<vmem>>) target(%dma_start3A_36 : memref<128x128xf32, #tpu.memory_space<hbm>>) target_semaphore(%run_scoped3A_28 : memref<!tpu.dma_semaphore, #tpu.memory_space<semaphore_mem>>)
      %dma_wait3A_41 = arith.constant 0 : i32
      %dma_wait3A_42 = arith.constant 0 : i32
      %dma_wait3A_43 = tpu.memref_slice %arg6[%run_scoped3A, %dma_wait3A_41, %dma_wait3A_42] : memref<2x128x128xf32, #tpu.memory_space<vmem>> -> memref<1x128x128xf32, #tpu.memory_space<vmem>>
      %dma_wait3A_44 = tpu.memref_squeeze %dma_wait3A_43 : memref<1x128x128xf32, #tpu.memory_space<vmem>> -> memref<128x128xf32, #tpu.memory_space<vmem>>
      %dma_wait3A_45 = arith.constant 0 : i32
      %dma_wait3A_46 = tpu.memref_slice %arg4[%add3A_27, %dma_wait3A_45] : memref<122880x128xf32, #tpu.memory_space<hbm>> -> memref<128x128xf32, #tpu.memory_space<hbm>>
      %dma_wait3A_47 = arith.constant 0 : i32
      %dma_wait3A_48 = tpu.memref_slice %arg4[%add3A_27, %dma_wait3A_47] : memref<122880x128xf32, #tpu.memory_space<hbm>> -> memref<128x128xf32, #tpu.memory_space<hbm>>
      %dma_wait3A_49 = arith.constant 0 : i32
      %dma_wait3A_50 = arith.constant 0 : i32
      %dma_wait3A_51 = tpu.memref_slice %arg6[%run_scoped3A, %dma_wait3A_49, %dma_wait3A_50] : memref<2x128x128xf32, #tpu.memory_space<vmem>> -> memref<1x128x128xf32, #tpu.memory_space<vmem>>
      %dma_wait3A_52 = tpu.memref_squeeze %dma_wait3A_51 : memref<1x128x128xf32, #tpu.memory_space<vmem>> -> memref<128x128xf32, #tpu.memory_space<vmem>>
      tpu.wait_dma2 semaphore(%run_scoped3A_28 : memref<!tpu.dma_semaphore, #tpu.memory_space<semaphore_mem>>) src(%dma_wait3A_52 : memref<128x128xf32, #tpu.memory_space<vmem>>) dst(%dma_wait3A_48 : memref<128x128xf32, #tpu.memory_space<hbm>>)
      tpu.yield
    }) : () -> ()
    return
  }
}

#map = affine_map<(d0, d1) -> (0, 0)>
#map1 = affine_map<(d0, d1) -> (0)>
module attributes {stable_mosaic.version = 14 : i64} {
  func.func @gather_k(%arg0: i32, %arg1: i32, %arg2: memref<4096x128xf32, #tpu.memory_space<hbm>>, %arg3: memref<122880xi32, #tpu.memory_space<hbm>>, %arg4: memref<122880x128xf32, #tpu.memory_space<hbm>>, %arg5: memref<3840xi32, #tpu.memory_space<vmem>>, %arg6: memref<2x128x128xf32, #tpu.memory_space<vmem>>, %arg7: memref<!tpu.dma_semaphore, #tpu.memory_space<semaphore_mem>>) attributes {dimension_semantics = [#tpu.dimension_semantics<core_parallel>, #tpu.dimension_semantics<subcore_parallel>], iteration_bounds = array<i64: 2, 16>, scalar_prefetch = 0 : i64, scratch_operands = 3 : i64, tpu.core_type = #tpu.core_type<sc_vector_subcore>, window_params = [{transform_indices = #map}, {transform_indices = #map1}, {transform_indices = #map}]} {
    %mul3A = arith.constant 2 : i32
    %mul3A_0 = arith.muli %arg1, %mul3A : i32
    %add3A = arith.addi %mul3A_0, %arg0 : i32
    %mul3A_1 = arith.constant 3840 : i32
    %mul3A_2 = arith.muli %add3A, %mul3A_1 : i32
    "tpu.region"() ({
      %run_scoped3A_28 = tpu.sem_alloc : memref<!tpu.dma_semaphore, #tpu.memory_space<semaphore_mem>>
      %dma_start3A_29 = tpu.memref_slice %arg3[%mul3A_2] : memref<122880xi32, #tpu.memory_space<hbm>> -> memref<3840xi32, #tpu.memory_space<hbm>>
      %dma_start3A_30 = tpu.memref_slice %arg3[%mul3A_2] : memref<122880xi32, #tpu.memory_space<hbm>> -> memref<3840xi32, #tpu.memory_space<hbm>>
      tpu.enqueue_dma source(%dma_start3A_30 : memref<3840xi32, #tpu.memory_space<hbm>>) target(%arg5 : memref<3840xi32, #tpu.memory_space<vmem>>) target_semaphore(%run_scoped3A_28 : memref<!tpu.dma_semaphore, #tpu.memory_space<semaphore_mem>>)
      %dma_wait3A_31 = tpu.memref_slice %arg3[%mul3A_2] : memref<122880xi32, #tpu.memory_space<hbm>> -> memref<3840xi32, #tpu.memory_space<hbm>>
      %dma_wait3A_32 = tpu.memref_slice %arg3[%mul3A_2] : memref<122880xi32, #tpu.memory_space<hbm>> -> memref<3840xi32, #tpu.memory_space<hbm>>
      tpu.wait_dma2 semaphore(%run_scoped3A_28 : memref<!tpu.dma_semaphore, #tpu.memory_space<semaphore_mem>>) src(%dma_wait3A_32 : memref<3840xi32, #tpu.memory_space<hbm>>) dst(%arg5 : memref<3840xi32, #tpu.memory_space<vmem>>)
      tpu.yield
    }) : () -> ()
    %dma_start3A = arith.constant 0 : i32
    %dma_start3A_3 = arith.constant 0 : i32
    %dma_start3A_4 = arith.constant 0 : i32
    %dma_start3A_5 = tpu.memref_slice %arg6[%dma_start3A, %dma_start3A_3, %dma_start3A_4] : memref<2x128x128xf32, #tpu.memory_space<vmem>> -> memref<1x128x128xf32, #tpu.memory_space<vmem>>
    %dma_start3A_6 = tpu.memref_squeeze %dma_start3A_5 : memref<1x128x128xf32, #tpu.memory_space<vmem>> -> memref<128x128xf32, #tpu.memory_space<vmem>>
    %dma_start3A_7 = arith.constant 0 : i32
    %dma_start3A_8 = tpu.memref_slice %arg5[%dma_start3A_7] : memref<3840xi32, #tpu.memory_space<vmem>> -> memref<128xi32, #tpu.memory_space<vmem>>
    %dma_start3A_9 = arith.constant 0 : i32
    %dma_start3A_10 = arith.constant 0 : i32
    %dma_start3A_11 = tpu.memref_slice %arg2[%dma_start3A_9, %dma_start3A_10] : memref<4096x128xf32, #tpu.memory_space<hbm>> -> memref<4096x128xf32, #tpu.memory_space<hbm>>
    tpu.enqueue_indirect_dma source(%dma_start3A_11 : memref<4096x128xf32, #tpu.memory_space<hbm>>) target(%dma_start3A_6 : memref<128x128xf32, #tpu.memory_space<vmem>>) offsets(%dma_start3A_8 : memref<128xi32, #tpu.memory_space<vmem>>) semaphore(%arg7 : memref<!tpu.dma_semaphore, #tpu.memory_space<semaphore_mem>>)
    %scan3A = arith.constant 0 : i32
    %scan3A_12 = arith.constant 0 : i32
    %scan3A_13 = arith.constant 29 : i32
    %scan3A_14 = arith.addi %scan3A_12, %scan3A_13 : i32
    %scan3A_15 = arith.constant 1 : i32
    scf.for %scan3A_28 = %scan3A_12 to %scan3A_14 step %scan3A_15  : i32 {
      %rem3A = arith.constant 2 : i32
      %rem3A_29 = arith.remsi %scan3A_28, %rem3A : i32
      %dma_wait3A_30 = arith.constant 0 : i32
      %dma_wait3A_31 = arith.constant 0 : i32
      %dma_wait3A_32 = tpu.memref_slice %arg6[%rem3A_29, %dma_wait3A_30, %dma_wait3A_31] : memref<2x128x128xf32, #tpu.memory_space<vmem>> -> memref<1x128x128xf32, #tpu.memory_space<vmem>>
      %dma_wait3A_33 = tpu.memref_squeeze %dma_wait3A_32 : memref<1x128x128xf32, #tpu.memory_space<vmem>> -> memref<128x128xf32, #tpu.memory_space<vmem>>
      %dma_wait3A_34 = arith.constant 0 : i32
      %dma_wait3A_35 = tpu.memref_slice %arg5[%dma_wait3A_34] : memref<3840xi32, #tpu.memory_space<vmem>> -> memref<128xi32, #tpu.memory_space<vmem>>
      %dma_wait3A_36 = arith.constant 0 : i32
      %dma_wait3A_37 = arith.constant 0 : i32
      %dma_wait3A_38 = tpu.memref_slice %arg2[%dma_wait3A_36, %dma_wait3A_37] : memref<4096x128xf32, #tpu.memory_space<hbm>> -> memref<4096x128xf32, #tpu.memory_space<hbm>>
      tpu.wait_indirect_dma semaphore(%arg7 : memref<!tpu.dma_semaphore, #tpu.memory_space<semaphore_mem>>) src(%dma_wait3A_38 : memref<4096x128xf32, #tpu.memory_space<hbm>>) dst(%dma_wait3A_33 : memref<128x128xf32, #tpu.memory_space<vmem>>)
      %add3A_39 = arith.constant 1 : i32
      %add3A_40 = arith.addi %scan3A_28, %add3A_39 : i32
      %mul3A_41 = arith.constant 128 : i32
      %mul3A_42 = arith.muli %add3A_40, %mul3A_41 : i32
      %sub3A = arith.constant 1 : i32
      %sub3A_43 = arith.subi %sub3A, %rem3A_29 : i32
      %dma_start3A_44 = arith.constant 0 : i32
      %dma_start3A_45 = arith.constant 0 : i32
      %dma_start3A_46 = tpu.memref_slice %arg6[%sub3A_43, %dma_start3A_44, %dma_start3A_45] : memref<2x128x128xf32, #tpu.memory_space<vmem>> -> memref<1x128x128xf32, #tpu.memory_space<vmem>>
      %dma_start3A_47 = tpu.memref_squeeze %dma_start3A_46 : memref<1x128x128xf32, #tpu.memory_space<vmem>> -> memref<128x128xf32, #tpu.memory_space<vmem>>
      %dma_start3A_48 = tpu.memref_slice %arg5[%mul3A_42] : memref<3840xi32, #tpu.memory_space<vmem>> -> memref<128xi32, #tpu.memory_space<vmem>>
      %dma_start3A_49 = arith.constant 0 : i32
      %dma_start3A_50 = arith.constant 0 : i32
      %dma_start3A_51 = tpu.memref_slice %arg2[%dma_start3A_49, %dma_start3A_50] : memref<4096x128xf32, #tpu.memory_space<hbm>> -> memref<4096x128xf32, #tpu.memory_space<hbm>>
      tpu.enqueue_indirect_dma source(%dma_start3A_51 : memref<4096x128xf32, #tpu.memory_space<hbm>>) target(%dma_start3A_47 : memref<128x128xf32, #tpu.memory_space<vmem>>) offsets(%dma_start3A_48 : memref<128xi32, #tpu.memory_space<vmem>>) semaphore(%arg7 : memref<!tpu.dma_semaphore, #tpu.memory_space<semaphore_mem>>)
      %mul3A_52 = arith.constant 128 : i32
      %mul3A_53 = arith.muli %scan3A_28, %mul3A_52 : i32
      %add3A_54 = arith.addi %mul3A_2, %mul3A_53 : i32
      "tpu.region"() ({
        %run_scoped3A_55 = tpu.sem_alloc : memref<!tpu.dma_semaphore, #tpu.memory_space<semaphore_mem>>
        %dma_start3A_56 = arith.constant 0 : i32
        %dma_start3A_57 = arith.constant 0 : i32
        %dma_start3A_58 = tpu.memref_slice %arg6[%rem3A_29, %dma_start3A_56, %dma_start3A_57] : memref<2x128x128xf32, #tpu.memory_space<vmem>> -> memref<1x128x128xf32, #tpu.memory_space<vmem>>
        %dma_start3A_59 = tpu.memref_squeeze %dma_start3A_58 : memref<1x128x128xf32, #tpu.memory_space<vmem>> -> memref<128x128xf32, #tpu.memory_space<vmem>>
        %dma_start3A_60 = arith.constant 0 : i32
        %dma_start3A_61 = tpu.memref_slice %arg4[%add3A_54, %dma_start3A_60] : memref<122880x128xf32, #tpu.memory_space<hbm>> -> memref<128x128xf32, #tpu.memory_space<hbm>>
        %dma_start3A_62 = arith.constant 0 : i32
        %dma_start3A_63 = tpu.memref_slice %arg4[%add3A_54, %dma_start3A_62] : memref<122880x128xf32, #tpu.memory_space<hbm>> -> memref<128x128xf32, #tpu.memory_space<hbm>>
        %dma_start3A_64 = arith.constant 0 : i32
        %dma_start3A_65 = arith.constant 0 : i32
        %dma_start3A_66 = tpu.memref_slice %arg6[%rem3A_29, %dma_start3A_64, %dma_start3A_65] : memref<2x128x128xf32, #tpu.memory_space<vmem>> -> memref<1x128x128xf32, #tpu.memory_space<vmem>>
        %dma_start3A_67 = tpu.memref_squeeze %dma_start3A_66 : memref<1x128x128xf32, #tpu.memory_space<vmem>> -> memref<128x128xf32, #tpu.memory_space<vmem>>
        tpu.enqueue_dma source(%dma_start3A_67 : memref<128x128xf32, #tpu.memory_space<vmem>>) target(%dma_start3A_63 : memref<128x128xf32, #tpu.memory_space<hbm>>) target_semaphore(%run_scoped3A_55 : memref<!tpu.dma_semaphore, #tpu.memory_space<semaphore_mem>>)
        %dma_wait3A_68 = arith.constant 0 : i32
        %dma_wait3A_69 = arith.constant 0 : i32
        %dma_wait3A_70 = tpu.memref_slice %arg6[%rem3A_29, %dma_wait3A_68, %dma_wait3A_69] : memref<2x128x128xf32, #tpu.memory_space<vmem>> -> memref<1x128x128xf32, #tpu.memory_space<vmem>>
        %dma_wait3A_71 = tpu.memref_squeeze %dma_wait3A_70 : memref<1x128x128xf32, #tpu.memory_space<vmem>> -> memref<128x128xf32, #tpu.memory_space<vmem>>
        %dma_wait3A_72 = arith.constant 0 : i32
        %dma_wait3A_73 = tpu.memref_slice %arg4[%add3A_54, %dma_wait3A_72] : memref<122880x128xf32, #tpu.memory_space<hbm>> -> memref<128x128xf32, #tpu.memory_space<hbm>>
        %dma_wait3A_74 = arith.constant 0 : i32
        %dma_wait3A_75 = tpu.memref_slice %arg4[%add3A_54, %dma_wait3A_74] : memref<122880x128xf32, #tpu.memory_space<hbm>> -> memref<128x128xf32, #tpu.memory_space<hbm>>
        %dma_wait3A_76 = arith.constant 0 : i32
        %dma_wait3A_77 = arith.constant 0 : i32
        %dma_wait3A_78 = tpu.memref_slice %arg6[%rem3A_29, %dma_wait3A_76, %dma_wait3A_77] : memref<2x128x128xf32, #tpu.memory_space<vmem>> -> memref<1x128x128xf32, #tpu.memory_space<vmem>>
        %dma_wait3A_79 = tpu.memref_squeeze %dma_wait3A_78 : memref<1x128x128xf32, #tpu.memory_space<vmem>> -> memref<128x128xf32, #tpu.memory_space<vmem>>
        tpu.wait_dma2 semaphore(%run_scoped3A_55 : memref<!tpu.dma_semaphore, #tpu.memory_space<semaphore_mem>>) src(%dma_wait3A_79 : memref<128x128xf32, #tpu.memory_space<vmem>>) dst(%dma_wait3A_75 : memref<128x128xf32, #tpu.memory_space<hbm>>)
        tpu.yield
      }) : () -> ()
    }
    %scan3A_16 = arith.constant 29 : i32
    %dma_wait3A = arith.constant 1 : i32
    %dma_wait3A_17 = arith.constant 0 : i32
    %dma_wait3A_18 = arith.constant 0 : i32
    %dma_wait3A_19 = tpu.memref_slice %arg6[%dma_wait3A, %dma_wait3A_17, %dma_wait3A_18] : memref<2x128x128xf32, #tpu.memory_space<vmem>> -> memref<1x128x128xf32, #tpu.memory_space<vmem>>
    %dma_wait3A_20 = tpu.memref_squeeze %dma_wait3A_19 : memref<1x128x128xf32, #tpu.memory_space<vmem>> -> memref<128x128xf32, #tpu.memory_space<vmem>>
    %dma_wait3A_21 = arith.constant 0 : i32
    %dma_wait3A_22 = tpu.memref_slice %arg5[%dma_wait3A_21] : memref<3840xi32, #tpu.memory_space<vmem>> -> memref<128xi32, #tpu.memory_space<vmem>>
    %dma_wait3A_23 = arith.constant 0 : i32
    %dma_wait3A_24 = arith.constant 0 : i32
    %dma_wait3A_25 = tpu.memref_slice %arg2[%dma_wait3A_23, %dma_wait3A_24] : memref<4096x128xf32, #tpu.memory_space<hbm>> -> memref<4096x128xf32, #tpu.memory_space<hbm>>
    tpu.wait_indirect_dma semaphore(%arg7 : memref<!tpu.dma_semaphore, #tpu.memory_space<semaphore_mem>>) src(%dma_wait3A_25 : memref<4096x128xf32, #tpu.memory_space<hbm>>) dst(%dma_wait3A_20 : memref<128x128xf32, #tpu.memory_space<vmem>>)
    %add3A_26 = arith.constant 3712 : i32
    %add3A_27 = arith.addi %mul3A_2, %add3A_26 : i32
    %run_scoped3A = arith.constant 1 : i32
    "tpu.region"() ({
      %run_scoped3A_28 = tpu.sem_alloc : memref<!tpu.dma_semaphore, #tpu.memory_space<semaphore_mem>>
      %dma_start3A_29 = arith.constant 0 : i32
      %dma_start3A_30 = arith.constant 0 : i32
      %dma_start3A_31 = tpu.memref_slice %arg6[%run_scoped3A, %dma_start3A_29, %dma_start3A_30] : memref<2x128x128xf32, #tpu.memory_space<vmem>> -> memref<1x128x128xf32, #tpu.memory_space<vmem>>
      %dma_start3A_32 = tpu.memref_squeeze %dma_start3A_31 : memref<1x128x128xf32, #tpu.memory_space<vmem>> -> memref<128x128xf32, #tpu.memory_space<vmem>>
      %dma_start3A_33 = arith.constant 0 : i32
      %dma_start3A_34 = tpu.memref_slice %arg4[%add3A_27, %dma_start3A_33] : memref<122880x128xf32, #tpu.memory_space<hbm>> -> memref<128x128xf32, #tpu.memory_space<hbm>>
      %dma_start3A_35 = arith.constant 0 : i32
      %dma_start3A_36 = tpu.memref_slice %arg4[%add3A_27, %dma_start3A_35] : memref<122880x128xf32, #tpu.memory_space<hbm>> -> memref<128x128xf32, #tpu.memory_space<hbm>>
      %dma_start3A_37 = arith.constant 0 : i32
      %dma_start3A_38 = arith.constant 0 : i32
      %dma_start3A_39 = tpu.memref_slice %arg6[%run_scoped3A, %dma_start3A_37, %dma_start3A_38] : memref<2x128x128xf32, #tpu.memory_space<vmem>> -> memref<1x128x128xf32, #tpu.memory_space<vmem>>
      %dma_start3A_40 = tpu.memref_squeeze %dma_start3A_39 : memref<1x128x128xf32, #tpu.memory_space<vmem>> -> memref<128x128xf32, #tpu.memory_space<vmem>>
      tpu.enqueue_dma source(%dma_start3A_40 : memref<128x128xf32, #tpu.memory_space<vmem>>) target(%dma_start3A_36 : memref<128x128xf32, #tpu.memory_space<hbm>>) target_semaphore(%run_scoped3A_28 : memref<!tpu.dma_semaphore, #tpu.memory_space<semaphore_mem>>)
      %dma_wait3A_41 = arith.constant 0 : i32
      %dma_wait3A_42 = arith.constant 0 : i32
      %dma_wait3A_43 = tpu.memref_slice %arg6[%run_scoped3A, %dma_wait3A_41, %dma_wait3A_42] : memref<2x128x128xf32, #tpu.memory_space<vmem>> -> memref<1x128x128xf32, #tpu.memory_space<vmem>>
      %dma_wait3A_44 = tpu.memref_squeeze %dma_wait3A_43 : memref<1x128x128xf32, #tpu.memory_space<vmem>> -> memref<128x128xf32, #tpu.memory_space<vmem>>
      %dma_wait3A_45 = arith.constant 0 : i32
      %dma_wait3A_46 = tpu.memref_slice %arg4[%add3A_27, %dma_wait3A_45] : memref<122880x128xf32, #tpu.memory_space<hbm>> -> memref<128x128xf32, #tpu.memory_space<hbm>>
      %dma_wait3A_47 = arith.constant 0 : i32
      %dma_wait3A_48 = tpu.memref_slice %arg4[%add3A_27, %dma_wait3A_47] : memref<122880x128xf32, #tpu.memory_space<hbm>> -> memref<128x128xf32, #tpu.memory_space<hbm>>
      %dma_wait3A_49 = arith.constant 0 : i32
      %dma_wait3A_50 = arith.constant 0 : i32
      %dma_wait3A_51 = tpu.memref_slice %arg6[%run_scoped3A, %dma_wait3A_49, %dma_wait3A_50] : memref<2x128x128xf32, #tpu.memory_space<vmem>> -> memref<1x128x128xf32, #tpu.memory_space<vmem>>
      %dma_wait3A_52 = tpu.memref_squeeze %dma_wait3A_51 : memref<1x128x128xf32, #tpu.memory_space<vmem>> -> memref<128x128xf32, #tpu.memory_space<vmem>>
      tpu.wait_dma2 semaphore(%run_scoped3A_28 : memref<!tpu.dma_semaphore, #tpu.memory_space<semaphore_mem>>) src(%dma_wait3A_52 : memref<128x128xf32, #tpu.memory_space<vmem>>) dst(%dma_wait3A_48 : memref<128x128xf32, #tpu.memory_space<hbm>>)
      tpu.yield
    }) : () -> ()
    return
  }
}

#map = affine_map<(d0, d1) -> (0, 0)>
#map1 = affine_map<(d0, d1) -> (0)>
module attributes {stable_mosaic.version = 14 : i64} {
  func.func @gather_k(%arg0: i32, %arg1: i32, %arg2: memref<4096x128xf32, #tpu.memory_space<hbm>>, %arg3: memref<122880xi32, #tpu.memory_space<hbm>>, %arg4: memref<122880x128xf32, #tpu.memory_space<hbm>>, %arg5: memref<3840xi32, #tpu.memory_space<vmem>>, %arg6: memref<2x128x128xf32, #tpu.memory_space<vmem>>, %arg7: memref<!tpu.dma_semaphore, #tpu.memory_space<semaphore_mem>>) attributes {dimension_semantics = [#tpu.dimension_semantics<core_parallel>, #tpu.dimension_semantics<subcore_parallel>], iteration_bounds = array<i64: 2, 16>, scalar_prefetch = 0 : i64, scratch_operands = 3 : i64, tpu.core_type = #tpu.core_type<sc_vector_subcore>, window_params = [{transform_indices = #map}, {transform_indices = #map1}, {transform_indices = #map}]} {
    %mul3A = arith.constant 2 : i32
    %mul3A_0 = arith.muli %arg1, %mul3A : i32
    %add3A = arith.addi %mul3A_0, %arg0 : i32
    %mul3A_1 = arith.constant 3840 : i32
    %mul3A_2 = arith.muli %add3A, %mul3A_1 : i32
    "tpu.region"() ({
      %run_scoped3A_28 = tpu.sem_alloc : memref<!tpu.dma_semaphore, #tpu.memory_space<semaphore_mem>>
      %dma_start3A_29 = tpu.memref_slice %arg3[%mul3A_2] : memref<122880xi32, #tpu.memory_space<hbm>> -> memref<3840xi32, #tpu.memory_space<hbm>>
      %dma_start3A_30 = tpu.memref_slice %arg3[%mul3A_2] : memref<122880xi32, #tpu.memory_space<hbm>> -> memref<3840xi32, #tpu.memory_space<hbm>>
      tpu.enqueue_dma source(%dma_start3A_30 : memref<3840xi32, #tpu.memory_space<hbm>>) target(%arg5 : memref<3840xi32, #tpu.memory_space<vmem>>) target_semaphore(%run_scoped3A_28 : memref<!tpu.dma_semaphore, #tpu.memory_space<semaphore_mem>>)
      %dma_wait3A_31 = tpu.memref_slice %arg3[%mul3A_2] : memref<122880xi32, #tpu.memory_space<hbm>> -> memref<3840xi32, #tpu.memory_space<hbm>>
      %dma_wait3A_32 = tpu.memref_slice %arg3[%mul3A_2] : memref<122880xi32, #tpu.memory_space<hbm>> -> memref<3840xi32, #tpu.memory_space<hbm>>
      tpu.wait_dma2 semaphore(%run_scoped3A_28 : memref<!tpu.dma_semaphore, #tpu.memory_space<semaphore_mem>>) src(%dma_wait3A_32 : memref<3840xi32, #tpu.memory_space<hbm>>) dst(%arg5 : memref<3840xi32, #tpu.memory_space<vmem>>)
      tpu.yield
    }) : () -> ()
    %dma_start3A = arith.constant 0 : i32
    %dma_start3A_3 = arith.constant 0 : i32
    %dma_start3A_4 = arith.constant 0 : i32
    %dma_start3A_5 = tpu.memref_slice %arg6[%dma_start3A, %dma_start3A_3, %dma_start3A_4] : memref<2x128x128xf32, #tpu.memory_space<vmem>> -> memref<1x128x128xf32, #tpu.memory_space<vmem>>
    %dma_start3A_6 = tpu.memref_squeeze %dma_start3A_5 : memref<1x128x128xf32, #tpu.memory_space<vmem>> -> memref<128x128xf32, #tpu.memory_space<vmem>>
    %dma_start3A_7 = arith.constant 0 : i32
    %dma_start3A_8 = tpu.memref_slice %arg5[%dma_start3A_7] : memref<3840xi32, #tpu.memory_space<vmem>> -> memref<128xi32, #tpu.memory_space<vmem>>
    %dma_start3A_9 = arith.constant 0 : i32
    %dma_start3A_10 = arith.constant 0 : i32
    %dma_start3A_11 = tpu.memref_slice %arg2[%dma_start3A_9, %dma_start3A_10] : memref<4096x128xf32, #tpu.memory_space<hbm>> -> memref<4096x128xf32, #tpu.memory_space<hbm>>
    tpu.enqueue_indirect_dma source(%dma_start3A_11 : memref<4096x128xf32, #tpu.memory_space<hbm>>) target(%dma_start3A_6 : memref<128x128xf32, #tpu.memory_space<vmem>>) offsets(%dma_start3A_8 : memref<128xi32, #tpu.memory_space<vmem>>) semaphore(%arg7 : memref<!tpu.dma_semaphore, #tpu.memory_space<semaphore_mem>>)
    %scan3A = arith.constant 0 : i32
    %scan3A_12 = arith.constant 0 : i32
    %scan3A_13 = arith.constant 29 : i32
    %scan3A_14 = arith.addi %scan3A_12, %scan3A_13 : i32
    %scan3A_15 = arith.constant 1 : i32
    scf.for %scan3A_28 = %scan3A_12 to %scan3A_14 step %scan3A_15  : i32 {
      %rem3A = arith.constant 2 : i32
      %rem3A_29 = arith.remsi %scan3A_28, %rem3A : i32
      %dma_wait3A_30 = arith.constant 0 : i32
      %dma_wait3A_31 = arith.constant 0 : i32
      %dma_wait3A_32 = tpu.memref_slice %arg6[%rem3A_29, %dma_wait3A_30, %dma_wait3A_31] : memref<2x128x128xf32, #tpu.memory_space<vmem>> -> memref<1x128x128xf32, #tpu.memory_space<vmem>>
      %dma_wait3A_33 = tpu.memref_squeeze %dma_wait3A_32 : memref<1x128x128xf32, #tpu.memory_space<vmem>> -> memref<128x128xf32, #tpu.memory_space<vmem>>
      %dma_wait3A_34 = arith.constant 0 : i32
      %dma_wait3A_35 = tpu.memref_slice %arg5[%dma_wait3A_34] : memref<3840xi32, #tpu.memory_space<vmem>> -> memref<128xi32, #tpu.memory_space<vmem>>
      %dma_wait3A_36 = arith.constant 0 : i32
      %dma_wait3A_37 = arith.constant 0 : i32
      %dma_wait3A_38 = tpu.memref_slice %arg2[%dma_wait3A_36, %dma_wait3A_37] : memref<4096x128xf32, #tpu.memory_space<hbm>> -> memref<4096x128xf32, #tpu.memory_space<hbm>>
      tpu.wait_indirect_dma semaphore(%arg7 : memref<!tpu.dma_semaphore, #tpu.memory_space<semaphore_mem>>) src(%dma_wait3A_38 : memref<4096x128xf32, #tpu.memory_space<hbm>>) dst(%dma_wait3A_33 : memref<128x128xf32, #tpu.memory_space<vmem>>)
      %add3A_39 = arith.constant 1 : i32
      %add3A_40 = arith.addi %scan3A_28, %add3A_39 : i32
      %mul3A_41 = arith.constant 128 : i32
      %mul3A_42 = arith.muli %add3A_40, %mul3A_41 : i32
      %sub3A = arith.constant 1 : i32
      %sub3A_43 = arith.subi %sub3A, %rem3A_29 : i32
      %dma_start3A_44 = arith.constant 0 : i32
      %dma_start3A_45 = arith.constant 0 : i32
      %dma_start3A_46 = tpu.memref_slice %arg6[%sub3A_43, %dma_start3A_44, %dma_start3A_45] : memref<2x128x128xf32, #tpu.memory_space<vmem>> -> memref<1x128x128xf32, #tpu.memory_space<vmem>>
      %dma_start3A_47 = tpu.memref_squeeze %dma_start3A_46 : memref<1x128x128xf32, #tpu.memory_space<vmem>> -> memref<128x128xf32, #tpu.memory_space<vmem>>
      %dma_start3A_48 = tpu.memref_slice %arg5[%mul3A_42] : memref<3840xi32, #tpu.memory_space<vmem>> -> memref<128xi32, #tpu.memory_space<vmem>>
      %dma_start3A_49 = arith.constant 0 : i32
      %dma_start3A_50 = arith.constant 0 : i32
      %dma_start3A_51 = tpu.memref_slice %arg2[%dma_start3A_49, %dma_start3A_50] : memref<4096x128xf32, #tpu.memory_space<hbm>> -> memref<4096x128xf32, #tpu.memory_space<hbm>>
      tpu.enqueue_indirect_dma source(%dma_start3A_51 : memref<4096x128xf32, #tpu.memory_space<hbm>>) target(%dma_start3A_47 : memref<128x128xf32, #tpu.memory_space<vmem>>) offsets(%dma_start3A_48 : memref<128xi32, #tpu.memory_space<vmem>>) semaphore(%arg7 : memref<!tpu.dma_semaphore, #tpu.memory_space<semaphore_mem>>)
      %mul3A_52 = arith.constant 128 : i32
      %mul3A_53 = arith.muli %scan3A_28, %mul3A_52 : i32
      %add3A_54 = arith.addi %mul3A_2, %mul3A_53 : i32
      "tpu.region"() ({
        %run_scoped3A_55 = tpu.sem_alloc : memref<!tpu.dma_semaphore, #tpu.memory_space<semaphore_mem>>
        %dma_start3A_56 = arith.constant 0 : i32
        %dma_start3A_57 = arith.constant 0 : i32
        %dma_start3A_58 = tpu.memref_slice %arg6[%rem3A_29, %dma_start3A_56, %dma_start3A_57] : memref<2x128x128xf32, #tpu.memory_space<vmem>> -> memref<1x128x128xf32, #tpu.memory_space<vmem>>
        %dma_start3A_59 = tpu.memref_squeeze %dma_start3A_58 : memref<1x128x128xf32, #tpu.memory_space<vmem>> -> memref<128x128xf32, #tpu.memory_space<vmem>>
        %dma_start3A_60 = arith.constant 0 : i32
        %dma_start3A_61 = tpu.memref_slice %arg4[%add3A_54, %dma_start3A_60] : memref<122880x128xf32, #tpu.memory_space<hbm>> -> memref<128x128xf32, #tpu.memory_space<hbm>>
        %dma_start3A_62 = arith.constant 0 : i32
        %dma_start3A_63 = tpu.memref_slice %arg4[%add3A_54, %dma_start3A_62] : memref<122880x128xf32, #tpu.memory_space<hbm>> -> memref<128x128xf32, #tpu.memory_space<hbm>>
        %dma_start3A_64 = arith.constant 0 : i32
        %dma_start3A_65 = arith.constant 0 : i32
        %dma_start3A_66 = tpu.memref_slice %arg6[%rem3A_29, %dma_start3A_64, %dma_start3A_65] : memref<2x128x128xf32, #tpu.memory_space<vmem>> -> memref<1x128x128xf32, #tpu.memory_space<vmem>>
        %dma_start3A_67 = tpu.memref_squeeze %dma_start3A_66 : memref<1x128x128xf32, #tpu.memory_space<vmem>> -> memref<128x128xf32, #tpu.memory_space<vmem>>
        tpu.enqueue_dma source(%dma_start3A_67 : memref<128x128xf32, #tpu.memory_space<vmem>>) target(%dma_start3A_63 : memref<128x128xf32, #tpu.memory_space<hbm>>) target_semaphore(%run_scoped3A_55 : memref<!tpu.dma_semaphore, #tpu.memory_space<semaphore_mem>>)
        %dma_wait3A_68 = arith.constant 0 : i32
        %dma_wait3A_69 = arith.constant 0 : i32
        %dma_wait3A_70 = tpu.memref_slice %arg6[%rem3A_29, %dma_wait3A_68, %dma_wait3A_69] : memref<2x128x128xf32, #tpu.memory_space<vmem>> -> memref<1x128x128xf32, #tpu.memory_space<vmem>>
        %dma_wait3A_71 = tpu.memref_squeeze %dma_wait3A_70 : memref<1x128x128xf32, #tpu.memory_space<vmem>> -> memref<128x128xf32, #tpu.memory_space<vmem>>
        %dma_wait3A_72 = arith.constant 0 : i32
        %dma_wait3A_73 = tpu.memref_slice %arg4[%add3A_54, %dma_wait3A_72] : memref<122880x128xf32, #tpu.memory_space<hbm>> -> memref<128x128xf32, #tpu.memory_space<hbm>>
        %dma_wait3A_74 = arith.constant 0 : i32
        %dma_wait3A_75 = tpu.memref_slice %arg4[%add3A_54, %dma_wait3A_74] : memref<122880x128xf32, #tpu.memory_space<hbm>> -> memref<128x128xf32, #tpu.memory_space<hbm>>
        %dma_wait3A_76 = arith.constant 0 : i32
        %dma_wait3A_77 = arith.constant 0 : i32
        %dma_wait3A_78 = tpu.memref_slice %arg6[%rem3A_29, %dma_wait3A_76, %dma_wait3A_77] : memref<2x128x128xf32, #tpu.memory_space<vmem>> -> memref<1x128x128xf32, #tpu.memory_space<vmem>>
        %dma_wait3A_79 = tpu.memref_squeeze %dma_wait3A_78 : memref<1x128x128xf32, #tpu.memory_space<vmem>> -> memref<128x128xf32, #tpu.memory_space<vmem>>
        tpu.wait_dma2 semaphore(%run_scoped3A_55 : memref<!tpu.dma_semaphore, #tpu.memory_space<semaphore_mem>>) src(%dma_wait3A_79 : memref<128x128xf32, #tpu.memory_space<vmem>>) dst(%dma_wait3A_75 : memref<128x128xf32, #tpu.memory_space<hbm>>)
        tpu.yield
      }) : () -> ()
    }
    %scan3A_16 = arith.constant 29 : i32
    %dma_wait3A = arith.constant 1 : i32
    %dma_wait3A_17 = arith.constant 0 : i32
    %dma_wait3A_18 = arith.constant 0 : i32
    %dma_wait3A_19 = tpu.memref_slice %arg6[%dma_wait3A, %dma_wait3A_17, %dma_wait3A_18] : memref<2x128x128xf32, #tpu.memory_space<vmem>> -> memref<1x128x128xf32, #tpu.memory_space<vmem>>
    %dma_wait3A_20 = tpu.memref_squeeze %dma_wait3A_19 : memref<1x128x128xf32, #tpu.memory_space<vmem>> -> memref<128x128xf32, #tpu.memory_space<vmem>>
    %dma_wait3A_21 = arith.constant 0 : i32
    %dma_wait3A_22 = tpu.memref_slice %arg5[%dma_wait3A_21] : memref<3840xi32, #tpu.memory_space<vmem>> -> memref<128xi32, #tpu.memory_space<vmem>>
    %dma_wait3A_23 = arith.constant 0 : i32
    %dma_wait3A_24 = arith.constant 0 : i32
    %dma_wait3A_25 = tpu.memref_slice %arg2[%dma_wait3A_23, %dma_wait3A_24] : memref<4096x128xf32, #tpu.memory_space<hbm>> -> memref<4096x128xf32, #tpu.memory_space<hbm>>
    tpu.wait_indirect_dma semaphore(%arg7 : memref<!tpu.dma_semaphore, #tpu.memory_space<semaphore_mem>>) src(%dma_wait3A_25 : memref<4096x128xf32, #tpu.memory_space<hbm>>) dst(%dma_wait3A_20 : memref<128x128xf32, #tpu.memory_space<vmem>>)
    %add3A_26 = arith.constant 3712 : i32
    %add3A_27 = arith.addi %mul3A_2, %add3A_26 : i32
    %run_scoped3A = arith.constant 1 : i32
    "tpu.region"() ({
      %run_scoped3A_28 = tpu.sem_alloc : memref<!tpu.dma_semaphore, #tpu.memory_space<semaphore_mem>>
      %dma_start3A_29 = arith.constant 0 : i32
      %dma_start3A_30 = arith.constant 0 : i32
      %dma_start3A_31 = tpu.memref_slice %arg6[%run_scoped3A, %dma_start3A_29, %dma_start3A_30] : memref<2x128x128xf32, #tpu.memory_space<vmem>> -> memref<1x128x128xf32, #tpu.memory_space<vmem>>
      %dma_start3A_32 = tpu.memref_squeeze %dma_start3A_31 : memref<1x128x128xf32, #tpu.memory_space<vmem>> -> memref<128x128xf32, #tpu.memory_space<vmem>>
      %dma_start3A_33 = arith.constant 0 : i32
      %dma_start3A_34 = tpu.memref_slice %arg4[%add3A_27, %dma_start3A_33] : memref<122880x128xf32, #tpu.memory_space<hbm>> -> memref<128x128xf32, #tpu.memory_space<hbm>>
      %dma_start3A_35 = arith.constant 0 : i32
      %dma_start3A_36 = tpu.memref_slice %arg4[%add3A_27, %dma_start3A_35] : memref<122880x128xf32, #tpu.memory_space<hbm>> -> memref<128x128xf32, #tpu.memory_space<hbm>>
      %dma_start3A_37 = arith.constant 0 : i32
      %dma_start3A_38 = arith.constant 0 : i32
      %dma_start3A_39 = tpu.memref_slice %arg6[%run_scoped3A, %dma_start3A_37, %dma_start3A_38] : memref<2x128x128xf32, #tpu.memory_space<vmem>> -> memref<1x128x128xf32, #tpu.memory_space<vmem>>
      %dma_start3A_40 = tpu.memref_squeeze %dma_start3A_39 : memref<1x128x128xf32, #tpu.memory_space<vmem>> -> memref<128x128xf32, #tpu.memory_space<vmem>>
      tpu.enqueue_dma source(%dma_start3A_40 : memref<128x128xf32, #tpu.memory_space<vmem>>) target(%dma_start3A_36 : memref<128x128xf32, #tpu.memory_space<hbm>>) target_semaphore(%run_scoped3A_28 : memref<!tpu.dma_semaphore, #tpu.memory_space<semaphore_mem>>)
      %dma_wait3A_41 = arith.constant 0 : i32
      %dma_wait3A_42 = arith.constant 0 : i32
      %dma_wait3A_43 = tpu.memref_slice %arg6[%run_scoped3A, %dma_wait3A_41, %dma_wait3A_42] : memref<2x128x128xf32, #tpu.memory_space<vmem>> -> memref<1x128x128xf32, #tpu.memory_space<vmem>>
      %dma_wait3A_44 = tpu.memref_squeeze %dma_wait3A_43 : memref<1x128x128xf32, #tpu.memory_space<vmem>> -> memref<128x128xf32, #tpu.memory_space<vmem>>
      %dma_wait3A_45 = arith.constant 0 : i32
      %dma_wait3A_46 = tpu.memref_slice %arg4[%add3A_27, %dma_wait3A_45] : memref<122880x128xf32, #tpu.memory_space<hbm>> -> memref<128x128xf32, #tpu.memory_space<hbm>>
      %dma_wait3A_47 = arith.constant 0 : i32
      %dma_wait3A_48 = tpu.memref_slice %arg4[%add3A_27, %dma_wait3A_47] : memref<122880x128xf32, #tpu.memory_space<hbm>> -> memref<128x128xf32, #tpu.memory_space<hbm>>
      %dma_wait3A_49 = arith.constant 0 : i32
      %dma_wait3A_50 = arith.constant 0 : i32
      %dma_wait3A_51 = tpu.memref_slice %arg6[%run_scoped3A, %dma_wait3A_49, %dma_wait3A_50] : memref<2x128x128xf32, #tpu.memory_space<vmem>> -> memref<1x128x128xf32, #tpu.memory_space<vmem>>
      %dma_wait3A_52 = tpu.memref_squeeze %dma_wait3A_51 : memref<1x128x128xf32, #tpu.memory_space<vmem>> -> memref<128x128xf32, #tpu.memory_space<vmem>>
      tpu.wait_dma2 semaphore(%run_scoped3A_28 : memref<!tpu.dma_semaphore, #tpu.memory_space<semaphore_mem>>) src(%dma_wait3A_52 : memref<128x128xf32, #tpu.memory_space<vmem>>) dst(%dma_wait3A_48 : memref<128x128xf32, #tpu.memory_space<hbm>>)
      tpu.yield
    }) : () -> ()
    return
  }
}

module attributes {stable_mosaic.version = 14 : i64} {
  func.func @_features_body(%arg0: i32, %arg1: i32, %arg2: memref<1x1x1024xf32, #tpu.memory_space<vmem>>, %arg3: memref<1x1024x8xf32, #tpu.memory_space<vmem>>, %arg4: memref<1x256x8xf32, #tpu.memory_space<vmem>>, %arg5: memref<256x1xi32, #tpu.memory_space<vmem>>, %arg6: memref<256x8xf32, #tpu.memory_space<vmem>>, %arg7: memref<32x128xf32, #tpu.memory_space<vmem>>, %arg8: memref<1x128xf32, #tpu.memory_space<vmem>>, %arg9: memref<8x128xf32, #tpu.memory_space<vmem>>, %arg10: memref<1x128xf32, #tpu.memory_space<vmem>>, %arg11: memref<20x128xf32, #tpu.memory_space<vmem>>, %arg12: memref<256x30xi32, #tpu.memory_space<vmem>>, %arg13: memref<256x30x128xf32, #tpu.memory_space<vmem>>, %arg14: memref<256x128xf32, #tpu.memory_space<vmem>>, %arg15: memref<256x128xf32, #tpu.memory_space<vmem>>) attributes {dimension_semantics = [#tpu.dimension_semantics<arbitrary>, #tpu.dimension_semantics<arbitrary>], iteration_bounds = array<i64: 4, 4>, scalar_prefetch = 0 : i64, scratch_operands = 0 : i64, tpu.core_type = #tpu.core_type<tc>, window_params = [{transform_indices = @transform_0, window_bounds = array<i64: 1, 1, 1024>}, {transform_indices = @transform_1, window_bounds = array<i64: 1, 1024, 8>}, {transform_indices = @transform_2, window_bounds = array<i64: 1, 256, 8>}, {transform_indices = @transform_3, window_bounds = array<i64: 256, 1>}, {transform_indices = @transform_4, window_bounds = array<i64: 256, 8>}, {pipeline_mode = #tpu.pipeline_mode<synchronous>, transform_indices = @transform_5, window_bounds = array<i64: 32, 128>}, {pipeline_mode = #tpu.pipeline_mode<synchronous>, transform_indices = @transform_6, window_bounds = array<i64: 1, 128>}, {pipeline_mode = #tpu.pipeline_mode<synchronous>, transform_indices = @transform_7, window_bounds = array<i64: 8, 128>}, {pipeline_mode = #tpu.pipeline_mode<synchronous>, transform_indices = @transform_8, window_bounds = array<i64: 1, 128>}, {pipeline_mode = #tpu.pipeline_mode<synchronous>, transform_indices = @transform_9, window_bounds = array<i64: 20, 128>}, {transform_indices = @transform_10, window_bounds = array<i64: 256, 30>}, {transform_indices = @transform_11, window_bounds = array<i64: 256, 30, 128>}, {transform_indices = @transform_12, window_bounds = array<i64: 256, 128>}, {transform_indices = @transform_13, window_bounds = array<i64: 256, 128>}]} {
    %get3A = arith.constant 0 : index
    %get3A_0 = arith.constant 0 : index
    %get3A_1 = arith.constant 0 : index
    %get3A_2 = vector.load %arg3[%get3A, %get3A_0, %get3A_1] : memref<1x1024x8xf32, #tpu.memory_space<vmem>>, vector<1x1024x8xf32>
    %get3A_3 = vector.shape_cast %get3A_2 : vector<1x1024x8xf32> to vector<1024x8xf32>
    %get3A_4 = arith.constant 0 : index
    %get3A_5 = arith.constant 0 : index
    %get3A_6 = arith.constant 0 : index
    %get3A_7 = vector.load %arg4[%get3A_4, %get3A_5, %get3A_6] : memref<1x256x8xf32, #tpu.memory_space<vmem>>, vector<1x256x8xf32>
    %get3A_8 = vector.shape_cast %get3A_7 : vector<1x256x8xf32> to vector<256x8xf32>
    %get3A_9 = arith.constant 0 : index
    %get3A_10 = arith.constant 0 : index
    %get3A_11 = arith.constant 0 : index
    %get3A_12 = vector.load %arg2[%get3A_9, %get3A_10, %get3A_11] : memref<1x1x1024xf32, #tpu.memory_space<vmem>>, vector<1x1x1024xf32>
    %get3A_13 = vector.shape_cast %get3A_12 : vector<1x1x1024xf32> to vector<1x1024xf32>
    %mul3A = arith.mulf %get3A_8, %get3A_8 : vector<256x8xf32>
    %reduce_sum3A = arith.constant dense<0.000000e+00> : vector<256xf32>
    %reduce_sum3A_14 = vector.multi_reduction <add>, %mul3A, %reduce_sum3A [1] : vector<256x8xf32> to vector<256xf32>
    %broadcast_in_dim3A = vector.shape_cast %reduce_sum3A_14 : vector<256xf32> to vector<256x1xf32>
    %dot_general3A = arith.constant dense<0.000000e+00> : vector<256x1024xf32>
    %dot_general3A_15 = tpu.matmul %get3A_8, %get3A_3, %dot_general3A {dimension_numbers = #tpu.dot_dimension_numbers<[1], [1], [0], [0], [0, 0, 1, 0], [], []>, transpose_lhs_hint = false} : vector<256x8xf32>, vector<1024x8xf32>, vector<256x1024xf32> -> vector<256x1024xf32>
    %add3A = vector.broadcast %broadcast_in_dim3A : vector<256x1xf32> to vector<256x1024xf32>
    %add3A_16 = vector.broadcast %get3A_13 : vector<1x1024xf32> to vector<256x1024xf32>
    %add3A_17 = arith.addf %add3A, %add3A_16 : vector<256x1024xf32>
    %mul3A_18 = arith.constant 2.000000e+00 : f32
    %mul3A_19 = vector.broadcast %mul3A_18 : f32 to vector<256x1024xf32>
    %mul3A_20 = arith.mulf %mul3A_19, %dot_general3A_15 : vector<256x1024xf32>
    %sub3A = arith.subf %add3A_17, %mul3A_20 : vector<256x1024xf32>
    %max3A = arith.constant 9.99999993E-9 : f32
    %max3A_21 = vector.broadcast %max3A : f32 to vector<256x1024xf32>
    %max3A_22 = arith.maximumf %sub3A, %max3A_21 : vector<256x1024xf32>
    %sqrt3A = math.sqrt %max3A_22 : vector<256x1024xf32>
    %neg3A = arith.constant 0.000000e+00 : f32
    %neg3A_23 = vector.broadcast %neg3A : f32 to vector<256x1024xf32>
    %neg3A_24 = arith.subf %neg3A_23, %sqrt3A : vector<256x1024xf32>
    %iota3A = tpu.iota {dimensions = array<i32: 1>} : vector<256x1024xi32>
    %iota3A_25 = tpu.iota {dimensions = array<i32: 0>} : vector<256x1xi32>
    %mul3A_26 = arith.constant 256 : i32
    %mul3A_27 = arith.muli %arg1, %mul3A_26 : i32
    %add3A_28 = vector.broadcast %mul3A_27 : i32 to vector<256x1xi32>
    %add3A_29 = arith.addi %iota3A_25, %add3A_28 : vector<256x1xi32>
    %iota3A_30 = tpu.iota {dimensions = array<i32: 1>} : vector<1x16xi32>
    %convert_element_type3A = arith.sitofp %iota3A_30 : vector<1x16xi32> to vector<1x16xf32>
    %mul3A_31 = arith.constant 1.33333337 : f32
    %mul3A_32 = vector.broadcast %mul3A_31 : f32 to vector<1x16xf32>
    %mul3A_33 = arith.mulf %convert_element_type3A, %mul3A_32 : vector<1x16xf32>
    %add3A_34 = arith.constant 2.000000e+00 : f32
    %add3A_35 = vector.broadcast %add3A_34 : f32 to vector<1x16xf32>
    %add3A_36 = arith.addf %add3A_35, %mul3A_33 : vector<1x16xf32>
    %iota3A_37 = tpu.iota {dimensions = array<i32: 1>} : vector<1x8xi32>
    %convert_element_type3A_38 = arith.sitofp %iota3A_37 : vector<1x8xi32> to vector<1x8xf32>
    %mul3A_39 = arith.constant -1.15129256 : f32
    %mul3A_40 = vector.broadcast %mul3A_39 : f32 to vector<1x8xf32>
    %mul3A_41 = arith.mulf %convert_element_type3A_38, %mul3A_40 : vector<1x8xf32>
    %exp3A = math.exp %mul3A_41 : vector<1x8xf32>
    %reduce_max3A = arith.constant dense<0xFF800000> : vector<256xf32>
    %reduce_max3A_42 = vector.multi_reduction <maximumf>, %neg3A_24, %reduce_max3A [1] : vector<256x1024xf32> to vector<256xf32>
    %broadcast_in_dim3A_43 = vector.shape_cast %reduce_max3A_42 : vector<256xf32> to vector<256x1xf32>
    %eq3A = vector.broadcast %broadcast_in_dim3A_43 : vector<256x1xf32> to vector<256x1024xf32>
    %eq3A_44 = arith.cmpf oeq, %neg3A_24, %eq3A : vector<256x1024xf32>
    %jit3A = arith.constant 1024 : i32
    %broadcast_in_dim3A_45 = vector.broadcast %jit3A : i32 to vector<256x1024xi32>
    %select_n3A = arith.select %eq3A_44, %iota3A, %broadcast_in_dim3A_45 : vector<256x1024xi1>, vector<256x1024xi32>
    %reduce_min3A = arith.constant dense<2147483647> : vector<256xi32>
    %reduce_min3A_46 = vector.multi_reduction <minsi>, %select_n3A, %reduce_min3A [1] : vector<256x1024xi32> to vector<256xi32>
    %broadcast_in_dim3A_47 = vector.shape_cast %reduce_min3A_46 : vector<256xi32> to vector<256x1xi32>
    %eq3A_48 = vector.broadcast %broadcast_in_dim3A_47 : vector<256x1xi32> to vector<256x1024xi32>
    %eq3A_49 = arith.cmpi eq, %iota3A, %eq3A_48 : vector<256x1024xi32>
    %jit3A_50 = arith.constant -3.400000e+38 : f32
    %broadcast_in_dim3A_51 = vector.broadcast %jit3A_50 : f32 to vector<256x1024xf32>
    %select_n3A_52 = arith.select %eq3A_49, %broadcast_in_dim3A_51, %neg3A_24 : vector<256x1024xi1>, vector<256x1024xf32>
    %neg3A_53 = arith.constant 0.000000e+00 : f32
    %neg3A_54 = vector.broadcast %neg3A_53 : f32 to vector<256x1xf32>
    %neg3A_55 = arith.subf %neg3A_54, %broadcast_in_dim3A_43 : vector<256x1xf32>
    %sub3A_56 = vector.broadcast %neg3A_55 : vector<256x1xf32> to vector<256x16xf32>
    %sub3A_57 = vector.broadcast %add3A_36 : vector<1x16xf32> to vector<256x16xf32>
    %sub3A_58 = arith.subf %sub3A_56, %sub3A_57 : vector<256x16xf32>
    %div3A = arith.constant 1.250000e+00 : f32
    %div3A_59 = vector.broadcast %div3A : f32 to vector<256x16xf32>
    %div3A_60 = arith.divf %sub3A_58, %div3A_59 : vector<256x16xf32>
    %integer_pow3A = arith.mulf %div3A_60, %div3A_60 : vector<256x16xf32>
    %neg3A_61 = arith.constant 0.000000e+00 : f32
    %neg3A_62 = vector.broadcast %neg3A_61 : f32 to vector<256x16xf32>
    %neg3A_63 = arith.subf %neg3A_62, %integer_pow3A : vector<256x16xf32>
    %exp3A_64 = math.exp %neg3A_63 : vector<256x16xf32>
    %sub3A_65 = arith.subi %broadcast_in_dim3A_47, %add3A_29 : vector<256x1xi32>
    %convert_element_type3A_66 = arith.sitofp %sub3A_65 : vector<256x1xi32> to vector<256x1xf32>
    %mul3A_67 = vector.broadcast %convert_element_type3A_66 : vector<256x1xf32> to vector<256x8xf32>
    %mul3A_68 = vector.broadcast %exp3A : vector<1x8xf32> to vector<256x8xf32>
    %mul3A_69 = arith.mulf %mul3A_67, %mul3A_68 : vector<256x8xf32>
    %cos3A = math.cos %mul3A_69 : vector<256x8xf32>
    %sin3A = math.sin %mul3A_69 : vector<256x8xf32>
    %concatenate3A = tpu.concatenate %exp3A_64, %cos3A, %sin3A in 1 : vector<256x16xf32>, vector<256x8xf32>, vector<256x8xf32> -> vector<256x32xf32>
    %get3A_70 = arith.constant 0 : index
    %get3A_71 = arith.constant 0 : index
    %get3A_72 = vector.load %arg7[%get3A_70, %get3A_71] : memref<32x128xf32, #tpu.memory_space<vmem>>, vector<32x128xf32>
    %dot_general3A_73 = arith.constant dense<0.000000e+00> : vector<256x128xf32>
    %dot_general3A_74 = tpu.matmul %concatenate3A, %get3A_72, %dot_general3A_73 {dimension_numbers = #tpu.dot_dimension_numbers<[1], [0], [0], [1], [0, 0, 1, 1], [], []>, transpose_lhs_hint = false} : vector<256x32xf32>, vector<32x128xf32>, vector<256x128xf32> -> vector<256x128xf32>
    %get3A_75 = arith.constant 0 : index
    %get3A_76 = arith.constant 0 : index
    %get3A_77 = vector.load %arg8[%get3A_75, %get3A_76] : memref<1x128xf32, #tpu.memory_space<vmem>>, vector<1x128xf32>
    %add3A_78 = vector.broadcast %get3A_77 : vector<1x128xf32> to vector<256x128xf32>
    %add3A_79 = arith.addf %dot_general3A_74, %add3A_78 : vector<256x128xf32>
    %swap3A = arith.constant 0 : index
    %swap3A_80 = arith.constant 0 : index
    %swap3A_81 = arith.constant 0 : index
    %swap3A_82 = vector.load %arg13[%swap3A, %swap3A_80, %swap3A_81] : memref<256x30x128xf32, #tpu.memory_space<vmem>>, vector<256x1x128xf32>
    %swap3A_83 = vector.shape_cast %swap3A_82 : vector<256x1x128xf32> to vector<256x128xf32>
    %swap3A_84 = vector.shape_cast %add3A_79 : vector<256x128xf32> to vector<256x1x128xf32>
    tpu.vector_store %arg13[%swap3A, %swap3A_80, %swap3A_81], %swap3A_84 {strides = array<i32>} : memref<256x30x128xf32, #tpu.memory_space<vmem>>, vector<256x1x128xf32>,
    %mul3A_85 = arith.constant 1024 : i32
    %mul3A_86 = arith.muli %arg0, %mul3A_85 : i32
    %add3A_87 = vector.broadcast %mul3A_86 : i32 to vector<256x1xi32>
    %add3A_88 = arith.addi %broadcast_in_dim3A_47, %add3A_87 : vector<256x1xi32>
    %swap3A_89 = arith.constant 0 : index
    %swap3A_90 = arith.constant 0 : index
    %swap3A_91 = vector.load %arg12[%swap3A_89, %swap3A_90] : memref<256x30xi32, #tpu.memory_space<vmem>>, vector<256x1xi32>
    tpu.vector_store %arg12[%swap3A_89, %swap3A_90], %add3A_88 {strides = array<i32>} : memref<256x30xi32, #tpu.memory_space<vmem>>, vector<256x1xi32>,
    %reduce_max3A_92 = arith.constant dense<0xFF800000> : vector<256xf32>
    %reduce_max3A_93 = vector.multi_reduction <maximumf>, %select_n3A_52, %reduce_max3A_92 [1] : vector<256x1024xf32> to vector<256xf32>
    %broadcast_in_dim3A_94 = vector.shape_cast %reduce_max3A_93 : vector<256xf32> to vector<256x1xf32>
    %eq3A_95 = vector.broadcast %broadcast_in_dim3A_94 : vector<256x1xf32> to vector<256x1024xf32>
    %eq3A_96 = arith.cmpf oeq, %select_n3A_52, %eq3A_95 : vector<256x1024xf32>
    %jit3A_97 = arith.constant 1024 : i32
    %broadcast_in_dim3A_98 = vector.broadcast %jit3A_97 : i32 to vector<256x1024xi32>
    %select_n3A_99 = arith.select %eq3A_96, %iota3A, %broadcast_in_dim3A_98 : vector<256x1024xi1>, vector<256x1024xi32>
    %reduce_min3A_100 = arith.constant dense<2147483647> : vector<256xi32>
    %reduce_min3A_101 = vector.multi_reduction <minsi>, %select_n3A_99, %reduce_min3A_100 [1] : vector<256x1024xi32> to vector<256xi32>
    %broadcast_in_dim3A_102 = vector.shape_cast %reduce_min3A_101 : vector<256xi32> to vector<256x1xi32>
    %eq3A_103 = vector.broadcast %broadcast_in_dim3A_102 : vector<256x1xi32> to vector<256x1024xi32>
    %eq3A_104 = arith.cmpi eq, %iota3A, %eq3A_103 : vector<256x1024xi32>
    %jit3A_105 = arith.constant -3.400000e+38 : f32
    %broadcast_in_dim3A_106 = vector.broadcast %jit3A_105 : f32 to vector<256x1024xf32>
    %select_n3A_107 = arith.select %eq3A_104, %broadcast_in_dim3A_106, %select_n3A_52 : vector<256x1024xi1>, vector<256x1024xf32>
    %neg3A_108 = arith.constant 0.000000e+00 : f32
    %neg3A_109 = vector.broadcast %neg3A_108 : f32 to vector<256x1xf32>
    %neg3A_110 = arith.subf %neg3A_109, %broadcast_in_dim3A_94 : vector<256x1xf32>
    %sub3A_111 = vector.broadcast %neg3A_110 : vector<256x1xf32> to vector<256x16xf32>
    %sub3A_112 = vector.broadcast %add3A_36 : vector<1x16xf32> to vector<256x16xf32>
    %sub3A_113 = arith.subf %sub3A_111, %sub3A_112 : vector<256x16xf32>
    %div3A_114 = arith.constant 1.250000e+00 : f32
    %div3A_115 = vector.broadcast %div3A_114 : f32 to vector<256x16xf32>
    %div3A_116 = arith.divf %sub3A_113, %div3A_115 : vector<256x16xf32>
    %integer_pow3A_117 = arith.mulf %div3A_116, %div3A_116 : vector<256x16xf32>
    %neg3A_118 = arith.constant 0.000000e+00 : f32
    %neg3A_119 = vector.broadcast %neg3A_118 : f32 to vector<256x16xf32>
    %neg3A_120 = arith.subf %neg3A_119, %integer_pow3A_117 : vector<256x16xf32>
    %exp3A_121 = math.exp %neg3A_120 : vector<256x16xf32>
    %sub3A_122 = arith.subi %broadcast_in_dim3A_102, %add3A_29 : vector<256x1xi32>
    %convert_element_type3A_123 = arith.sitofp %sub3A_122 : vector<256x1xi32> to vector<256x1xf32>
    %mul3A_124 = vector.broadcast %convert_element_type3A_123 : vector<256x1xf32> to vector<256x8xf32>
    %mul3A_125 = vector.broadcast %exp3A : vector<1x8xf32> to vector<256x8xf32>
    %mul3A_126 = arith.mulf %mul3A_124, %mul3A_125 : vector<256x8xf32>
    %cos3A_127 = math.cos %mul3A_126 : vector<256x8xf32>
    %sin3A_128 = math.sin %mul3A_126 : vector<256x8xf32>
    %concatenate3A_129 = tpu.concatenate %exp3A_121, %cos3A_127, %sin3A_128 in 1 : vector<256x16xf32>, vector<256x8xf32>, vector<256x8xf32> -> vector<256x32xf32>
    %get3A_130 = arith.constant 0 : index
    %get3A_131 = arith.constant 0 : index
    %get3A_132 = vector.load %arg7[%get3A_130, %get3A_131] : memref<32x128xf32, #tpu.memory_space<vmem>>, vector<32x128xf32>
    %dot_general3A_133 = arith.constant dense<0.000000e+00> : vector<256x128xf32>
    %dot_general3A_134 = tpu.matmul %concatenate3A_129, %get3A_132, %dot_general3A_133 {dimension_numbers = #tpu.dot_dimension_numbers<[1], [0], [0], [1], [0, 0, 1, 1], [], []>, transpose_lhs_hint = false} : vector<256x32xf32>, vector<32x128xf32>, vector<256x128xf32> -> vector<256x128xf32>
    %get3A_135 = arith.constant 0 : index
    %get3A_136 = arith.constant 0 : index
    %get3A_137 = vector.load %arg8[%get3A_135, %get3A_136] : memref<1x128xf32, #tpu.memory_space<vmem>>, vector<1x128xf32>
    %add3A_138 = vector.broadcast %get3A_137 : vector<1x128xf32> to vector<256x128xf32>
    %add3A_139 = arith.addf %dot_general3A_134, %add3A_138 : vector<256x128xf32>
    %swap3A_140 = arith.constant 0 : index
    %swap3A_141 = arith.constant 1 : index
    %swap3A_142 = arith.constant 0 : index
    %swap3A_143 = vector.load %arg13[%swap3A_140, %swap3A_141, %swap3A_142] : memref<256x30x128xf32, #tpu.memory_space<vmem>>, vector<256x1x128xf32>
    %swap3A_144 = vector.shape_cast %swap3A_143 : vector<256x1x128xf32> to vector<256x128xf32>
    %swap3A_145 = vector.shape_cast %add3A_139 : vector<256x128xf32> to vector<256x1x128xf32>
    tpu.vector_store %arg13[%swap3A_140, %swap3A_141, %swap3A_142], %swap3A_145 {strides = array<i32>} : memref<256x30x128xf32, #tpu.memory_space<vmem>>, vector<256x1x128xf32>,
    %mul3A_146 = arith.constant 1024 : i32
    %mul3A_147 = arith.muli %arg0, %mul3A_146 : i32
    %add3A_148 = vector.broadcast %mul3A_147 : i32 to vector<256x1xi32>
    %add3A_149 = arith.addi %broadcast_in_dim3A_102, %add3A_148 : vector<256x1xi32>
    %swap3A_150 = arith.constant 0 : index
    %swap3A_151 = arith.constant 1 : index
    %swap3A_152 = vector.load %arg12[%swap3A_150, %swap3A_151] : memref<256x30xi32, #tpu.memory_space<vmem>>, vector<256x1xi32>
    tpu.vector_store %arg12[%swap3A_150, %swap3A_151], %add3A_149 {strides = array<i32>} : memref<256x30xi32, #tpu.memory_space<vmem>>, vector<256x1xi32>,
    %reduce_max3A_153 = arith.constant dense<0xFF800000> : vector<256xf32>
    %reduce_max3A_154 = vector.multi_reduction <maximumf>, %select_n3A_107, %reduce_max3A_153 [1] : vector<256x1024xf32> to vector<256xf32>
    %broadcast_in_dim3A_155 = vector.shape_cast %reduce_max3A_154 : vector<256xf32> to vector<256x1xf32>
    %eq3A_156 = vector.broadcast %broadcast_in_dim3A_155 : vector<256x1xf32> to vector<256x1024xf32>
    %eq3A_157 = arith.cmpf oeq, %select_n3A_107, %eq3A_156 : vector<256x1024xf32>
    %jit3A_158 = arith.constant 1024 : i32
    %broadcast_in_dim3A_159 = vector.broadcast %jit3A_158 : i32 to vector<256x1024xi32>
    %select_n3A_160 = arith.select %eq3A_157, %iota3A, %broadcast_in_dim3A_159 : vector<256x1024xi1>, vector<256x1024xi32>
    %reduce_min3A_161 = arith.constant dense<2147483647> : vector<256xi32>
    %reduce_min3A_162 = vector.multi_reduction <minsi>, %select_n3A_160, %reduce_min3A_161 [1] : vector<256x1024xi32> to vector<256xi32>
    %broadcast_in_dim3A_163 = vector.shape_cast %reduce_min3A_162 : vector<256xi32> to vector<256x1xi32>
    %eq3A_164 = vector.broadcast %broadcast_in_dim3A_163 : vector<256x1xi32> to vector<256x1024xi32>
    %eq3A_165 = arith.cmpi eq, %iota3A, %eq3A_164 : vector<256x1024xi32>
    %jit3A_166 = arith.constant -3.400000e+38 : f32
    %broadcast_in_dim3A_167 = vector.broadcast %jit3A_166 : f32 to vector<256x1024xf32>
    %select_n3A_168 = arith.select %eq3A_165, %broadcast_in_dim3A_167, %select_n3A_107 : vector<256x1024xi1>, vector<256x1024xf32>
    %neg3A_169 = arith.constant 0.000000e+00 : f32
    %neg3A_170 = vector.broadcast %neg3A_169 : f32 to vector<256x1xf32>
    %neg3A_171 = arith.subf %neg3A_170, %broadcast_in_dim3A_155 : vector<256x1xf32>
    %sub3A_172 = vector.broadcast %neg3A_171 : vector<256x1xf32> to vector<256x16xf32>
    %sub3A_173 = vector.broadcast %add3A_36 : vector<1x16xf32> to vector<256x16xf32>
    %sub3A_174 = arith.subf %sub3A_172, %sub3A_173 : vector<256x16xf32>
    %div3A_175 = arith.constant 1.250000e+00 : f32
    %div3A_176 = vector.broadcast %div3A_175 : f32 to vector<256x16xf32>
    %div3A_177 = arith.divf %sub3A_174, %div3A_176 : vector<256x16xf32>
    %integer_pow3A_178 = arith.mulf %div3A_177, %div3A_177 : vector<256x16xf32>
    %neg3A_179 = arith.constant 0.000000e+00 : f32
    %neg3A_180 = vector.broadcast %neg3A_179 : f32 to vector<256x16xf32>
    %neg3A_181 = arith.subf %neg3A_180, %integer_pow3A_178 : vector<256x16xf32>
    %exp3A_182 = math.exp %neg3A_181 : vector<256x16xf32>
    %sub3A_183 = arith.subi %broadcast_in_dim3A_163, %add3A_29 : vector<256x1xi32>
    %convert_element_type3A_184 = arith.sitofp %sub3A_183 : vector<256x1xi32> to vector<256x1xf32>
    %mul3A_185 = vector.broadcast %convert_element_type3A_184 : vector<256x1xf32> to vector<256x8xf32>
    %mul3A_186 = vector.broadcast %exp3A : vector<1x8xf32> to vector<256x8xf32>
    %mul3A_187 = arith.mulf %mul3A_185, %mul3A_186 : vector<256x8xf32>
    %cos3A_188 = math.cos %mul3A_187 : vector<256x8xf32>
    %sin3A_189 = math.sin %mul3A_187 : vector<256x8xf32>
    %concatenate3A_190 = tpu.concatenate %exp3A_182, %cos3A_188, %sin3A_189 in 1 : vector<256x16xf32>, vector<256x8xf32>, vector<256x8xf32> -> vector<256x32xf32>
    %get3A_191 = arith.constant 0 : index
    %get3A_192 = arith.constant 0 : index
    %get3A_193 = vector.load %arg7[%get3A_191, %get3A_192] : memref<32x128xf32, #tpu.memory_space<vmem>>, vector<32x128xf32>
    %dot_general3A_194 = arith.constant dense<0.000000e+00> : vector<256x128xf32>
    %dot_general3A_195 = tpu.matmul %concatenate3A_190, %get3A_193, %dot_general3A_194 {dimension_numbers = #tpu.dot_dimension_numbers<[1], [0], [0], [1], [0, 0, 1, 1], [], []>, transpose_lhs_hint = false} : vector<256x32xf32>, vector<32x128xf32>, vector<256x128xf32> -> vector<256x128xf32>
    %get3A_196 = arith.constant 0 : index
    %get3A_197 = arith.constant 0 : index
    %get3A_198 = vector.load %arg8[%get3A_196, %get3A_197] : memref<1x128xf32, #tpu.memory_space<vmem>>, vector<1x128xf32>
    %add3A_199 = vector.broadcast %get3A_198 : vector<1x128xf32> to vector<256x128xf32>
    %add3A_200 = arith.addf %dot_general3A_195, %add3A_199 : vector<256x128xf32>
    %swap3A_201 = arith.constant 0 : index
    %swap3A_202 = arith.constant 2 : index
    %swap3A_203 = arith.constant 0 : index
    %swap3A_204 = vector.load %arg13[%swap3A_201, %swap3A_202, %swap3A_203] : memref<256x30x128xf32, #tpu.memory_space<vmem>>, vector<256x1x128xf32>
    %swap3A_205 = vector.shape_cast %swap3A_204 : vector<256x1x128xf32> to vector<256x128xf32>
    %swap3A_206 = vector.shape_cast %add3A_200 : vector<256x128xf32> to vector<256x1x128xf32>
    tpu.vector_store %arg13[%swap3A_201, %swap3A_202, %swap3A_203], %swap3A_206 {strides = array<i32>} : memref<256x30x128xf32, #tpu.memory_space<vmem>>, vector<256x1x128xf32>,
    %mul3A_207 = arith.constant 1024 : i32
    %mul3A_208 = arith.muli %arg0, %mul3A_207 : i32
    %add3A_209 = vector.broadcast %mul3A_208 : i32 to vector<256x1xi32>
    %add3A_210 = arith.addi %broadcast_in_dim3A_163, %add3A_209 : vector<256x1xi32>
    %swap3A_211 = arith.constant 0 : index
    %swap3A_212 = arith.constant 2 : index
    %swap3A_213 = vector.load %arg12[%swap3A_211, %swap3A_212] : memref<256x30xi32, #tpu.memory_space<vmem>>, vector<256x1xi32>
    tpu.vector_store %arg12[%swap3A_211, %swap3A_212], %add3A_210 {strides = array<i32>} : memref<256x30xi32, #tpu.memory_space<vmem>>, vector<256x1xi32>,
    %reduce_max3A_214 = arith.constant dense<0xFF800000> : vector<256xf32>
    %reduce_max3A_215 = vector.multi_reduction <maximumf>, %select_n3A_168, %reduce_max3A_214 [1] : vector<256x1024xf32> to vector<256xf32>
    %broadcast_in_dim3A_216 = vector.shape_cast %reduce_max3A_215 : vector<256xf32> to vector<256x1xf32>
    %eq3A_217 = vector.broadcast %broadcast_in_dim3A_216 : vector<256x1xf32> to vector<256x1024xf32>
    %eq3A_218 = arith.cmpf oeq, %select_n3A_168, %eq3A_217 : vector<256x1024xf32>
    %jit3A_219 = arith.constant 1024 : i32
    %broadcast_in_dim3A_220 = vector.broadcast %jit3A_219 : i32 to vector<256x1024xi32>
    %select_n3A_221 = arith.select %eq3A_218, %iota3A, %broadcast_in_dim3A_220 : vector<256x1024xi1>, vector<256x1024xi32>
    %reduce_min3A_222 = arith.constant dense<2147483647> : vector<256xi32>
    %reduce_min3A_223 = vector.multi_reduction <minsi>, %select_n3A_221, %reduce_min3A_222 [1] : vector<256x1024xi32> to vector<256xi32>
    %broadcast_in_dim3A_224 = vector.shape_cast %reduce_min3A_223 : vector<256xi32> to vector<256x1xi32>
    %eq3A_225 = vector.broadcast %broadcast_in_dim3A_224 : vector<256x1xi32> to vector<256x1024xi32>
    %eq3A_226 = arith.cmpi eq, %iota3A, %eq3A_225 : vector<256x1024xi32>
    %jit3A_227 = arith.constant -3.400000e+38 : f32
    %broadcast_in_dim3A_228 = vector.broadcast %jit3A_227 : f32 to vector<256x1024xf32>
    %select_n3A_229 = arith.select %eq3A_226, %broadcast_in_dim3A_228, %select_n3A_168 : vector<256x1024xi1>, vector<256x1024xf32>
    %neg3A_230 = arith.constant 0.000000e+00 : f32
    %neg3A_231 = vector.broadcast %neg3A_230 : f32 to vector<256x1xf32>
    %neg3A_232 = arith.subf %neg3A_231, %broadcast_in_dim3A_216 : vector<256x1xf32>
    %sub3A_233 = vector.broadcast %neg3A_232 : vector<256x1xf32> to vector<256x16xf32>
    %sub3A_234 = vector.broadcast %add3A_36 : vector<1x16xf32> to vector<256x16xf32>
    %sub3A_235 = arith.subf %sub3A_233, %sub3A_234 : vector<256x16xf32>
    %div3A_236 = arith.constant 1.250000e+00 : f32
    %div3A_237 = vector.broadcast %div3A_236 : f32 to vector<256x16xf32>
    %div3A_238 = arith.divf %sub3A_235, %div3A_237 : vector<256x16xf32>
    %integer_pow3A_239 = arith.mulf %div3A_238, %div3A_238 : vector<256x16xf32>
    %neg3A_240 = arith.constant 0.000000e+00 : f32
    %neg3A_241 = vector.broadcast %neg3A_240 : f32 to vector<256x16xf32>
    %neg3A_242 = arith.subf %neg3A_241, %integer_pow3A_239 : vector<256x16xf32>
    %exp3A_243 = math.exp %neg3A_242 : vector<256x16xf32>
    %sub3A_244 = arith.subi %broadcast_in_dim3A_224, %add3A_29 : vector<256x1xi32>
    %convert_element_type3A_245 = arith.sitofp %sub3A_244 : vector<256x1xi32> to vector<256x1xf32>
    %mul3A_246 = vector.broadcast %convert_element_type3A_245 : vector<256x1xf32> to vector<256x8xf32>
    %mul3A_247 = vector.broadcast %exp3A : vector<1x8xf32> to vector<256x8xf32>
    %mul3A_248 = arith.mulf %mul3A_246, %mul3A_247 : vector<256x8xf32>
    %cos3A_249 = math.cos %mul3A_248 : vector<256x8xf32>
    %sin3A_250 = math.sin %mul3A_248 : vector<256x8xf32>
    %concatenate3A_251 = tpu.concatenate %exp3A_243, %cos3A_249, %sin3A_250 in 1 : vector<256x16xf32>, vector<256x8xf32>, vector<256x8xf32> -> vector<256x32xf32>
    %get3A_252 = arith.constant 0 : index
    %get3A_253 = arith.constant 0 : index
    %get3A_254 = vector.load %arg7[%get3A_252, %get3A_253] : memref<32x128xf32, #tpu.memory_space<vmem>>, vector<32x128xf32>
    %dot_general3A_255 = arith.constant dense<0.000000e+00> : vector<256x128xf32>
    %dot_general3A_256 = tpu.matmul %concatenate3A_251, %get3A_254, %dot_general3A_255 {dimension_numbers = #tpu.dot_dimension_numbers<[1], [0], [0], [1], [0, 0, 1, 1], [], []>, transpose_lhs_hint = false} : vector<256x32xf32>, vector<32x128xf32>, vector<256x128xf32> -> vector<256x128xf32>
    %get3A_257 = arith.constant 0 : index
    %get3A_258 = arith.constant 0 : index
    %get3A_259 = vector.load %arg8[%get3A_257, %get3A_258] : memref<1x128xf32, #tpu.memory_space<vmem>>, vector<1x128xf32>
    %add3A_260 = vector.broadcast %get3A_259 : vector<1x128xf32> to vector<256x128xf32>
    %add3A_261 = arith.addf %dot_general3A_256, %add3A_260 : vector<256x128xf32>
    %swap3A_262 = arith.constant 0 : index
    %swap3A_263 = arith.constant 3 : index
    %swap3A_264 = arith.constant 0 : index
    %swap3A_265 = vector.load %arg13[%swap3A_262, %swap3A_263, %swap3A_264] : memref<256x30x128xf32, #tpu.memory_space<vmem>>, vector<256x1x128xf32>
    %swap3A_266 = vector.shape_cast %swap3A_265 : vector<256x1x128xf32> to vector<256x128xf32>
    %swap3A_267 = vector.shape_cast %add3A_261 : vector<256x128xf32> to vector<256x1x128xf32>
    tpu.vector_store %arg13[%swap3A_262, %swap3A_263, %swap3A_264], %swap3A_267 {strides = array<i32>} : memref<256x30x128xf32, #tpu.memory_space<vmem>>, vector<256x1x128xf32>,
    %mul3A_268 = arith.constant 1024 : i32
    %mul3A_269 = arith.muli %arg0, %mul3A_268 : i32
    %add3A_270 = vector.broadcast %mul3A_269 : i32 to vector<256x1xi32>
    %add3A_271 = arith.addi %broadcast_in_dim3A_224, %add3A_270 : vector<256x1xi32>
    %swap3A_272 = arith.constant 0 : index
    %swap3A_273 = arith.constant 3 : index
    %swap3A_274 = vector.load %arg12[%swap3A_272, %swap3A_273] : memref<256x30xi32, #tpu.memory_space<vmem>>, vector<256x1xi32>
    tpu.vector_store %arg12[%swap3A_272, %swap3A_273], %add3A_271 {strides = array<i32>} : memref<256x30xi32, #tpu.memory_space<vmem>>, vector<256x1xi32>,
    %reduce_max3A_275 = arith.constant dense<0xFF800000> : vector<256xf32>
    %reduce_max3A_276 = vector.multi_reduction <maximumf>, %select_n3A_229, %reduce_max3A_275 [1] : vector<256x1024xf32> to vector<256xf32>
    %broadcast_in_dim3A_277 = vector.shape_cast %reduce_max3A_276 : vector<256xf32> to vector<256x1xf32>
    %eq3A_278 = vector.broadcast %broadcast_in_dim3A_277 : vector<256x1xf32> to vector<256x1024xf32>
    %eq3A_279 = arith.cmpf oeq, %select_n3A_229, %eq3A_278 : vector<256x1024xf32>
    %jit3A_280 = arith.constant 1024 : i32
    %broadcast_in_dim3A_281 = vector.broadcast %jit3A_280 : i32 to vector<256x1024xi32>
    %select_n3A_282 = arith.select %eq3A_279, %iota3A, %broadcast_in_dim3A_281 : vector<256x1024xi1>, vector<256x1024xi32>
    %reduce_min3A_283 = arith.constant dense<2147483647> : vector<256xi32>
    %reduce_min3A_284 = vector.multi_reduction <minsi>, %select_n3A_282, %reduce_min3A_283 [1] : vector<256x1024xi32> to vector<256xi32>
    %broadcast_in_dim3A_285 = vector.shape_cast %reduce_min3A_284 : vector<256xi32> to vector<256x1xi32>
    %eq3A_286 = vector.broadcast %broadcast_in_dim3A_285 : vector<256x1xi32> to vector<256x1024xi32>
    %eq3A_287 = arith.cmpi eq, %iota3A, %eq3A_286 : vector<256x1024xi32>
    %jit3A_288 = arith.constant -3.400000e+38 : f32
    %broadcast_in_dim3A_289 = vector.broadcast %jit3A_288 : f32 to vector<256x1024xf32>
    %select_n3A_290 = arith.select %eq3A_287, %broadcast_in_dim3A_289, %select_n3A_229 : vector<256x1024xi1>, vector<256x1024xf32>
    %neg3A_291 = arith.constant 0.000000e+00 : f32
    %neg3A_292 = vector.broadcast %neg3A_291 : f32 to vector<256x1xf32>
    %neg3A_293 = arith.subf %neg3A_292, %broadcast_in_dim3A_277 : vector<256x1xf32>
    %sub3A_294 = vector.broadcast %neg3A_293 : vector<256x1xf32> to vector<256x16xf32>
    %sub3A_295 = vector.broadcast %add3A_36 : vector<1x16xf32> to vector<256x16xf32>
    %sub3A_296 = arith.subf %sub3A_294, %sub3A_295 : vector<256x16xf32>
    %div3A_297 = arith.constant 1.250000e+00 : f32
    %div3A_298 = vector.broadcast %div3A_297 : f32 to vector<256x16xf32>
    %div3A_299 = arith.divf %sub3A_296, %div3A_298 : vector<256x16xf32>
    %integer_pow3A_300 = arith.mulf %div3A_299, %div3A_299 : vector<256x16xf32>
    %neg3A_301 = arith.constant 0.000000e+00 : f32
    %neg3A_302 = vector.broadcast %neg3A_301 : f32 to vector<256x16xf32>
    %neg3A_303 = arith.subf %neg3A_302, %integer_pow3A_300 : vector<256x16xf32>
    %exp3A_304 = math.exp %neg3A_303 : vector<256x16xf32>
    %sub3A_305 = arith.subi %broadcast_in_dim3A_285, %add3A_29 : vector<256x1xi32>
    %convert_element_type3A_306 = arith.sitofp %sub3A_305 : vector<256x1xi32> to vector<256x1xf32>
    %mul3A_307 = vector.broadcast %convert_element_type3A_306 : vector<256x1xf32> to vector<256x8xf32>
    %mul3A_308 = vector.broadcast %exp3A : vector<1x8xf32> to vector<256x8xf32>
    %mul3A_309 = arith.mulf %mul3A_307, %mul3A_308 : vector<256x8xf32>
    %cos3A_310 = math.cos %mul3A_309 : vector<256x8xf32>
    %sin3A_311 = math.sin %mul3A_309 : vector<256x8xf32>
    %concatenate3A_312 = tpu.concatenate %exp3A_304, %cos3A_310, %sin3A_311 in 1 : vector<256x16xf32>, vector<256x8xf32>, vector<256x8xf32> -> vector<256x32xf32>
    %get3A_313 = arith.constant 0 : index
    %get3A_314 = arith.constant 0 : index
    %get3A_315 = vector.load %arg7[%get3A_313, %get3A_314] : memref<32x128xf32, #tpu.memory_space<vmem>>, vector<32x128xf32>
    %dot_general3A_316 = arith.constant dense<0.000000e+00> : vector<256x128xf32>
    %dot_general3A_317 = tpu.matmul %concatenate3A_312, %get3A_315, %dot_general3A_316 {dimension_numbers = #tpu.dot_dimension_numbers<[1], [0], [0], [1], [0, 0, 1, 1], [], []>, transpose_lhs_hint = false} : vector<256x32xf32>, vector<32x128xf32>, vector<256x128xf32> -> vector<256x128xf32>
    %get3A_318 = arith.constant 0 : index
    %get3A_319 = arith.constant 0 : index
    %get3A_320 = vector.load %arg8[%get3A_318, %get3A_319] : memref<1x128xf32, #tpu.memory_space<vmem>>, vector<1x128xf32>
    %add3A_321 = vector.broadcast %get3A_320 : vector<1x128xf32> to vector<256x128xf32>
    %add3A_322 = arith.addf %dot_general3A_317, %add3A_321 : vector<256x128xf32>
    %swap3A_323 = arith.constant 0 : index
    %swap3A_324 = arith.constant 4 : index
    %swap3A_325 = arith.constant 0 : index
    %swap3A_326 = vector.load %arg13[%swap3A_323, %swap3A_324, %swap3A_325] : memref<256x30x128xf32, #tpu.memory_space<vmem>>, vector<256x1x128xf32>
    %swap3A_327 = vector.shape_cast %swap3A_326 : vector<256x1x128xf32> to vector<256x128xf32>
    %swap3A_328 = vector.shape_cast %add3A_322 : vector<256x128xf32> to vector<256x1x128xf32>
    tpu.vector_store %arg13[%swap3A_323, %swap3A_324, %swap3A_325], %swap3A_328 {strides = array<i32>} : memref<256x30x128xf32, #tpu.memory_space<vmem>>, vector<256x1x128xf32>,
    %mul3A_329 = arith.constant 1024 : i32
    %mul3A_330 = arith.muli %arg0, %mul3A_329 : i32
    %add3A_331 = vector.broadcast %mul3A_330 : i32 to vector<256x1xi32>
    %add3A_332 = arith.addi %broadcast_in_dim3A_285, %add3A_331 : vector<256x1xi32>
    %swap3A_333 = arith.constant 0 : index
    %swap3A_334 = arith.constant 4 : index
    %swap3A_335 = vector.load %arg12[%swap3A_333, %swap3A_334] : memref<256x30xi32, #tpu.memory_space<vmem>>, vector<256x1xi32>
    tpu.vector_store %arg12[%swap3A_333, %swap3A_334], %add3A_332 {strides = array<i32>} : memref<256x30xi32, #tpu.memory_space<vmem>>, vector<256x1xi32>,
    %reduce_max3A_336 = arith.constant dense<0xFF800000> : vector<256xf32>
    %reduce_max3A_337 = vector.multi_reduction <maximumf>, %select_n3A_290, %reduce_max3A_336 [1] : vector<256x1024xf32> to vector<256xf32>
    %broadcast_in_dim3A_338 = vector.shape_cast %reduce_max3A_337 : vector<256xf32> to vector<256x1xf32>
    %eq3A_339 = vector.broadcast %broadcast_in_dim3A_338 : vector<256x1xf32> to vector<256x1024xf32>
    %eq3A_340 = arith.cmpf oeq, %select_n3A_290, %eq3A_339 : vector<256x1024xf32>
    %jit3A_341 = arith.constant 1024 : i32
    %broadcast_in_dim3A_342 = vector.broadcast %jit3A_341 : i32 to vector<256x1024xi32>
    %select_n3A_343 = arith.select %eq3A_340, %iota3A, %broadcast_in_dim3A_342 : vector<256x1024xi1>, vector<256x1024xi32>
    %reduce_min3A_344 = arith.constant dense<2147483647> : vector<256xi32>
    %reduce_min3A_345 = vector.multi_reduction <minsi>, %select_n3A_343, %reduce_min3A_344 [1] : vector<256x1024xi32> to vector<256xi32>
    %broadcast_in_dim3A_346 = vector.shape_cast %reduce_min3A_345 : vector<256xi32> to vector<256x1xi32>
    %eq3A_347 = vector.broadcast %broadcast_in_dim3A_346 : vector<256x1xi32> to vector<256x1024xi32>
    %eq3A_348 = arith.cmpi eq, %iota3A, %eq3A_347 : vector<256x1024xi32>
    %jit3A_349 = arith.constant -3.400000e+38 : f32
    %broadcast_in_dim3A_350 = vector.broadcast %jit3A_349 : f32 to vector<256x1024xf32>
    %select_n3A_351 = arith.select %eq3A_348, %broadcast_in_dim3A_350, %select_n3A_290 : vector<256x1024xi1>, vector<256x1024xf32>
    %neg3A_352 = arith.constant 0.000000e+00 : f32
    %neg3A_353 = vector.broadcast %neg3A_352 : f32 to vector<256x1xf32>
    %neg3A_354 = arith.subf %neg3A_353, %broadcast_in_dim3A_338 : vector<256x1xf32>
    %sub3A_355 = vector.broadcast %neg3A_354 : vector<256x1xf32> to vector<256x16xf32>
    %sub3A_356 = vector.broadcast %add3A_36 : vector<1x16xf32> to vector<256x16xf32>
    %sub3A_357 = arith.subf %sub3A_355, %sub3A_356 : vector<256x16xf32>
    %div3A_358 = arith.constant 1.250000e+00 : f32
    %div3A_359 = vector.broadcast %div3A_358 : f32 to vector<256x16xf32>
    %div3A_360 = arith.divf %sub3A_357, %div3A_359 : vector<256x16xf32>
    %integer_pow3A_361 = arith.mulf %div3A_360, %div3A_360 : vector<256x16xf32>
    %neg3A_362 = arith.constant 0.000000e+00 : f32
    %neg3A_363 = vector.broadcast %neg3A_362 : f32 to vector<256x16xf32>
    %neg3A_364 = arith.subf %neg3A_363, %integer_pow3A_361 : vector<256x16xf32>
    %exp3A_365 = math.exp %neg3A_364 : vector<256x16xf32>
    %sub3A_366 = arith.subi %broadcast_in_dim3A_346, %add3A_29 : vector<256x1xi32>
    %convert_element_type3A_367 = arith.sitofp %sub3A_366 : vector<256x1xi32> to vector<256x1xf32>
    %mul3A_368 = vector.broadcast %convert_element_type3A_367 : vector<256x1xf32> to vector<256x8xf32>
    %mul3A_369 = vector.broadcast %exp3A : vector<1x8xf32> to vector<256x8xf32>
    %mul3A_370 = arith.mulf %mul3A_368, %mul3A_369 : vector<256x8xf32>
    %cos3A_371 = math.cos %mul3A_370 : vector<256x8xf32>
    %sin3A_372 = math.sin %mul3A_370 : vector<256x8xf32>
    %concatenate3A_373 = tpu.concatenate %exp3A_365, %cos3A_371, %sin3A_372 in 1 : vector<256x16xf32>, vector<256x8xf32>, vector<256x8xf32> -> vector<256x32xf32>
    %get3A_374 = arith.constant 0 : index
    %get3A_375 = arith.constant 0 : index
    %get3A_376 = vector.load %arg7[%get3A_374, %get3A_375] : memref<32x128xf32, #tpu.memory_space<vmem>>, vector<32x128xf32>
    %dot_general3A_377 = arith.constant dense<0.000000e+00> : vector<256x128xf32>
    %dot_general3A_378 = tpu.matmul %concatenate3A_373, %get3A_376, %dot_general3A_377 {dimension_numbers = #tpu.dot_dimension_numbers<[1], [0], [0], [1], [0, 0, 1, 1], [], []>, transpose_lhs_hint = false} : vector<256x32xf32>, vector<32x128xf32>, vector<256x128xf32> -> vector<256x128xf32>
    %get3A_379 = arith.constant 0 : index
    %get3A_380 = arith.constant 0 : index
    %get3A_381 = vector.load %arg8[%get3A_379, %get3A_380] : memref<1x128xf32, #tpu.memory_space<vmem>>, vector<1x128xf32>
    %add3A_382 = vector.broadcast %get3A_381 : vector<1x128xf32> to vector<256x128xf32>
    %add3A_383 = arith.addf %dot_general3A_378, %add3A_382 : vector<256x128xf32>
    %swap3A_384 = arith.constant 0 : index
    %swap3A_385 = arith.constant 5 : index
    %swap3A_386 = arith.constant 0 : index
    %swap3A_387 = vector.load %arg13[%swap3A_384, %swap3A_385, %swap3A_386] : memref<256x30x128xf32, #tpu.memory_space<vmem>>, vector<256x1x128xf32>
    %swap3A_388 = vector.shape_cast %swap3A_387 : vector<256x1x128xf32> to vector<256x128xf32>
    %swap3A_389 = vector.shape_cast %add3A_383 : vector<256x128xf32> to vector<256x1x128xf32>
    tpu.vector_store %arg13[%swap3A_384, %swap3A_385, %swap3A_386], %swap3A_389 {strides = array<i32>} : memref<256x30x128xf32, #tpu.memory_space<vmem>>, vector<256x1x128xf32>,
    %mul3A_390 = arith.constant 1024 : i32
    %mul3A_391 = arith.muli %arg0, %mul3A_390 : i32
    %add3A_392 = vector.broadcast %mul3A_391 : i32 to vector<256x1xi32>
    %add3A_393 = arith.addi %broadcast_in_dim3A_346, %add3A_392 : vector<256x1xi32>
    %swap3A_394 = arith.constant 0 : index
    %swap3A_395 = arith.constant 5 : index
    %swap3A_396 = vector.load %arg12[%swap3A_394, %swap3A_395] : memref<256x30xi32, #tpu.memory_space<vmem>>, vector<256x1xi32>
    tpu.vector_store %arg12[%swap3A_394, %swap3A_395], %add3A_393 {strides = array<i32>} : memref<256x30xi32, #tpu.memory_space<vmem>>, vector<256x1xi32>,
    %reduce_max3A_397 = arith.constant dense<0xFF800000> : vector<256xf32>
    %reduce_max3A_398 = vector.multi_reduction <maximumf>, %select_n3A_351, %reduce_max3A_397 [1] : vector<256x1024xf32> to vector<256xf32>
    %broadcast_in_dim3A_399 = vector.shape_cast %reduce_max3A_398 : vector<256xf32> to vector<256x1xf32>
    %eq3A_400 = vector.broadcast %broadcast_in_dim3A_399 : vector<256x1xf32> to vector<256x1024xf32>
    %eq3A_401 = arith.cmpf oeq, %select_n3A_351, %eq3A_400 : vector<256x1024xf32>
    %jit3A_402 = arith.constant 1024 : i32
    %broadcast_in_dim3A_403 = vector.broadcast %jit3A_402 : i32 to vector<256x1024xi32>
    %select_n3A_404 = arith.select %eq3A_401, %iota3A, %broadcast_in_dim3A_403 : vector<256x1024xi1>, vector<256x1024xi32>
    %reduce_min3A_405 = arith.constant dense<2147483647> : vector<256xi32>
    %reduce_min3A_406 = vector.multi_reduction <minsi>, %select_n3A_404, %reduce_min3A_405 [1] : vector<256x1024xi32> to vector<256xi32>
    %broadcast_in_dim3A_407 = vector.shape_cast %reduce_min3A_406 : vector<256xi32> to vector<256x1xi32>
    %eq3A_408 = vector.broadcast %broadcast_in_dim3A_407 : vector<256x1xi32> to vector<256x1024xi32>
    %eq3A_409 = arith.cmpi eq, %iota3A, %eq3A_408 : vector<256x1024xi32>
    %jit3A_410 = arith.constant -3.400000e+38 : f32
    %broadcast_in_dim3A_411 = vector.broadcast %jit3A_410 : f32 to vector<256x1024xf32>
    %select_n3A_412 = arith.select %eq3A_409, %broadcast_in_dim3A_411, %select_n3A_351 : vector<256x1024xi1>, vector<256x1024xf32>
    %neg3A_413 = arith.constant 0.000000e+00 : f32
    %neg3A_414 = vector.broadcast %neg3A_413 : f32 to vector<256x1xf32>
    %neg3A_415 = arith.subf %neg3A_414, %broadcast_in_dim3A_399 : vector<256x1xf32>
    %sub3A_416 = vector.broadcast %neg3A_415 : vector<256x1xf32> to vector<256x16xf32>
    %sub3A_417 = vector.broadcast %add3A_36 : vector<1x16xf32> to vector<256x16xf32>
    %sub3A_418 = arith.subf %sub3A_416, %sub3A_417 : vector<256x16xf32>
    %div3A_419 = arith.constant 1.250000e+00 : f32
    %div3A_420 = vector.broadcast %div3A_419 : f32 to vector<256x16xf32>
    %div3A_421 = arith.divf %sub3A_418, %div3A_420 : vector<256x16xf32>
    %integer_pow3A_422 = arith.mulf %div3A_421, %div3A_421 : vector<256x16xf32>
    %neg3A_423 = arith.constant 0.000000e+00 : f32
    %neg3A_424 = vector.broadcast %neg3A_423 : f32 to vector<256x16xf32>
    %neg3A_425 = arith.subf %neg3A_424, %integer_pow3A_422 : vector<256x16xf32>
    %exp3A_426 = math.exp %neg3A_425 : vector<256x16xf32>
    %sub3A_427 = arith.subi %broadcast_in_dim3A_407, %add3A_29 : vector<256x1xi32>
    %convert_element_type3A_428 = arith.sitofp %sub3A_427 : vector<256x1xi32> to vector<256x1xf32>
    %mul3A_429 = vector.broadcast %convert_element_type3A_428 : vector<256x1xf32> to vector<256x8xf32>
    %mul3A_430 = vector.broadcast %exp3A : vector<1x8xf32> to vector<256x8xf32>
    %mul3A_431 = arith.mulf %mul3A_429, %mul3A_430 : vector<256x8xf32>
    %cos3A_432 = math.cos %mul3A_431 : vector<256x8xf32>
    %sin3A_433 = math.sin %mul3A_431 : vector<256x8xf32>
    %concatenate3A_434 = tpu.concatenate %exp3A_426, %cos3A_432, %sin3A_433 in 1 : vector<256x16xf32>, vector<256x8xf32>, vector<256x8xf32> -> vector<256x32xf32>
    %get3A_435 = arith.constant 0 : index
    %get3A_436 = arith.constant 0 : index
    %get3A_437 = vector.load %arg7[%get3A_435, %get3A_436] : memref<32x128xf32, #tpu.memory_space<vmem>>, vector<32x128xf32>
    %dot_general3A_438 = arith.constant dense<0.000000e+00> : vector<256x128xf32>
    %dot_general3A_439 = tpu.matmul %concatenate3A_434, %get3A_437, %dot_general3A_438 {dimension_numbers = #tpu.dot_dimension_numbers<[1], [0], [0], [1], [0, 0, 1, 1], [], []>, transpose_lhs_hint = false} : vector<256x32xf32>, vector<32x128xf32>, vector<256x128xf32> -> vector<256x128xf32>
    %get3A_440 = arith.constant 0 : index
    %get3A_441 = arith.constant 0 : index
    %get3A_442 = vector.load %arg8[%get3A_440, %get3A_441] : memref<1x128xf32, #tpu.memory_space<vmem>>, vector<1x128xf32>
    %add3A_443 = vector.broadcast %get3A_442 : vector<1x128xf32> to vector<256x128xf32>
    %add3A_444 = arith.addf %dot_general3A_439, %add3A_443 : vector<256x128xf32>
    %swap3A_445 = arith.constant 0 : index
    %swap3A_446 = arith.constant 6 : index
    %swap3A_447 = arith.constant 0 : index
    %swap3A_448 = vector.load %arg13[%swap3A_445, %swap3A_446, %swap3A_447] : memref<256x30x128xf32, #tpu.memory_space<vmem>>, vector<256x1x128xf32>
    %swap3A_449 = vector.shape_cast %swap3A_448 : vector<256x1x128xf32> to vector<256x128xf32>
    %swap3A_450 = vector.shape_cast %add3A_444 : vector<256x128xf32> to vector<256x1x128xf32>
    tpu.vector_store %arg13[%swap3A_445, %swap3A_446, %swap3A_447], %swap3A_450 {strides = array<i32>} : memref<256x30x128xf32, #tpu.memory_space<vmem>>, vector<256x1x128xf32>,
    %mul3A_451 = arith.constant 1024 : i32
    %mul3A_452 = arith.muli %arg0, %mul3A_451 : i32
    %add3A_453 = vector.broadcast %mul3A_452 : i32 to vector<256x1xi32>
    %add3A_454 = arith.addi %broadcast_in_dim3A_407, %add3A_453 : vector<256x1xi32>
    %swap3A_455 = arith.constant 0 : index
    %swap3A_456 = arith.constant 6 : index
    %swap3A_457 = vector.load %arg12[%swap3A_455, %swap3A_456] : memref<256x30xi32, #tpu.memory_space<vmem>>, vector<256x1xi32>
    tpu.vector_store %arg12[%swap3A_455, %swap3A_456], %add3A_454 {strides = array<i32>} : memref<256x30xi32, #tpu.memory_space<vmem>>, vector<256x1xi32>,
    %reduce_max3A_458 = arith.constant dense<0xFF800000> : vector<256xf32>
    %reduce_max3A_459 = vector.multi_reduction <maximumf>, %select_n3A_412, %reduce_max3A_458 [1] : vector<256x1024xf32> to vector<256xf32>
    %broadcast_in_dim3A_460 = vector.shape_cast %reduce_max3A_459 : vector<256xf32> to vector<256x1xf32>
    %eq3A_461 = vector.broadcast %broadcast_in_dim3A_460 : vector<256x1xf32> to vector<256x1024xf32>
    %eq3A_462 = arith.cmpf oeq, %select_n3A_412, %eq3A_461 : vector<256x1024xf32>
    %jit3A_463 = arith.constant 1024 : i32
    %broadcast_in_dim3A_464 = vector.broadcast %jit3A_463 : i32 to vector<256x1024xi32>
    %select_n3A_465 = arith.select %eq3A_462, %iota3A, %broadcast_in_dim3A_464 : vector<256x1024xi1>, vector<256x1024xi32>
    %reduce_min3A_466 = arith.constant dense<2147483647> : vector<256xi32>
    %reduce_min3A_467 = vector.multi_reduction <minsi>, %select_n3A_465, %reduce_min3A_466 [1] : vector<256x1024xi32> to vector<256xi32>
    %broadcast_in_dim3A_468 = vector.shape_cast %reduce_min3A_467 : vector<256xi32> to vector<256x1xi32>
    %eq3A_469 = vector.broadcast %broadcast_in_dim3A_468 : vector<256x1xi32> to vector<256x1024xi32>
    %eq3A_470 = arith.cmpi eq, %iota3A, %eq3A_469 : vector<256x1024xi32>
    %jit3A_471 = arith.constant -3.400000e+38 : f32
    %broadcast_in_dim3A_472 = vector.broadcast %jit3A_471 : f32 to vector<256x1024xf32>
    %select_n3A_473 = arith.select %eq3A_470, %broadcast_in_dim3A_472, %select_n3A_412 : vector<256x1024xi1>, vector<256x1024xf32>
    %neg3A_474 = arith.constant 0.000000e+00 : f32
    %neg3A_475 = vector.broadcast %neg3A_474 : f32 to vector<256x1xf32>
    %neg3A_476 = arith.subf %neg3A_475, %broadcast_in_dim3A_460 : vector<256x1xf32>
    %sub3A_477 = vector.broadcast %neg3A_476 : vector<256x1xf32> to vector<256x16xf32>
    %sub3A_478 = vector.broadcast %add3A_36 : vector<1x16xf32> to vector<256x16xf32>
    %sub3A_479 = arith.subf %sub3A_477, %sub3A_478 : vector<256x16xf32>
    %div3A_480 = arith.constant 1.250000e+00 : f32
    %div3A_481 = vector.broadcast %div3A_480 : f32 to vector<256x16xf32>
    %div3A_482 = arith.divf %sub3A_479, %div3A_481 : vector<256x16xf32>
    %integer_pow3A_483 = arith.mulf %div3A_482, %div3A_482 : vector<256x16xf32>
    %neg3A_484 = arith.constant 0.000000e+00 : f32
    %neg3A_485 = vector.broadcast %neg3A_484 : f32 to vector<256x16xf32>
    %neg3A_486 = arith.subf %neg3A_485, %integer_pow3A_483 : vector<256x16xf32>
    %exp3A_487 = math.exp %neg3A_486 : vector<256x16xf32>
    %sub3A_488 = arith.subi %broadcast_in_dim3A_468, %add3A_29 : vector<256x1xi32>
    %convert_element_type3A_489 = arith.sitofp %sub3A_488 : vector<256x1xi32> to vector<256x1xf32>
    %mul3A_490 = vector.broadcast %convert_element_type3A_489 : vector<256x1xf32> to vector<256x8xf32>
    %mul3A_491 = vector.broadcast %exp3A : vector<1x8xf32> to vector<256x8xf32>
    %mul3A_492 = arith.mulf %mul3A_490, %mul3A_491 : vector<256x8xf32>
    %cos3A_493 = math.cos %mul3A_492 : vector<256x8xf32>
    %sin3A_494 = math.sin %mul3A_492 : vector<256x8xf32>
    %concatenate3A_495 = tpu.concatenate %exp3A_487, %cos3A_493, %sin3A_494 in 1 : vector<256x16xf32>, vector<256x8xf32>, vector<256x8xf32> -> vector<256x32xf32>
    %get3A_496 = arith.constant 0 : index
    %get3A_497 = arith.constant 0 : index
    %get3A_498 = vector.load %arg7[%get3A_496, %get3A_497] : memref<32x128xf32, #tpu.memory_space<vmem>>, vector<32x128xf32>
    %dot_general3A_499 = arith.constant dense<0.000000e+00> : vector<256x128xf32>
    %dot_general3A_500 = tpu.matmul %concatenate3A_495, %get3A_498, %dot_general3A_499 {dimension_numbers = #tpu.dot_dimension_numbers<[1], [0], [0], [1], [0, 0, 1, 1], [], []>, transpose_lhs_hint = false} : vector<256x32xf32>, vector<32x128xf32>, vector<256x128xf32> -> vector<256x128xf32>
    %get3A_501 = arith.constant 0 : index
    %get3A_502 = arith.constant 0 : index
    %get3A_503 = vector.load %arg8[%get3A_501, %get3A_502] : memref<1x128xf32, #tpu.memory_space<vmem>>, vector<1x128xf32>
    %add3A_504 = vector.broadcast %get3A_503 : vector<1x128xf32> to vector<256x128xf32>
    %add3A_505 = arith.addf %dot_general3A_500, %add3A_504 : vector<256x128xf32>
    %swap3A_506 = arith.constant 0 : index
    %swap3A_507 = arith.constant 7 : index
    %swap3A_508 = arith.constant 0 : index
    %swap3A_509 = vector.load %arg13[%swap3A_506, %swap3A_507, %swap3A_508] : memref<256x30x128xf32, #tpu.memory_space<vmem>>, vector<256x1x128xf32>
    %swap3A_510 = vector.shape_cast %swap3A_509 : vector<256x1x128xf32> to vector<256x128xf32>
    %swap3A_511 = vector.shape_cast %add3A_505 : vector<256x128xf32> to vector<256x1x128xf32>
    tpu.vector_store %arg13[%swap3A_506, %swap3A_507, %swap3A_508], %swap3A_511 {strides = array<i32>} : memref<256x30x128xf32, #tpu.memory_space<vmem>>, vector<256x1x128xf32>,
    %mul3A_512 = arith.constant 1024 : i32
    %mul3A_513 = arith.muli %arg0, %mul3A_512 : i32
    %add3A_514 = vector.broadcast %mul3A_513 : i32 to vector<256x1xi32>
    %add3A_515 = arith.addi %broadcast_in_dim3A_468, %add3A_514 : vector<256x1xi32>
    %swap3A_516 = arith.constant 0 : index
    %swap3A_517 = arith.constant 7 : index
    %swap3A_518 = vector.load %arg12[%swap3A_516, %swap3A_517] : memref<256x30xi32, #tpu.memory_space<vmem>>, vector<256x1xi32>
    tpu.vector_store %arg12[%swap3A_516, %swap3A_517], %add3A_515 {strides = array<i32>} : memref<256x30xi32, #tpu.memory_space<vmem>>, vector<256x1xi32>,
    %reduce_max3A_519 = arith.constant dense<0xFF800000> : vector<256xf32>
    %reduce_max3A_520 = vector.multi_reduction <maximumf>, %select_n3A_473, %reduce_max3A_519 [1] : vector<256x1024xf32> to vector<256xf32>
    %broadcast_in_dim3A_521 = vector.shape_cast %reduce_max3A_520 : vector<256xf32> to vector<256x1xf32>
    %eq3A_522 = vector.broadcast %broadcast_in_dim3A_521 : vector<256x1xf32> to vector<256x1024xf32>
    %eq3A_523 = arith.cmpf oeq, %select_n3A_473, %eq3A_522 : vector<256x1024xf32>
    %jit3A_524 = arith.constant 1024 : i32
    %broadcast_in_dim3A_525 = vector.broadcast %jit3A_524 : i32 to vector<256x1024xi32>
    %select_n3A_526 = arith.select %eq3A_523, %iota3A, %broadcast_in_dim3A_525 : vector<256x1024xi1>, vector<256x1024xi32>
    %reduce_min3A_527 = arith.constant dense<2147483647> : vector<256xi32>
    %reduce_min3A_528 = vector.multi_reduction <minsi>, %select_n3A_526, %reduce_min3A_527 [1] : vector<256x1024xi32> to vector<256xi32>
    %broadcast_in_dim3A_529 = vector.shape_cast %reduce_min3A_528 : vector<256xi32> to vector<256x1xi32>
    %eq3A_530 = vector.broadcast %broadcast_in_dim3A_529 : vector<256x1xi32> to vector<256x1024xi32>
    %eq3A_531 = arith.cmpi eq, %iota3A, %eq3A_530 : vector<256x1024xi32>
    %jit3A_532 = arith.constant -3.400000e+38 : f32
    %broadcast_in_dim3A_533 = vector.broadcast %jit3A_532 : f32 to vector<256x1024xf32>
    %select_n3A_534 = arith.select %eq3A_531, %broadcast_in_dim3A_533, %select_n3A_473 : vector<256x1024xi1>, vector<256x1024xf32>
    %neg3A_535 = arith.constant 0.000000e+00 : f32
    %neg3A_536 = vector.broadcast %neg3A_535 : f32 to vector<256x1xf32>
    %neg3A_537 = arith.subf %neg3A_536, %broadcast_in_dim3A_521 : vector<256x1xf32>
    %sub3A_538 = vector.broadcast %neg3A_537 : vector<256x1xf32> to vector<256x16xf32>
    %sub3A_539 = vector.broadcast %add3A_36 : vector<1x16xf32> to vector<256x16xf32>
    %sub3A_540 = arith.subf %sub3A_538, %sub3A_539 : vector<256x16xf32>
    %div3A_541 = arith.constant 1.250000e+00 : f32
    %div3A_542 = vector.broadcast %div3A_541 : f32 to vector<256x16xf32>
    %div3A_543 = arith.divf %sub3A_540, %div3A_542 : vector<256x16xf32>
    %integer_pow3A_544 = arith.mulf %div3A_543, %div3A_543 : vector<256x16xf32>
    %neg3A_545 = arith.constant 0.000000e+00 : f32
    %neg3A_546 = vector.broadcast %neg3A_545 : f32 to vector<256x16xf32>
    %neg3A_547 = arith.subf %neg3A_546, %integer_pow3A_544 : vector<256x16xf32>
    %exp3A_548 = math.exp %neg3A_547 : vector<256x16xf32>
    %sub3A_549 = arith.subi %broadcast_in_dim3A_529, %add3A_29 : vector<256x1xi32>
    %convert_element_type3A_550 = arith.sitofp %sub3A_549 : vector<256x1xi32> to vector<256x1xf32>
    %mul3A_551 = vector.broadcast %convert_element_type3A_550 : vector<256x1xf32> to vector<256x8xf32>
    %mul3A_552 = vector.broadcast %exp3A : vector<1x8xf32> to vector<256x8xf32>
    %mul3A_553 = arith.mulf %mul3A_551, %mul3A_552 : vector<256x8xf32>
    %cos3A_554 = math.cos %mul3A_553 : vector<256x8xf32>
    %sin3A_555 = math.sin %mul3A_553 : vector<256x8xf32>
    %concatenate3A_556 = tpu.concatenate %exp3A_548, %cos3A_554, %sin3A_555 in 1 : vector<256x16xf32>, vector<256x8xf32>, vector<256x8xf32> -> vector<256x32xf32>
    %get3A_557 = arith.constant 0 : index
    %get3A_558 = arith.constant 0 : index
    %get3A_559 = vector.load %arg7[%get3A_557, %get3A_558] : memref<32x128xf32, #tpu.memory_space<vmem>>, vector<32x128xf32>
    %dot_general3A_560 = arith.constant dense<0.000000e+00> : vector<256x128xf32>
    %dot_general3A_561 = tpu.matmul %concatenate3A_556, %get3A_559, %dot_general3A_560 {dimension_numbers = #tpu.dot_dimension_numbers<[1], [0], [0], [1], [0, 0, 1, 1], [], []>, transpose_lhs_hint = false} : vector<256x32xf32>, vector<32x128xf32>, vector<256x128xf32> -> vector<256x128xf32>
    %get3A_562 = arith.constant 0 : index
    %get3A_563 = arith.constant 0 : index
    %get3A_564 = vector.load %arg8[%get3A_562, %get3A_563] : memref<1x128xf32, #tpu.memory_space<vmem>>, vector<1x128xf32>
    %add3A_565 = vector.broadcast %get3A_564 : vector<1x128xf32> to vector<256x128xf32>
    %add3A_566 = arith.addf %dot_general3A_561, %add3A_565 : vector<256x128xf32>
    %swap3A_567 = arith.constant 0 : index
    %swap3A_568 = arith.constant 8 : index
    %swap3A_569 = arith.constant 0 : index
    %swap3A_570 = vector.load %arg13[%swap3A_567, %swap3A_568, %swap3A_569] : memref<256x30x128xf32, #tpu.memory_space<vmem>>, vector<256x1x128xf32>
    %swap3A_571 = vector.shape_cast %swap3A_570 : vector<256x1x128xf32> to vector<256x128xf32>
    %swap3A_572 = vector.shape_cast %add3A_566 : vector<256x128xf32> to vector<256x1x128xf32>
    tpu.vector_store %arg13[%swap3A_567, %swap3A_568, %swap3A_569], %swap3A_572 {strides = array<i32>} : memref<256x30x128xf32, #tpu.memory_space<vmem>>, vector<256x1x128xf32>,
    %mul3A_573 = arith.constant 1024 : i32
    %mul3A_574 = arith.muli %arg0, %mul3A_573 : i32
    %add3A_575 = vector.broadcast %mul3A_574 : i32 to vector<256x1xi32>
    %add3A_576 = arith.addi %broadcast_in_dim3A_529, %add3A_575 : vector<256x1xi32>
    %swap3A_577 = arith.constant 0 : index
    %swap3A_578 = arith.constant 8 : index
    %swap3A_579 = vector.load %arg12[%swap3A_577, %swap3A_578] : memref<256x30xi32, #tpu.memory_space<vmem>>, vector<256x1xi32>
    tpu.vector_store %arg12[%swap3A_577, %swap3A_578], %add3A_576 {strides = array<i32>} : memref<256x30xi32, #tpu.memory_space<vmem>>, vector<256x1xi32>,
    %reduce_max3A_580 = arith.constant dense<0xFF800000> : vector<256xf32>
    %reduce_max3A_581 = vector.multi_reduction <maximumf>, %select_n3A_534, %reduce_max3A_580 [1] : vector<256x1024xf32> to vector<256xf32>
    %broadcast_in_dim3A_582 = vector.shape_cast %reduce_max3A_581 : vector<256xf32> to vector<256x1xf32>
    %eq3A_583 = vector.broadcast %broadcast_in_dim3A_582 : vector<256x1xf32> to vector<256x1024xf32>
    %eq3A_584 = arith.cmpf oeq, %select_n3A_534, %eq3A_583 : vector<256x1024xf32>
    %jit3A_585 = arith.constant 1024 : i32
    %broadcast_in_dim3A_586 = vector.broadcast %jit3A_585 : i32 to vector<256x1024xi32>
    %select_n3A_587 = arith.select %eq3A_584, %iota3A, %broadcast_in_dim3A_586 : vector<256x1024xi1>, vector<256x1024xi32>
    %reduce_min3A_588 = arith.constant dense<2147483647> : vector<256xi32>
    %reduce_min3A_589 = vector.multi_reduction <minsi>, %select_n3A_587, %reduce_min3A_588 [1] : vector<256x1024xi32> to vector<256xi32>
    %broadcast_in_dim3A_590 = vector.shape_cast %reduce_min3A_589 : vector<256xi32> to vector<256x1xi32>
    %eq3A_591 = vector.broadcast %broadcast_in_dim3A_590 : vector<256x1xi32> to vector<256x1024xi32>
    %eq3A_592 = arith.cmpi eq, %iota3A, %eq3A_591 : vector<256x1024xi32>
    %jit3A_593 = arith.constant -3.400000e+38 : f32
    %broadcast_in_dim3A_594 = vector.broadcast %jit3A_593 : f32 to vector<256x1024xf32>
    %select_n3A_595 = arith.select %eq3A_592, %broadcast_in_dim3A_594, %select_n3A_534 : vector<256x1024xi1>, vector<256x1024xf32>
    %neg3A_596 = arith.constant 0.000000e+00 : f32
    %neg3A_597 = vector.broadcast %neg3A_596 : f32 to vector<256x1xf32>
    %neg3A_598 = arith.subf %neg3A_597, %broadcast_in_dim3A_582 : vector<256x1xf32>
    %sub3A_599 = vector.broadcast %neg3A_598 : vector<256x1xf32> to vector<256x16xf32>
    %sub3A_600 = vector.broadcast %add3A_36 : vector<1x16xf32> to vector<256x16xf32>
    %sub3A_601 = arith.subf %sub3A_599, %sub3A_600 : vector<256x16xf32>
    %div3A_602 = arith.constant 1.250000e+00 : f32
    %div3A_603 = vector.broadcast %div3A_602 : f32 to vector<256x16xf32>
    %div3A_604 = arith.divf %sub3A_601, %div3A_603 : vector<256x16xf32>
    %integer_pow3A_605 = arith.mulf %div3A_604, %div3A_604 : vector<256x16xf32>
    %neg3A_606 = arith.constant 0.000000e+00 : f32
    %neg3A_607 = vector.broadcast %neg3A_606 : f32 to vector<256x16xf32>
    %neg3A_608 = arith.subf %neg3A_607, %integer_pow3A_605 : vector<256x16xf32>
    %exp3A_609 = math.exp %neg3A_608 : vector<256x16xf32>
    %sub3A_610 = arith.subi %broadcast_in_dim3A_590, %add3A_29 : vector<256x1xi32>
    %convert_element_type3A_611 = arith.sitofp %sub3A_610 : vector<256x1xi32> to vector<256x1xf32>
    %mul3A_612 = vector.broadcast %convert_element_type3A_611 : vector<256x1xf32> to vector<256x8xf32>
    %mul3A_613 = vector.broadcast %exp3A : vector<1x8xf32> to vector<256x8xf32>
    %mul3A_614 = arith.mulf %mul3A_612, %mul3A_613 : vector<256x8xf32>
    %cos3A_615 = math.cos %mul3A_614 : vector<256x8xf32>
    %sin3A_616 = math.sin %mul3A_614 : vector<256x8xf32>
    %concatenate3A_617 = tpu.concatenate %exp3A_609, %cos3A_615, %sin3A_616 in 1 : vector<256x16xf32>, vector<256x8xf32>, vector<256x8xf32> -> vector<256x32xf32>
    %get3A_618 = arith.constant 0 : index
    %get3A_619 = arith.constant 0 : index
    %get3A_620 = vector.load %arg7[%get3A_618, %get3A_619] : memref<32x128xf32, #tpu.memory_space<vmem>>, vector<32x128xf32>
    %dot_general3A_621 = arith.constant dense<0.000000e+00> : vector<256x128xf32>
    %dot_general3A_622 = tpu.matmul %concatenate3A_617, %get3A_620, %dot_general3A_621 {dimension_numbers = #tpu.dot_dimension_numbers<[1], [0], [0], [1], [0, 0, 1, 1], [], []>, transpose_lhs_hint = false} : vector<256x32xf32>, vector<32x128xf32>, vector<256x128xf32> -> vector<256x128xf32>
    %get3A_623 = arith.constant 0 : index
    %get3A_624 = arith.constant 0 : index
    %get3A_625 = vector.load %arg8[%get3A_623, %get3A_624] : memref<1x128xf32, #tpu.memory_space<vmem>>, vector<1x128xf32>
    %add3A_626 = vector.broadcast %get3A_625 : vector<1x128xf32> to vector<256x128xf32>
    %add3A_627 = arith.addf %dot_general3A_622, %add3A_626 : vector<256x128xf32>
    %swap3A_628 = arith.constant 0 : index
    %swap3A_629 = arith.constant 9 : index
    %swap3A_630 = arith.constant 0 : index
    %swap3A_631 = vector.load %arg13[%swap3A_628, %swap3A_629, %swap3A_630] : memref<256x30x128xf32, #tpu.memory_space<vmem>>, vector<256x1x128xf32>
    %swap3A_632 = vector.shape_cast %swap3A_631 : vector<256x1x128xf32> to vector<256x128xf32>
    %swap3A_633 = vector.shape_cast %add3A_627 : vector<256x128xf32> to vector<256x1x128xf32>
    tpu.vector_store %arg13[%swap3A_628, %swap3A_629, %swap3A_630], %swap3A_633 {strides = array<i32>} : memref<256x30x128xf32, #tpu.memory_space<vmem>>, vector<256x1x128xf32>,
    %mul3A_634 = arith.constant 1024 : i32
    %mul3A_635 = arith.muli %arg0, %mul3A_634 : i32
    %add3A_636 = vector.broadcast %mul3A_635 : i32 to vector<256x1xi32>
    %add3A_637 = arith.addi %broadcast_in_dim3A_590, %add3A_636 : vector<256x1xi32>
    %swap3A_638 = arith.constant 0 : index
    %swap3A_639 = arith.constant 9 : index
    %swap3A_640 = vector.load %arg12[%swap3A_638, %swap3A_639] : memref<256x30xi32, #tpu.memory_space<vmem>>, vector<256x1xi32>
    tpu.vector_store %arg12[%swap3A_638, %swap3A_639], %add3A_637 {strides = array<i32>} : memref<256x30xi32, #tpu.memory_space<vmem>>, vector<256x1xi32>,
    %reduce_max3A_641 = arith.constant dense<0xFF800000> : vector<256xf32>
    %reduce_max3A_642 = vector.multi_reduction <maximumf>, %select_n3A_595, %reduce_max3A_641 [1] : vector<256x1024xf32> to vector<256xf32>
    %broadcast_in_dim3A_643 = vector.shape_cast %reduce_max3A_642 : vector<256xf32> to vector<256x1xf32>
    %eq3A_644 = vector.broadcast %broadcast_in_dim3A_643 : vector<256x1xf32> to vector<256x1024xf32>
    %eq3A_645 = arith.cmpf oeq, %select_n3A_595, %eq3A_644 : vector<256x1024xf32>
    %jit3A_646 = arith.constant 1024 : i32
    %broadcast_in_dim3A_647 = vector.broadcast %jit3A_646 : i32 to vector<256x1024xi32>
    %select_n3A_648 = arith.select %eq3A_645, %iota3A, %broadcast_in_dim3A_647 : vector<256x1024xi1>, vector<256x1024xi32>
    %reduce_min3A_649 = arith.constant dense<2147483647> : vector<256xi32>
    %reduce_min3A_650 = vector.multi_reduction <minsi>, %select_n3A_648, %reduce_min3A_649 [1] : vector<256x1024xi32> to vector<256xi32>
    %broadcast_in_dim3A_651 = vector.shape_cast %reduce_min3A_650 : vector<256xi32> to vector<256x1xi32>
    %eq3A_652 = vector.broadcast %broadcast_in_dim3A_651 : vector<256x1xi32> to vector<256x1024xi32>
    %eq3A_653 = arith.cmpi eq, %iota3A, %eq3A_652 : vector<256x1024xi32>
    %jit3A_654 = arith.constant -3.400000e+38 : f32
    %broadcast_in_dim3A_655 = vector.broadcast %jit3A_654 : f32 to vector<256x1024xf32>
    %select_n3A_656 = arith.select %eq3A_653, %broadcast_in_dim3A_655, %select_n3A_595 : vector<256x1024xi1>, vector<256x1024xf32>
    %neg3A_657 = arith.constant 0.000000e+00 : f32
    %neg3A_658 = vector.broadcast %neg3A_657 : f32 to vector<256x1xf32>
    %neg3A_659 = arith.subf %neg3A_658, %broadcast_in_dim3A_643 : vector<256x1xf32>
    %sub3A_660 = vector.broadcast %neg3A_659 : vector<256x1xf32> to vector<256x16xf32>
    %sub3A_661 = vector.broadcast %add3A_36 : vector<1x16xf32> to vector<256x16xf32>
    %sub3A_662 = arith.subf %sub3A_660, %sub3A_661 : vector<256x16xf32>
    %div3A_663 = arith.constant 1.250000e+00 : f32
    %div3A_664 = vector.broadcast %div3A_663 : f32 to vector<256x16xf32>
    %div3A_665 = arith.divf %sub3A_662, %div3A_664 : vector<256x16xf32>
    %integer_pow3A_666 = arith.mulf %div3A_665, %div3A_665 : vector<256x16xf32>
    %neg3A_667 = arith.constant 0.000000e+00 : f32
    %neg3A_668 = vector.broadcast %neg3A_667 : f32 to vector<256x16xf32>
    %neg3A_669 = arith.subf %neg3A_668, %integer_pow3A_666 : vector<256x16xf32>
    %exp3A_670 = math.exp %neg3A_669 : vector<256x16xf32>
    %sub3A_671 = arith.subi %broadcast_in_dim3A_651, %add3A_29 : vector<256x1xi32>
    %convert_element_type3A_672 = arith.sitofp %sub3A_671 : vector<256x1xi32> to vector<256x1xf32>
    %mul3A_673 = vector.broadcast %convert_element_type3A_672 : vector<256x1xf32> to vector<256x8xf32>
    %mul3A_674 = vector.broadcast %exp3A : vector<1x8xf32> to vector<256x8xf32>
    %mul3A_675 = arith.mulf %mul3A_673, %mul3A_674 : vector<256x8xf32>
    %cos3A_676 = math.cos %mul3A_675 : vector<256x8xf32>
    %sin3A_677 = math.sin %mul3A_675 : vector<256x8xf32>
    %concatenate3A_678 = tpu.concatenate %exp3A_670, %cos3A_676, %sin3A_677 in 1 : vector<256x16xf32>, vector<256x8xf32>, vector<256x8xf32> -> vector<256x32xf32>
    %get3A_679 = arith.constant 0 : index
    %get3A_680 = arith.constant 0 : index
    %get3A_681 = vector.load %arg7[%get3A_679, %get3A_680] : memref<32x128xf32, #tpu.memory_space<vmem>>, vector<32x128xf32>
    %dot_general3A_682 = arith.constant dense<0.000000e+00> : vector<256x128xf32>
    %dot_general3A_683 = tpu.matmul %concatenate3A_678, %get3A_681, %dot_general3A_682 {dimension_numbers = #tpu.dot_dimension_numbers<[1], [0], [0], [1], [0, 0, 1, 1], [], []>, transpose_lhs_hint = false} : vector<256x32xf32>, vector<32x128xf32>, vector<256x128xf32> -> vector<256x128xf32>
    %get3A_684 = arith.constant 0 : index
    %get3A_685 = arith.constant 0 : index
    %get3A_686 = vector.load %arg8[%get3A_684, %get3A_685] : memref<1x128xf32, #tpu.memory_space<vmem>>, vector<1x128xf32>
    %add3A_687 = vector.broadcast %get3A_686 : vector<1x128xf32> to vector<256x128xf32>
    %add3A_688 = arith.addf %dot_general3A_683, %add3A_687 : vector<256x128xf32>
    %swap3A_689 = arith.constant 0 : index
    %swap3A_690 = arith.constant 10 : index
    %swap3A_691 = arith.constant 0 : index
    %swap3A_692 = vector.load %arg13[%swap3A_689, %swap3A_690, %swap3A_691] : memref<256x30x128xf32, #tpu.memory_space<vmem>>, vector<256x1x128xf32>
    %swap3A_693 = vector.shape_cast %swap3A_692 : vector<256x1x128xf32> to vector<256x128xf32>
    %swap3A_694 = vector.shape_cast %add3A_688 : vector<256x128xf32> to vector<256x1x128xf32>
    tpu.vector_store %arg13[%swap3A_689, %swap3A_690, %swap3A_691], %swap3A_694 {strides = array<i32>} : memref<256x30x128xf32, #tpu.memory_space<vmem>>, vector<256x1x128xf32>,
    %mul3A_695 = arith.constant 1024 : i32
    %mul3A_696 = arith.muli %arg0, %mul3A_695 : i32
    %add3A_697 = vector.broadcast %mul3A_696 : i32 to vector<256x1xi32>
    %add3A_698 = arith.addi %broadcast_in_dim3A_651, %add3A_697 : vector<256x1xi32>
    %swap3A_699 = arith.constant 0 : index
    %swap3A_700 = arith.constant 10 : index
    %swap3A_701 = vector.load %arg12[%swap3A_699, %swap3A_700] : memref<256x30xi32, #tpu.memory_space<vmem>>, vector<256x1xi32>
    tpu.vector_store %arg12[%swap3A_699, %swap3A_700], %add3A_698 {strides = array<i32>} : memref<256x30xi32, #tpu.memory_space<vmem>>, vector<256x1xi32>,
    %reduce_max3A_702 = arith.constant dense<0xFF800000> : vector<256xf32>
    %reduce_max3A_703 = vector.multi_reduction <maximumf>, %select_n3A_656, %reduce_max3A_702 [1] : vector<256x1024xf32> to vector<256xf32>
    %broadcast_in_dim3A_704 = vector.shape_cast %reduce_max3A_703 : vector<256xf32> to vector<256x1xf32>
    %eq3A_705 = vector.broadcast %broadcast_in_dim3A_704 : vector<256x1xf32> to vector<256x1024xf32>
    %eq3A_706 = arith.cmpf oeq, %select_n3A_656, %eq3A_705 : vector<256x1024xf32>
    %jit3A_707 = arith.constant 1024 : i32
    %broadcast_in_dim3A_708 = vector.broadcast %jit3A_707 : i32 to vector<256x1024xi32>
    %select_n3A_709 = arith.select %eq3A_706, %iota3A, %broadcast_in_dim3A_708 : vector<256x1024xi1>, vector<256x1024xi32>
    %reduce_min3A_710 = arith.constant dense<2147483647> : vector<256xi32>
    %reduce_min3A_711 = vector.multi_reduction <minsi>, %select_n3A_709, %reduce_min3A_710 [1] : vector<256x1024xi32> to vector<256xi32>
    %broadcast_in_dim3A_712 = vector.shape_cast %reduce_min3A_711 : vector<256xi32> to vector<256x1xi32>
    %eq3A_713 = vector.broadcast %broadcast_in_dim3A_712 : vector<256x1xi32> to vector<256x1024xi32>
    %eq3A_714 = arith.cmpi eq, %iota3A, %eq3A_713 : vector<256x1024xi32>
    %jit3A_715 = arith.constant -3.400000e+38 : f32
    %broadcast_in_dim3A_716 = vector.broadcast %jit3A_715 : f32 to vector<256x1024xf32>
    %select_n3A_717 = arith.select %eq3A_714, %broadcast_in_dim3A_716, %select_n3A_656 : vector<256x1024xi1>, vector<256x1024xf32>
    %neg3A_718 = arith.constant 0.000000e+00 : f32
    %neg3A_719 = vector.broadcast %neg3A_718 : f32 to vector<256x1xf32>
    %neg3A_720 = arith.subf %neg3A_719, %broadcast_in_dim3A_704 : vector<256x1xf32>
    %sub3A_721 = vector.broadcast %neg3A_720 : vector<256x1xf32> to vector<256x16xf32>
    %sub3A_722 = vector.broadcast %add3A_36 : vector<1x16xf32> to vector<256x16xf32>
    %sub3A_723 = arith.subf %sub3A_721, %sub3A_722 : vector<256x16xf32>
    %div3A_724 = arith.constant 1.250000e+00 : f32
    %div3A_725 = vector.broadcast %div3A_724 : f32 to vector<256x16xf32>
    %div3A_726 = arith.divf %sub3A_723, %div3A_725 : vector<256x16xf32>
    %integer_pow3A_727 = arith.mulf %div3A_726, %div3A_726 : vector<256x16xf32>
    %neg3A_728 = arith.constant 0.000000e+00 : f32
    %neg3A_729 = vector.broadcast %neg3A_728 : f32 to vector<256x16xf32>
    %neg3A_730 = arith.subf %neg3A_729, %integer_pow3A_727 : vector<256x16xf32>
    %exp3A_731 = math.exp %neg3A_730 : vector<256x16xf32>
    %sub3A_732 = arith.subi %broadcast_in_dim3A_712, %add3A_29 : vector<256x1xi32>
    %convert_element_type3A_733 = arith.sitofp %sub3A_732 : vector<256x1xi32> to vector<256x1xf32>
    %mul3A_734 = vector.broadcast %convert_element_type3A_733 : vector<256x1xf32> to vector<256x8xf32>
    %mul3A_735 = vector.broadcast %exp3A : vector<1x8xf32> to vector<256x8xf32>
    %mul3A_736 = arith.mulf %mul3A_734, %mul3A_735 : vector<256x8xf32>
    %cos3A_737 = math.cos %mul3A_736 : vector<256x8xf32>
    %sin3A_738 = math.sin %mul3A_736 : vector<256x8xf32>
    %concatenate3A_739 = tpu.concatenate %exp3A_731, %cos3A_737, %sin3A_738 in 1 : vector<256x16xf32>, vector<256x8xf32>, vector<256x8xf32> -> vector<256x32xf32>
    %get3A_740 = arith.constant 0 : index
    %get3A_741 = arith.constant 0 : index
    %get3A_742 = vector.load %arg7[%get3A_740, %get3A_741] : memref<32x128xf32, #tpu.memory_space<vmem>>, vector<32x128xf32>
    %dot_general3A_743 = arith.constant dense<0.000000e+00> : vector<256x128xf32>
    %dot_general3A_744 = tpu.matmul %concatenate3A_739, %get3A_742, %dot_general3A_743 {dimension_numbers = #tpu.dot_dimension_numbers<[1], [0], [0], [1], [0, 0, 1, 1], [], []>, transpose_lhs_hint = false} : vector<256x32xf32>, vector<32x128xf32>, vector<256x128xf32> -> vector<256x128xf32>
    %get3A_745 = arith.constant 0 : index
    %get3A_746 = arith.constant 0 : index
    %get3A_747 = vector.load %arg8[%get3A_745, %get3A_746] : memref<1x128xf32, #tpu.memory_space<vmem>>, vector<1x128xf32>
    %add3A_748 = vector.broadcast %get3A_747 : vector<1x128xf32> to vector<256x128xf32>
    %add3A_749 = arith.addf %dot_general3A_744, %add3A_748 : vector<256x128xf32>
    %swap3A_750 = arith.constant 0 : index
    %swap3A_751 = arith.constant 11 : index
    %swap3A_752 = arith.constant 0 : index
    %swap3A_753 = vector.load %arg13[%swap3A_750, %swap3A_751, %swap3A_752] : memref<256x30x128xf32, #tpu.memory_space<vmem>>, vector<256x1x128xf32>
    %swap3A_754 = vector.shape_cast %swap3A_753 : vector<256x1x128xf32> to vector<256x128xf32>
    %swap3A_755 = vector.shape_cast %add3A_749 : vector<256x128xf32> to vector<256x1x128xf32>
    tpu.vector_store %arg13[%swap3A_750, %swap3A_751, %swap3A_752], %swap3A_755 {strides = array<i32>} : memref<256x30x128xf32, #tpu.memory_space<vmem>>, vector<256x1x128xf32>,
    %mul3A_756 = arith.constant 1024 : i32
    %mul3A_757 = arith.muli %arg0, %mul3A_756 : i32
    %add3A_758 = vector.broadcast %mul3A_757 : i32 to vector<256x1xi32>
    %add3A_759 = arith.addi %broadcast_in_dim3A_712, %add3A_758 : vector<256x1xi32>
    %swap3A_760 = arith.constant 0 : index
    %swap3A_761 = arith.constant 11 : index
    %swap3A_762 = vector.load %arg12[%swap3A_760, %swap3A_761] : memref<256x30xi32, #tpu.memory_space<vmem>>, vector<256x1xi32>
    tpu.vector_store %arg12[%swap3A_760, %swap3A_761], %add3A_759 {strides = array<i32>} : memref<256x30xi32, #tpu.memory_space<vmem>>, vector<256x1xi32>,
    %reduce_max3A_763 = arith.constant dense<0xFF800000> : vector<256xf32>
    %reduce_max3A_764 = vector.multi_reduction <maximumf>, %select_n3A_717, %reduce_max3A_763 [1] : vector<256x1024xf32> to vector<256xf32>
    %broadcast_in_dim3A_765 = vector.shape_cast %reduce_max3A_764 : vector<256xf32> to vector<256x1xf32>
    %eq3A_766 = vector.broadcast %broadcast_in_dim3A_765 : vector<256x1xf32> to vector<256x1024xf32>
    %eq3A_767 = arith.cmpf oeq, %select_n3A_717, %eq3A_766 : vector<256x1024xf32>
    %jit3A_768 = arith.constant 1024 : i32
    %broadcast_in_dim3A_769 = vector.broadcast %jit3A_768 : i32 to vector<256x1024xi32>
    %select_n3A_770 = arith.select %eq3A_767, %iota3A, %broadcast_in_dim3A_769 : vector<256x1024xi1>, vector<256x1024xi32>
    %reduce_min3A_771 = arith.constant dense<2147483647> : vector<256xi32>
    %reduce_min3A_772 = vector.multi_reduction <minsi>, %select_n3A_770, %reduce_min3A_771 [1] : vector<256x1024xi32> to vector<256xi32>
    %broadcast_in_dim3A_773 = vector.shape_cast %reduce_min3A_772 : vector<256xi32> to vector<256x1xi32>
    %eq3A_774 = vector.broadcast %broadcast_in_dim3A_773 : vector<256x1xi32> to vector<256x1024xi32>
    %eq3A_775 = arith.cmpi eq, %iota3A, %eq3A_774 : vector<256x1024xi32>
    %jit3A_776 = arith.constant -3.400000e+38 : f32
    %broadcast_in_dim3A_777 = vector.broadcast %jit3A_776 : f32 to vector<256x1024xf32>
    %select_n3A_778 = arith.select %eq3A_775, %broadcast_in_dim3A_777, %select_n3A_717 : vector<256x1024xi1>, vector<256x1024xf32>
    %neg3A_779 = arith.constant 0.000000e+00 : f32
    %neg3A_780 = vector.broadcast %neg3A_779 : f32 to vector<256x1xf32>
    %neg3A_781 = arith.subf %neg3A_780, %broadcast_in_dim3A_765 : vector<256x1xf32>
    %sub3A_782 = vector.broadcast %neg3A_781 : vector<256x1xf32> to vector<256x16xf32>
    %sub3A_783 = vector.broadcast %add3A_36 : vector<1x16xf32> to vector<256x16xf32>
    %sub3A_784 = arith.subf %sub3A_782, %sub3A_783 : vector<256x16xf32>
    %div3A_785 = arith.constant 1.250000e+00 : f32
    %div3A_786 = vector.broadcast %div3A_785 : f32 to vector<256x16xf32>
    %div3A_787 = arith.divf %sub3A_784, %div3A_786 : vector<256x16xf32>
    %integer_pow3A_788 = arith.mulf %div3A_787, %div3A_787 : vector<256x16xf32>
    %neg3A_789 = arith.constant 0.000000e+00 : f32
    %neg3A_790 = vector.broadcast %neg3A_789 : f32 to vector<256x16xf32>
    %neg3A_791 = arith.subf %neg3A_790, %integer_pow3A_788 : vector<256x16xf32>
    %exp3A_792 = math.exp %neg3A_791 : vector<256x16xf32>
    %sub3A_793 = arith.subi %broadcast_in_dim3A_773, %add3A_29 : vector<256x1xi32>
    %convert_element_type3A_794 = arith.sitofp %sub3A_793 : vector<256x1xi32> to vector<256x1xf32>
    %mul3A_795 = vector.broadcast %convert_element_type3A_794 : vector<256x1xf32> to vector<256x8xf32>
    %mul3A_796 = vector.broadcast %exp3A : vector<1x8xf32> to vector<256x8xf32>
    %mul3A_797 = arith.mulf %mul3A_795, %mul3A_796 : vector<256x8xf32>
    %cos3A_798 = math.cos %mul3A_797 : vector<256x8xf32>
    %sin3A_799 = math.sin %mul3A_797 : vector<256x8xf32>
    %concatenate3A_800 = tpu.concatenate %exp3A_792, %cos3A_798, %sin3A_799 in 1 : vector<256x16xf32>, vector<256x8xf32>, vector<256x8xf32> -> vector<256x32xf32>
    %get3A_801 = arith.constant 0 : index
    %get3A_802 = arith.constant 0 : index
    %get3A_803 = vector.load %arg7[%get3A_801, %get3A_802] : memref<32x128xf32, #tpu.memory_space<vmem>>, vector<32x128xf32>
    %dot_general3A_804 = arith.constant dense<0.000000e+00> : vector<256x128xf32>
    %dot_general3A_805 = tpu.matmul %concatenate3A_800, %get3A_803, %dot_general3A_804 {dimension_numbers = #tpu.dot_dimension_numbers<[1], [0], [0], [1], [0, 0, 1, 1], [], []>, transpose_lhs_hint = false} : vector<256x32xf32>, vector<32x128xf32>, vector<256x128xf32> -> vector<256x128xf32>
    %get3A_806 = arith.constant 0 : index
    %get3A_807 = arith.constant 0 : index
    %get3A_808 = vector.load %arg8[%get3A_806, %get3A_807] : memref<1x128xf32, #tpu.memory_space<vmem>>, vector<1x128xf32>
    %add3A_809 = vector.broadcast %get3A_808 : vector<1x128xf32> to vector<256x128xf32>
    %add3A_810 = arith.addf %dot_general3A_805, %add3A_809 : vector<256x128xf32>
    %swap3A_811 = arith.constant 0 : index
    %swap3A_812 = arith.constant 12 : index
    %swap3A_813 = arith.constant 0 : index
    %swap3A_814 = vector.load %arg13[%swap3A_811, %swap3A_812, %swap3A_813] : memref<256x30x128xf32, #tpu.memory_space<vmem>>, vector<256x1x128xf32>
    %swap3A_815 = vector.shape_cast %swap3A_814 : vector<256x1x128xf32> to vector<256x128xf32>
    %swap3A_816 = vector.shape_cast %add3A_810 : vector<256x128xf32> to vector<256x1x128xf32>
    tpu.vector_store %arg13[%swap3A_811, %swap3A_812, %swap3A_813], %swap3A_816 {strides = array<i32>} : memref<256x30x128xf32, #tpu.memory_space<vmem>>, vector<256x1x128xf32>,
    %mul3A_817 = arith.constant 1024 : i32
    %mul3A_818 = arith.muli %arg0, %mul3A_817 : i32
    %add3A_819 = vector.broadcast %mul3A_818 : i32 to vector<256x1xi32>
    %add3A_820 = arith.addi %broadcast_in_dim3A_773, %add3A_819 : vector<256x1xi32>
    %swap3A_821 = arith.constant 0 : index
    %swap3A_822 = arith.constant 12 : index
    %swap3A_823 = vector.load %arg12[%swap3A_821, %swap3A_822] : memref<256x30xi32, #tpu.memory_space<vmem>>, vector<256x1xi32>
    tpu.vector_store %arg12[%swap3A_821, %swap3A_822], %add3A_820 {strides = array<i32>} : memref<256x30xi32, #tpu.memory_space<vmem>>, vector<256x1xi32>,
    %reduce_max3A_824 = arith.constant dense<0xFF800000> : vector<256xf32>
    %reduce_max3A_825 = vector.multi_reduction <maximumf>, %select_n3A_778, %reduce_max3A_824 [1] : vector<256x1024xf32> to vector<256xf32>
    %broadcast_in_dim3A_826 = vector.shape_cast %reduce_max3A_825 : vector<256xf32> to vector<256x1xf32>
    %eq3A_827 = vector.broadcast %broadcast_in_dim3A_826 : vector<256x1xf32> to vector<256x1024xf32>
    %eq3A_828 = arith.cmpf oeq, %select_n3A_778, %eq3A_827 : vector<256x1024xf32>
    %jit3A_829 = arith.constant 1024 : i32
    %broadcast_in_dim3A_830 = vector.broadcast %jit3A_829 : i32 to vector<256x1024xi32>
    %select_n3A_831 = arith.select %eq3A_828, %iota3A, %broadcast_in_dim3A_830 : vector<256x1024xi1>, vector<256x1024xi32>
    %reduce_min3A_832 = arith.constant dense<2147483647> : vector<256xi32>
    %reduce_min3A_833 = vector.multi_reduction <minsi>, %select_n3A_831, %reduce_min3A_832 [1] : vector<256x1024xi32> to vector<256xi32>
    %broadcast_in_dim3A_834 = vector.shape_cast %reduce_min3A_833 : vector<256xi32> to vector<256x1xi32>
    %eq3A_835 = vector.broadcast %broadcast_in_dim3A_834 : vector<256x1xi32> to vector<256x1024xi32>
    %eq3A_836 = arith.cmpi eq, %iota3A, %eq3A_835 : vector<256x1024xi32>
    %jit3A_837 = arith.constant -3.400000e+38 : f32
    %broadcast_in_dim3A_838 = vector.broadcast %jit3A_837 : f32 to vector<256x1024xf32>
    %select_n3A_839 = arith.select %eq3A_836, %broadcast_in_dim3A_838, %select_n3A_778 : vector<256x1024xi1>, vector<256x1024xf32>
    %neg3A_840 = arith.constant 0.000000e+00 : f32
    %neg3A_841 = vector.broadcast %neg3A_840 : f32 to vector<256x1xf32>
    %neg3A_842 = arith.subf %neg3A_841, %broadcast_in_dim3A_826 : vector<256x1xf32>
    %sub3A_843 = vector.broadcast %neg3A_842 : vector<256x1xf32> to vector<256x16xf32>
    %sub3A_844 = vector.broadcast %add3A_36 : vector<1x16xf32> to vector<256x16xf32>
    %sub3A_845 = arith.subf %sub3A_843, %sub3A_844 : vector<256x16xf32>
    %div3A_846 = arith.constant 1.250000e+00 : f32
    %div3A_847 = vector.broadcast %div3A_846 : f32 to vector<256x16xf32>
    %div3A_848 = arith.divf %sub3A_845, %div3A_847 : vector<256x16xf32>
    %integer_pow3A_849 = arith.mulf %div3A_848, %div3A_848 : vector<256x16xf32>
    %neg3A_850 = arith.constant 0.000000e+00 : f32
    %neg3A_851 = vector.broadcast %neg3A_850 : f32 to vector<256x16xf32>
    %neg3A_852 = arith.subf %neg3A_851, %integer_pow3A_849 : vector<256x16xf32>
    %exp3A_853 = math.exp %neg3A_852 : vector<256x16xf32>
    %sub3A_854 = arith.subi %broadcast_in_dim3A_834, %add3A_29 : vector<256x1xi32>
    %convert_element_type3A_855 = arith.sitofp %sub3A_854 : vector<256x1xi32> to vector<256x1xf32>
    %mul3A_856 = vector.broadcast %convert_element_type3A_855 : vector<256x1xf32> to vector<256x8xf32>
    %mul3A_857 = vector.broadcast %exp3A : vector<1x8xf32> to vector<256x8xf32>
    %mul3A_858 = arith.mulf %mul3A_856, %mul3A_857 : vector<256x8xf32>
    %cos3A_859 = math.cos %mul3A_858 : vector<256x8xf32>
    %sin3A_860 = math.sin %mul3A_858 : vector<256x8xf32>
    %concatenate3A_861 = tpu.concatenate %exp3A_853, %cos3A_859, %sin3A_860 in 1 : vector<256x16xf32>, vector<256x8xf32>, vector<256x8xf32> -> vector<256x32xf32>
    %get3A_862 = arith.constant 0 : index
    %get3A_863 = arith.constant 0 : index
    %get3A_864 = vector.load %arg7[%get3A_862, %get3A_863] : memref<32x128xf32, #tpu.memory_space<vmem>>, vector<32x128xf32>
    %dot_general3A_865 = arith.constant dense<0.000000e+00> : vector<256x128xf32>
    %dot_general3A_866 = tpu.matmul %concatenate3A_861, %get3A_864, %dot_general3A_865 {dimension_numbers = #tpu.dot_dimension_numbers<[1], [0], [0], [1], [0, 0, 1, 1], [], []>, transpose_lhs_hint = false} : vector<256x32xf32>, vector<32x128xf32>, vector<256x128xf32> -> vector<256x128xf32>
    %get3A_867 = arith.constant 0 : index
    %get3A_868 = arith.constant 0 : index
    %get3A_869 = vector.load %arg8[%get3A_867, %get3A_868] : memref<1x128xf32, #tpu.memory_space<vmem>>, vector<1x128xf32>
    %add3A_870 = vector.broadcast %get3A_869 : vector<1x128xf32> to vector<256x128xf32>
    %add3A_871 = arith.addf %dot_general3A_866, %add3A_870 : vector<256x128xf32>
    %swap3A_872 = arith.constant 0 : index
    %swap3A_873 = arith.constant 13 : index
    %swap3A_874 = arith.constant 0 : index
    %swap3A_875 = vector.load %arg13[%swap3A_872, %swap3A_873, %swap3A_874] : memref<256x30x128xf32, #tpu.memory_space<vmem>>, vector<256x1x128xf32>
    %swap3A_876 = vector.shape_cast %swap3A_875 : vector<256x1x128xf32> to vector<256x128xf32>
    %swap3A_877 = vector.shape_cast %add3A_871 : vector<256x128xf32> to vector<256x1x128xf32>
    tpu.vector_store %arg13[%swap3A_872, %swap3A_873, %swap3A_874], %swap3A_877 {strides = array<i32>} : memref<256x30x128xf32, #tpu.memory_space<vmem>>, vector<256x1x128xf32>,
    %mul3A_878 = arith.constant 1024 : i32
    %mul3A_879 = arith.muli %arg0, %mul3A_878 : i32
    %add3A_880 = vector.broadcast %mul3A_879 : i32 to vector<256x1xi32>
    %add3A_881 = arith.addi %broadcast_in_dim3A_834, %add3A_880 : vector<256x1xi32>
    %swap3A_882 = arith.constant 0 : index
    %swap3A_883 = arith.constant 13 : index
    %swap3A_884 = vector.load %arg12[%swap3A_882, %swap3A_883] : memref<256x30xi32, #tpu.memory_space<vmem>>, vector<256x1xi32>
    tpu.vector_store %arg12[%swap3A_882, %swap3A_883], %add3A_881 {strides = array<i32>} : memref<256x30xi32, #tpu.memory_space<vmem>>, vector<256x1xi32>,
    %reduce_max3A_885 = arith.constant dense<0xFF800000> : vector<256xf32>
    %reduce_max3A_886 = vector.multi_reduction <maximumf>, %select_n3A_839, %reduce_max3A_885 [1] : vector<256x1024xf32> to vector<256xf32>
    %broadcast_in_dim3A_887 = vector.shape_cast %reduce_max3A_886 : vector<256xf32> to vector<256x1xf32>
    %eq3A_888 = vector.broadcast %broadcast_in_dim3A_887 : vector<256x1xf32> to vector<256x1024xf32>
    %eq3A_889 = arith.cmpf oeq, %select_n3A_839, %eq3A_888 : vector<256x1024xf32>
    %jit3A_890 = arith.constant 1024 : i32
    %broadcast_in_dim3A_891 = vector.broadcast %jit3A_890 : i32 to vector<256x1024xi32>
    %select_n3A_892 = arith.select %eq3A_889, %iota3A, %broadcast_in_dim3A_891 : vector<256x1024xi1>, vector<256x1024xi32>
    %reduce_min3A_893 = arith.constant dense<2147483647> : vector<256xi32>
    %reduce_min3A_894 = vector.multi_reduction <minsi>, %select_n3A_892, %reduce_min3A_893 [1] : vector<256x1024xi32> to vector<256xi32>
    %broadcast_in_dim3A_895 = vector.shape_cast %reduce_min3A_894 : vector<256xi32> to vector<256x1xi32>
    %eq3A_896 = vector.broadcast %broadcast_in_dim3A_895 : vector<256x1xi32> to vector<256x1024xi32>
    %eq3A_897 = arith.cmpi eq, %iota3A, %eq3A_896 : vector<256x1024xi32>
    %jit3A_898 = arith.constant -3.400000e+38 : f32
    %broadcast_in_dim3A_899 = vector.broadcast %jit3A_898 : f32 to vector<256x1024xf32>
    %select_n3A_900 = arith.select %eq3A_897, %broadcast_in_dim3A_899, %select_n3A_839 : vector<256x1024xi1>, vector<256x1024xf32>
    %neg3A_901 = arith.constant 0.000000e+00 : f32
    %neg3A_902 = vector.broadcast %neg3A_901 : f32 to vector<256x1xf32>
    %neg3A_903 = arith.subf %neg3A_902, %broadcast_in_dim3A_887 : vector<256x1xf32>
    %sub3A_904 = vector.broadcast %neg3A_903 : vector<256x1xf32> to vector<256x16xf32>
    %sub3A_905 = vector.broadcast %add3A_36 : vector<1x16xf32> to vector<256x16xf32>
    %sub3A_906 = arith.subf %sub3A_904, %sub3A_905 : vector<256x16xf32>
    %div3A_907 = arith.constant 1.250000e+00 : f32
    %div3A_908 = vector.broadcast %div3A_907 : f32 to vector<256x16xf32>
    %div3A_909 = arith.divf %sub3A_906, %div3A_908 : vector<256x16xf32>
    %integer_pow3A_910 = arith.mulf %div3A_909, %div3A_909 : vector<256x16xf32>
    %neg3A_911 = arith.constant 0.000000e+00 : f32
    %neg3A_912 = vector.broadcast %neg3A_911 : f32 to vector<256x16xf32>
    %neg3A_913 = arith.subf %neg3A_912, %integer_pow3A_910 : vector<256x16xf32>
    %exp3A_914 = math.exp %neg3A_913 : vector<256x16xf32>
    %sub3A_915 = arith.subi %broadcast_in_dim3A_895, %add3A_29 : vector<256x1xi32>
    %convert_element_type3A_916 = arith.sitofp %sub3A_915 : vector<256x1xi32> to vector<256x1xf32>
    %mul3A_917 = vector.broadcast %convert_element_type3A_916 : vector<256x1xf32> to vector<256x8xf32>
    %mul3A_918 = vector.broadcast %exp3A : vector<1x8xf32> to vector<256x8xf32>
    %mul3A_919 = arith.mulf %mul3A_917, %mul3A_918 : vector<256x8xf32>
    %cos3A_920 = math.cos %mul3A_919 : vector<256x8xf32>
    %sin3A_921 = math.sin %mul3A_919 : vector<256x8xf32>
    %concatenate3A_922 = tpu.concatenate %exp3A_914, %cos3A_920, %sin3A_921 in 1 : vector<256x16xf32>, vector<256x8xf32>, vector<256x8xf32> -> vector<256x32xf32>
    %get3A_923 = arith.constant 0 : index
    %get3A_924 = arith.constant 0 : index
    %get3A_925 = vector.load %arg7[%get3A_923, %get3A_924] : memref<32x128xf32, #tpu.memory_space<vmem>>, vector<32x128xf32>
    %dot_general3A_926 = arith.constant dense<0.000000e+00> : vector<256x128xf32>
    %dot_general3A_927 = tpu.matmul %concatenate3A_922, %get3A_925, %dot_general3A_926 {dimension_numbers = #tpu.dot_dimension_numbers<[1], [0], [0], [1], [0, 0, 1, 1], [], []>, transpose_lhs_hint = false} : vector<256x32xf32>, vector<32x128xf32>, vector<256x128xf32> -> vector<256x128xf32>
    %get3A_928 = arith.constant 0 : index
    %get3A_929 = arith.constant 0 : index
    %get3A_930 = vector.load %arg8[%get3A_928, %get3A_929] : memref<1x128xf32, #tpu.memory_space<vmem>>, vector<1x128xf32>
    %add3A_931 = vector.broadcast %get3A_930 : vector<1x128xf32> to vector<256x128xf32>
    %add3A_932 = arith.addf %dot_general3A_927, %add3A_931 : vector<256x128xf32>
    %swap3A_933 = arith.constant 0 : index
    %swap3A_934 = arith.constant 14 : index
    %swap3A_935 = arith.constant 0 : index
    %swap3A_936 = vector.load %arg13[%swap3A_933, %swap3A_934, %swap3A_935] : memref<256x30x128xf32, #tpu.memory_space<vmem>>, vector<256x1x128xf32>
    %swap3A_937 = vector.shape_cast %swap3A_936 : vector<256x1x128xf32> to vector<256x128xf32>
    %swap3A_938 = vector.shape_cast %add3A_932 : vector<256x128xf32> to vector<256x1x128xf32>
    tpu.vector_store %arg13[%swap3A_933, %swap3A_934, %swap3A_935], %swap3A_938 {strides = array<i32>} : memref<256x30x128xf32, #tpu.memory_space<vmem>>, vector<256x1x128xf32>,
    %mul3A_939 = arith.constant 1024 : i32
    %mul3A_940 = arith.muli %arg0, %mul3A_939 : i32
    %add3A_941 = vector.broadcast %mul3A_940 : i32 to vector<256x1xi32>
    %add3A_942 = arith.addi %broadcast_in_dim3A_895, %add3A_941 : vector<256x1xi32>
    %swap3A_943 = arith.constant 0 : index
    %swap3A_944 = arith.constant 14 : index
    %swap3A_945 = vector.load %arg12[%swap3A_943, %swap3A_944] : memref<256x30xi32, #tpu.memory_space<vmem>>, vector<256x1xi32>
    tpu.vector_store %arg12[%swap3A_943, %swap3A_944], %add3A_942 {strides = array<i32>} : memref<256x30xi32, #tpu.memory_space<vmem>>, vector<256x1xi32>,
    %reduce_max3A_946 = arith.constant dense<0xFF800000> : vector<256xf32>
    %reduce_max3A_947 = vector.multi_reduction <maximumf>, %select_n3A_900, %reduce_max3A_946 [1] : vector<256x1024xf32> to vector<256xf32>
    %broadcast_in_dim3A_948 = vector.shape_cast %reduce_max3A_947 : vector<256xf32> to vector<256x1xf32>
    %eq3A_949 = vector.broadcast %broadcast_in_dim3A_948 : vector<256x1xf32> to vector<256x1024xf32>
    %eq3A_950 = arith.cmpf oeq, %select_n3A_900, %eq3A_949 : vector<256x1024xf32>
    %jit3A_951 = arith.constant 1024 : i32
    %broadcast_in_dim3A_952 = vector.broadcast %jit3A_951 : i32 to vector<256x1024xi32>
    %select_n3A_953 = arith.select %eq3A_950, %iota3A, %broadcast_in_dim3A_952 : vector<256x1024xi1>, vector<256x1024xi32>
    %reduce_min3A_954 = arith.constant dense<2147483647> : vector<256xi32>
    %reduce_min3A_955 = vector.multi_reduction <minsi>, %select_n3A_953, %reduce_min3A_954 [1] : vector<256x1024xi32> to vector<256xi32>
    %broadcast_in_dim3A_956 = vector.shape_cast %reduce_min3A_955 : vector<256xi32> to vector<256x1xi32>
    %eq3A_957 = vector.broadcast %broadcast_in_dim3A_956 : vector<256x1xi32> to vector<256x1024xi32>
    %eq3A_958 = arith.cmpi eq, %iota3A, %eq3A_957 : vector<256x1024xi32>
    %jit3A_959 = arith.constant -3.400000e+38 : f32
    %broadcast_in_dim3A_960 = vector.broadcast %jit3A_959 : f32 to vector<256x1024xf32>
    %select_n3A_961 = arith.select %eq3A_958, %broadcast_in_dim3A_960, %select_n3A_900 : vector<256x1024xi1>, vector<256x1024xf32>
    %neg3A_962 = arith.constant 0.000000e+00 : f32
    %neg3A_963 = vector.broadcast %neg3A_962 : f32 to vector<256x1xf32>
    %neg3A_964 = arith.subf %neg3A_963, %broadcast_in_dim3A_948 : vector<256x1xf32>
    %sub3A_965 = vector.broadcast %neg3A_964 : vector<256x1xf32> to vector<256x16xf32>
    %sub3A_966 = vector.broadcast %add3A_36 : vector<1x16xf32> to vector<256x16xf32>
    %sub3A_967 = arith.subf %sub3A_965, %sub3A_966 : vector<256x16xf32>
    %div3A_968 = arith.constant 1.250000e+00 : f32
    %div3A_969 = vector.broadcast %div3A_968 : f32 to vector<256x16xf32>
    %div3A_970 = arith.divf %sub3A_967, %div3A_969 : vector<256x16xf32>
    %integer_pow3A_971 = arith.mulf %div3A_970, %div3A_970 : vector<256x16xf32>
    %neg3A_972 = arith.constant 0.000000e+00 : f32
    %neg3A_973 = vector.broadcast %neg3A_972 : f32 to vector<256x16xf32>
    %neg3A_974 = arith.subf %neg3A_973, %integer_pow3A_971 : vector<256x16xf32>
    %exp3A_975 = math.exp %neg3A_974 : vector<256x16xf32>
    %sub3A_976 = arith.subi %broadcast_in_dim3A_956, %add3A_29 : vector<256x1xi32>
    %convert_element_type3A_977 = arith.sitofp %sub3A_976 : vector<256x1xi32> to vector<256x1xf32>
    %mul3A_978 = vector.broadcast %convert_element_type3A_977 : vector<256x1xf32> to vector<256x8xf32>
    %mul3A_979 = vector.broadcast %exp3A : vector<1x8xf32> to vector<256x8xf32>
    %mul3A_980 = arith.mulf %mul3A_978, %mul3A_979 : vector<256x8xf32>
    %cos3A_981 = math.cos %mul3A_980 : vector<256x8xf32>
    %sin3A_982 = math.sin %mul3A_980 : vector<256x8xf32>
    %concatenate3A_983 = tpu.concatenate %exp3A_975, %cos3A_981, %sin3A_982 in 1 : vector<256x16xf32>, vector<256x8xf32>, vector<256x8xf32> -> vector<256x32xf32>
    %get3A_984 = arith.constant 0 : index
    %get3A_985 = arith.constant 0 : index
    %get3A_986 = vector.load %arg7[%get3A_984, %get3A_985] : memref<32x128xf32, #tpu.memory_space<vmem>>, vector<32x128xf32>
    %dot_general3A_987 = arith.constant dense<0.000000e+00> : vector<256x128xf32>
    %dot_general3A_988 = tpu.matmul %concatenate3A_983, %get3A_986, %dot_general3A_987 {dimension_numbers = #tpu.dot_dimension_numbers<[1], [0], [0], [1], [0, 0, 1, 1], [], []>, transpose_lhs_hint = false} : vector<256x32xf32>, vector<32x128xf32>, vector<256x128xf32> -> vector<256x128xf32>
    %get3A_989 = arith.constant 0 : index
    %get3A_990 = arith.constant 0 : index
    %get3A_991 = vector.load %arg8[%get3A_989, %get3A_990] : memref<1x128xf32, #tpu.memory_space<vmem>>, vector<1x128xf32>
    %add3A_992 = vector.broadcast %get3A_991 : vector<1x128xf32> to vector<256x128xf32>
    %add3A_993 = arith.addf %dot_general3A_988, %add3A_992 : vector<256x128xf32>
    %swap3A_994 = arith.constant 0 : index
    %swap3A_995 = arith.constant 15 : index
    %swap3A_996 = arith.constant 0 : index
    %swap3A_997 = vector.load %arg13[%swap3A_994, %swap3A_995, %swap3A_996] : memref<256x30x128xf32, #tpu.memory_space<vmem>>, vector<256x1x128xf32>
    %swap3A_998 = vector.shape_cast %swap3A_997 : vector<256x1x128xf32> to vector<256x128xf32>
    %swap3A_999 = vector.shape_cast %add3A_993 : vector<256x128xf32> to vector<256x1x128xf32>
    tpu.vector_store %arg13[%swap3A_994, %swap3A_995, %swap3A_996], %swap3A_999 {strides = array<i32>} : memref<256x30x128xf32, #tpu.memory_space<vmem>>, vector<256x1x128xf32>,
    %mul3A_1000 = arith.constant 1024 : i32
    %mul3A_1001 = arith.muli %arg0, %mul3A_1000 : i32
    %add3A_1002 = vector.broadcast %mul3A_1001 : i32 to vector<256x1xi32>
    %add3A_1003 = arith.addi %broadcast_in_dim3A_956, %add3A_1002 : vector<256x1xi32>
    %swap3A_1004 = arith.constant 0 : index
    %swap3A_1005 = arith.constant 15 : index
    %swap3A_1006 = vector.load %arg12[%swap3A_1004, %swap3A_1005] : memref<256x30xi32, #tpu.memory_space<vmem>>, vector<256x1xi32>
    tpu.vector_store %arg12[%swap3A_1004, %swap3A_1005], %add3A_1003 {strides = array<i32>} : memref<256x30xi32, #tpu.memory_space<vmem>>, vector<256x1xi32>,
    %reduce_max3A_1007 = arith.constant dense<0xFF800000> : vector<256xf32>
    %reduce_max3A_1008 = vector.multi_reduction <maximumf>, %select_n3A_961, %reduce_max3A_1007 [1] : vector<256x1024xf32> to vector<256xf32>
    %broadcast_in_dim3A_1009 = vector.shape_cast %reduce_max3A_1008 : vector<256xf32> to vector<256x1xf32>
    %eq3A_1010 = vector.broadcast %broadcast_in_dim3A_1009 : vector<256x1xf32> to vector<256x1024xf32>
    %eq3A_1011 = arith.cmpf oeq, %select_n3A_961, %eq3A_1010 : vector<256x1024xf32>
    %jit3A_1012 = arith.constant 1024 : i32
    %broadcast_in_dim3A_1013 = vector.broadcast %jit3A_1012 : i32 to vector<256x1024xi32>
    %select_n3A_1014 = arith.select %eq3A_1011, %iota3A, %broadcast_in_dim3A_1013 : vector<256x1024xi1>, vector<256x1024xi32>
    %reduce_min3A_1015 = arith.constant dense<2147483647> : vector<256xi32>
    %reduce_min3A_1016 = vector.multi_reduction <minsi>, %select_n3A_1014, %reduce_min3A_1015 [1] : vector<256x1024xi32> to vector<256xi32>
    %broadcast_in_dim3A_1017 = vector.shape_cast %reduce_min3A_1016 : vector<256xi32> to vector<256x1xi32>
    %eq3A_1018 = vector.broadcast %broadcast_in_dim3A_1017 : vector<256x1xi32> to vector<256x1024xi32>
    %eq3A_1019 = arith.cmpi eq, %iota3A, %eq3A_1018 : vector<256x1024xi32>
    %jit3A_1020 = arith.constant -3.400000e+38 : f32
    %broadcast_in_dim3A_1021 = vector.broadcast %jit3A_1020 : f32 to vector<256x1024xf32>
    %select_n3A_1022 = arith.select %eq3A_1019, %broadcast_in_dim3A_1021, %select_n3A_961 : vector<256x1024xi1>, vector<256x1024xf32>
    %neg3A_1023 = arith.constant 0.000000e+00 : f32
    %neg3A_1024 = vector.broadcast %neg3A_1023 : f32 to vector<256x1xf32>
    %neg3A_1025 = arith.subf %neg3A_1024, %broadcast_in_dim3A_1009 : vector<256x1xf32>
    %sub3A_1026 = vector.broadcast %neg3A_1025 : vector<256x1xf32> to vector<256x16xf32>
    %sub3A_1027 = vector.broadcast %add3A_36 : vector<1x16xf32> to vector<256x16xf32>
    %sub3A_1028 = arith.subf %sub3A_1026, %sub3A_1027 : vector<256x16xf32>
    %div3A_1029 = arith.constant 1.250000e+00 : f32
    %div3A_1030 = vector.broadcast %div3A_1029 : f32 to vector<256x16xf32>
    %div3A_1031 = arith.divf %sub3A_1028, %div3A_1030 : vector<256x16xf32>
    %integer_pow3A_1032 = arith.mulf %div3A_1031, %div3A_1031 : vector<256x16xf32>
    %neg3A_1033 = arith.constant 0.000000e+00 : f32
    %neg3A_1034 = vector.broadcast %neg3A_1033 : f32 to vector<256x16xf32>
    %neg3A_1035 = arith.subf %neg3A_1034, %integer_pow3A_1032 : vector<256x16xf32>
    %exp3A_1036 = math.exp %neg3A_1035 : vector<256x16xf32>
    %sub3A_1037 = arith.subi %broadcast_in_dim3A_1017, %add3A_29 : vector<256x1xi32>
    %convert_element_type3A_1038 = arith.sitofp %sub3A_1037 : vector<256x1xi32> to vector<256x1xf32>
    %mul3A_1039 = vector.broadcast %convert_element_type3A_1038 : vector<256x1xf32> to vector<256x8xf32>
    %mul3A_1040 = vector.broadcast %exp3A : vector<1x8xf32> to vector<256x8xf32>
    %mul3A_1041 = arith.mulf %mul3A_1039, %mul3A_1040 : vector<256x8xf32>
    %cos3A_1042 = math.cos %mul3A_1041 : vector<256x8xf32>
    %sin3A_1043 = math.sin %mul3A_1041 : vector<256x8xf32>
    %concatenate3A_1044 = tpu.concatenate %exp3A_1036, %cos3A_1042, %sin3A_1043 in 1 : vector<256x16xf32>, vector<256x8xf32>, vector<256x8xf32> -> vector<256x32xf32>
    %get3A_1045 = arith.constant 0 : index
    %get3A_1046 = arith.constant 0 : index
    %get3A_1047 = vector.load %arg7[%get3A_1045, %get3A_1046] : memref<32x128xf32, #tpu.memory_space<vmem>>, vector<32x128xf32>
    %dot_general3A_1048 = arith.constant dense<0.000000e+00> : vector<256x128xf32>
    %dot_general3A_1049 = tpu.matmul %concatenate3A_1044, %get3A_1047, %dot_general3A_1048 {dimension_numbers = #tpu.dot_dimension_numbers<[1], [0], [0], [1], [0, 0, 1, 1], [], []>, transpose_lhs_hint = false} : vector<256x32xf32>, vector<32x128xf32>, vector<256x128xf32> -> vector<256x128xf32>
    %get3A_1050 = arith.constant 0 : index
    %get3A_1051 = arith.constant 0 : index
    %get3A_1052 = vector.load %arg8[%get3A_1050, %get3A_1051] : memref<1x128xf32, #tpu.memory_space<vmem>>, vector<1x128xf32>
    %add3A_1053 = vector.broadcast %get3A_1052 : vector<1x128xf32> to vector<256x128xf32>
    %add3A_1054 = arith.addf %dot_general3A_1049, %add3A_1053 : vector<256x128xf32>
    %swap3A_1055 = arith.constant 0 : index
    %swap3A_1056 = arith.constant 16 : index
    %swap3A_1057 = arith.constant 0 : index
    %swap3A_1058 = vector.load %arg13[%swap3A_1055, %swap3A_1056, %swap3A_1057] : memref<256x30x128xf32, #tpu.memory_space<vmem>>, vector<256x1x128xf32>
    %swap3A_1059 = vector.shape_cast %swap3A_1058 : vector<256x1x128xf32> to vector<256x128xf32>
    %swap3A_1060 = vector.shape_cast %add3A_1054 : vector<256x128xf32> to vector<256x1x128xf32>
    tpu.vector_store %arg13[%swap3A_1055, %swap3A_1056, %swap3A_1057], %swap3A_1060 {strides = array<i32>} : memref<256x30x128xf32, #tpu.memory_space<vmem>>, vector<256x1x128xf32>,
    %mul3A_1061 = arith.constant 1024 : i32
    %mul3A_1062 = arith.muli %arg0, %mul3A_1061 : i32
    %add3A_1063 = vector.broadcast %mul3A_1062 : i32 to vector<256x1xi32>
    %add3A_1064 = arith.addi %broadcast_in_dim3A_1017, %add3A_1063 : vector<256x1xi32>
    %swap3A_1065 = arith.constant 0 : index
    %swap3A_1066 = arith.constant 16 : index
    %swap3A_1067 = vector.load %arg12[%swap3A_1065, %swap3A_1066] : memref<256x30xi32, #tpu.memory_space<vmem>>, vector<256x1xi32>
    tpu.vector_store %arg12[%swap3A_1065, %swap3A_1066], %add3A_1064 {strides = array<i32>} : memref<256x30xi32, #tpu.memory_space<vmem>>, vector<256x1xi32>,
    %reduce_max3A_1068 = arith.constant dense<0xFF800000> : vector<256xf32>
    %reduce_max3A_1069 = vector.multi_reduction <maximumf>, %select_n3A_1022, %reduce_max3A_1068 [1] : vector<256x1024xf32> to vector<256xf32>
    %broadcast_in_dim3A_1070 = vector.shape_cast %reduce_max3A_1069 : vector<256xf32> to vector<256x1xf32>
    %eq3A_1071 = vector.broadcast %broadcast_in_dim3A_1070 : vector<256x1xf32> to vector<256x1024xf32>
    %eq3A_1072 = arith.cmpf oeq, %select_n3A_1022, %eq3A_1071 : vector<256x1024xf32>
    %jit3A_1073 = arith.constant 1024 : i32
    %broadcast_in_dim3A_1074 = vector.broadcast %jit3A_1073 : i32 to vector<256x1024xi32>
    %select_n3A_1075 = arith.select %eq3A_1072, %iota3A, %broadcast_in_dim3A_1074 : vector<256x1024xi1>, vector<256x1024xi32>
    %reduce_min3A_1076 = arith.constant dense<2147483647> : vector<256xi32>
    %reduce_min3A_1077 = vector.multi_reduction <minsi>, %select_n3A_1075, %reduce_min3A_1076 [1] : vector<256x1024xi32> to vector<256xi32>
    %broadcast_in_dim3A_1078 = vector.shape_cast %reduce_min3A_1077 : vector<256xi32> to vector<256x1xi32>
    %eq3A_1079 = vector.broadcast %broadcast_in_dim3A_1078 : vector<256x1xi32> to vector<256x1024xi32>
    %eq3A_1080 = arith.cmpi eq, %iota3A, %eq3A_1079 : vector<256x1024xi32>
    %jit3A_1081 = arith.constant -3.400000e+38 : f32
    %broadcast_in_dim3A_1082 = vector.broadcast %jit3A_1081 : f32 to vector<256x1024xf32>
    %select_n3A_1083 = arith.select %eq3A_1080, %broadcast_in_dim3A_1082, %select_n3A_1022 : vector<256x1024xi1>, vector<256x1024xf32>
    %neg3A_1084 = arith.constant 0.000000e+00 : f32
    %neg3A_1085 = vector.broadcast %neg3A_1084 : f32 to vector<256x1xf32>
    %neg3A_1086 = arith.subf %neg3A_1085, %broadcast_in_dim3A_1070 : vector<256x1xf32>
    %sub3A_1087 = vector.broadcast %neg3A_1086 : vector<256x1xf32> to vector<256x16xf32>
    %sub3A_1088 = vector.broadcast %add3A_36 : vector<1x16xf32> to vector<256x16xf32>
    %sub3A_1089 = arith.subf %sub3A_1087, %sub3A_1088 : vector<256x16xf32>
    %div3A_1090 = arith.constant 1.250000e+00 : f32
    %div3A_1091 = vector.broadcast %div3A_1090 : f32 to vector<256x16xf32>
    %div3A_1092 = arith.divf %sub3A_1089, %div3A_1091 : vector<256x16xf32>
    %integer_pow3A_1093 = arith.mulf %div3A_1092, %div3A_1092 : vector<256x16xf32>
    %neg3A_1094 = arith.constant 0.000000e+00 : f32
    %neg3A_1095 = vector.broadcast %neg3A_1094 : f32 to vector<256x16xf32>
    %neg3A_1096 = arith.subf %neg3A_1095, %integer_pow3A_1093 : vector<256x16xf32>
    %exp3A_1097 = math.exp %neg3A_1096 : vector<256x16xf32>
    %sub3A_1098 = arith.subi %broadcast_in_dim3A_1078, %add3A_29 : vector<256x1xi32>
    %convert_element_type3A_1099 = arith.sitofp %sub3A_1098 : vector<256x1xi32> to vector<256x1xf32>
    %mul3A_1100 = vector.broadcast %convert_element_type3A_1099 : vector<256x1xf32> to vector<256x8xf32>
    %mul3A_1101 = vector.broadcast %exp3A : vector<1x8xf32> to vector<256x8xf32>
    %mul3A_1102 = arith.mulf %mul3A_1100, %mul3A_1101 : vector<256x8xf32>
    %cos3A_1103 = math.cos %mul3A_1102 : vector<256x8xf32>
    %sin3A_1104 = math.sin %mul3A_1102 : vector<256x8xf32>
    %concatenate3A_1105 = tpu.concatenate %exp3A_1097, %cos3A_1103, %sin3A_1104 in 1 : vector<256x16xf32>, vector<256x8xf32>, vector<256x8xf32> -> vector<256x32xf32>
    %get3A_1106 = arith.constant 0 : index
    %get3A_1107 = arith.constant 0 : index
    %get3A_1108 = vector.load %arg7[%get3A_1106, %get3A_1107] : memref<32x128xf32, #tpu.memory_space<vmem>>, vector<32x128xf32>
    %dot_general3A_1109 = arith.constant dense<0.000000e+00> : vector<256x128xf32>
    %dot_general3A_1110 = tpu.matmul %concatenate3A_1105, %get3A_1108, %dot_general3A_1109 {dimension_numbers = #tpu.dot_dimension_numbers<[1], [0], [0], [1], [0, 0, 1, 1], [], []>, transpose_lhs_hint = false} : vector<256x32xf32>, vector<32x128xf32>, vector<256x128xf32> -> vector<256x128xf32>
    %get3A_1111 = arith.constant 0 : index
    %get3A_1112 = arith.constant 0 : index
    %get3A_1113 = vector.load %arg8[%get3A_1111, %get3A_1112] : memref<1x128xf32, #tpu.memory_space<vmem>>, vector<1x128xf32>
    %add3A_1114 = vector.broadcast %get3A_1113 : vector<1x128xf32> to vector<256x128xf32>
    %add3A_1115 = arith.addf %dot_general3A_1110, %add3A_1114 : vector<256x128xf32>
    %swap3A_1116 = arith.constant 0 : index
    %swap3A_1117 = arith.constant 17 : index
    %swap3A_1118 = arith.constant 0 : index
    %swap3A_1119 = vector.load %arg13[%swap3A_1116, %swap3A_1117, %swap3A_1118] : memref<256x30x128xf32, #tpu.memory_space<vmem>>, vector<256x1x128xf32>
    %swap3A_1120 = vector.shape_cast %swap3A_1119 : vector<256x1x128xf32> to vector<256x128xf32>
    %swap3A_1121 = vector.shape_cast %add3A_1115 : vector<256x128xf32> to vector<256x1x128xf32>
    tpu.vector_store %arg13[%swap3A_1116, %swap3A_1117, %swap3A_1118], %swap3A_1121 {strides = array<i32>} : memref<256x30x128xf32, #tpu.memory_space<vmem>>, vector<256x1x128xf32>,
    %mul3A_1122 = arith.constant 1024 : i32
    %mul3A_1123 = arith.muli %arg0, %mul3A_1122 : i32
    %add3A_1124 = vector.broadcast %mul3A_1123 : i32 to vector<256x1xi32>
    %add3A_1125 = arith.addi %broadcast_in_dim3A_1078, %add3A_1124 : vector<256x1xi32>
    %swap3A_1126 = arith.constant 0 : index
    %swap3A_1127 = arith.constant 17 : index
    %swap3A_1128 = vector.load %arg12[%swap3A_1126, %swap3A_1127] : memref<256x30xi32, #tpu.memory_space<vmem>>, vector<256x1xi32>
    tpu.vector_store %arg12[%swap3A_1126, %swap3A_1127], %add3A_1125 {strides = array<i32>} : memref<256x30xi32, #tpu.memory_space<vmem>>, vector<256x1xi32>,
    %reduce_max3A_1129 = arith.constant dense<0xFF800000> : vector<256xf32>
    %reduce_max3A_1130 = vector.multi_reduction <maximumf>, %select_n3A_1083, %reduce_max3A_1129 [1] : vector<256x1024xf32> to vector<256xf32>
    %broadcast_in_dim3A_1131 = vector.shape_cast %reduce_max3A_1130 : vector<256xf32> to vector<256x1xf32>
    %eq3A_1132 = vector.broadcast %broadcast_in_dim3A_1131 : vector<256x1xf32> to vector<256x1024xf32>
    %eq3A_1133 = arith.cmpf oeq, %select_n3A_1083, %eq3A_1132 : vector<256x1024xf32>
    %jit3A_1134 = arith.constant 1024 : i32
    %broadcast_in_dim3A_1135 = vector.broadcast %jit3A_1134 : i32 to vector<256x1024xi32>
    %select_n3A_1136 = arith.select %eq3A_1133, %iota3A, %broadcast_in_dim3A_1135 : vector<256x1024xi1>, vector<256x1024xi32>
    %reduce_min3A_1137 = arith.constant dense<2147483647> : vector<256xi32>
    %reduce_min3A_1138 = vector.multi_reduction <minsi>, %select_n3A_1136, %reduce_min3A_1137 [1] : vector<256x1024xi32> to vector<256xi32>
    %broadcast_in_dim3A_1139 = vector.shape_cast %reduce_min3A_1138 : vector<256xi32> to vector<256x1xi32>
    %eq3A_1140 = vector.broadcast %broadcast_in_dim3A_1139 : vector<256x1xi32> to vector<256x1024xi32>
    %eq3A_1141 = arith.cmpi eq, %iota3A, %eq3A_1140 : vector<256x1024xi32>
    %jit3A_1142 = arith.constant -3.400000e+38 : f32
    %broadcast_in_dim3A_1143 = vector.broadcast %jit3A_1142 : f32 to vector<256x1024xf32>
    %select_n3A_1144 = arith.select %eq3A_1141, %broadcast_in_dim3A_1143, %select_n3A_1083 : vector<256x1024xi1>, vector<256x1024xf32>
    %neg3A_1145 = arith.constant 0.000000e+00 : f32
    %neg3A_1146 = vector.broadcast %neg3A_1145 : f32 to vector<256x1xf32>
    %neg3A_1147 = arith.subf %neg3A_1146, %broadcast_in_dim3A_1131 : vector<256x1xf32>
    %sub3A_1148 = vector.broadcast %neg3A_1147 : vector<256x1xf32> to vector<256x16xf32>
    %sub3A_1149 = vector.broadcast %add3A_36 : vector<1x16xf32> to vector<256x16xf32>
    %sub3A_1150 = arith.subf %sub3A_1148, %sub3A_1149 : vector<256x16xf32>
    %div3A_1151 = arith.constant 1.250000e+00 : f32
    %div3A_1152 = vector.broadcast %div3A_1151 : f32 to vector<256x16xf32>
    %div3A_1153 = arith.divf %sub3A_1150, %div3A_1152 : vector<256x16xf32>
    %integer_pow3A_1154 = arith.mulf %div3A_1153, %div3A_1153 : vector<256x16xf32>
    %neg3A_1155 = arith.constant 0.000000e+00 : f32
    %neg3A_1156 = vector.broadcast %neg3A_1155 : f32 to vector<256x16xf32>
    %neg3A_1157 = arith.subf %neg3A_1156, %integer_pow3A_1154 : vector<256x16xf32>
    %exp3A_1158 = math.exp %neg3A_1157 : vector<256x16xf32>
    %sub3A_1159 = arith.subi %broadcast_in_dim3A_1139, %add3A_29 : vector<256x1xi32>
    %convert_element_type3A_1160 = arith.sitofp %sub3A_1159 : vector<256x1xi32> to vector<256x1xf32>
    %mul3A_1161 = vector.broadcast %convert_element_type3A_1160 : vector<256x1xf32> to vector<256x8xf32>
    %mul3A_1162 = vector.broadcast %exp3A : vector<1x8xf32> to vector<256x8xf32>
    %mul3A_1163 = arith.mulf %mul3A_1161, %mul3A_1162 : vector<256x8xf32>
    %cos3A_1164 = math.cos %mul3A_1163 : vector<256x8xf32>
    %sin3A_1165 = math.sin %mul3A_1163 : vector<256x8xf32>
    %concatenate3A_1166 = tpu.concatenate %exp3A_1158, %cos3A_1164, %sin3A_1165 in 1 : vector<256x16xf32>, vector<256x8xf32>, vector<256x8xf32> -> vector<256x32xf32>
    %get3A_1167 = arith.constant 0 : index
    %get3A_1168 = arith.constant 0 : index
    %get3A_1169 = vector.load %arg7[%get3A_1167, %get3A_1168] : memref<32x128xf32, #tpu.memory_space<vmem>>, vector<32x128xf32>
    %dot_general3A_1170 = arith.constant dense<0.000000e+00> : vector<256x128xf32>
    %dot_general3A_1171 = tpu.matmul %concatenate3A_1166, %get3A_1169, %dot_general3A_1170 {dimension_numbers = #tpu.dot_dimension_numbers<[1], [0], [0], [1], [0, 0, 1, 1], [], []>, transpose_lhs_hint = false} : vector<256x32xf32>, vector<32x128xf32>, vector<256x128xf32> -> vector<256x128xf32>
    %get3A_1172 = arith.constant 0 : index
    %get3A_1173 = arith.constant 0 : index
    %get3A_1174 = vector.load %arg8[%get3A_1172, %get3A_1173] : memref<1x128xf32, #tpu.memory_space<vmem>>, vector<1x128xf32>
    %add3A_1175 = vector.broadcast %get3A_1174 : vector<1x128xf32> to vector<256x128xf32>
    %add3A_1176 = arith.addf %dot_general3A_1171, %add3A_1175 : vector<256x128xf32>
    %swap3A_1177 = arith.constant 0 : index
    %swap3A_1178 = arith.constant 18 : index
    %swap3A_1179 = arith.constant 0 : index
    %swap3A_1180 = vector.load %arg13[%swap3A_1177, %swap3A_1178, %swap3A_1179] : memref<256x30x128xf32, #tpu.memory_space<vmem>>, vector<256x1x128xf32>
    %swap3A_1181 = vector.shape_cast %swap3A_1180 : vector<256x1x128xf32> to vector<256x128xf32>
    %swap3A_1182 = vector.shape_cast %add3A_1176 : vector<256x128xf32> to vector<256x1x128xf32>
    tpu.vector_store %arg13[%swap3A_1177, %swap3A_1178, %swap3A_1179], %swap3A_1182 {strides = array<i32>} : memref<256x30x128xf32, #tpu.memory_space<vmem>>, vector<256x1x128xf32>,
    %mul3A_1183 = arith.constant 1024 : i32
    %mul3A_1184 = arith.muli %arg0, %mul3A_1183 : i32
    %add3A_1185 = vector.broadcast %mul3A_1184 : i32 to vector<256x1xi32>
    %add3A_1186 = arith.addi %broadcast_in_dim3A_1139, %add3A_1185 : vector<256x1xi32>
    %swap3A_1187 = arith.constant 0 : index
    %swap3A_1188 = arith.constant 18 : index
    %swap3A_1189 = vector.load %arg12[%swap3A_1187, %swap3A_1188] : memref<256x30xi32, #tpu.memory_space<vmem>>, vector<256x1xi32>
    tpu.vector_store %arg12[%swap3A_1187, %swap3A_1188], %add3A_1186 {strides = array<i32>} : memref<256x30xi32, #tpu.memory_space<vmem>>, vector<256x1xi32>,
    %reduce_max3A_1190 = arith.constant dense<0xFF800000> : vector<256xf32>
    %reduce_max3A_1191 = vector.multi_reduction <maximumf>, %select_n3A_1144, %reduce_max3A_1190 [1] : vector<256x1024xf32> to vector<256xf32>
    %broadcast_in_dim3A_1192 = vector.shape_cast %reduce_max3A_1191 : vector<256xf32> to vector<256x1xf32>
    %eq3A_1193 = vector.broadcast %broadcast_in_dim3A_1192 : vector<256x1xf32> to vector<256x1024xf32>
    %eq3A_1194 = arith.cmpf oeq, %select_n3A_1144, %eq3A_1193 : vector<256x1024xf32>
    %jit3A_1195 = arith.constant 1024 : i32
    %broadcast_in_dim3A_1196 = vector.broadcast %jit3A_1195 : i32 to vector<256x1024xi32>
    %select_n3A_1197 = arith.select %eq3A_1194, %iota3A, %broadcast_in_dim3A_1196 : vector<256x1024xi1>, vector<256x1024xi32>
    %reduce_min3A_1198 = arith.constant dense<2147483647> : vector<256xi32>
    %reduce_min3A_1199 = vector.multi_reduction <minsi>, %select_n3A_1197, %reduce_min3A_1198 [1] : vector<256x1024xi32> to vector<256xi32>
    %broadcast_in_dim3A_1200 = vector.shape_cast %reduce_min3A_1199 : vector<256xi32> to vector<256x1xi32>
    %eq3A_1201 = vector.broadcast %broadcast_in_dim3A_1200 : vector<256x1xi32> to vector<256x1024xi32>
    %eq3A_1202 = arith.cmpi eq, %iota3A, %eq3A_1201 : vector<256x1024xi32>
    %jit3A_1203 = arith.constant -3.400000e+38 : f32
    %broadcast_in_dim3A_1204 = vector.broadcast %jit3A_1203 : f32 to vector<256x1024xf32>
    %select_n3A_1205 = arith.select %eq3A_1202, %broadcast_in_dim3A_1204, %select_n3A_1144 : vector<256x1024xi1>, vector<256x1024xf32>
    %neg3A_1206 = arith.constant 0.000000e+00 : f32
    %neg3A_1207 = vector.broadcast %neg3A_1206 : f32 to vector<256x1xf32>
    %neg3A_1208 = arith.subf %neg3A_1207, %broadcast_in_dim3A_1192 : vector<256x1xf32>
    %sub3A_1209 = vector.broadcast %neg3A_1208 : vector<256x1xf32> to vector<256x16xf32>
    %sub3A_1210 = vector.broadcast %add3A_36 : vector<1x16xf32> to vector<256x16xf32>
    %sub3A_1211 = arith.subf %sub3A_1209, %sub3A_1210 : vector<256x16xf32>
    %div3A_1212 = arith.constant 1.250000e+00 : f32
    %div3A_1213 = vector.broadcast %div3A_1212 : f32 to vector<256x16xf32>
    %div3A_1214 = arith.divf %sub3A_1211, %div3A_1213 : vector<256x16xf32>
    %integer_pow3A_1215 = arith.mulf %div3A_1214, %div3A_1214 : vector<256x16xf32>
    %neg3A_1216 = arith.constant 0.000000e+00 : f32
    %neg3A_1217 = vector.broadcast %neg3A_1216 : f32 to vector<256x16xf32>
    %neg3A_1218 = arith.subf %neg3A_1217, %integer_pow3A_1215 : vector<256x16xf32>
    %exp3A_1219 = math.exp %neg3A_1218 : vector<256x16xf32>
    %sub3A_1220 = arith.subi %broadcast_in_dim3A_1200, %add3A_29 : vector<256x1xi32>
    %convert_element_type3A_1221 = arith.sitofp %sub3A_1220 : vector<256x1xi32> to vector<256x1xf32>
    %mul3A_1222 = vector.broadcast %convert_element_type3A_1221 : vector<256x1xf32> to vector<256x8xf32>
    %mul3A_1223 = vector.broadcast %exp3A : vector<1x8xf32> to vector<256x8xf32>
    %mul3A_1224 = arith.mulf %mul3A_1222, %mul3A_1223 : vector<256x8xf32>
    %cos3A_1225 = math.cos %mul3A_1224 : vector<256x8xf32>
    %sin3A_1226 = math.sin %mul3A_1224 : vector<256x8xf32>
    %concatenate3A_1227 = tpu.concatenate %exp3A_1219, %cos3A_1225, %sin3A_1226 in 1 : vector<256x16xf32>, vector<256x8xf32>, vector<256x8xf32> -> vector<256x32xf32>
    %get3A_1228 = arith.constant 0 : index
    %get3A_1229 = arith.constant 0 : index
    %get3A_1230 = vector.load %arg7[%get3A_1228, %get3A_1229] : memref<32x128xf32, #tpu.memory_space<vmem>>, vector<32x128xf32>
    %dot_general3A_1231 = arith.constant dense<0.000000e+00> : vector<256x128xf32>
    %dot_general3A_1232 = tpu.matmul %concatenate3A_1227, %get3A_1230, %dot_general3A_1231 {dimension_numbers = #tpu.dot_dimension_numbers<[1], [0], [0], [1], [0, 0, 1, 1], [], []>, transpose_lhs_hint = false} : vector<256x32xf32>, vector<32x128xf32>, vector<256x128xf32> -> vector<256x128xf32>
    %get3A_1233 = arith.constant 0 : index
    %get3A_1234 = arith.constant 0 : index
    %get3A_1235 = vector.load %arg8[%get3A_1233, %get3A_1234] : memref<1x128xf32, #tpu.memory_space<vmem>>, vector<1x128xf32>
    %add3A_1236 = vector.broadcast %get3A_1235 : vector<1x128xf32> to vector<256x128xf32>
    %add3A_1237 = arith.addf %dot_general3A_1232, %add3A_1236 : vector<256x128xf32>
    %swap3A_1238 = arith.constant 0 : index
    %swap3A_1239 = arith.constant 19 : index
    %swap3A_1240 = arith.constant 0 : index
    %swap3A_1241 = vector.load %arg13[%swap3A_1238, %swap3A_1239, %swap3A_1240] : memref<256x30x128xf32, #tpu.memory_space<vmem>>, vector<256x1x128xf32>
    %swap3A_1242 = vector.shape_cast %swap3A_1241 : vector<256x1x128xf32> to vector<256x128xf32>
    %swap3A_1243 = vector.shape_cast %add3A_1237 : vector<256x128xf32> to vector<256x1x128xf32>
    tpu.vector_store %arg13[%swap3A_1238, %swap3A_1239, %swap3A_1240], %swap3A_1243 {strides = array<i32>} : memref<256x30x128xf32, #tpu.memory_space<vmem>>, vector<256x1x128xf32>,
    %mul3A_1244 = arith.constant 1024 : i32
    %mul3A_1245 = arith.muli %arg0, %mul3A_1244 : i32
    %add3A_1246 = vector.broadcast %mul3A_1245 : i32 to vector<256x1xi32>
    %add3A_1247 = arith.addi %broadcast_in_dim3A_1200, %add3A_1246 : vector<256x1xi32>
    %swap3A_1248 = arith.constant 0 : index
    %swap3A_1249 = arith.constant 19 : index
    %swap3A_1250 = vector.load %arg12[%swap3A_1248, %swap3A_1249] : memref<256x30xi32, #tpu.memory_space<vmem>>, vector<256x1xi32>
    tpu.vector_store %arg12[%swap3A_1248, %swap3A_1249], %add3A_1247 {strides = array<i32>} : memref<256x30xi32, #tpu.memory_space<vmem>>, vector<256x1xi32>,
    %reduce_max3A_1251 = arith.constant dense<0xFF800000> : vector<256xf32>
    %reduce_max3A_1252 = vector.multi_reduction <maximumf>, %select_n3A_1205, %reduce_max3A_1251 [1] : vector<256x1024xf32> to vector<256xf32>
    %broadcast_in_dim3A_1253 = vector.shape_cast %reduce_max3A_1252 : vector<256xf32> to vector<256x1xf32>
    %eq3A_1254 = vector.broadcast %broadcast_in_dim3A_1253 : vector<256x1xf32> to vector<256x1024xf32>
    %eq3A_1255 = arith.cmpf oeq, %select_n3A_1205, %eq3A_1254 : vector<256x1024xf32>
    %jit3A_1256 = arith.constant 1024 : i32
    %broadcast_in_dim3A_1257 = vector.broadcast %jit3A_1256 : i32 to vector<256x1024xi32>
    %select_n3A_1258 = arith.select %eq3A_1255, %iota3A, %broadcast_in_dim3A_1257 : vector<256x1024xi1>, vector<256x1024xi32>
    %reduce_min3A_1259 = arith.constant dense<2147483647> : vector<256xi32>
    %reduce_min3A_1260 = vector.multi_reduction <minsi>, %select_n3A_1258, %reduce_min3A_1259 [1] : vector<256x1024xi32> to vector<256xi32>
    %broadcast_in_dim3A_1261 = vector.shape_cast %reduce_min3A_1260 : vector<256xi32> to vector<256x1xi32>
    %eq3A_1262 = vector.broadcast %broadcast_in_dim3A_1261 : vector<256x1xi32> to vector<256x1024xi32>
    %eq3A_1263 = arith.cmpi eq, %iota3A, %eq3A_1262 : vector<256x1024xi32>
    %jit3A_1264 = arith.constant -3.400000e+38 : f32
    %broadcast_in_dim3A_1265 = vector.broadcast %jit3A_1264 : f32 to vector<256x1024xf32>
    %select_n3A_1266 = arith.select %eq3A_1263, %broadcast_in_dim3A_1265, %select_n3A_1205 : vector<256x1024xi1>, vector<256x1024xf32>
    %neg3A_1267 = arith.constant 0.000000e+00 : f32
    %neg3A_1268 = vector.broadcast %neg3A_1267 : f32 to vector<256x1xf32>
    %neg3A_1269 = arith.subf %neg3A_1268, %broadcast_in_dim3A_1253 : vector<256x1xf32>
    %sub3A_1270 = vector.broadcast %neg3A_1269 : vector<256x1xf32> to vector<256x16xf32>
    %sub3A_1271 = vector.broadcast %add3A_36 : vector<1x16xf32> to vector<256x16xf32>
    %sub3A_1272 = arith.subf %sub3A_1270, %sub3A_1271 : vector<256x16xf32>
    %div3A_1273 = arith.constant 1.250000e+00 : f32
    %div3A_1274 = vector.broadcast %div3A_1273 : f32 to vector<256x16xf32>
    %div3A_1275 = arith.divf %sub3A_1272, %div3A_1274 : vector<256x16xf32>
    %integer_pow3A_1276 = arith.mulf %div3A_1275, %div3A_1275 : vector<256x16xf32>
    %neg3A_1277 = arith.constant 0.000000e+00 : f32
    %neg3A_1278 = vector.broadcast %neg3A_1277 : f32 to vector<256x16xf32>
    %neg3A_1279 = arith.subf %neg3A_1278, %integer_pow3A_1276 : vector<256x16xf32>
    %exp3A_1280 = math.exp %neg3A_1279 : vector<256x16xf32>
    %sub3A_1281 = arith.subi %broadcast_in_dim3A_1261, %add3A_29 : vector<256x1xi32>
    %convert_element_type3A_1282 = arith.sitofp %sub3A_1281 : vector<256x1xi32> to vector<256x1xf32>
    %mul3A_1283 = vector.broadcast %convert_element_type3A_1282 : vector<256x1xf32> to vector<256x8xf32>
    %mul3A_1284 = vector.broadcast %exp3A : vector<1x8xf32> to vector<256x8xf32>
    %mul3A_1285 = arith.mulf %mul3A_1283, %mul3A_1284 : vector<256x8xf32>
    %cos3A_1286 = math.cos %mul3A_1285 : vector<256x8xf32>
    %sin3A_1287 = math.sin %mul3A_1285 : vector<256x8xf32>
    %concatenate3A_1288 = tpu.concatenate %exp3A_1280, %cos3A_1286, %sin3A_1287 in 1 : vector<256x16xf32>, vector<256x8xf32>, vector<256x8xf32> -> vector<256x32xf32>
    %get3A_1289 = arith.constant 0 : index
    %get3A_1290 = arith.constant 0 : index
    %get3A_1291 = vector.load %arg7[%get3A_1289, %get3A_1290] : memref<32x128xf32, #tpu.memory_space<vmem>>, vector<32x128xf32>
    %dot_general3A_1292 = arith.constant dense<0.000000e+00> : vector<256x128xf32>
    %dot_general3A_1293 = tpu.matmul %concatenate3A_1288, %get3A_1291, %dot_general3A_1292 {dimension_numbers = #tpu.dot_dimension_numbers<[1], [0], [0], [1], [0, 0, 1, 1], [], []>, transpose_lhs_hint = false} : vector<256x32xf32>, vector<32x128xf32>, vector<256x128xf32> -> vector<256x128xf32>
    %get3A_1294 = arith.constant 0 : index
    %get3A_1295 = arith.constant 0 : index
    %get3A_1296 = vector.load %arg8[%get3A_1294, %get3A_1295] : memref<1x128xf32, #tpu.memory_space<vmem>>, vector<1x128xf32>
    %add3A_1297 = vector.broadcast %get3A_1296 : vector<1x128xf32> to vector<256x128xf32>
    %add3A_1298 = arith.addf %dot_general3A_1293, %add3A_1297 : vector<256x128xf32>
    %swap3A_1299 = arith.constant 0 : index
    %swap3A_1300 = arith.constant 20 : index
    %swap3A_1301 = arith.constant 0 : index
    %swap3A_1302 = vector.load %arg13[%swap3A_1299, %swap3A_1300, %swap3A_1301] : memref<256x30x128xf32, #tpu.memory_space<vmem>>, vector<256x1x128xf32>
    %swap3A_1303 = vector.shape_cast %swap3A_1302 : vector<256x1x128xf32> to vector<256x128xf32>
    %swap3A_1304 = vector.shape_cast %add3A_1298 : vector<256x128xf32> to vector<256x1x128xf32>
    tpu.vector_store %arg13[%swap3A_1299, %swap3A_1300, %swap3A_1301], %swap3A_1304 {strides = array<i32>} : memref<256x30x128xf32, #tpu.memory_space<vmem>>, vector<256x1x128xf32>,
    %mul3A_1305 = arith.constant 1024 : i32
    %mul3A_1306 = arith.muli %arg0, %mul3A_1305 : i32
    %add3A_1307 = vector.broadcast %mul3A_1306 : i32 to vector<256x1xi32>
    %add3A_1308 = arith.addi %broadcast_in_dim3A_1261, %add3A_1307 : vector<256x1xi32>
    %swap3A_1309 = arith.constant 0 : index
    %swap3A_1310 = arith.constant 20 : index
    %swap3A_1311 = vector.load %arg12[%swap3A_1309, %swap3A_1310] : memref<256x30xi32, #tpu.memory_space<vmem>>, vector<256x1xi32>
    tpu.vector_store %arg12[%swap3A_1309, %swap3A_1310], %add3A_1308 {strides = array<i32>} : memref<256x30xi32, #tpu.memory_space<vmem>>, vector<256x1xi32>,
    %reduce_max3A_1312 = arith.constant dense<0xFF800000> : vector<256xf32>
    %reduce_max3A_1313 = vector.multi_reduction <maximumf>, %select_n3A_1266, %reduce_max3A_1312 [1] : vector<256x1024xf32> to vector<256xf32>
    %broadcast_in_dim3A_1314 = vector.shape_cast %reduce_max3A_1313 : vector<256xf32> to vector<256x1xf32>
    %eq3A_1315 = vector.broadcast %broadcast_in_dim3A_1314 : vector<256x1xf32> to vector<256x1024xf32>
    %eq3A_1316 = arith.cmpf oeq, %select_n3A_1266, %eq3A_1315 : vector<256x1024xf32>
    %jit3A_1317 = arith.constant 1024 : i32
    %broadcast_in_dim3A_1318 = vector.broadcast %jit3A_1317 : i32 to vector<256x1024xi32>
    %select_n3A_1319 = arith.select %eq3A_1316, %iota3A, %broadcast_in_dim3A_1318 : vector<256x1024xi1>, vector<256x1024xi32>
    %reduce_min3A_1320 = arith.constant dense<2147483647> : vector<256xi32>
    %reduce_min3A_1321 = vector.multi_reduction <minsi>, %select_n3A_1319, %reduce_min3A_1320 [1] : vector<256x1024xi32> to vector<256xi32>
    %broadcast_in_dim3A_1322 = vector.shape_cast %reduce_min3A_1321 : vector<256xi32> to vector<256x1xi32>
    %eq3A_1323 = vector.broadcast %broadcast_in_dim3A_1322 : vector<256x1xi32> to vector<256x1024xi32>
    %eq3A_1324 = arith.cmpi eq, %iota3A, %eq3A_1323 : vector<256x1024xi32>
    %jit3A_1325 = arith.constant -3.400000e+38 : f32
    %broadcast_in_dim3A_1326 = vector.broadcast %jit3A_1325 : f32 to vector<256x1024xf32>
    %select_n3A_1327 = arith.select %eq3A_1324, %broadcast_in_dim3A_1326, %select_n3A_1266 : vector<256x1024xi1>, vector<256x1024xf32>
    %neg3A_1328 = arith.constant 0.000000e+00 : f32
    %neg3A_1329 = vector.broadcast %neg3A_1328 : f32 to vector<256x1xf32>
    %neg3A_1330 = arith.subf %neg3A_1329, %broadcast_in_dim3A_1314 : vector<256x1xf32>
    %sub3A_1331 = vector.broadcast %neg3A_1330 : vector<256x1xf32> to vector<256x16xf32>
    %sub3A_1332 = vector.broadcast %add3A_36 : vector<1x16xf32> to vector<256x16xf32>
    %sub3A_1333 = arith.subf %sub3A_1331, %sub3A_1332 : vector<256x16xf32>
    %div3A_1334 = arith.constant 1.250000e+00 : f32
    %div3A_1335 = vector.broadcast %div3A_1334 : f32 to vector<256x16xf32>
    %div3A_1336 = arith.divf %sub3A_1333, %div3A_1335 : vector<256x16xf32>
    %integer_pow3A_1337 = arith.mulf %div3A_1336, %div3A_1336 : vector<256x16xf32>
    %neg3A_1338 = arith.constant 0.000000e+00 : f32
    %neg3A_1339 = vector.broadcast %neg3A_1338 : f32 to vector<256x16xf32>
    %neg3A_1340 = arith.subf %neg3A_1339, %integer_pow3A_1337 : vector<256x16xf32>
    %exp3A_1341 = math.exp %neg3A_1340 : vector<256x16xf32>
    %sub3A_1342 = arith.subi %broadcast_in_dim3A_1322, %add3A_29 : vector<256x1xi32>
    %convert_element_type3A_1343 = arith.sitofp %sub3A_1342 : vector<256x1xi32> to vector<256x1xf32>
    %mul3A_1344 = vector.broadcast %convert_element_type3A_1343 : vector<256x1xf32> to vector<256x8xf32>
    %mul3A_1345 = vector.broadcast %exp3A : vector<1x8xf32> to vector<256x8xf32>
    %mul3A_1346 = arith.mulf %mul3A_1344, %mul3A_1345 : vector<256x8xf32>
    %cos3A_1347 = math.cos %mul3A_1346 : vector<256x8xf32>
    %sin3A_1348 = math.sin %mul3A_1346 : vector<256x8xf32>
    %concatenate3A_1349 = tpu.concatenate %exp3A_1341, %cos3A_1347, %sin3A_1348 in 1 : vector<256x16xf32>, vector<256x8xf32>, vector<256x8xf32> -> vector<256x32xf32>
    %get3A_1350 = arith.constant 0 : index
    %get3A_1351 = arith.constant 0 : index
    %get3A_1352 = vector.load %arg7[%get3A_1350, %get3A_1351] : memref<32x128xf32, #tpu.memory_space<vmem>>, vector<32x128xf32>
    %dot_general3A_1353 = arith.constant dense<0.000000e+00> : vector<256x128xf32>
    %dot_general3A_1354 = tpu.matmul %concatenate3A_1349, %get3A_1352, %dot_general3A_1353 {dimension_numbers = #tpu.dot_dimension_numbers<[1], [0], [0], [1], [0, 0, 1, 1], [], []>, transpose_lhs_hint = false} : vector<256x32xf32>, vector<32x128xf32>, vector<256x128xf32> -> vector<256x128xf32>
    %get3A_1355 = arith.constant 0 : index
    %get3A_1356 = arith.constant 0 : index
    %get3A_1357 = vector.load %arg8[%get3A_1355, %get3A_1356] : memref<1x128xf32, #tpu.memory_space<vmem>>, vector<1x128xf32>
    %add3A_1358 = vector.broadcast %get3A_1357 : vector<1x128xf32> to vector<256x128xf32>
    %add3A_1359 = arith.addf %dot_general3A_1354, %add3A_1358 : vector<256x128xf32>
    %swap3A_1360 = arith.constant 0 : index
    %swap3A_1361 = arith.constant 21 : index
    %swap3A_1362 = arith.constant 0 : index
    %swap3A_1363 = vector.load %arg13[%swap3A_1360, %swap3A_1361, %swap3A_1362] : memref<256x30x128xf32, #tpu.memory_space<vmem>>, vector<256x1x128xf32>
    %swap3A_1364 = vector.shape_cast %swap3A_1363 : vector<256x1x128xf32> to vector<256x128xf32>
    %swap3A_1365 = vector.shape_cast %add3A_1359 : vector<256x128xf32> to vector<256x1x128xf32>
    tpu.vector_store %arg13[%swap3A_1360, %swap3A_1361, %swap3A_1362], %swap3A_1365 {strides = array<i32>} : memref<256x30x128xf32, #tpu.memory_space<vmem>>, vector<256x1x128xf32>,
    %mul3A_1366 = arith.constant 1024 : i32
    %mul3A_1367 = arith.muli %arg0, %mul3A_1366 : i32
    %add3A_1368 = vector.broadcast %mul3A_1367 : i32 to vector<256x1xi32>
    %add3A_1369 = arith.addi %broadcast_in_dim3A_1322, %add3A_1368 : vector<256x1xi32>
    %swap3A_1370 = arith.constant 0 : index
    %swap3A_1371 = arith.constant 21 : index
    %swap3A_1372 = vector.load %arg12[%swap3A_1370, %swap3A_1371] : memref<256x30xi32, #tpu.memory_space<vmem>>, vector<256x1xi32>
    tpu.vector_store %arg12[%swap3A_1370, %swap3A_1371], %add3A_1369 {strides = array<i32>} : memref<256x30xi32, #tpu.memory_space<vmem>>, vector<256x1xi32>,
    %reduce_max3A_1373 = arith.constant dense<0xFF800000> : vector<256xf32>
    %reduce_max3A_1374 = vector.multi_reduction <maximumf>, %select_n3A_1327, %reduce_max3A_1373 [1] : vector<256x1024xf32> to vector<256xf32>
    %broadcast_in_dim3A_1375 = vector.shape_cast %reduce_max3A_1374 : vector<256xf32> to vector<256x1xf32>
    %eq3A_1376 = vector.broadcast %broadcast_in_dim3A_1375 : vector<256x1xf32> to vector<256x1024xf32>
    %eq3A_1377 = arith.cmpf oeq, %select_n3A_1327, %eq3A_1376 : vector<256x1024xf32>
    %jit3A_1378 = arith.constant 1024 : i32
    %broadcast_in_dim3A_1379 = vector.broadcast %jit3A_1378 : i32 to vector<256x1024xi32>
    %select_n3A_1380 = arith.select %eq3A_1377, %iota3A, %broadcast_in_dim3A_1379 : vector<256x1024xi1>, vector<256x1024xi32>
    %reduce_min3A_1381 = arith.constant dense<2147483647> : vector<256xi32>
    %reduce_min3A_1382 = vector.multi_reduction <minsi>, %select_n3A_1380, %reduce_min3A_1381 [1] : vector<256x1024xi32> to vector<256xi32>
    %broadcast_in_dim3A_1383 = vector.shape_cast %reduce_min3A_1382 : vector<256xi32> to vector<256x1xi32>
    %eq3A_1384 = vector.broadcast %broadcast_in_dim3A_1383 : vector<256x1xi32> to vector<256x1024xi32>
    %eq3A_1385 = arith.cmpi eq, %iota3A, %eq3A_1384 : vector<256x1024xi32>
    %jit3A_1386 = arith.constant -3.400000e+38 : f32
    %broadcast_in_dim3A_1387 = vector.broadcast %jit3A_1386 : f32 to vector<256x1024xf32>
    %select_n3A_1388 = arith.select %eq3A_1385, %broadcast_in_dim3A_1387, %select_n3A_1327 : vector<256x1024xi1>, vector<256x1024xf32>
    %neg3A_1389 = arith.constant 0.000000e+00 : f32
    %neg3A_1390 = vector.broadcast %neg3A_1389 : f32 to vector<256x1xf32>
    %neg3A_1391 = arith.subf %neg3A_1390, %broadcast_in_dim3A_1375 : vector<256x1xf32>
    %sub3A_1392 = vector.broadcast %neg3A_1391 : vector<256x1xf32> to vector<256x16xf32>
    %sub3A_1393 = vector.broadcast %add3A_36 : vector<1x16xf32> to vector<256x16xf32>
    %sub3A_1394 = arith.subf %sub3A_1392, %sub3A_1393 : vector<256x16xf32>
    %div3A_1395 = arith.constant 1.250000e+00 : f32
    %div3A_1396 = vector.broadcast %div3A_1395 : f32 to vector<256x16xf32>
    %div3A_1397 = arith.divf %sub3A_1394, %div3A_1396 : vector<256x16xf32>
    %integer_pow3A_1398 = arith.mulf %div3A_1397, %div3A_1397 : vector<256x16xf32>
    %neg3A_1399 = arith.constant 0.000000e+00 : f32
    %neg3A_1400 = vector.broadcast %neg3A_1399 : f32 to vector<256x16xf32>
    %neg3A_1401 = arith.subf %neg3A_1400, %integer_pow3A_1398 : vector<256x16xf32>
    %exp3A_1402 = math.exp %neg3A_1401 : vector<256x16xf32>
    %sub3A_1403 = arith.subi %broadcast_in_dim3A_1383, %add3A_29 : vector<256x1xi32>
    %convert_element_type3A_1404 = arith.sitofp %sub3A_1403 : vector<256x1xi32> to vector<256x1xf32>
    %mul3A_1405 = vector.broadcast %convert_element_type3A_1404 : vector<256x1xf32> to vector<256x8xf32>
    %mul3A_1406 = vector.broadcast %exp3A : vector<1x8xf32> to vector<256x8xf32>
    %mul3A_1407 = arith.mulf %mul3A_1405, %mul3A_1406 : vector<256x8xf32>
    %cos3A_1408 = math.cos %mul3A_1407 : vector<256x8xf32>
    %sin3A_1409 = math.sin %mul3A_1407 : vector<256x8xf32>
    %concatenate3A_1410 = tpu.concatenate %exp3A_1402, %cos3A_1408, %sin3A_1409 in 1 : vector<256x16xf32>, vector<256x8xf32>, vector<256x8xf32> -> vector<256x32xf32>
    %get3A_1411 = arith.constant 0 : index
    %get3A_1412 = arith.constant 0 : index
    %get3A_1413 = vector.load %arg7[%get3A_1411, %get3A_1412] : memref<32x128xf32, #tpu.memory_space<vmem>>, vector<32x128xf32>
    %dot_general3A_1414 = arith.constant dense<0.000000e+00> : vector<256x128xf32>
    %dot_general3A_1415 = tpu.matmul %concatenate3A_1410, %get3A_1413, %dot_general3A_1414 {dimension_numbers = #tpu.dot_dimension_numbers<[1], [0], [0], [1], [0, 0, 1, 1], [], []>, transpose_lhs_hint = false} : vector<256x32xf32>, vector<32x128xf32>, vector<256x128xf32> -> vector<256x128xf32>
    %get3A_1416 = arith.constant 0 : index
    %get3A_1417 = arith.constant 0 : index
    %get3A_1418 = vector.load %arg8[%get3A_1416, %get3A_1417] : memref<1x128xf32, #tpu.memory_space<vmem>>, vector<1x128xf32>
    %add3A_1419 = vector.broadcast %get3A_1418 : vector<1x128xf32> to vector<256x128xf32>
    %add3A_1420 = arith.addf %dot_general3A_1415, %add3A_1419 : vector<256x128xf32>
    %swap3A_1421 = arith.constant 0 : index
    %swap3A_1422 = arith.constant 22 : index
    %swap3A_1423 = arith.constant 0 : index
    %swap3A_1424 = vector.load %arg13[%swap3A_1421, %swap3A_1422, %swap3A_1423] : memref<256x30x128xf32, #tpu.memory_space<vmem>>, vector<256x1x128xf32>
    %swap3A_1425 = vector.shape_cast %swap3A_1424 : vector<256x1x128xf32> to vector<256x128xf32>
    %swap3A_1426 = vector.shape_cast %add3A_1420 : vector<256x128xf32> to vector<256x1x128xf32>
    tpu.vector_store %arg13[%swap3A_1421, %swap3A_1422, %swap3A_1423], %swap3A_1426 {strides = array<i32>} : memref<256x30x128xf32, #tpu.memory_space<vmem>>, vector<256x1x128xf32>,
    %mul3A_1427 = arith.constant 1024 : i32
    %mul3A_1428 = arith.muli %arg0, %mul3A_1427 : i32
    %add3A_1429 = vector.broadcast %mul3A_1428 : i32 to vector<256x1xi32>
    %add3A_1430 = arith.addi %broadcast_in_dim3A_1383, %add3A_1429 : vector<256x1xi32>
    %swap3A_1431 = arith.constant 0 : index
    %swap3A_1432 = arith.constant 22 : index
    %swap3A_1433 = vector.load %arg12[%swap3A_1431, %swap3A_1432] : memref<256x30xi32, #tpu.memory_space<vmem>>, vector<256x1xi32>
    tpu.vector_store %arg12[%swap3A_1431, %swap3A_1432], %add3A_1430 {strides = array<i32>} : memref<256x30xi32, #tpu.memory_space<vmem>>, vector<256x1xi32>,
    %reduce_max3A_1434 = arith.constant dense<0xFF800000> : vector<256xf32>
    %reduce_max3A_1435 = vector.multi_reduction <maximumf>, %select_n3A_1388, %reduce_max3A_1434 [1] : vector<256x1024xf32> to vector<256xf32>
    %broadcast_in_dim3A_1436 = vector.shape_cast %reduce_max3A_1435 : vector<256xf32> to vector<256x1xf32>
    %eq3A_1437 = vector.broadcast %broadcast_in_dim3A_1436 : vector<256x1xf32> to vector<256x1024xf32>
    %eq3A_1438 = arith.cmpf oeq, %select_n3A_1388, %eq3A_1437 : vector<256x1024xf32>
    %jit3A_1439 = arith.constant 1024 : i32
    %broadcast_in_dim3A_1440 = vector.broadcast %jit3A_1439 : i32 to vector<256x1024xi32>
    %select_n3A_1441 = arith.select %eq3A_1438, %iota3A, %broadcast_in_dim3A_1440 : vector<256x1024xi1>, vector<256x1024xi32>
    %reduce_min3A_1442 = arith.constant dense<2147483647> : vector<256xi32>
    %reduce_min3A_1443 = vector.multi_reduction <minsi>, %select_n3A_1441, %reduce_min3A_1442 [1] : vector<256x1024xi32> to vector<256xi32>
    %broadcast_in_dim3A_1444 = vector.shape_cast %reduce_min3A_1443 : vector<256xi32> to vector<256x1xi32>
    %eq3A_1445 = vector.broadcast %broadcast_in_dim3A_1444 : vector<256x1xi32> to vector<256x1024xi32>
    %eq3A_1446 = arith.cmpi eq, %iota3A, %eq3A_1445 : vector<256x1024xi32>
    %jit3A_1447 = arith.constant -3.400000e+38 : f32
    %broadcast_in_dim3A_1448 = vector.broadcast %jit3A_1447 : f32 to vector<256x1024xf32>
    %select_n3A_1449 = arith.select %eq3A_1446, %broadcast_in_dim3A_1448, %select_n3A_1388 : vector<256x1024xi1>, vector<256x1024xf32>
    %neg3A_1450 = arith.constant 0.000000e+00 : f32
    %neg3A_1451 = vector.broadcast %neg3A_1450 : f32 to vector<256x1xf32>
    %neg3A_1452 = arith.subf %neg3A_1451, %broadcast_in_dim3A_1436 : vector<256x1xf32>
    %sub3A_1453 = vector.broadcast %neg3A_1452 : vector<256x1xf32> to vector<256x16xf32>
    %sub3A_1454 = vector.broadcast %add3A_36 : vector<1x16xf32> to vector<256x16xf32>
    %sub3A_1455 = arith.subf %sub3A_1453, %sub3A_1454 : vector<256x16xf32>
    %div3A_1456 = arith.constant 1.250000e+00 : f32
    %div3A_1457 = vector.broadcast %div3A_1456 : f32 to vector<256x16xf32>
    %div3A_1458 = arith.divf %sub3A_1455, %div3A_1457 : vector<256x16xf32>
    %integer_pow3A_1459 = arith.mulf %div3A_1458, %div3A_1458 : vector<256x16xf32>
    %neg3A_1460 = arith.constant 0.000000e+00 : f32
    %neg3A_1461 = vector.broadcast %neg3A_1460 : f32 to vector<256x16xf32>
    %neg3A_1462 = arith.subf %neg3A_1461, %integer_pow3A_1459 : vector<256x16xf32>
    %exp3A_1463 = math.exp %neg3A_1462 : vector<256x16xf32>
    %sub3A_1464 = arith.subi %broadcast_in_dim3A_1444, %add3A_29 : vector<256x1xi32>
    %convert_element_type3A_1465 = arith.sitofp %sub3A_1464 : vector<256x1xi32> to vector<256x1xf32>
    %mul3A_1466 = vector.broadcast %convert_element_type3A_1465 : vector<256x1xf32> to vector<256x8xf32>
    %mul3A_1467 = vector.broadcast %exp3A : vector<1x8xf32> to vector<256x8xf32>
    %mul3A_1468 = arith.mulf %mul3A_1466, %mul3A_1467 : vector<256x8xf32>
    %cos3A_1469 = math.cos %mul3A_1468 : vector<256x8xf32>
    %sin3A_1470 = math.sin %mul3A_1468 : vector<256x8xf32>
    %concatenate3A_1471 = tpu.concatenate %exp3A_1463, %cos3A_1469, %sin3A_1470 in 1 : vector<256x16xf32>, vector<256x8xf32>, vector<256x8xf32> -> vector<256x32xf32>
    %get3A_1472 = arith.constant 0 : index
    %get3A_1473 = arith.constant 0 : index
    %get3A_1474 = vector.load %arg7[%get3A_1472, %get3A_1473] : memref<32x128xf32, #tpu.memory_space<vmem>>, vector<32x128xf32>
    %dot_general3A_1475 = arith.constant dense<0.000000e+00> : vector<256x128xf32>
    %dot_general3A_1476 = tpu.matmul %concatenate3A_1471, %get3A_1474, %dot_general3A_1475 {dimension_numbers = #tpu.dot_dimension_numbers<[1], [0], [0], [1], [0, 0, 1, 1], [], []>, transpose_lhs_hint = false} : vector<256x32xf32>, vector<32x128xf32>, vector<256x128xf32> -> vector<256x128xf32>
    %get3A_1477 = arith.constant 0 : index
    %get3A_1478 = arith.constant 0 : index
    %get3A_1479 = vector.load %arg8[%get3A_1477, %get3A_1478] : memref<1x128xf32, #tpu.memory_space<vmem>>, vector<1x128xf32>
    %add3A_1480 = vector.broadcast %get3A_1479 : vector<1x128xf32> to vector<256x128xf32>
    %add3A_1481 = arith.addf %dot_general3A_1476, %add3A_1480 : vector<256x128xf32>
    %swap3A_1482 = arith.constant 0 : index
    %swap3A_1483 = arith.constant 23 : index
    %swap3A_1484 = arith.constant 0 : index
    %swap3A_1485 = vector.load %arg13[%swap3A_1482, %swap3A_1483, %swap3A_1484] : memref<256x30x128xf32, #tpu.memory_space<vmem>>, vector<256x1x128xf32>
    %swap3A_1486 = vector.shape_cast %swap3A_1485 : vector<256x1x128xf32> to vector<256x128xf32>
    %swap3A_1487 = vector.shape_cast %add3A_1481 : vector<256x128xf32> to vector<256x1x128xf32>
    tpu.vector_store %arg13[%swap3A_1482, %swap3A_1483, %swap3A_1484], %swap3A_1487 {strides = array<i32>} : memref<256x30x128xf32, #tpu.memory_space<vmem>>, vector<256x1x128xf32>,
    %mul3A_1488 = arith.constant 1024 : i32
    %mul3A_1489 = arith.muli %arg0, %mul3A_1488 : i32
    %add3A_1490 = vector.broadcast %mul3A_1489 : i32 to vector<256x1xi32>
    %add3A_1491 = arith.addi %broadcast_in_dim3A_1444, %add3A_1490 : vector<256x1xi32>
    %swap3A_1492 = arith.constant 0 : index
    %swap3A_1493 = arith.constant 23 : index
    %swap3A_1494 = vector.load %arg12[%swap3A_1492, %swap3A_1493] : memref<256x30xi32, #tpu.memory_space<vmem>>, vector<256x1xi32>
    tpu.vector_store %arg12[%swap3A_1492, %swap3A_1493], %add3A_1491 {strides = array<i32>} : memref<256x30xi32, #tpu.memory_space<vmem>>, vector<256x1xi32>,
    %reduce_max3A_1495 = arith.constant dense<0xFF800000> : vector<256xf32>
    %reduce_max3A_1496 = vector.multi_reduction <maximumf>, %select_n3A_1449, %reduce_max3A_1495 [1] : vector<256x1024xf32> to vector<256xf32>
    %broadcast_in_dim3A_1497 = vector.shape_cast %reduce_max3A_1496 : vector<256xf32> to vector<256x1xf32>
    %eq3A_1498 = vector.broadcast %broadcast_in_dim3A_1497 : vector<256x1xf32> to vector<256x1024xf32>
    %eq3A_1499 = arith.cmpf oeq, %select_n3A_1449, %eq3A_1498 : vector<256x1024xf32>
    %jit3A_1500 = arith.constant 1024 : i32
    %broadcast_in_dim3A_1501 = vector.broadcast %jit3A_1500 : i32 to vector<256x1024xi32>
    %select_n3A_1502 = arith.select %eq3A_1499, %iota3A, %broadcast_in_dim3A_1501 : vector<256x1024xi1>, vector<256x1024xi32>
    %reduce_min3A_1503 = arith.constant dense<2147483647> : vector<256xi32>
    %reduce_min3A_1504 = vector.multi_reduction <minsi>, %select_n3A_1502, %reduce_min3A_1503 [1] : vector<256x1024xi32> to vector<256xi32>
    %broadcast_in_dim3A_1505 = vector.shape_cast %reduce_min3A_1504 : vector<256xi32> to vector<256x1xi32>
    %eq3A_1506 = vector.broadcast %broadcast_in_dim3A_1505 : vector<256x1xi32> to vector<256x1024xi32>
    %eq3A_1507 = arith.cmpi eq, %iota3A, %eq3A_1506 : vector<256x1024xi32>
    %jit3A_1508 = arith.constant -3.400000e+38 : f32
    %broadcast_in_dim3A_1509 = vector.broadcast %jit3A_1508 : f32 to vector<256x1024xf32>
    %select_n3A_1510 = arith.select %eq3A_1507, %broadcast_in_dim3A_1509, %select_n3A_1449 : vector<256x1024xi1>, vector<256x1024xf32>
    %neg3A_1511 = arith.constant 0.000000e+00 : f32
    %neg3A_1512 = vector.broadcast %neg3A_1511 : f32 to vector<256x1xf32>
    %neg3A_1513 = arith.subf %neg3A_1512, %broadcast_in_dim3A_1497 : vector<256x1xf32>
    %sub3A_1514 = vector.broadcast %neg3A_1513 : vector<256x1xf32> to vector<256x16xf32>
    %sub3A_1515 = vector.broadcast %add3A_36 : vector<1x16xf32> to vector<256x16xf32>
    %sub3A_1516 = arith.subf %sub3A_1514, %sub3A_1515 : vector<256x16xf32>
    %div3A_1517 = arith.constant 1.250000e+00 : f32
    %div3A_1518 = vector.broadcast %div3A_1517 : f32 to vector<256x16xf32>
    %div3A_1519 = arith.divf %sub3A_1516, %div3A_1518 : vector<256x16xf32>
    %integer_pow3A_1520 = arith.mulf %div3A_1519, %div3A_1519 : vector<256x16xf32>
    %neg3A_1521 = arith.constant 0.000000e+00 : f32
    %neg3A_1522 = vector.broadcast %neg3A_1521 : f32 to vector<256x16xf32>
    %neg3A_1523 = arith.subf %neg3A_1522, %integer_pow3A_1520 : vector<256x16xf32>
    %exp3A_1524 = math.exp %neg3A_1523 : vector<256x16xf32>
    %sub3A_1525 = arith.subi %broadcast_in_dim3A_1505, %add3A_29 : vector<256x1xi32>
    %convert_element_type3A_1526 = arith.sitofp %sub3A_1525 : vector<256x1xi32> to vector<256x1xf32>
    %mul3A_1527 = vector.broadcast %convert_element_type3A_1526 : vector<256x1xf32> to vector<256x8xf32>
    %mul3A_1528 = vector.broadcast %exp3A : vector<1x8xf32> to vector<256x8xf32>
    %mul3A_1529 = arith.mulf %mul3A_1527, %mul3A_1528 : vector<256x8xf32>
    %cos3A_1530 = math.cos %mul3A_1529 : vector<256x8xf32>
    %sin3A_1531 = math.sin %mul3A_1529 : vector<256x8xf32>
    %concatenate3A_1532 = tpu.concatenate %exp3A_1524, %cos3A_1530, %sin3A_1531 in 1 : vector<256x16xf32>, vector<256x8xf32>, vector<256x8xf32> -> vector<256x32xf32>
    %get3A_1533 = arith.constant 0 : index
    %get3A_1534 = arith.constant 0 : index
    %get3A_1535 = vector.load %arg7[%get3A_1533, %get3A_1534] : memref<32x128xf32, #tpu.memory_space<vmem>>, vector<32x128xf32>
    %dot_general3A_1536 = arith.constant dense<0.000000e+00> : vector<256x128xf32>
    %dot_general3A_1537 = tpu.matmul %concatenate3A_1532, %get3A_1535, %dot_general3A_1536 {dimension_numbers = #tpu.dot_dimension_numbers<[1], [0], [0], [1], [0, 0, 1, 1], [], []>, transpose_lhs_hint = false} : vector<256x32xf32>, vector<32x128xf32>, vector<256x128xf32> -> vector<256x128xf32>
    %get3A_1538 = arith.constant 0 : index
    %get3A_1539 = arith.constant 0 : index
    %get3A_1540 = vector.load %arg8[%get3A_1538, %get3A_1539] : memref<1x128xf32, #tpu.memory_space<vmem>>, vector<1x128xf32>
    %add3A_1541 = vector.broadcast %get3A_1540 : vector<1x128xf32> to vector<256x128xf32>
    %add3A_1542 = arith.addf %dot_general3A_1537, %add3A_1541 : vector<256x128xf32>
    %swap3A_1543 = arith.constant 0 : index
    %swap3A_1544 = arith.constant 24 : index
    %swap3A_1545 = arith.constant 0 : index
    %swap3A_1546 = vector.load %arg13[%swap3A_1543, %swap3A_1544, %swap3A_1545] : memref<256x30x128xf32, #tpu.memory_space<vmem>>, vector<256x1x128xf32>
    %swap3A_1547 = vector.shape_cast %swap3A_1546 : vector<256x1x128xf32> to vector<256x128xf32>
    %swap3A_1548 = vector.shape_cast %add3A_1542 : vector<256x128xf32> to vector<256x1x128xf32>
    tpu.vector_store %arg13[%swap3A_1543, %swap3A_1544, %swap3A_1545], %swap3A_1548 {strides = array<i32>} : memref<256x30x128xf32, #tpu.memory_space<vmem>>, vector<256x1x128xf32>,
    %mul3A_1549 = arith.constant 1024 : i32
    %mul3A_1550 = arith.muli %arg0, %mul3A_1549 : i32
    %add3A_1551 = vector.broadcast %mul3A_1550 : i32 to vector<256x1xi32>
    %add3A_1552 = arith.addi %broadcast_in_dim3A_1505, %add3A_1551 : vector<256x1xi32>
    %swap3A_1553 = arith.constant 0 : index
    %swap3A_1554 = arith.constant 24 : index
    %swap3A_1555 = vector.load %arg12[%swap3A_1553, %swap3A_1554] : memref<256x30xi32, #tpu.memory_space<vmem>>, vector<256x1xi32>
    tpu.vector_store %arg12[%swap3A_1553, %swap3A_1554], %add3A_1552 {strides = array<i32>} : memref<256x30xi32, #tpu.memory_space<vmem>>, vector<256x1xi32>,
    %reduce_max3A_1556 = arith.constant dense<0xFF800000> : vector<256xf32>
    %reduce_max3A_1557 = vector.multi_reduction <maximumf>, %select_n3A_1510, %reduce_max3A_1556 [1] : vector<256x1024xf32> to vector<256xf32>
    %broadcast_in_dim3A_1558 = vector.shape_cast %reduce_max3A_1557 : vector<256xf32> to vector<256x1xf32>
    %eq3A_1559 = vector.broadcast %broadcast_in_dim3A_1558 : vector<256x1xf32> to vector<256x1024xf32>
    %eq3A_1560 = arith.cmpf oeq, %select_n3A_1510, %eq3A_1559 : vector<256x1024xf32>
    %jit3A_1561 = arith.constant 1024 : i32
    %broadcast_in_dim3A_1562 = vector.broadcast %jit3A_1561 : i32 to vector<256x1024xi32>
    %select_n3A_1563 = arith.select %eq3A_1560, %iota3A, %broadcast_in_dim3A_1562 : vector<256x1024xi1>, vector<256x1024xi32>
    %reduce_min3A_1564 = arith.constant dense<2147483647> : vector<256xi32>
    %reduce_min3A_1565 = vector.multi_reduction <minsi>, %select_n3A_1563, %reduce_min3A_1564 [1] : vector<256x1024xi32> to vector<256xi32>
    %broadcast_in_dim3A_1566 = vector.shape_cast %reduce_min3A_1565 : vector<256xi32> to vector<256x1xi32>
    %eq3A_1567 = vector.broadcast %broadcast_in_dim3A_1566 : vector<256x1xi32> to vector<256x1024xi32>
    %eq3A_1568 = arith.cmpi eq, %iota3A, %eq3A_1567 : vector<256x1024xi32>
    %jit3A_1569 = arith.constant -3.400000e+38 : f32
    %broadcast_in_dim3A_1570 = vector.broadcast %jit3A_1569 : f32 to vector<256x1024xf32>
    %select_n3A_1571 = arith.select %eq3A_1568, %broadcast_in_dim3A_1570, %select_n3A_1510 : vector<256x1024xi1>, vector<256x1024xf32>
    %neg3A_1572 = arith.constant 0.000000e+00 : f32
    %neg3A_1573 = vector.broadcast %neg3A_1572 : f32 to vector<256x1xf32>
    %neg3A_1574 = arith.subf %neg3A_1573, %broadcast_in_dim3A_1558 : vector<256x1xf32>
    %sub3A_1575 = vector.broadcast %neg3A_1574 : vector<256x1xf32> to vector<256x16xf32>
    %sub3A_1576 = vector.broadcast %add3A_36 : vector<1x16xf32> to vector<256x16xf32>
    %sub3A_1577 = arith.subf %sub3A_1575, %sub3A_1576 : vector<256x16xf32>
    %div3A_1578 = arith.constant 1.250000e+00 : f32
    %div3A_1579 = vector.broadcast %div3A_1578 : f32 to vector<256x16xf32>
    %div3A_1580 = arith.divf %sub3A_1577, %div3A_1579 : vector<256x16xf32>
    %integer_pow3A_1581 = arith.mulf %div3A_1580, %div3A_1580 : vector<256x16xf32>
    %neg3A_1582 = arith.constant 0.000000e+00 : f32
    %neg3A_1583 = vector.broadcast %neg3A_1582 : f32 to vector<256x16xf32>
    %neg3A_1584 = arith.subf %neg3A_1583, %integer_pow3A_1581 : vector<256x16xf32>
    %exp3A_1585 = math.exp %neg3A_1584 : vector<256x16xf32>
    %sub3A_1586 = arith.subi %broadcast_in_dim3A_1566, %add3A_29 : vector<256x1xi32>
    %convert_element_type3A_1587 = arith.sitofp %sub3A_1586 : vector<256x1xi32> to vector<256x1xf32>
    %mul3A_1588 = vector.broadcast %convert_element_type3A_1587 : vector<256x1xf32> to vector<256x8xf32>
    %mul3A_1589 = vector.broadcast %exp3A : vector<1x8xf32> to vector<256x8xf32>
    %mul3A_1590 = arith.mulf %mul3A_1588, %mul3A_1589 : vector<256x8xf32>
    %cos3A_1591 = math.cos %mul3A_1590 : vector<256x8xf32>
    %sin3A_1592 = math.sin %mul3A_1590 : vector<256x8xf32>
    %concatenate3A_1593 = tpu.concatenate %exp3A_1585, %cos3A_1591, %sin3A_1592 in 1 : vector<256x16xf32>, vector<256x8xf32>, vector<256x8xf32> -> vector<256x32xf32>
    %get3A_1594 = arith.constant 0 : index
    %get3A_1595 = arith.constant 0 : index
    %get3A_1596 = vector.load %arg7[%get3A_1594, %get3A_1595] : memref<32x128xf32, #tpu.memory_space<vmem>>, vector<32x128xf32>
    %dot_general3A_1597 = arith.constant dense<0.000000e+00> : vector<256x128xf32>
    %dot_general3A_1598 = tpu.matmul %concatenate3A_1593, %get3A_1596, %dot_general3A_1597 {dimension_numbers = #tpu.dot_dimension_numbers<[1], [0], [0], [1], [0, 0, 1, 1], [], []>, transpose_lhs_hint = false} : vector<256x32xf32>, vector<32x128xf32>, vector<256x128xf32> -> vector<256x128xf32>
    %get3A_1599 = arith.constant 0 : index
    %get3A_1600 = arith.constant 0 : index
    %get3A_1601 = vector.load %arg8[%get3A_1599, %get3A_1600] : memref<1x128xf32, #tpu.memory_space<vmem>>, vector<1x128xf32>
    %add3A_1602 = vector.broadcast %get3A_1601 : vector<1x128xf32> to vector<256x128xf32>
    %add3A_1603 = arith.addf %dot_general3A_1598, %add3A_1602 : vector<256x128xf32>
    %swap3A_1604 = arith.constant 0 : index
    %swap3A_1605 = arith.constant 25 : index
    %swap3A_1606 = arith.constant 0 : index
    %swap3A_1607 = vector.load %arg13[%swap3A_1604, %swap3A_1605, %swap3A_1606] : memref<256x30x128xf32, #tpu.memory_space<vmem>>, vector<256x1x128xf32>
    %swap3A_1608 = vector.shape_cast %swap3A_1607 : vector<256x1x128xf32> to vector<256x128xf32>
    %swap3A_1609 = vector.shape_cast %add3A_1603 : vector<256x128xf32> to vector<256x1x128xf32>
    tpu.vector_store %arg13[%swap3A_1604, %swap3A_1605, %swap3A_1606], %swap3A_1609 {strides = array<i32>} : memref<256x30x128xf32, #tpu.memory_space<vmem>>, vector<256x1x128xf32>,
    %mul3A_1610 = arith.constant 1024 : i32
    %mul3A_1611 = arith.muli %arg0, %mul3A_1610 : i32
    %add3A_1612 = vector.broadcast %mul3A_1611 : i32 to vector<256x1xi32>
    %add3A_1613 = arith.addi %broadcast_in_dim3A_1566, %add3A_1612 : vector<256x1xi32>
    %swap3A_1614 = arith.constant 0 : index
    %swap3A_1615 = arith.constant 25 : index
    %swap3A_1616 = vector.load %arg12[%swap3A_1614, %swap3A_1615] : memref<256x30xi32, #tpu.memory_space<vmem>>, vector<256x1xi32>
    tpu.vector_store %arg12[%swap3A_1614, %swap3A_1615], %add3A_1613 {strides = array<i32>} : memref<256x30xi32, #tpu.memory_space<vmem>>, vector<256x1xi32>,
    %reduce_max3A_1617 = arith.constant dense<0xFF800000> : vector<256xf32>
    %reduce_max3A_1618 = vector.multi_reduction <maximumf>, %select_n3A_1571, %reduce_max3A_1617 [1] : vector<256x1024xf32> to vector<256xf32>
    %broadcast_in_dim3A_1619 = vector.shape_cast %reduce_max3A_1618 : vector<256xf32> to vector<256x1xf32>
    %eq3A_1620 = vector.broadcast %broadcast_in_dim3A_1619 : vector<256x1xf32> to vector<256x1024xf32>
    %eq3A_1621 = arith.cmpf oeq, %select_n3A_1571, %eq3A_1620 : vector<256x1024xf32>
    %jit3A_1622 = arith.constant 1024 : i32
    %broadcast_in_dim3A_1623 = vector.broadcast %jit3A_1622 : i32 to vector<256x1024xi32>
    %select_n3A_1624 = arith.select %eq3A_1621, %iota3A, %broadcast_in_dim3A_1623 : vector<256x1024xi1>, vector<256x1024xi32>
    %reduce_min3A_1625 = arith.constant dense<2147483647> : vector<256xi32>
    %reduce_min3A_1626 = vector.multi_reduction <minsi>, %select_n3A_1624, %reduce_min3A_1625 [1] : vector<256x1024xi32> to vector<256xi32>
    %broadcast_in_dim3A_1627 = vector.shape_cast %reduce_min3A_1626 : vector<256xi32> to vector<256x1xi32>
    %eq3A_1628 = vector.broadcast %broadcast_in_dim3A_1627 : vector<256x1xi32> to vector<256x1024xi32>
    %eq3A_1629 = arith.cmpi eq, %iota3A, %eq3A_1628 : vector<256x1024xi32>
    %jit3A_1630 = arith.constant -3.400000e+38 : f32
    %broadcast_in_dim3A_1631 = vector.broadcast %jit3A_1630 : f32 to vector<256x1024xf32>
    %select_n3A_1632 = arith.select %eq3A_1629, %broadcast_in_dim3A_1631, %select_n3A_1571 : vector<256x1024xi1>, vector<256x1024xf32>
    %neg3A_1633 = arith.constant 0.000000e+00 : f32
    %neg3A_1634 = vector.broadcast %neg3A_1633 : f32 to vector<256x1xf32>
    %neg3A_1635 = arith.subf %neg3A_1634, %broadcast_in_dim3A_1619 : vector<256x1xf32>
    %sub3A_1636 = vector.broadcast %neg3A_1635 : vector<256x1xf32> to vector<256x16xf32>
    %sub3A_1637 = vector.broadcast %add3A_36 : vector<1x16xf32> to vector<256x16xf32>
    %sub3A_1638 = arith.subf %sub3A_1636, %sub3A_1637 : vector<256x16xf32>
    %div3A_1639 = arith.constant 1.250000e+00 : f32
    %div3A_1640 = vector.broadcast %div3A_1639 : f32 to vector<256x16xf32>
    %div3A_1641 = arith.divf %sub3A_1638, %div3A_1640 : vector<256x16xf32>
    %integer_pow3A_1642 = arith.mulf %div3A_1641, %div3A_1641 : vector<256x16xf32>
    %neg3A_1643 = arith.constant 0.000000e+00 : f32
    %neg3A_1644 = vector.broadcast %neg3A_1643 : f32 to vector<256x16xf32>
    %neg3A_1645 = arith.subf %neg3A_1644, %integer_pow3A_1642 : vector<256x16xf32>
    %exp3A_1646 = math.exp %neg3A_1645 : vector<256x16xf32>
    %sub3A_1647 = arith.subi %broadcast_in_dim3A_1627, %add3A_29 : vector<256x1xi32>
    %convert_element_type3A_1648 = arith.sitofp %sub3A_1647 : vector<256x1xi32> to vector<256x1xf32>
    %mul3A_1649 = vector.broadcast %convert_element_type3A_1648 : vector<256x1xf32> to vector<256x8xf32>
    %mul3A_1650 = vector.broadcast %exp3A : vector<1x8xf32> to vector<256x8xf32>
    %mul3A_1651 = arith.mulf %mul3A_1649, %mul3A_1650 : vector<256x8xf32>
    %cos3A_1652 = math.cos %mul3A_1651 : vector<256x8xf32>
    %sin3A_1653 = math.sin %mul3A_1651 : vector<256x8xf32>
    %concatenate3A_1654 = tpu.concatenate %exp3A_1646, %cos3A_1652, %sin3A_1653 in 1 : vector<256x16xf32>, vector<256x8xf32>, vector<256x8xf32> -> vector<256x32xf32>
    %get3A_1655 = arith.constant 0 : index
    %get3A_1656 = arith.constant 0 : index
    %get3A_1657 = vector.load %arg7[%get3A_1655, %get3A_1656] : memref<32x128xf32, #tpu.memory_space<vmem>>, vector<32x128xf32>
    %dot_general3A_1658 = arith.constant dense<0.000000e+00> : vector<256x128xf32>
    %dot_general3A_1659 = tpu.matmul %concatenate3A_1654, %get3A_1657, %dot_general3A_1658 {dimension_numbers = #tpu.dot_dimension_numbers<[1], [0], [0], [1], [0, 0, 1, 1], [], []>, transpose_lhs_hint = false} : vector<256x32xf32>, vector<32x128xf32>, vector<256x128xf32> -> vector<256x128xf32>
    %get3A_1660 = arith.constant 0 : index
    %get3A_1661 = arith.constant 0 : index
    %get3A_1662 = vector.load %arg8[%get3A_1660, %get3A_1661] : memref<1x128xf32, #tpu.memory_space<vmem>>, vector<1x128xf32>
    %add3A_1663 = vector.broadcast %get3A_1662 : vector<1x128xf32> to vector<256x128xf32>
    %add3A_1664 = arith.addf %dot_general3A_1659, %add3A_1663 : vector<256x128xf32>
    %swap3A_1665 = arith.constant 0 : index
    %swap3A_1666 = arith.constant 26 : index
    %swap3A_1667 = arith.constant 0 : index
    %swap3A_1668 = vector.load %arg13[%swap3A_1665, %swap3A_1666, %swap3A_1667] : memref<256x30x128xf32, #tpu.memory_space<vmem>>, vector<256x1x128xf32>
    %swap3A_1669 = vector.shape_cast %swap3A_1668 : vector<256x1x128xf32> to vector<256x128xf32>
    %swap3A_1670 = vector.shape_cast %add3A_1664 : vector<256x128xf32> to vector<256x1x128xf32>
    tpu.vector_store %arg13[%swap3A_1665, %swap3A_1666, %swap3A_1667], %swap3A_1670 {strides = array<i32>} : memref<256x30x128xf32, #tpu.memory_space<vmem>>, vector<256x1x128xf32>,
    %mul3A_1671 = arith.constant 1024 : i32
    %mul3A_1672 = arith.muli %arg0, %mul3A_1671 : i32
    %add3A_1673 = vector.broadcast %mul3A_1672 : i32 to vector<256x1xi32>
    %add3A_1674 = arith.addi %broadcast_in_dim3A_1627, %add3A_1673 : vector<256x1xi32>
    %swap3A_1675 = arith.constant 0 : index
    %swap3A_1676 = arith.constant 26 : index
    %swap3A_1677 = vector.load %arg12[%swap3A_1675, %swap3A_1676] : memref<256x30xi32, #tpu.memory_space<vmem>>, vector<256x1xi32>
    tpu.vector_store %arg12[%swap3A_1675, %swap3A_1676], %add3A_1674 {strides = array<i32>} : memref<256x30xi32, #tpu.memory_space<vmem>>, vector<256x1xi32>,
    %reduce_max3A_1678 = arith.constant dense<0xFF800000> : vector<256xf32>
    %reduce_max3A_1679 = vector.multi_reduction <maximumf>, %select_n3A_1632, %reduce_max3A_1678 [1] : vector<256x1024xf32> to vector<256xf32>
    %broadcast_in_dim3A_1680 = vector.shape_cast %reduce_max3A_1679 : vector<256xf32> to vector<256x1xf32>
    %eq3A_1681 = vector.broadcast %broadcast_in_dim3A_1680 : vector<256x1xf32> to vector<256x1024xf32>
    %eq3A_1682 = arith.cmpf oeq, %select_n3A_1632, %eq3A_1681 : vector<256x1024xf32>
    %jit3A_1683 = arith.constant 1024 : i32
    %broadcast_in_dim3A_1684 = vector.broadcast %jit3A_1683 : i32 to vector<256x1024xi32>
    %select_n3A_1685 = arith.select %eq3A_1682, %iota3A, %broadcast_in_dim3A_1684 : vector<256x1024xi1>, vector<256x1024xi32>
    %reduce_min3A_1686 = arith.constant dense<2147483647> : vector<256xi32>
    %reduce_min3A_1687 = vector.multi_reduction <minsi>, %select_n3A_1685, %reduce_min3A_1686 [1] : vector<256x1024xi32> to vector<256xi32>
    %broadcast_in_dim3A_1688 = vector.shape_cast %reduce_min3A_1687 : vector<256xi32> to vector<256x1xi32>
    %eq3A_1689 = vector.broadcast %broadcast_in_dim3A_1688 : vector<256x1xi32> to vector<256x1024xi32>
    %eq3A_1690 = arith.cmpi eq, %iota3A, %eq3A_1689 : vector<256x1024xi32>
    %jit3A_1691 = arith.constant -3.400000e+38 : f32
    %broadcast_in_dim3A_1692 = vector.broadcast %jit3A_1691 : f32 to vector<256x1024xf32>
    %select_n3A_1693 = arith.select %eq3A_1690, %broadcast_in_dim3A_1692, %select_n3A_1632 : vector<256x1024xi1>, vector<256x1024xf32>
    %neg3A_1694 = arith.constant 0.000000e+00 : f32
    %neg3A_1695 = vector.broadcast %neg3A_1694 : f32 to vector<256x1xf32>
    %neg3A_1696 = arith.subf %neg3A_1695, %broadcast_in_dim3A_1680 : vector<256x1xf32>
    %sub3A_1697 = vector.broadcast %neg3A_1696 : vector<256x1xf32> to vector<256x16xf32>
    %sub3A_1698 = vector.broadcast %add3A_36 : vector<1x16xf32> to vector<256x16xf32>
    %sub3A_1699 = arith.subf %sub3A_1697, %sub3A_1698 : vector<256x16xf32>
    %div3A_1700 = arith.constant 1.250000e+00 : f32
    %div3A_1701 = vector.broadcast %div3A_1700 : f32 to vector<256x16xf32>
    %div3A_1702 = arith.divf %sub3A_1699, %div3A_1701 : vector<256x16xf32>
    %integer_pow3A_1703 = arith.mulf %div3A_1702, %div3A_1702 : vector<256x16xf32>
    %neg3A_1704 = arith.constant 0.000000e+00 : f32
    %neg3A_1705 = vector.broadcast %neg3A_1704 : f32 to vector<256x16xf32>
    %neg3A_1706 = arith.subf %neg3A_1705, %integer_pow3A_1703 : vector<256x16xf32>
    %exp3A_1707 = math.exp %neg3A_1706 : vector<256x16xf32>
    %sub3A_1708 = arith.subi %broadcast_in_dim3A_1688, %add3A_29 : vector<256x1xi32>
    %convert_element_type3A_1709 = arith.sitofp %sub3A_1708 : vector<256x1xi32> to vector<256x1xf32>
    %mul3A_1710 = vector.broadcast %convert_element_type3A_1709 : vector<256x1xf32> to vector<256x8xf32>
    %mul3A_1711 = vector.broadcast %exp3A : vector<1x8xf32> to vector<256x8xf32>
    %mul3A_1712 = arith.mulf %mul3A_1710, %mul3A_1711 : vector<256x8xf32>
    %cos3A_1713 = math.cos %mul3A_1712 : vector<256x8xf32>
    %sin3A_1714 = math.sin %mul3A_1712 : vector<256x8xf32>
    %concatenate3A_1715 = tpu.concatenate %exp3A_1707, %cos3A_1713, %sin3A_1714 in 1 : vector<256x16xf32>, vector<256x8xf32>, vector<256x8xf32> -> vector<256x32xf32>
    %get3A_1716 = arith.constant 0 : index
    %get3A_1717 = arith.constant 0 : index
    %get3A_1718 = vector.load %arg7[%get3A_1716, %get3A_1717] : memref<32x128xf32, #tpu.memory_space<vmem>>, vector<32x128xf32>
    %dot_general3A_1719 = arith.constant dense<0.000000e+00> : vector<256x128xf32>
    %dot_general3A_1720 = tpu.matmul %concatenate3A_1715, %get3A_1718, %dot_general3A_1719 {dimension_numbers = #tpu.dot_dimension_numbers<[1], [0], [0], [1], [0, 0, 1, 1], [], []>, transpose_lhs_hint = false} : vector<256x32xf32>, vector<32x128xf32>, vector<256x128xf32> -> vector<256x128xf32>
    %get3A_1721 = arith.constant 0 : index
    %get3A_1722 = arith.constant 0 : index
    %get3A_1723 = vector.load %arg8[%get3A_1721, %get3A_1722] : memref<1x128xf32, #tpu.memory_space<vmem>>, vector<1x128xf32>
    %add3A_1724 = vector.broadcast %get3A_1723 : vector<1x128xf32> to vector<256x128xf32>
    %add3A_1725 = arith.addf %dot_general3A_1720, %add3A_1724 : vector<256x128xf32>
    %swap3A_1726 = arith.constant 0 : index
    %swap3A_1727 = arith.constant 27 : index
    %swap3A_1728 = arith.constant 0 : index
    %swap3A_1729 = vector.load %arg13[%swap3A_1726, %swap3A_1727, %swap3A_1728] : memref<256x30x128xf32, #tpu.memory_space<vmem>>, vector<256x1x128xf32>
    %swap3A_1730 = vector.shape_cast %swap3A_1729 : vector<256x1x128xf32> to vector<256x128xf32>
    %swap3A_1731 = vector.shape_cast %add3A_1725 : vector<256x128xf32> to vector<256x1x128xf32>
    tpu.vector_store %arg13[%swap3A_1726, %swap3A_1727, %swap3A_1728], %swap3A_1731 {strides = array<i32>} : memref<256x30x128xf32, #tpu.memory_space<vmem>>, vector<256x1x128xf32>,
    %mul3A_1732 = arith.constant 1024 : i32
    %mul3A_1733 = arith.muli %arg0, %mul3A_1732 : i32
    %add3A_1734 = vector.broadcast %mul3A_1733 : i32 to vector<256x1xi32>
    %add3A_1735 = arith.addi %broadcast_in_dim3A_1688, %add3A_1734 : vector<256x1xi32>
    %swap3A_1736 = arith.constant 0 : index
    %swap3A_1737 = arith.constant 27 : index
    %swap3A_1738 = vector.load %arg12[%swap3A_1736, %swap3A_1737] : memref<256x30xi32, #tpu.memory_space<vmem>>, vector<256x1xi32>
    tpu.vector_store %arg12[%swap3A_1736, %swap3A_1737], %add3A_1735 {strides = array<i32>} : memref<256x30xi32, #tpu.memory_space<vmem>>, vector<256x1xi32>,
    %reduce_max3A_1739 = arith.constant dense<0xFF800000> : vector<256xf32>
    %reduce_max3A_1740 = vector.multi_reduction <maximumf>, %select_n3A_1693, %reduce_max3A_1739 [1] : vector<256x1024xf32> to vector<256xf32>
    %broadcast_in_dim3A_1741 = vector.shape_cast %reduce_max3A_1740 : vector<256xf32> to vector<256x1xf32>
    %eq3A_1742 = vector.broadcast %broadcast_in_dim3A_1741 : vector<256x1xf32> to vector<256x1024xf32>
    %eq3A_1743 = arith.cmpf oeq, %select_n3A_1693, %eq3A_1742 : vector<256x1024xf32>
    %jit3A_1744 = arith.constant 1024 : i32
    %broadcast_in_dim3A_1745 = vector.broadcast %jit3A_1744 : i32 to vector<256x1024xi32>
    %select_n3A_1746 = arith.select %eq3A_1743, %iota3A, %broadcast_in_dim3A_1745 : vector<256x1024xi1>, vector<256x1024xi32>
    %reduce_min3A_1747 = arith.constant dense<2147483647> : vector<256xi32>
    %reduce_min3A_1748 = vector.multi_reduction <minsi>, %select_n3A_1746, %reduce_min3A_1747 [1] : vector<256x1024xi32> to vector<256xi32>
    %broadcast_in_dim3A_1749 = vector.shape_cast %reduce_min3A_1748 : vector<256xi32> to vector<256x1xi32>
    %eq3A_1750 = vector.broadcast %broadcast_in_dim3A_1749 : vector<256x1xi32> to vector<256x1024xi32>
    %eq3A_1751 = arith.cmpi eq, %iota3A, %eq3A_1750 : vector<256x1024xi32>
    %jit3A_1752 = arith.constant -3.400000e+38 : f32
    %broadcast_in_dim3A_1753 = vector.broadcast %jit3A_1752 : f32 to vector<256x1024xf32>
    %select_n3A_1754 = arith.select %eq3A_1751, %broadcast_in_dim3A_1753, %select_n3A_1693 : vector<256x1024xi1>, vector<256x1024xf32>
    %neg3A_1755 = arith.constant 0.000000e+00 : f32
    %neg3A_1756 = vector.broadcast %neg3A_1755 : f32 to vector<256x1xf32>
    %neg3A_1757 = arith.subf %neg3A_1756, %broadcast_in_dim3A_1741 : vector<256x1xf32>
    %sub3A_1758 = vector.broadcast %neg3A_1757 : vector<256x1xf32> to vector<256x16xf32>
    %sub3A_1759 = vector.broadcast %add3A_36 : vector<1x16xf32> to vector<256x16xf32>
    %sub3A_1760 = arith.subf %sub3A_1758, %sub3A_1759 : vector<256x16xf32>
    %div3A_1761 = arith.constant 1.250000e+00 : f32
    %div3A_1762 = vector.broadcast %div3A_1761 : f32 to vector<256x16xf32>
    %div3A_1763 = arith.divf %sub3A_1760, %div3A_1762 : vector<256x16xf32>
    %integer_pow3A_1764 = arith.mulf %div3A_1763, %div3A_1763 : vector<256x16xf32>
    %neg3A_1765 = arith.constant 0.000000e+00 : f32
    %neg3A_1766 = vector.broadcast %neg3A_1765 : f32 to vector<256x16xf32>
    %neg3A_1767 = arith.subf %neg3A_1766, %integer_pow3A_1764 : vector<256x16xf32>
    %exp3A_1768 = math.exp %neg3A_1767 : vector<256x16xf32>
    %sub3A_1769 = arith.subi %broadcast_in_dim3A_1749, %add3A_29 : vector<256x1xi32>
    %convert_element_type3A_1770 = arith.sitofp %sub3A_1769 : vector<256x1xi32> to vector<256x1xf32>
    %mul3A_1771 = vector.broadcast %convert_element_type3A_1770 : vector<256x1xf32> to vector<256x8xf32>
    %mul3A_1772 = vector.broadcast %exp3A : vector<1x8xf32> to vector<256x8xf32>
    %mul3A_1773 = arith.mulf %mul3A_1771, %mul3A_1772 : vector<256x8xf32>
    %cos3A_1774 = math.cos %mul3A_1773 : vector<256x8xf32>
    %sin3A_1775 = math.sin %mul3A_1773 : vector<256x8xf32>
    %concatenate3A_1776 = tpu.concatenate %exp3A_1768, %cos3A_1774, %sin3A_1775 in 1 : vector<256x16xf32>, vector<256x8xf32>, vector<256x8xf32> -> vector<256x32xf32>
    %get3A_1777 = arith.constant 0 : index
    %get3A_1778 = arith.constant 0 : index
    %get3A_1779 = vector.load %arg7[%get3A_1777, %get3A_1778] : memref<32x128xf32, #tpu.memory_space<vmem>>, vector<32x128xf32>
    %dot_general3A_1780 = arith.constant dense<0.000000e+00> : vector<256x128xf32>
    %dot_general3A_1781 = tpu.matmul %concatenate3A_1776, %get3A_1779, %dot_general3A_1780 {dimension_numbers = #tpu.dot_dimension_numbers<[1], [0], [0], [1], [0, 0, 1, 1], [], []>, transpose_lhs_hint = false} : vector<256x32xf32>, vector<32x128xf32>, vector<256x128xf32> -> vector<256x128xf32>
    %get3A_1782 = arith.constant 0 : index
    %get3A_1783 = arith.constant 0 : index
    %get3A_1784 = vector.load %arg8[%get3A_1782, %get3A_1783] : memref<1x128xf32, #tpu.memory_space<vmem>>, vector<1x128xf32>
    %add3A_1785 = vector.broadcast %get3A_1784 : vector<1x128xf32> to vector<256x128xf32>
    %add3A_1786 = arith.addf %dot_general3A_1781, %add3A_1785 : vector<256x128xf32>
    %swap3A_1787 = arith.constant 0 : index
    %swap3A_1788 = arith.constant 28 : index
    %swap3A_1789 = arith.constant 0 : index
    %swap3A_1790 = vector.load %arg13[%swap3A_1787, %swap3A_1788, %swap3A_1789] : memref<256x30x128xf32, #tpu.memory_space<vmem>>, vector<256x1x128xf32>
    %swap3A_1791 = vector.shape_cast %swap3A_1790 : vector<256x1x128xf32> to vector<256x128xf32>
    %swap3A_1792 = vector.shape_cast %add3A_1786 : vector<256x128xf32> to vector<256x1x128xf32>
    tpu.vector_store %arg13[%swap3A_1787, %swap3A_1788, %swap3A_1789], %swap3A_1792 {strides = array<i32>} : memref<256x30x128xf32, #tpu.memory_space<vmem>>, vector<256x1x128xf32>,
    %mul3A_1793 = arith.constant 1024 : i32
    %mul3A_1794 = arith.muli %arg0, %mul3A_1793 : i32
    %add3A_1795 = vector.broadcast %mul3A_1794 : i32 to vector<256x1xi32>
    %add3A_1796 = arith.addi %broadcast_in_dim3A_1749, %add3A_1795 : vector<256x1xi32>
    %swap3A_1797 = arith.constant 0 : index
    %swap3A_1798 = arith.constant 28 : index
    %swap3A_1799 = vector.load %arg12[%swap3A_1797, %swap3A_1798] : memref<256x30xi32, #tpu.memory_space<vmem>>, vector<256x1xi32>
    tpu.vector_store %arg12[%swap3A_1797, %swap3A_1798], %add3A_1796 {strides = array<i32>} : memref<256x30xi32, #tpu.memory_space<vmem>>, vector<256x1xi32>,
    %reduce_max3A_1800 = arith.constant dense<0xFF800000> : vector<256xf32>
    %reduce_max3A_1801 = vector.multi_reduction <maximumf>, %select_n3A_1754, %reduce_max3A_1800 [1] : vector<256x1024xf32> to vector<256xf32>
    %broadcast_in_dim3A_1802 = vector.shape_cast %reduce_max3A_1801 : vector<256xf32> to vector<256x1xf32>
    %eq3A_1803 = vector.broadcast %broadcast_in_dim3A_1802 : vector<256x1xf32> to vector<256x1024xf32>
    %eq3A_1804 = arith.cmpf oeq, %select_n3A_1754, %eq3A_1803 : vector<256x1024xf32>
    %jit3A_1805 = arith.constant 1024 : i32
    %broadcast_in_dim3A_1806 = vector.broadcast %jit3A_1805 : i32 to vector<256x1024xi32>
    %select_n3A_1807 = arith.select %eq3A_1804, %iota3A, %broadcast_in_dim3A_1806 : vector<256x1024xi1>, vector<256x1024xi32>
    %reduce_min3A_1808 = arith.constant dense<2147483647> : vector<256xi32>
    %reduce_min3A_1809 = vector.multi_reduction <minsi>, %select_n3A_1807, %reduce_min3A_1808 [1] : vector<256x1024xi32> to vector<256xi32>
    %broadcast_in_dim3A_1810 = vector.shape_cast %reduce_min3A_1809 : vector<256xi32> to vector<256x1xi32>
    %neg3A_1811 = arith.constant 0.000000e+00 : f32
    %neg3A_1812 = vector.broadcast %neg3A_1811 : f32 to vector<256x1xf32>
    %neg3A_1813 = arith.subf %neg3A_1812, %broadcast_in_dim3A_1802 : vector<256x1xf32>
    %sub3A_1814 = vector.broadcast %neg3A_1813 : vector<256x1xf32> to vector<256x16xf32>
    %sub3A_1815 = vector.broadcast %add3A_36 : vector<1x16xf32> to vector<256x16xf32>
    %sub3A_1816 = arith.subf %sub3A_1814, %sub3A_1815 : vector<256x16xf32>
    %div3A_1817 = arith.constant 1.250000e+00 : f32
    %div3A_1818 = vector.broadcast %div3A_1817 : f32 to vector<256x16xf32>
    %div3A_1819 = arith.divf %sub3A_1816, %div3A_1818 : vector<256x16xf32>
    %integer_pow3A_1820 = arith.mulf %div3A_1819, %div3A_1819 : vector<256x16xf32>
    %neg3A_1821 = arith.constant 0.000000e+00 : f32
    %neg3A_1822 = vector.broadcast %neg3A_1821 : f32 to vector<256x16xf32>
    %neg3A_1823 = arith.subf %neg3A_1822, %integer_pow3A_1820 : vector<256x16xf32>
    %exp3A_1824 = math.exp %neg3A_1823 : vector<256x16xf32>
    %sub3A_1825 = arith.subi %broadcast_in_dim3A_1810, %add3A_29 : vector<256x1xi32>
    %convert_element_type3A_1826 = arith.sitofp %sub3A_1825 : vector<256x1xi32> to vector<256x1xf32>
    %mul3A_1827 = vector.broadcast %convert_element_type3A_1826 : vector<256x1xf32> to vector<256x8xf32>
    %mul3A_1828 = vector.broadcast %exp3A : vector<1x8xf32> to vector<256x8xf32>
    %mul3A_1829 = arith.mulf %mul3A_1827, %mul3A_1828 : vector<256x8xf32>
    %cos3A_1830 = math.cos %mul3A_1829 : vector<256x8xf32>
    %sin3A_1831 = math.sin %mul3A_1829 : vector<256x8xf32>
    %concatenate3A_1832 = tpu.concatenate %exp3A_1824, %cos3A_1830, %sin3A_1831 in 1 : vector<256x16xf32>, vector<256x8xf32>, vector<256x8xf32> -> vector<256x32xf32>
    %get3A_1833 = arith.constant 0 : index
    %get3A_1834 = arith.constant 0 : index
    %get3A_1835 = vector.load %arg7[%get3A_1833, %get3A_1834] : memref<32x128xf32, #tpu.memory_space<vmem>>, vector<32x128xf32>
    %dot_general3A_1836 = arith.constant dense<0.000000e+00> : vector<256x128xf32>
    %dot_general3A_1837 = tpu.matmul %concatenate3A_1832, %get3A_1835, %dot_general3A_1836 {dimension_numbers = #tpu.dot_dimension_numbers<[1], [0], [0], [1], [0, 0, 1, 1], [], []>, transpose_lhs_hint = false} : vector<256x32xf32>, vector<32x128xf32>, vector<256x128xf32> -> vector<256x128xf32>
    %get3A_1838 = arith.constant 0 : index
    %get3A_1839 = arith.constant 0 : index
    %get3A_1840 = vector.load %arg8[%get3A_1838, %get3A_1839] : memref<1x128xf32, #tpu.memory_space<vmem>>, vector<1x128xf32>
    %add3A_1841 = vector.broadcast %get3A_1840 : vector<1x128xf32> to vector<256x128xf32>
    %add3A_1842 = arith.addf %dot_general3A_1837, %add3A_1841 : vector<256x128xf32>
    %swap3A_1843 = arith.constant 0 : index
    %swap3A_1844 = arith.constant 29 : index
    %swap3A_1845 = arith.constant 0 : index
    %swap3A_1846 = vector.load %arg13[%swap3A_1843, %swap3A_1844, %swap3A_1845] : memref<256x30x128xf32, #tpu.memory_space<vmem>>, vector<256x1x128xf32>
    %swap3A_1847 = vector.shape_cast %swap3A_1846 : vector<256x1x128xf32> to vector<256x128xf32>
    %swap3A_1848 = vector.shape_cast %add3A_1842 : vector<256x128xf32> to vector<256x1x128xf32>
    tpu.vector_store %arg13[%swap3A_1843, %swap3A_1844, %swap3A_1845], %swap3A_1848 {strides = array<i32>} : memref<256x30x128xf32, #tpu.memory_space<vmem>>, vector<256x1x128xf32>,
    %mul3A_1849 = arith.constant 1024 : i32
    %mul3A_1850 = arith.muli %arg0, %mul3A_1849 : i32
    %add3A_1851 = vector.broadcast %mul3A_1850 : i32 to vector<256x1xi32>
    %add3A_1852 = arith.addi %broadcast_in_dim3A_1810, %add3A_1851 : vector<256x1xi32>
    %swap3A_1853 = arith.constant 0 : index
    %swap3A_1854 = arith.constant 29 : index
    %swap3A_1855 = vector.load %arg12[%swap3A_1853, %swap3A_1854] : memref<256x30xi32, #tpu.memory_space<vmem>>, vector<256x1xi32>
    tpu.vector_store %arg12[%swap3A_1853, %swap3A_1854], %add3A_1852 {strides = array<i32>} : memref<256x30xi32, #tpu.memory_space<vmem>>, vector<256x1xi32>,
    %get3A_1856 = arith.constant 0 : index
    %get3A_1857 = arith.constant 0 : index
    %get3A_1858 = vector.load %arg5[%get3A_1856, %get3A_1857] : memref<256x1xi32, #tpu.memory_space<vmem>>, vector<256x1xi32>
    %iota3A_1859 = tpu.iota {dimensions = array<i32: 1>} : vector<256x20xi32>
    %eq3A_1860 = vector.broadcast %get3A_1858 : vector<256x1xi32> to vector<256x20xi32>
    %eq3A_1861 = arith.cmpi eq, %eq3A_1860, %iota3A_1859 : vector<256x20xi32>
    %convert_element_type3A_1862 = arith.extui %eq3A_1861 : vector<256x20xi1> to vector<256x20xi32>
    %convert_element_type3A_1863 = arith.sitofp %convert_element_type3A_1862 : vector<256x20xi32> to vector<256x20xf32>
    %get3A_1864 = arith.constant 0 : index
    %get3A_1865 = arith.constant 0 : index
    %get3A_1866 = vector.load %arg11[%get3A_1864, %get3A_1865] : memref<20x128xf32, #tpu.memory_space<vmem>>, vector<20x128xf32>
    %dot_general3A_1867 = arith.constant dense<0.000000e+00> : vector<256x128xf32>
    %dot_general3A_1868 = tpu.matmul %convert_element_type3A_1863, %get3A_1866, %dot_general3A_1867 {dimension_numbers = #tpu.dot_dimension_numbers<[1], [0], [0], [1], [0, 0, 1, 1], [], []>, transpose_lhs_hint = false} : vector<256x20xf32>, vector<20x128xf32>, vector<256x128xf32> -> vector<256x128xf32>
    %swap3A_1869 = arith.constant 0 : index
    %swap3A_1870 = arith.constant 0 : index
    %swap3A_1871 = vector.load %arg14[%swap3A_1869, %swap3A_1870] : memref<256x128xf32, #tpu.memory_space<vmem>>, vector<256x128xf32>
    tpu.vector_store %arg14[%swap3A_1869, %swap3A_1870], %dot_general3A_1868 {strides = array<i32>} : memref<256x128xf32, #tpu.memory_space<vmem>>, vector<256x128xf32>,
    %get3A_1872 = arith.constant 0 : index
    %get3A_1873 = arith.constant 0 : index
    %get3A_1874 = vector.load %arg6[%get3A_1872, %get3A_1873] : memref<256x8xf32, #tpu.memory_space<vmem>>, vector<256x8xf32>
    %get3A_1875 = arith.constant 0 : index
    %get3A_1876 = arith.constant 0 : index
    %get3A_1877 = vector.load %arg9[%get3A_1875, %get3A_1876] : memref<8x128xf32, #tpu.memory_space<vmem>>, vector<8x128xf32>
    %dot_general3A_1878 = arith.constant dense<0.000000e+00> : vector<256x128xf32>
    %dot_general3A_1879 = tpu.matmul %get3A_1874, %get3A_1877, %dot_general3A_1878 {dimension_numbers = #tpu.dot_dimension_numbers<[1], [0], [0], [1], [0, 0, 1, 1], [], []>, transpose_lhs_hint = false} : vector<256x8xf32>, vector<8x128xf32>, vector<256x128xf32> -> vector<256x128xf32>
    %get3A_1880 = arith.constant 0 : index
    %get3A_1881 = arith.constant 0 : index
    %get3A_1882 = vector.load %arg10[%get3A_1880, %get3A_1881] : memref<1x128xf32, #tpu.memory_space<vmem>>, vector<1x128xf32>
    %add3A_1883 = vector.broadcast %get3A_1882 : vector<1x128xf32> to vector<256x128xf32>
    %add3A_1884 = arith.addf %dot_general3A_1879, %add3A_1883 : vector<256x128xf32>
    %swap3A_1885 = arith.constant 0 : index
    %swap3A_1886 = arith.constant 0 : index
    %swap3A_1887 = vector.load %arg15[%swap3A_1885, %swap3A_1886] : memref<256x128xf32, #tpu.memory_space<vmem>>, vector<256x128xf32>
    tpu.vector_store %arg15[%swap3A_1885, %swap3A_1886], %add3A_1884 {strides = array<i32>} : memref<256x128xf32, #tpu.memory_space<vmem>>, vector<256x128xf32>,
    return
  }
  func.func @transform_0(%arg0: i32, %arg1: i32) -> (i32, i32, i32) {
    %c0_i32 = arith.constant 0 : i32
    %c0_i32_0 = arith.constant 0 : i32
    %c0_i32_1 = arith.constant 0 : i32
    return %arg0, %c0_i32, %c0_i32_0 : i32, i32, i32
  }
  func.func @transform_1(%arg0: i32, %arg1: i32) -> (i32, i32, i32) {
    %c0_i32 = arith.constant 0 : i32
    %c0_i32_0 = arith.constant 0 : i32
    %c0_i32_1 = arith.constant 0 : i32
    return %arg0, %c0_i32, %c0_i32_0 : i32, i32, i32
  }
  func.func @transform_2(%arg0: i32, %arg1: i32) -> (i32, i32, i32) {
    %c0_i32 = arith.constant 0 : i32
    %c0_i32_0 = arith.constant 0 : i32
    return %arg0, %arg1, %c0_i32 : i32, i32, i32
  }
  func.func @transform_3(%arg0: i32, %arg1: i32) -> (i32, i32) {
    %mul3A = arith.constant 4 : i32
    %mul3A_0 = arith.muli %arg0, %mul3A : i32
    %add3A = arith.addi %mul3A_0, %arg1 : i32
    %c0_i32 = arith.constant 0 : i32
    %c0_i32_1 = arith.constant 0 : i32
    return %add3A, %c0_i32 : i32, i32
  }
  func.func @transform_4(%arg0: i32, %arg1: i32) -> (i32, i32) {
    %mul3A = arith.constant 4 : i32
    %mul3A_0 = arith.muli %arg0, %mul3A : i32
    %add3A = arith.addi %mul3A_0, %arg1 : i32
    %c0_i32 = arith.constant 0 : i32
    %c0_i32_1 = arith.constant 0 : i32
    return %add3A, %c0_i32 : i32, i32
  }
  func.func @transform_5(%arg0: i32, %arg1: i32) -> (i32, i32) {
    %c0_i32 = arith.constant 0 : i32
    %c0_i32_0 = arith.constant 0 : i32
    %c0_i32_1 = arith.constant 0 : i32
    return %c0_i32, %c0_i32_0 : i32, i32
  }
  func.func @transform_6(%arg0: i32, %arg1: i32) -> (i32, i32) {
    %c0_i32 = arith.constant 0 : i32
    %c0_i32_0 = arith.constant 0 : i32
    %c0_i32_1 = arith.constant 0 : i32
    return %c0_i32, %c0_i32_0 : i32, i32
  }
  func.func @transform_7(%arg0: i32, %arg1: i32) -> (i32, i32) {
    %c0_i32 = arith.constant 0 : i32
    %c0_i32_0 = arith.constant 0 : i32
    %c0_i32_1 = arith.constant 0 : i32
    return %c0_i32, %c0_i32_0 : i32, i32
  }
  func.func @transform_8(%arg0: i32, %arg1: i32) -> (i32, i32) {
    %c0_i32 = arith.constant 0 : i32
    %c0_i32_0 = arith.constant 0 : i32
    %c0_i32_1 = arith.constant 0 : i32
    return %c0_i32, %c0_i32_0 : i32, i32
  }
  func.func @transform_9(%arg0: i32, %arg1: i32) -> (i32, i32) {
    %c0_i32 = arith.constant 0 : i32
    %c0_i32_0 = arith.constant 0 : i32
    %c0_i32_1 = arith.constant 0 : i32
    return %c0_i32, %c0_i32_0 : i32, i32
  }
  func.func @transform_10(%arg0: i32, %arg1: i32) -> (i32, i32) {
    %mul3A = arith.constant 4 : i32
    %mul3A_0 = arith.muli %arg0, %mul3A : i32
    %add3A = arith.addi %mul3A_0, %arg1 : i32
    %c0_i32 = arith.constant 0 : i32
    %c0_i32_1 = arith.constant 0 : i32
    return %add3A, %c0_i32 : i32, i32
  }
  func.func @transform_11(%arg0: i32, %arg1: i32) -> (i32, i32, i32) {
    %mul3A = arith.constant 4 : i32
    %mul3A_0 = arith.muli %arg0, %mul3A : i32
    %add3A = arith.addi %mul3A_0, %arg1 : i32
    %c0_i32 = arith.constant 0 : i32
    %c0_i32_1 = arith.constant 0 : i32
    %c0_i32_2 = arith.constant 0 : i32
    return %add3A, %c0_i32, %c0_i32_1 : i32, i32, i32
  }
  func.func @transform_12(%arg0: i32, %arg1: i32) -> (i32, i32) {
    %mul3A = arith.constant 4 : i32
    %mul3A_0 = arith.muli %arg0, %mul3A : i32
    %add3A = arith.addi %mul3A_0, %arg1 : i32
    %c0_i32 = arith.constant 0 : i32
    %c0_i32_1 = arith.constant 0 : i32
    return %add3A, %c0_i32 : i32, i32
  }
  func.func @transform_13(%arg0: i32, %arg1: i32) -> (i32, i32) {
    %mul3A = arith.constant 4 : i32
    %mul3A_0 = arith.muli %arg0, %mul3A : i32
    %add3A = arith.addi %mul3A_0, %arg1 : i32
    %c0_i32 = arith.constant 0 : i32
    %c0_i32_1 = arith.constant 0 : i32
    return %add3A, %c0_i32 : i32, i32
  }
}

module attributes {stable_mosaic.version = 14 : i64} {
  func.func @_enc_body(%arg0: i32, %arg1: memref<128x128xf32, #tpu.memory_space<vmem>>, %arg2: memref<3840x128xf32, #tpu.memory_space<vmem>>, %arg3: memref<3840x128xf32, #tpu.memory_space<vmem>>, %arg4: memref<128x128xf32, #tpu.memory_space<vmem>>, %arg5: memref<128x128xf32, #tpu.memory_space<vmem>>, %arg6: memref<128x128xf32, #tpu.memory_space<vmem>>, %arg7: memref<1x128xf32, #tpu.memory_space<vmem>>, %arg8: memref<128x128xf32, #tpu.memory_space<vmem>>, %arg9: memref<1x128xf32, #tpu.memory_space<vmem>>, %arg10: memref<128x128xf32, #tpu.memory_space<vmem>>, %arg11: memref<1x128xf32, #tpu.memory_space<vmem>>, %arg12: memref<128x512xf32, #tpu.memory_space<vmem>>, %arg13: memref<1x512xf32, #tpu.memory_space<vmem>>, %arg14: memref<512x128xf32, #tpu.memory_space<vmem>>, %arg15: memref<1x128xf32, #tpu.memory_space<vmem>>, %arg16: memref<128x128xf32, #tpu.memory_space<vmem>>) attributes {dimension_semantics = [#tpu.dimension_semantics<arbitrary>], iteration_bounds = array<i64: 32>, scalar_prefetch = 0 : i64, scratch_operands = 0 : i64, tpu.core_type = #tpu.core_type<tc>, window_params = [{transform_indices = @transform_0, window_bounds = array<i64: 128, 128>}, {transform_indices = @transform_1, window_bounds = array<i64: 3840, 128>}, {transform_indices = @transform_2, window_bounds = array<i64: 3840, 128>}, {pipeline_mode = #tpu.pipeline_mode<synchronous>, transform_indices = @transform_3, window_bounds = array<i64: 128, 128>}, {pipeline_mode = #tpu.pipeline_mode<synchronous>, transform_indices = @transform_4, window_bounds = array<i64: 128, 128>}, {pipeline_mode = #tpu.pipeline_mode<synchronous>, transform_indices = @transform_5, window_bounds = array<i64: 128, 128>}, {pipeline_mode = #tpu.pipeline_mode<synchronous>, transform_indices = @transform_6, window_bounds = array<i64: 1, 128>}, {pipeline_mode = #tpu.pipeline_mode<synchronous>, transform_indices = @transform_7, window_bounds = array<i64: 128, 128>}, {pipeline_mode = #tpu.pipeline_mode<synchronous>, transform_indices = @transform_8, window_bounds = array<i64: 1, 128>}, {pipeline_mode = #tpu.pipeline_mode<synchronous>, transform_indices = @transform_9, window_bounds = array<i64: 128, 128>}, {pipeline_mode = #tpu.pipeline_mode<synchronous>, transform_indices = @transform_10, window_bounds = array<i64: 1, 128>}, {pipeline_mode = #tpu.pipeline_mode<synchronous>, transform_indices = @transform_11, window_bounds = array<i64: 128, 512>}, {pipeline_mode = #tpu.pipeline_mode<synchronous>, transform_indices = @transform_12, window_bounds = array<i64: 1, 512>}, {pipeline_mode = #tpu.pipeline_mode<synchronous>, transform_indices = @transform_13, window_bounds = array<i64: 512, 128>}, {pipeline_mode = #tpu.pipeline_mode<synchronous>, transform_indices = @transform_14, window_bounds = array<i64: 1, 128>}, {transform_indices = @transform_15, window_bounds = array<i64: 128, 128>}]} {
    %get3A = arith.constant 0 : index
    %get3A_0 = arith.constant 0 : index
    %get3A_1 = vector.load %arg1[%get3A, %get3A_0] : memref<128x128xf32, #tpu.memory_space<vmem>>, vector<128x128xf32>
    %iota3A = tpu.iota {dimensions = array<i32: 0>} : vector<3840x128xi32>
    %jit3A = arith.constant 30 : i32
    %div3A = vector.broadcast %jit3A : i32 to vector<3840x128xi32>
    %div3A_2 = arith.divsi %iota3A, %div3A : vector<3840x128xi32>
    %sign3A = arith.constant 0 : i32
    %sign3A_3 = vector.broadcast %sign3A : i32 to vector<3840x128xi32>
    %sign3A_4 = arith.cmpi sgt, %iota3A, %sign3A_3 : vector<3840x128xi32>
    %sign3A_5 = arith.extui %sign3A_4 : vector<3840x128xi1> to vector<3840x128xi32>
    %sign3A_6 = arith.constant 0 : i32
    %sign3A_7 = vector.broadcast %sign3A_6 : i32 to vector<3840x128xi32>
    %sign3A_8 = arith.cmpi slt, %iota3A, %sign3A_7 : vector<3840x128xi32>
    %sign3A_9 = arith.extui %sign3A_8 : vector<3840x128xi1> to vector<3840x128xi32>
    %sign3A_10 = arith.subi %sign3A_5, %sign3A_9 : vector<3840x128xi32>
    %sign3A_11 = arith.constant 0 : i32
    %sign3A_12 = arith.cmpi sgt, %jit3A, %sign3A_11 : i32
    %sign3A_13 = arith.extui %sign3A_12 : i1 to i32
    %sign3A_14 = arith.constant 0 : i32
    %sign3A_15 = arith.cmpi slt, %jit3A, %sign3A_14 : i32
    %sign3A_16 = arith.extui %sign3A_15 : i1 to i32
    %sign3A_17 = arith.subi %sign3A_13, %sign3A_16 : i32
    %ne3A = vector.broadcast %sign3A_17 : i32 to vector<3840x128xi32>
    %ne3A_18 = arith.cmpi ne, %sign3A_10, %ne3A : vector<3840x128xi32>
    %rem3A = vector.broadcast %jit3A : i32 to vector<3840x128xi32>
    %rem3A_19 = arith.remsi %iota3A, %rem3A : vector<3840x128xi32>
    %ne3A_20 = arith.constant 0 : i32
    %ne3A_21 = vector.broadcast %ne3A_20 : i32 to vector<3840x128xi32>
    %ne3A_22 = arith.cmpi ne, %rem3A_19, %ne3A_21 : vector<3840x128xi32>
    %and3A = arith.andi %ne3A_18, %ne3A_22 : vector<3840x128xi1>
    %sub3A = arith.constant 1 : i32
    %sub3A_23 = vector.broadcast %sub3A : i32 to vector<3840x128xi32>
    %sub3A_24 = arith.subi %div3A_2, %sub3A_23 : vector<3840x128xi32>
    %select_n3A = arith.select %and3A, %sub3A_24, %div3A_2 : vector<3840x128xi1>, vector<3840x128xi32>
    %iota3A_25 = tpu.iota {dimensions = array<i32: 1>} : vector<3840x128xi32>
    %eq3A = arith.cmpi eq, %select_n3A, %iota3A_25 : vector<3840x128xi32>
    %convert_element_type3A = arith.extui %eq3A : vector<3840x128xi1> to vector<3840x128xi32>
    %convert_element_type3A_26 = arith.sitofp %convert_element_type3A : vector<3840x128xi32> to vector<3840x128xf32>
    %get3A_27 = arith.constant 0 : index
    %get3A_28 = arith.constant 0 : index
    %get3A_29 = vector.load %arg4[%get3A_27, %get3A_28] : memref<128x128xf32, #tpu.memory_space<vmem>>, vector<128x128xf32>
    %dot_general3A = arith.constant dense<0.000000e+00> : vector<128x128xf32>
    %dot_general3A_30 = tpu.matmul %get3A_1, %get3A_29, %dot_general3A {dimension_numbers = #tpu.dot_dimension_numbers<[1], [0], [0], [1], [0, 0, 1, 1], [], []>, transpose_lhs_hint = false} : vector<128x128xf32>, vector<128x128xf32>, vector<128x128xf32> -> vector<128x128xf32>
    %dot_general3A_31 = arith.constant dense<0.000000e+00> : vector<3840x128xf32>
    %dot_general3A_32 = tpu.matmul %convert_element_type3A_26, %dot_general3A_30, %dot_general3A_31 {dimension_numbers = #tpu.dot_dimension_numbers<[1], [0], [0], [1], [0, 0, 1, 1], [], []>, transpose_lhs_hint = false} : vector<3840x128xf32>, vector<128x128xf32>, vector<3840x128xf32> -> vector<3840x128xf32>
    %get3A_33 = arith.constant 0 : index
    %get3A_34 = arith.constant 0 : index
    %get3A_35 = vector.load %arg2[%get3A_33, %get3A_34] : memref<3840x128xf32, #tpu.memory_space<vmem>>, vector<3840x128xf32>
    %get3A_36 = arith.constant 0 : index
    %get3A_37 = arith.constant 0 : index
    %get3A_38 = vector.load %arg5[%get3A_36, %get3A_37] : memref<128x128xf32, #tpu.memory_space<vmem>>, vector<128x128xf32>
    %dot_general3A_39 = arith.constant dense<0.000000e+00> : vector<3840x128xf32>
    %dot_general3A_40 = tpu.matmul %get3A_35, %get3A_38, %dot_general3A_39 {dimension_numbers = #tpu.dot_dimension_numbers<[1], [0], [0], [1], [0, 0, 1, 1], [], []>, transpose_lhs_hint = false} : vector<3840x128xf32>, vector<128x128xf32>, vector<3840x128xf32> -> vector<3840x128xf32>
    %add3A = arith.addf %dot_general3A_32, %dot_general3A_40 : vector<3840x128xf32>
    %get3A_41 = arith.constant 0 : index
    %get3A_42 = arith.constant 0 : index
    %get3A_43 = vector.load %arg3[%get3A_41, %get3A_42] : memref<3840x128xf32, #tpu.memory_space<vmem>>, vector<3840x128xf32>
    %get3A_44 = arith.constant 0 : index
    %get3A_45 = arith.constant 0 : index
    %get3A_46 = vector.load %arg6[%get3A_44, %get3A_45] : memref<128x128xf32, #tpu.memory_space<vmem>>, vector<128x128xf32>
    %dot_general3A_47 = arith.constant dense<0.000000e+00> : vector<3840x128xf32>
    %dot_general3A_48 = tpu.matmul %get3A_43, %get3A_46, %dot_general3A_47 {dimension_numbers = #tpu.dot_dimension_numbers<[1], [0], [0], [1], [0, 0, 1, 1], [], []>, transpose_lhs_hint = false} : vector<3840x128xf32>, vector<128x128xf32>, vector<3840x128xf32> -> vector<3840x128xf32>
    %add3A_49 = arith.addf %add3A, %dot_general3A_48 : vector<3840x128xf32>
    %get3A_50 = arith.constant 0 : index
    %get3A_51 = arith.constant 0 : index
    %get3A_52 = vector.load %arg7[%get3A_50, %get3A_51] : memref<1x128xf32, #tpu.memory_space<vmem>>, vector<1x128xf32>
    %add3A_53 = vector.broadcast %get3A_52 : vector<1x128xf32> to vector<3840x128xf32>
    %add3A_54 = arith.addf %add3A_49, %add3A_53 : vector<3840x128xf32>
    %max3A = arith.constant 0.000000e+00 : f32
    %max3A_55 = vector.broadcast %max3A : f32 to vector<3840x128xf32>
    %max3A_56 = arith.maximumf %add3A_54, %max3A_55 : vector<3840x128xf32>
    %get3A_57 = arith.constant 0 : index
    %get3A_58 = arith.constant 0 : index
    %get3A_59 = vector.load %arg8[%get3A_57, %get3A_58] : memref<128x128xf32, #tpu.memory_space<vmem>>, vector<128x128xf32>
    %dot_general3A_60 = arith.constant dense<0.000000e+00> : vector<3840x128xf32>
    %dot_general3A_61 = tpu.matmul %max3A_56, %get3A_59, %dot_general3A_60 {dimension_numbers = #tpu.dot_dimension_numbers<[1], [0], [0], [1], [0, 0, 1, 1], [], []>, transpose_lhs_hint = false} : vector<3840x128xf32>, vector<128x128xf32>, vector<3840x128xf32> -> vector<3840x128xf32>
    %get3A_62 = arith.constant 0 : index
    %get3A_63 = arith.constant 0 : index
    %get3A_64 = vector.load %arg9[%get3A_62, %get3A_63] : memref<1x128xf32, #tpu.memory_space<vmem>>, vector<1x128xf32>
    %add3A_65 = vector.broadcast %get3A_64 : vector<1x128xf32> to vector<3840x128xf32>
    %add3A_66 = arith.addf %dot_general3A_61, %add3A_65 : vector<3840x128xf32>
    %max3A_67 = arith.constant 0.000000e+00 : f32
    %max3A_68 = vector.broadcast %max3A_67 : f32 to vector<3840x128xf32>
    %max3A_69 = arith.maximumf %add3A_66, %max3A_68 : vector<3840x128xf32>
    %get3A_70 = arith.constant 0 : index
    %get3A_71 = arith.constant 0 : index
    %get3A_72 = vector.load %arg10[%get3A_70, %get3A_71] : memref<128x128xf32, #tpu.memory_space<vmem>>, vector<128x128xf32>
    %dot_general3A_73 = arith.constant dense<0.000000e+00> : vector<3840x128xf32>
    %dot_general3A_74 = tpu.matmul %max3A_69, %get3A_72, %dot_general3A_73 {dimension_numbers = #tpu.dot_dimension_numbers<[1], [0], [0], [1], [0, 0, 1, 1], [], []>, transpose_lhs_hint = false} : vector<3840x128xf32>, vector<128x128xf32>, vector<3840x128xf32> -> vector<3840x128xf32>
    %get3A_75 = arith.constant 0 : index
    %get3A_76 = arith.constant 0 : index
    %get3A_77 = vector.load %arg11[%get3A_75, %get3A_76] : memref<1x128xf32, #tpu.memory_space<vmem>>, vector<1x128xf32>
    %add3A_78 = vector.broadcast %get3A_77 : vector<1x128xf32> to vector<3840x128xf32>
    %add3A_79 = arith.addf %dot_general3A_74, %add3A_78 : vector<3840x128xf32>
    %dot_general3A_80 = arith.constant dense<0.000000e+00> : vector<128x128xf32>
    %dot_general3A_81 = tpu.matmul %convert_element_type3A_26, %add3A_79, %dot_general3A_80 {dimension_numbers = #tpu.dot_dimension_numbers<[0], [0], [1], [1], [0, 1, 1, 1], [], []>, transpose_lhs_hint = false} : vector<3840x128xf32>, vector<3840x128xf32>, vector<128x128xf32> -> vector<128x128xf32>
    %div3A_82 = arith.constant 3.000000e+01 : f32
    %div3A_83 = vector.broadcast %div3A_82 : f32 to vector<128x128xf32>
    %div3A_84 = arith.divf %dot_general3A_81, %div3A_83 : vector<128x128xf32>
    %add3A_85 = arith.addf %get3A_1, %div3A_84 : vector<128x128xf32>
    %reduce_sum3A = arith.constant dense<0.000000e+00> : vector<128xf32>
    %reduce_sum3A_86 = vector.multi_reduction <add>, %add3A_85, %reduce_sum3A [1] : vector<128x128xf32> to vector<128xf32>
    %broadcast_in_dim3A = vector.shape_cast %reduce_sum3A_86 : vector<128xf32> to vector<128x1xf32>
    %div3A_87 = arith.constant 1.280000e+02 : f32
    %div3A_88 = vector.broadcast %div3A_87 : f32 to vector<128x1xf32>
    %div3A_89 = arith.divf %broadcast_in_dim3A, %div3A_88 : vector<128x1xf32>
    %sub3A_90 = vector.broadcast %div3A_89 : vector<128x1xf32> to vector<128x128xf32>
    %sub3A_91 = arith.subf %add3A_85, %sub3A_90 : vector<128x128xf32>
    %mul3A = arith.mulf %sub3A_91, %sub3A_91 : vector<128x128xf32>
    %reduce_sum3A_92 = arith.constant dense<0.000000e+00> : vector<128xf32>
    %reduce_sum3A_93 = vector.multi_reduction <add>, %mul3A, %reduce_sum3A_92 [1] : vector<128x128xf32> to vector<128xf32>
    %broadcast_in_dim3A_94 = vector.shape_cast %reduce_sum3A_93 : vector<128xf32> to vector<128x1xf32>
    %div3A_95 = arith.constant 1.280000e+02 : f32
    %div3A_96 = vector.broadcast %div3A_95 : f32 to vector<128x1xf32>
    %div3A_97 = arith.divf %broadcast_in_dim3A_94, %div3A_96 : vector<128x1xf32>
    %add3A_98 = arith.constant 9.99999974E-6 : f32
    %add3A_99 = vector.broadcast %add3A_98 : f32 to vector<128x1xf32>
    %add3A_100 = arith.addf %div3A_97, %add3A_99 : vector<128x1xf32>
    %sqrt3A = math.sqrt %add3A_100 : vector<128x1xf32>
    %div3A_101 = vector.broadcast %sqrt3A : vector<128x1xf32> to vector<128x128xf32>
    %div3A_102 = arith.divf %sub3A_91, %div3A_101 : vector<128x128xf32>
    %get3A_103 = arith.constant 0 : index
    %get3A_104 = arith.constant 0 : index
    %get3A_105 = vector.load %arg12[%get3A_103, %get3A_104] : memref<128x512xf32, #tpu.memory_space<vmem>>, vector<128x512xf32>
    %dot_general3A_106 = arith.constant dense<0.000000e+00> : vector<128x512xf32>
    %dot_general3A_107 = tpu.matmul %div3A_102, %get3A_105, %dot_general3A_106 {dimension_numbers = #tpu.dot_dimension_numbers<[1], [0], [0], [1], [0, 0, 1, 1], [], []>, transpose_lhs_hint = false} : vector<128x128xf32>, vector<128x512xf32>, vector<128x512xf32> -> vector<128x512xf32>
    %get3A_108 = arith.constant 0 : index
    %get3A_109 = arith.constant 0 : index
    %get3A_110 = vector.load %arg13[%get3A_108, %get3A_109] : memref<1x512xf32, #tpu.memory_space<vmem>>, vector<1x512xf32>
    %add3A_111 = vector.broadcast %get3A_110 : vector<1x512xf32> to vector<128x512xf32>
    %add3A_112 = arith.addf %dot_general3A_107, %add3A_111 : vector<128x512xf32>
    %max3A_113 = arith.constant 0.000000e+00 : f32
    %max3A_114 = vector.broadcast %max3A_113 : f32 to vector<128x512xf32>
    %max3A_115 = arith.maximumf %add3A_112, %max3A_114 : vector<128x512xf32>
    %get3A_116 = arith.constant 0 : index
    %get3A_117 = arith.constant 0 : index
    %get3A_118 = vector.load %arg14[%get3A_116, %get3A_117] : memref<512x128xf32, #tpu.memory_space<vmem>>, vector<512x128xf32>
    %dot_general3A_119 = arith.constant dense<0.000000e+00> : vector<128x128xf32>
    %dot_general3A_120 = tpu.matmul %max3A_115, %get3A_118, %dot_general3A_119 {dimension_numbers = #tpu.dot_dimension_numbers<[1], [0], [0], [1], [0, 0, 1, 1], [], []>, transpose_lhs_hint = false} : vector<128x512xf32>, vector<512x128xf32>, vector<128x128xf32> -> vector<128x128xf32>
    %get3A_121 = arith.constant 0 : index
    %get3A_122 = arith.constant 0 : index
    %get3A_123 = vector.load %arg15[%get3A_121, %get3A_122] : memref<1x128xf32, #tpu.memory_space<vmem>>, vector<1x128xf32>
    %add3A_124 = vector.broadcast %get3A_123 : vector<1x128xf32> to vector<128x128xf32>
    %add3A_125 = arith.addf %dot_general3A_120, %add3A_124 : vector<128x128xf32>
    %add3A_126 = arith.addf %div3A_102, %add3A_125 : vector<128x128xf32>
    %reduce_sum3A_127 = arith.constant dense<0.000000e+00> : vector<128xf32>
    %reduce_sum3A_128 = vector.multi_reduction <add>, %add3A_126, %reduce_sum3A_127 [1] : vector<128x128xf32> to vector<128xf32>
    %broadcast_in_dim3A_129 = vector.shape_cast %reduce_sum3A_128 : vector<128xf32> to vector<128x1xf32>
    %div3A_130 = arith.constant 1.280000e+02 : f32
    %div3A_131 = vector.broadcast %div3A_130 : f32 to vector<128x1xf32>
    %div3A_132 = arith.divf %broadcast_in_dim3A_129, %div3A_131 : vector<128x1xf32>
    %sub3A_133 = vector.broadcast %div3A_132 : vector<128x1xf32> to vector<128x128xf32>
    %sub3A_134 = arith.subf %add3A_126, %sub3A_133 : vector<128x128xf32>
    %mul3A_135 = arith.mulf %sub3A_134, %sub3A_134 : vector<128x128xf32>
    %reduce_sum3A_136 = arith.constant dense<0.000000e+00> : vector<128xf32>
    %reduce_sum3A_137 = vector.multi_reduction <add>, %mul3A_135, %reduce_sum3A_136 [1] : vector<128x128xf32> to vector<128xf32>
    %broadcast_in_dim3A_138 = vector.shape_cast %reduce_sum3A_137 : vector<128xf32> to vector<128x1xf32>
    %div3A_139 = arith.constant 1.280000e+02 : f32
    %div3A_140 = vector.broadcast %div3A_139 : f32 to vector<128x1xf32>
    %div3A_141 = arith.divf %broadcast_in_dim3A_138, %div3A_140 : vector<128x1xf32>
    %add3A_142 = arith.constant 9.99999974E-6 : f32
    %add3A_143 = vector.broadcast %add3A_142 : f32 to vector<128x1xf32>
    %add3A_144 = arith.addf %div3A_141, %add3A_143 : vector<128x1xf32>
    %sqrt3A_145 = math.sqrt %add3A_144 : vector<128x1xf32>
    %div3A_146 = vector.broadcast %sqrt3A_145 : vector<128x1xf32> to vector<128x128xf32>
    %div3A_147 = arith.divf %sub3A_134, %div3A_146 : vector<128x128xf32>
    %swap3A = arith.constant 0 : index
    %swap3A_148 = arith.constant 0 : index
    %swap3A_149 = vector.load %arg16[%swap3A, %swap3A_148] : memref<128x128xf32, #tpu.memory_space<vmem>>, vector<128x128xf32>
    tpu.vector_store %arg16[%swap3A, %swap3A_148], %div3A_147 {strides = array<i32>} : memref<128x128xf32, #tpu.memory_space<vmem>>, vector<128x128xf32>,
    return
  }
  func.func @transform_0(%arg0: i32) -> (i32, i32) {
    %c0_i32 = arith.constant 0 : i32
    %c0_i32_0 = arith.constant 0 : i32
    return %arg0, %c0_i32 : i32, i32
  }
  func.func @transform_1(%arg0: i32) -> (i32, i32) {
    %c0_i32 = arith.constant 0 : i32
    %c0_i32_0 = arith.constant 0 : i32
    return %arg0, %c0_i32 : i32, i32
  }
  func.func @transform_2(%arg0: i32) -> (i32, i32) {
    %c0_i32 = arith.constant 0 : i32
    %c0_i32_0 = arith.constant 0 : i32
    return %arg0, %c0_i32 : i32, i32
  }
  func.func @transform_3(%arg0: i32) -> (i32, i32) {
    %c0_i32 = arith.constant 0 : i32
    %c0_i32_0 = arith.constant 0 : i32
    %c0_i32_1 = arith.constant 0 : i32
    return %c0_i32, %c0_i32_0 : i32, i32
  }
  func.func @transform_4(%arg0: i32) -> (i32, i32) {
    %c0_i32 = arith.constant 0 : i32
    %c0_i32_0 = arith.constant 0 : i32
    %c0_i32_1 = arith.constant 0 : i32
    return %c0_i32, %c0_i32_0 : i32, i32
  }
  func.func @transform_5(%arg0: i32) -> (i32, i32) {
    %c0_i32 = arith.constant 0 : i32
    %c0_i32_0 = arith.constant 0 : i32
    %c0_i32_1 = arith.constant 0 : i32
    return %c0_i32, %c0_i32_0 : i32, i32
  }
  func.func @transform_6(%arg0: i32) -> (i32, i32) {
    %c0_i32 = arith.constant 0 : i32
    %c0_i32_0 = arith.constant 0 : i32
    %c0_i32_1 = arith.constant 0 : i32
    return %c0_i32, %c0_i32_0 : i32, i32
  }
  func.func @transform_7(%arg0: i32) -> (i32, i32) {
    %c0_i32 = arith.constant 0 : i32
    %c0_i32_0 = arith.constant 0 : i32
    %c0_i32_1 = arith.constant 0 : i32
    return %c0_i32, %c0_i32_0 : i32, i32
  }
  func.func @transform_8(%arg0: i32) -> (i32, i32) {
    %c0_i32 = arith.constant 0 : i32
    %c0_i32_0 = arith.constant 0 : i32
    %c0_i32_1 = arith.constant 0 : i32
    return %c0_i32, %c0_i32_0 : i32, i32
  }
  func.func @transform_9(%arg0: i32) -> (i32, i32) {
    %c0_i32 = arith.constant 0 : i32
    %c0_i32_0 = arith.constant 0 : i32
    %c0_i32_1 = arith.constant 0 : i32
    return %c0_i32, %c0_i32_0 : i32, i32
  }
  func.func @transform_10(%arg0: i32) -> (i32, i32) {
    %c0_i32 = arith.constant 0 : i32
    %c0_i32_0 = arith.constant 0 : i32
    %c0_i32_1 = arith.constant 0 : i32
    return %c0_i32, %c0_i32_0 : i32, i32
  }
  func.func @transform_11(%arg0: i32) -> (i32, i32) {
    %c0_i32 = arith.constant 0 : i32
    %c0_i32_0 = arith.constant 0 : i32
    %c0_i32_1 = arith.constant 0 : i32
    return %c0_i32, %c0_i32_0 : i32, i32
  }
  func.func @transform_12(%arg0: i32) -> (i32, i32) {
    %c0_i32 = arith.constant 0 : i32
    %c0_i32_0 = arith.constant 0 : i32
    %c0_i32_1 = arith.constant 0 : i32
    return %c0_i32, %c0_i32_0 : i32, i32
  }
  func.func @transform_13(%arg0: i32) -> (i32, i32) {
    %c0_i32 = arith.constant 0 : i32
    %c0_i32_0 = arith.constant 0 : i32
    %c0_i32_1 = arith.constant 0 : i32
    return %c0_i32, %c0_i32_0 : i32, i32
  }
  func.func @transform_14(%arg0: i32) -> (i32, i32) {
    %c0_i32 = arith.constant 0 : i32
    %c0_i32_0 = arith.constant 0 : i32
    %c0_i32_1 = arith.constant 0 : i32
    return %c0_i32, %c0_i32_0 : i32, i32
  }
  func.func @transform_15(%arg0: i32) -> (i32, i32) {
    %c0_i32 = arith.constant 0 : i32
    %c0_i32_0 = arith.constant 0 : i32
    return %arg0, %c0_i32 : i32, i32
  }
}

module attributes {stable_mosaic.version = 14 : i64} {
  func.func @_dec_body(%arg0: i32, %arg1: memref<128x128xf32, #tpu.memory_space<vmem>>, %arg2: memref<3840x128xf32, #tpu.memory_space<vmem>>, %arg3: memref<3840x256xf32, #tpu.memory_space<vmem>>, %arg4: memref<3840x128xf32, #tpu.memory_space<vmem>>, %arg5: memref<3840x1xf32, #tpu.memory_space<vmem>>, %arg6: memref<128x128xf32, #tpu.memory_space<vmem>>, %arg7: memref<128x128xf32, #tpu.memory_space<vmem>>, %arg8: memref<128x128xf32, #tpu.memory_space<vmem>>, %arg9: memref<128x128xf32, #tpu.memory_space<vmem>>, %arg10: memref<1x128xf32, #tpu.memory_space<vmem>>, %arg11: memref<128x128xf32, #tpu.memory_space<vmem>>, %arg12: memref<1x128xf32, #tpu.memory_space<vmem>>, %arg13: memref<128x128xf32, #tpu.memory_space<vmem>>, %arg14: memref<1x128xf32, #tpu.memory_space<vmem>>, %arg15: memref<128x512xf32, #tpu.memory_space<vmem>>, %arg16: memref<1x512xf32, #tpu.memory_space<vmem>>, %arg17: memref<512x128xf32, #tpu.memory_space<vmem>>, %arg18: memref<1x128xf32, #tpu.memory_space<vmem>>, %arg19: memref<128x128xf32, #tpu.memory_space<vmem>>) attributes {dimension_semantics = [#tpu.dimension_semantics<arbitrary>], iteration_bounds = array<i64: 32>, scalar_prefetch = 0 : i64, scratch_operands = 0 : i64, tpu.core_type = #tpu.core_type<tc>, window_params = [{transform_indices = @transform_0, window_bounds = array<i64: 128, 128>}, {transform_indices = @transform_1, window_bounds = array<i64: 3840, 128>}, {transform_indices = @transform_2, window_bounds = array<i64: 3840, 256>}, {transform_indices = @transform_3, window_bounds = array<i64: 3840, 128>}, {transform_indices = @transform_4, window_bounds = array<i64: 3840, 1>}, {pipeline_mode = #tpu.pipeline_mode<synchronous>, transform_indices = @transform_5, window_bounds = array<i64: 128, 128>}, {pipeline_mode = #tpu.pipeline_mode<synchronous>, transform_indices = @transform_6, window_bounds = array<i64: 128, 128>}, {pipeline_mode = #tpu.pipeline_mode<synchronous>, transform_indices = @transform_7, window_bounds = array<i64: 128, 128>}, {pipeline_mode = #tpu.pipeline_mode<synchronous>, transform_indices = @transform_8, window_bounds = array<i64: 128, 128>}, {pipeline_mode = #tpu.pipeline_mode<synchronous>, transform_indices = @transform_9, window_bounds = array<i64: 1, 128>}, {pipeline_mode = #tpu.pipeline_mode<synchronous>, transform_indices = @transform_10, window_bounds = array<i64: 128, 128>}, {pipeline_mode = #tpu.pipeline_mode<synchronous>, transform_indices = @transform_11, window_bounds = array<i64: 1, 128>}, {pipeline_mode = #tpu.pipeline_mode<synchronous>, transform_indices = @transform_12, window_bounds = array<i64: 128, 128>}, {pipeline_mode = #tpu.pipeline_mode<synchronous>, transform_indices = @transform_13, window_bounds = array<i64: 1, 128>}, {pipeline_mode = #tpu.pipeline_mode<synchronous>, transform_indices = @transform_14, window_bounds = array<i64: 128, 512>}, {pipeline_mode = #tpu.pipeline_mode<synchronous>, transform_indices = @transform_15, window_bounds = array<i64: 1, 512>}, {pipeline_mode = #tpu.pipeline_mode<synchronous>, transform_indices = @transform_16, window_bounds = array<i64: 512, 128>}, {pipeline_mode = #tpu.pipeline_mode<synchronous>, transform_indices = @transform_17, window_bounds = array<i64: 1, 128>}, {transform_indices = @transform_18, window_bounds = array<i64: 128, 128>}]} {
    %get3A = arith.constant 0 : index
    %get3A_0 = arith.constant 0 : index
    %get3A_1 = vector.load %arg1[%get3A, %get3A_0] : memref<128x128xf32, #tpu.memory_space<vmem>>, vector<128x128xf32>
    %get3A_2 = arith.constant 0 : index
    %get3A_3 = arith.constant 0 : index
    %get3A_4 = vector.load %arg5[%get3A_2, %get3A_3] : memref<3840x1xf32, #tpu.memory_space<vmem>>, vector<3840x1xf32>
    %ne3A = arith.constant 0.000000e+00 : f32
    %ne3A_5 = vector.broadcast %ne3A : f32 to vector<3840x1xf32>
    %ne3A_6 = arith.cmpf one, %get3A_4, %ne3A_5 : vector<3840x1xf32>
    %get3A_7 = arith.constant 0 : index
    %get3A_8 = arith.constant 0 : index
    %get3A_9 = vector.load %arg3[%get3A_7, %get3A_8] : memref<3840x256xf32, #tpu.memory_space<vmem>>, vector<3840x256xf32>
    %get3A_10 = arith.constant 0 : index
    %get3A_11 = arith.constant 0 : index
    %get3A_12 = vector.load %arg2[%get3A_10, %get3A_11] : memref<3840x128xf32, #tpu.memory_space<vmem>>, vector<3840x128xf32>
    %slice3A = vector.extract_strided_slice %get3A_9 {offsets = [0, 0], sizes = [3840, 128], strides = [1, 1]} : vector<3840x256xf32> to vector<3840x128xf32>
    %broadcast_in_dim3A = vector.shape_cast %ne3A_6 : vector<3840x1xi1> to vector<3840x1xi1>
    %broadcast_in_dim3A_13 = vector.broadcast %broadcast_in_dim3A : vector<3840x1xi1> to vector<3840x128xi1>
    %select_n3A = arith.select %broadcast_in_dim3A_13, %get3A_12, %slice3A : vector<3840x128xi1>, vector<3840x128xf32>
    %slice3A_14 = vector.extract_strided_slice %get3A_9 {offsets = [0, 128], sizes = [3840, 128], strides = [1, 1]} : vector<3840x256xf32> to vector<3840x128xf32>
    %jit3A = arith.constant 0.000000e+00 : f32
    %broadcast_in_dim3A_15 = vector.shape_cast %ne3A_6 : vector<3840x1xi1> to vector<3840x1xi1>
    %broadcast_in_dim3A_16 = vector.broadcast %broadcast_in_dim3A_15 : vector<3840x1xi1> to vector<3840x128xi1>
    %broadcast_in_dim3A_17 = vector.broadcast %jit3A : f32 to vector<3840x128xf32>
    %select_n3A_18 = arith.select %broadcast_in_dim3A_16, %slice3A_14, %broadcast_in_dim3A_17 : vector<3840x128xi1>, vector<3840x128xf32>
    %iota3A = tpu.iota {dimensions = array<i32: 0>} : vector<3840x128xi32>
    %jit3A_19 = arith.constant 30 : i32
    %div3A = vector.broadcast %jit3A_19 : i32 to vector<3840x128xi32>
    %div3A_20 = arith.divsi %iota3A, %div3A : vector<3840x128xi32>
    %sign3A = arith.constant 0 : i32
    %sign3A_21 = vector.broadcast %sign3A : i32 to vector<3840x128xi32>
    %sign3A_22 = arith.cmpi sgt, %iota3A, %sign3A_21 : vector<3840x128xi32>
    %sign3A_23 = arith.extui %sign3A_22 : vector<3840x128xi1> to vector<3840x128xi32>
    %sign3A_24 = arith.constant 0 : i32
    %sign3A_25 = vector.broadcast %sign3A_24 : i32 to vector<3840x128xi32>
    %sign3A_26 = arith.cmpi slt, %iota3A, %sign3A_25 : vector<3840x128xi32>
    %sign3A_27 = arith.extui %sign3A_26 : vector<3840x128xi1> to vector<3840x128xi32>
    %sign3A_28 = arith.subi %sign3A_23, %sign3A_27 : vector<3840x128xi32>
    %sign3A_29 = arith.constant 0 : i32
    %sign3A_30 = arith.cmpi sgt, %jit3A_19, %sign3A_29 : i32
    %sign3A_31 = arith.extui %sign3A_30 : i1 to i32
    %sign3A_32 = arith.constant 0 : i32
    %sign3A_33 = arith.cmpi slt, %jit3A_19, %sign3A_32 : i32
    %sign3A_34 = arith.extui %sign3A_33 : i1 to i32
    %sign3A_35 = arith.subi %sign3A_31, %sign3A_34 : i32
    %ne3A_36 = vector.broadcast %sign3A_35 : i32 to vector<3840x128xi32>
    %ne3A_37 = arith.cmpi ne, %sign3A_28, %ne3A_36 : vector<3840x128xi32>
    %rem3A = vector.broadcast %jit3A_19 : i32 to vector<3840x128xi32>
    %rem3A_38 = arith.remsi %iota3A, %rem3A : vector<3840x128xi32>
    %ne3A_39 = arith.constant 0 : i32
    %ne3A_40 = vector.broadcast %ne3A_39 : i32 to vector<3840x128xi32>
    %ne3A_41 = arith.cmpi ne, %rem3A_38, %ne3A_40 : vector<3840x128xi32>
    %and3A = arith.andi %ne3A_37, %ne3A_41 : vector<3840x128xi1>
    %sub3A = arith.constant 1 : i32
    %sub3A_42 = vector.broadcast %sub3A : i32 to vector<3840x128xi32>
    %sub3A_43 = arith.subi %div3A_20, %sub3A_42 : vector<3840x128xi32>
    %select_n3A_44 = arith.select %and3A, %sub3A_43, %div3A_20 : vector<3840x128xi1>, vector<3840x128xi32>
    %iota3A_45 = tpu.iota {dimensions = array<i32: 1>} : vector<3840x128xi32>
    %eq3A = arith.cmpi eq, %select_n3A_44, %iota3A_45 : vector<3840x128xi32>
    %convert_element_type3A = arith.extui %eq3A : vector<3840x128xi1> to vector<3840x128xi32>
    %convert_element_type3A_46 = arith.sitofp %convert_element_type3A : vector<3840x128xi32> to vector<3840x128xf32>
    %get3A_47 = arith.constant 0 : index
    %get3A_48 = arith.constant 0 : index
    %get3A_49 = vector.load %arg6[%get3A_47, %get3A_48] : memref<128x128xf32, #tpu.memory_space<vmem>>, vector<128x128xf32>
    %dot_general3A = arith.constant dense<0.000000e+00> : vector<128x128xf32>
    %dot_general3A_50 = tpu.matmul %get3A_1, %get3A_49, %dot_general3A {dimension_numbers = #tpu.dot_dimension_numbers<[1], [0], [0], [1], [0, 0, 1, 1], [], []>, transpose_lhs_hint = false} : vector<128x128xf32>, vector<128x128xf32>, vector<128x128xf32> -> vector<128x128xf32>
    %dot_general3A_51 = arith.constant dense<0.000000e+00> : vector<3840x128xf32>
    %dot_general3A_52 = tpu.matmul %convert_element_type3A_46, %dot_general3A_50, %dot_general3A_51 {dimension_numbers = #tpu.dot_dimension_numbers<[1], [0], [0], [1], [0, 0, 1, 1], [], []>, transpose_lhs_hint = false} : vector<3840x128xf32>, vector<128x128xf32>, vector<3840x128xf32> -> vector<3840x128xf32>
    %get3A_53 = arith.constant 0 : index
    %get3A_54 = arith.constant 0 : index
    %get3A_55 = vector.load %arg7[%get3A_53, %get3A_54] : memref<128x128xf32, #tpu.memory_space<vmem>>, vector<128x128xf32>
    %dot_general3A_56 = arith.constant dense<0.000000e+00> : vector<3840x128xf32>
    %dot_general3A_57 = tpu.matmul %select_n3A, %get3A_55, %dot_general3A_56 {dimension_numbers = #tpu.dot_dimension_numbers<[1], [0], [0], [1], [0, 0, 1, 1], [], []>, transpose_lhs_hint = false} : vector<3840x128xf32>, vector<128x128xf32>, vector<3840x128xf32> -> vector<3840x128xf32>
    %add3A = arith.addf %dot_general3A_52, %dot_general3A_57 : vector<3840x128xf32>
    %get3A_58 = arith.constant 0 : index
    %get3A_59 = arith.constant 0 : index
    %get3A_60 = vector.load %arg8[%get3A_58, %get3A_59] : memref<128x128xf32, #tpu.memory_space<vmem>>, vector<128x128xf32>
    %dot_general3A_61 = arith.constant dense<0.000000e+00> : vector<3840x128xf32>
    %dot_general3A_62 = tpu.matmul %select_n3A_18, %get3A_60, %dot_general3A_61 {dimension_numbers = #tpu.dot_dimension_numbers<[1], [0], [0], [1], [0, 0, 1, 1], [], []>, transpose_lhs_hint = false} : vector<3840x128xf32>, vector<128x128xf32>, vector<3840x128xf32> -> vector<3840x128xf32>
    %add3A_63 = arith.addf %add3A, %dot_general3A_62 : vector<3840x128xf32>
    %get3A_64 = arith.constant 0 : index
    %get3A_65 = arith.constant 0 : index
    %get3A_66 = vector.load %arg4[%get3A_64, %get3A_65] : memref<3840x128xf32, #tpu.memory_space<vmem>>, vector<3840x128xf32>
    %get3A_67 = arith.constant 0 : index
    %get3A_68 = arith.constant 0 : index
    %get3A_69 = vector.load %arg9[%get3A_67, %get3A_68] : memref<128x128xf32, #tpu.memory_space<vmem>>, vector<128x128xf32>
    %dot_general3A_70 = arith.constant dense<0.000000e+00> : vector<3840x128xf32>
    %dot_general3A_71 = tpu.matmul %get3A_66, %get3A_69, %dot_general3A_70 {dimension_numbers = #tpu.dot_dimension_numbers<[1], [0], [0], [1], [0, 0, 1, 1], [], []>, transpose_lhs_hint = false} : vector<3840x128xf32>, vector<128x128xf32>, vector<3840x128xf32> -> vector<3840x128xf32>
    %add3A_72 = arith.addf %add3A_63, %dot_general3A_71 : vector<3840x128xf32>
    %get3A_73 = arith.constant 0 : index
    %get3A_74 = arith.constant 0 : index
    %get3A_75 = vector.load %arg10[%get3A_73, %get3A_74] : memref<1x128xf32, #tpu.memory_space<vmem>>, vector<1x128xf32>
    %add3A_76 = vector.broadcast %get3A_75 : vector<1x128xf32> to vector<3840x128xf32>
    %add3A_77 = arith.addf %add3A_72, %add3A_76 : vector<3840x128xf32>
    %max3A = arith.constant 0.000000e+00 : f32
    %max3A_78 = vector.broadcast %max3A : f32 to vector<3840x128xf32>
    %max3A_79 = arith.maximumf %add3A_77, %max3A_78 : vector<3840x128xf32>
    %get3A_80 = arith.constant 0 : index
    %get3A_81 = arith.constant 0 : index
    %get3A_82 = vector.load %arg11[%get3A_80, %get3A_81] : memref<128x128xf32, #tpu.memory_space<vmem>>, vector<128x128xf32>
    %dot_general3A_83 = arith.constant dense<0.000000e+00> : vector<3840x128xf32>
    %dot_general3A_84 = tpu.matmul %max3A_79, %get3A_82, %dot_general3A_83 {dimension_numbers = #tpu.dot_dimension_numbers<[1], [0], [0], [1], [0, 0, 1, 1], [], []>, transpose_lhs_hint = false} : vector<3840x128xf32>, vector<128x128xf32>, vector<3840x128xf32> -> vector<3840x128xf32>
    %get3A_85 = arith.constant 0 : index
    %get3A_86 = arith.constant 0 : index
    %get3A_87 = vector.load %arg12[%get3A_85, %get3A_86] : memref<1x128xf32, #tpu.memory_space<vmem>>, vector<1x128xf32>
    %add3A_88 = vector.broadcast %get3A_87 : vector<1x128xf32> to vector<3840x128xf32>
    %add3A_89 = arith.addf %dot_general3A_84, %add3A_88 : vector<3840x128xf32>
    %max3A_90 = arith.constant 0.000000e+00 : f32
    %max3A_91 = vector.broadcast %max3A_90 : f32 to vector<3840x128xf32>
    %max3A_92 = arith.maximumf %add3A_89, %max3A_91 : vector<3840x128xf32>
    %get3A_93 = arith.constant 0 : index
    %get3A_94 = arith.constant 0 : index
    %get3A_95 = vector.load %arg13[%get3A_93, %get3A_94] : memref<128x128xf32, #tpu.memory_space<vmem>>, vector<128x128xf32>
    %dot_general3A_96 = arith.constant dense<0.000000e+00> : vector<3840x128xf32>
    %dot_general3A_97 = tpu.matmul %max3A_92, %get3A_95, %dot_general3A_96 {dimension_numbers = #tpu.dot_dimension_numbers<[1], [0], [0], [1], [0, 0, 1, 1], [], []>, transpose_lhs_hint = false} : vector<3840x128xf32>, vector<128x128xf32>, vector<3840x128xf32> -> vector<3840x128xf32>
    %get3A_98 = arith.constant 0 : index
    %get3A_99 = arith.constant 0 : index
    %get3A_100 = vector.load %arg14[%get3A_98, %get3A_99] : memref<1x128xf32, #tpu.memory_space<vmem>>, vector<1x128xf32>
    %add3A_101 = vector.broadcast %get3A_100 : vector<1x128xf32> to vector<3840x128xf32>
    %add3A_102 = arith.addf %dot_general3A_97, %add3A_101 : vector<3840x128xf32>
    %dot_general3A_103 = arith.constant dense<0.000000e+00> : vector<128x128xf32>
    %dot_general3A_104 = tpu.matmul %convert_element_type3A_46, %add3A_102, %dot_general3A_103 {dimension_numbers = #tpu.dot_dimension_numbers<[0], [0], [1], [1], [0, 1, 1, 1], [], []>, transpose_lhs_hint = false} : vector<3840x128xf32>, vector<3840x128xf32>, vector<128x128xf32> -> vector<128x128xf32>
    %div3A_105 = arith.constant 3.000000e+01 : f32
    %div3A_106 = vector.broadcast %div3A_105 : f32 to vector<128x128xf32>
    %div3A_107 = arith.divf %dot_general3A_104, %div3A_106 : vector<128x128xf32>
    %add3A_108 = arith.addf %get3A_1, %div3A_107 : vector<128x128xf32>
    %reduce_sum3A = arith.constant dense<0.000000e+00> : vector<128xf32>
    %reduce_sum3A_109 = vector.multi_reduction <add>, %add3A_108, %reduce_sum3A [1] : vector<128x128xf32> to vector<128xf32>
    %broadcast_in_dim3A_110 = vector.shape_cast %reduce_sum3A_109 : vector<128xf32> to vector<128x1xf32>
    %div3A_111 = arith.constant 1.280000e+02 : f32
    %div3A_112 = vector.broadcast %div3A_111 : f32 to vector<128x1xf32>
    %div3A_113 = arith.divf %broadcast_in_dim3A_110, %div3A_112 : vector<128x1xf32>
    %sub3A_114 = vector.broadcast %div3A_113 : vector<128x1xf32> to vector<128x128xf32>
    %sub3A_115 = arith.subf %add3A_108, %sub3A_114 : vector<128x128xf32>
    %mul3A = arith.mulf %sub3A_115, %sub3A_115 : vector<128x128xf32>
    %reduce_sum3A_116 = arith.constant dense<0.000000e+00> : vector<128xf32>
    %reduce_sum3A_117 = vector.multi_reduction <add>, %mul3A, %reduce_sum3A_116 [1] : vector<128x128xf32> to vector<128xf32>
    %broadcast_in_dim3A_118 = vector.shape_cast %reduce_sum3A_117 : vector<128xf32> to vector<128x1xf32>
    %div3A_119 = arith.constant 1.280000e+02 : f32
    %div3A_120 = vector.broadcast %div3A_119 : f32 to vector<128x1xf32>
    %div3A_121 = arith.divf %broadcast_in_dim3A_118, %div3A_120 : vector<128x1xf32>
    %add3A_122 = arith.constant 9.99999974E-6 : f32
    %add3A_123 = vector.broadcast %add3A_122 : f32 to vector<128x1xf32>
    %add3A_124 = arith.addf %div3A_121, %add3A_123 : vector<128x1xf32>
    %sqrt3A = math.sqrt %add3A_124 : vector<128x1xf32>
    %div3A_125 = vector.broadcast %sqrt3A : vector<128x1xf32> to vector<128x128xf32>
    %div3A_126 = arith.divf %sub3A_115, %div3A_125 : vector<128x128xf32>
    %get3A_127 = arith.constant 0 : index
    %get3A_128 = arith.constant 0 : index
    %get3A_129 = vector.load %arg15[%get3A_127, %get3A_128] : memref<128x512xf32, #tpu.memory_space<vmem>>, vector<128x512xf32>
    %dot_general3A_130 = arith.constant dense<0.000000e+00> : vector<128x512xf32>
    %dot_general3A_131 = tpu.matmul %div3A_126, %get3A_129, %dot_general3A_130 {dimension_numbers = #tpu.dot_dimension_numbers<[1], [0], [0], [1], [0, 0, 1, 1], [], []>, transpose_lhs_hint = false} : vector<128x128xf32>, vector<128x512xf32>, vector<128x512xf32> -> vector<128x512xf32>
    %get3A_132 = arith.constant 0 : index
    %get3A_133 = arith.constant 0 : index
    %get3A_134 = vector.load %arg16[%get3A_132, %get3A_133] : memref<1x512xf32, #tpu.memory_space<vmem>>, vector<1x512xf32>
    %add3A_135 = vector.broadcast %get3A_134 : vector<1x512xf32> to vector<128x512xf32>
    %add3A_136 = arith.addf %dot_general3A_131, %add3A_135 : vector<128x512xf32>
    %max3A_137 = arith.constant 0.000000e+00 : f32
    %max3A_138 = vector.broadcast %max3A_137 : f32 to vector<128x512xf32>
    %max3A_139 = arith.maximumf %add3A_136, %max3A_138 : vector<128x512xf32>
    %get3A_140 = arith.constant 0 : index
    %get3A_141 = arith.constant 0 : index
    %get3A_142 = vector.load %arg17[%get3A_140, %get3A_141] : memref<512x128xf32, #tpu.memory_space<vmem>>, vector<512x128xf32>
    %dot_general3A_143 = arith.constant dense<0.000000e+00> : vector<128x128xf32>
    %dot_general3A_144 = tpu.matmul %max3A_139, %get3A_142, %dot_general3A_143 {dimension_numbers = #tpu.dot_dimension_numbers<[1], [0], [0], [1], [0, 0, 1, 1], [], []>, transpose_lhs_hint = false} : vector<128x512xf32>, vector<512x128xf32>, vector<128x128xf32> -> vector<128x128xf32>
    %get3A_145 = arith.constant 0 : index
    %get3A_146 = arith.constant 0 : index
    %get3A_147 = vector.load %arg18[%get3A_145, %get3A_146] : memref<1x128xf32, #tpu.memory_space<vmem>>, vector<1x128xf32>
    %add3A_148 = vector.broadcast %get3A_147 : vector<1x128xf32> to vector<128x128xf32>
    %add3A_149 = arith.addf %dot_general3A_144, %add3A_148 : vector<128x128xf32>
    %add3A_150 = arith.addf %div3A_126, %add3A_149 : vector<128x128xf32>
    %reduce_sum3A_151 = arith.constant dense<0.000000e+00> : vector<128xf32>
    %reduce_sum3A_152 = vector.multi_reduction <add>, %add3A_150, %reduce_sum3A_151 [1] : vector<128x128xf32> to vector<128xf32>
    %broadcast_in_dim3A_153 = vector.shape_cast %reduce_sum3A_152 : vector<128xf32> to vector<128x1xf32>
    %div3A_154 = arith.constant 1.280000e+02 : f32
    %div3A_155 = vector.broadcast %div3A_154 : f32 to vector<128x1xf32>
    %div3A_156 = arith.divf %broadcast_in_dim3A_153, %div3A_155 : vector<128x1xf32>
    %sub3A_157 = vector.broadcast %div3A_156 : vector<128x1xf32> to vector<128x128xf32>
    %sub3A_158 = arith.subf %add3A_150, %sub3A_157 : vector<128x128xf32>
    %mul3A_159 = arith.mulf %sub3A_158, %sub3A_158 : vector<128x128xf32>
    %reduce_sum3A_160 = arith.constant dense<0.000000e+00> : vector<128xf32>
    %reduce_sum3A_161 = vector.multi_reduction <add>, %mul3A_159, %reduce_sum3A_160 [1] : vector<128x128xf32> to vector<128xf32>
    %broadcast_in_dim3A_162 = vector.shape_cast %reduce_sum3A_161 : vector<128xf32> to vector<128x1xf32>
    %div3A_163 = arith.constant 1.280000e+02 : f32
    %div3A_164 = vector.broadcast %div3A_163 : f32 to vector<128x1xf32>
    %div3A_165 = arith.divf %broadcast_in_dim3A_162, %div3A_164 : vector<128x1xf32>
    %add3A_166 = arith.constant 9.99999974E-6 : f32
    %add3A_167 = vector.broadcast %add3A_166 : f32 to vector<128x1xf32>
    %add3A_168 = arith.addf %div3A_165, %add3A_167 : vector<128x1xf32>
    %sqrt3A_169 = math.sqrt %add3A_168 : vector<128x1xf32>
    %div3A_170 = vector.broadcast %sqrt3A_169 : vector<128x1xf32> to vector<128x128xf32>
    %div3A_171 = arith.divf %sub3A_158, %div3A_170 : vector<128x128xf32>
    %swap3A = arith.constant 0 : index
    %swap3A_172 = arith.constant 0 : index
    %swap3A_173 = vector.load %arg19[%swap3A, %swap3A_172] : memref<128x128xf32, #tpu.memory_space<vmem>>, vector<128x128xf32>
    tpu.vector_store %arg19[%swap3A, %swap3A_172], %div3A_171 {strides = array<i32>} : memref<128x128xf32, #tpu.memory_space<vmem>>, vector<128x128xf32>,
    return
  }
  func.func @transform_0(%arg0: i32) -> (i32, i32) {
    %c0_i32 = arith.constant 0 : i32
    %c0_i32_0 = arith.constant 0 : i32
    return %arg0, %c0_i32 : i32, i32
  }
  func.func @transform_1(%arg0: i32) -> (i32, i32) {
    %c0_i32 = arith.constant 0 : i32
    %c0_i32_0 = arith.constant 0 : i32
    return %arg0, %c0_i32 : i32, i32
  }
  func.func @transform_2(%arg0: i32) -> (i32, i32) {
    %c0_i32 = arith.constant 0 : i32
    %c0_i32_0 = arith.constant 0 : i32
    return %arg0, %c0_i32 : i32, i32
  }
  func.func @transform_3(%arg0: i32) -> (i32, i32) {
    %c0_i32 = arith.constant 0 : i32
    %c0_i32_0 = arith.constant 0 : i32
    return %arg0, %c0_i32 : i32, i32
  }
  func.func @transform_4(%arg0: i32) -> (i32, i32) {
    %c0_i32 = arith.constant 0 : i32
    %c0_i32_0 = arith.constant 0 : i32
    return %arg0, %c0_i32 : i32, i32
  }
  func.func @transform_5(%arg0: i32) -> (i32, i32) {
    %c0_i32 = arith.constant 0 : i32
    %c0_i32_0 = arith.constant 0 : i32
    %c0_i32_1 = arith.constant 0 : i32
    return %c0_i32, %c0_i32_0 : i32, i32
  }
  func.func @transform_6(%arg0: i32) -> (i32, i32) {
    %c0_i32 = arith.constant 0 : i32
    %c0_i32_0 = arith.constant 0 : i32
    %c0_i32_1 = arith.constant 0 : i32
    return %c0_i32, %c0_i32_0 : i32, i32
  }
  func.func @transform_7(%arg0: i32) -> (i32, i32) {
    %c0_i32 = arith.constant 0 : i32
    %c0_i32_0 = arith.constant 0 : i32
    %c0_i32_1 = arith.constant 0 : i32
    return %c0_i32, %c0_i32_0 : i32, i32
  }
  func.func @transform_8(%arg0: i32) -> (i32, i32) {
    %c0_i32 = arith.constant 0 : i32
    %c0_i32_0 = arith.constant 0 : i32
    %c0_i32_1 = arith.constant 0 : i32
    return %c0_i32, %c0_i32_0 : i32, i32
  }
  func.func @transform_9(%arg0: i32) -> (i32, i32) {
    %c0_i32 = arith.constant 0 : i32
    %c0_i32_0 = arith.constant 0 : i32
    %c0_i32_1 = arith.constant 0 : i32
    return %c0_i32, %c0_i32_0 : i32, i32
  }
  func.func @transform_10(%arg0: i32) -> (i32, i32) {
    %c0_i32 = arith.constant 0 : i32
    %c0_i32_0 = arith.constant 0 : i32
    %c0_i32_1 = arith.constant 0 : i32
    return %c0_i32, %c0_i32_0 : i32, i32
  }
  func.func @transform_11(%arg0: i32) -> (i32, i32) {
    %c0_i32 = arith.constant 0 : i32
    %c0_i32_0 = arith.constant 0 : i32
    %c0_i32_1 = arith.constant 0 : i32
    return %c0_i32, %c0_i32_0 : i32, i32
  }
  func.func @transform_12(%arg0: i32) -> (i32, i32) {
    %c0_i32 = arith.constant 0 : i32
    %c0_i32_0 = arith.constant 0 : i32
    %c0_i32_1 = arith.constant 0 : i32
    return %c0_i32, %c0_i32_0 : i32, i32
  }
  func.func @transform_13(%arg0: i32) -> (i32, i32) {
    %c0_i32 = arith.constant 0 : i32
    %c0_i32_0 = arith.constant 0 : i32
    %c0_i32_1 = arith.constant 0 : i32
    return %c0_i32, %c0_i32_0 : i32, i32
  }
  func.func @transform_14(%arg0: i32) -> (i32, i32) {
    %c0_i32 = arith.constant 0 : i32
    %c0_i32_0 = arith.constant 0 : i32
    %c0_i32_1 = arith.constant 0 : i32
    return %c0_i32, %c0_i32_0 : i32, i32
  }
  func.func @transform_15(%arg0: i32) -> (i32, i32) {
    %c0_i32 = arith.constant 0 : i32
    %c0_i32_0 = arith.constant 0 : i32
    %c0_i32_1 = arith.constant 0 : i32
    return %c0_i32, %c0_i32_0 : i32, i32
  }
  func.func @transform_16(%arg0: i32) -> (i32, i32) {
    %c0_i32 = arith.constant 0 : i32
    %c0_i32_0 = arith.constant 0 : i32
    %c0_i32_1 = arith.constant 0 : i32
    return %c0_i32, %c0_i32_0 : i32, i32
  }
  func.func @transform_17(%arg0: i32) -> (i32, i32) {
    %c0_i32 = arith.constant 0 : i32
    %c0_i32_0 = arith.constant 0 : i32
    %c0_i32_1 = arith.constant 0 : i32
    return %c0_i32, %c0_i32_0 : i32, i32
  }
  func.func @transform_18(%arg0: i32) -> (i32, i32) {
    %c0_i32 = arith.constant 0 : i32
    %c0_i32_0 = arith.constant 0 : i32
    return %arg0, %c0_i32 : i32, i32
  }
}

module attributes {stable_mosaic.version = 14 : i64} {
  func.func @_out_body(%arg0: i32, %arg1: memref<256x128xf32, #tpu.memory_space<vmem>>, %arg2: memref<128x20xf32, #tpu.memory_space<vmem>>, %arg3: memref<1x20xf32, #tpu.memory_space<vmem>>, %arg4: memref<256x20xf32, #tpu.memory_space<vmem>>) attributes {dimension_semantics = [#tpu.dimension_semantics<arbitrary>], iteration_bounds = array<i64: 16>, scalar_prefetch = 0 : i64, scratch_operands = 0 : i64, tpu.core_type = #tpu.core_type<tc>, window_params = [{transform_indices = @transform_0, window_bounds = array<i64: 256, 128>}, {pipeline_mode = #tpu.pipeline_mode<synchronous>, transform_indices = @transform_1, window_bounds = array<i64: 128, 20>}, {pipeline_mode = #tpu.pipeline_mode<synchronous>, transform_indices = @transform_2, window_bounds = array<i64: 1, 20>}, {transform_indices = @transform_3, window_bounds = array<i64: 256, 20>}]} {
    %get3A = arith.constant 0 : index
    %get3A_0 = arith.constant 0 : index
    %get3A_1 = vector.load %arg1[%get3A, %get3A_0] : memref<256x128xf32, #tpu.memory_space<vmem>>, vector<256x128xf32>
    %get3A_2 = arith.constant 0 : index
    %get3A_3 = arith.constant 0 : index
    %get3A_4 = vector.load %arg2[%get3A_2, %get3A_3] : memref<128x20xf32, #tpu.memory_space<vmem>>, vector<128x20xf32>
    %dot_general3A = arith.constant dense<0.000000e+00> : vector<256x20xf32>
    %dot_general3A_5 = tpu.matmul %get3A_1, %get3A_4, %dot_general3A {dimension_numbers = #tpu.dot_dimension_numbers<[1], [0], [0], [1], [0, 0, 1, 1], [], []>, transpose_lhs_hint = false} : vector<256x128xf32>, vector<128x20xf32>, vector<256x20xf32> -> vector<256x20xf32>
    %get3A_6 = arith.constant 0 : index
    %get3A_7 = arith.constant 0 : index
    %get3A_8 = vector.load %arg3[%get3A_6, %get3A_7] : memref<1x20xf32, #tpu.memory_space<vmem>>, vector<1x20xf32>
    %add3A = vector.broadcast %get3A_8 : vector<1x20xf32> to vector<256x20xf32>
    %add3A_9 = arith.addf %dot_general3A_5, %add3A : vector<256x20xf32>
    %reduce_max3A = arith.constant dense<0xFF800000> : vector<256xf32>
    %reduce_max3A_10 = vector.multi_reduction <maximumf>, %add3A_9, %reduce_max3A [1] : vector<256x20xf32> to vector<256xf32>
    %broadcast_in_dim3A = vector.shape_cast %reduce_max3A_10 : vector<256xf32> to vector<256x1xf32>
    %sub3A = vector.broadcast %broadcast_in_dim3A : vector<256x1xf32> to vector<256x20xf32>
    %sub3A_11 = arith.subf %add3A_9, %sub3A : vector<256x20xf32>
    %exp3A = math.exp %sub3A_11 : vector<256x20xf32>
    %reduce_sum3A = arith.constant dense<0.000000e+00> : vector<256xf32>
    %reduce_sum3A_12 = vector.multi_reduction <add>, %exp3A, %reduce_sum3A [1] : vector<256x20xf32> to vector<256xf32>
    %broadcast_in_dim3A_13 = vector.shape_cast %reduce_sum3A_12 : vector<256xf32> to vector<256x1xf32>
    %log3A = math.log %broadcast_in_dim3A_13 : vector<256x1xf32>
    %sub3A_14 = vector.broadcast %log3A : vector<256x1xf32> to vector<256x20xf32>
    %sub3A_15 = arith.subf %sub3A_11, %sub3A_14 : vector<256x20xf32>
    %swap3A = arith.constant 0 : index
    %swap3A_16 = arith.constant 0 : index
    %swap3A_17 = vector.load %arg4[%swap3A, %swap3A_16] : memref<256x20xf32, #tpu.memory_space<vmem>>, vector<256x20xf32>
    tpu.vector_store %arg4[%swap3A, %swap3A_16], %sub3A_15 {strides = array<i32>} : memref<256x20xf32, #tpu.memory_space<vmem>>, vector<256x20xf32>,
    return
  }
  func.func @transform_0(%arg0: i32) -> (i32, i32) {
    %c0_i32 = arith.constant 0 : i32
    %c0_i32_0 = arith.constant 0 : i32
    return %arg0, %c0_i32 : i32, i32
  }
  func.func @transform_1(%arg0: i32) -> (i32, i32) {
    %c0_i32 = arith.constant 0 : i32
    %c0_i32_0 = arith.constant 0 : i32
    %c0_i32_1 = arith.constant 0 : i32
    return %c0_i32, %c0_i32_0 : i32, i32
  }
  func.func @transform_2(%arg0: i32) -> (i32, i32) {
    %c0_i32 = arith.constant 0 : i32
    %c0_i32_0 = arith.constant 0 : i32
    %c0_i32_1 = arith.constant 0 : i32
    return %c0_i32, %c0_i32_0 : i32, i32
  }
  func.func @transform_3(%arg0: i32) -> (i32, i32) {
    %c0_i32 = arith.constant 0 : i32
    %c0_i32_0 = arith.constant 0 : i32
    return %arg0, %c0_i32 : i32, i32
  }
}

</mosaic_0001>

<sc_bundles>
// kernel: kernel.17.cloned.1.call-start
scs
__scs_entry_jumppad:
0x0: {  	(pc) =	sbr.rel $0x88, $3  }
0x1: {  	(tag) =	ssettag $0x0;
	lr =	simm.s32 $0x1  }
0x2: {  	[smem:$0x3F5C] =	sst lr;
	_ =	strace $0xD0000000  }
0x3: {  	_ = 	snop  }
0x4: {  	_ = 	snop  }
0x5: {  	_ = 	snop  }
0x6: {  	_ = 	snop  }
0x7: {  	_ = 	snop  }
__scs_overlays_trampoline_lowered:
0x8: {  	[smem:$0x3F6B] =	sst s0  }
0x9: {  	[smem:$0x3F6C] =	sst s1  }
0xa: {  	[smem:$0x3F6D] =	sst s2  }
0xb: {  	[smem:$0x3F6E] =	sst s3  }
0xc: {  	[smem:$0x3F6F] =	sst s4  }
0xd: {  	[smem:$0x3F70] =	sst s5  }
0xe: {  	[smem:$0x3F71] =	sst s6  }
0xf: {  	[smem:$0x3F72] =	sst s7  }
0x10: {  	[smem:$0x3F73] =	sst s8  }
0x11: {  	[smem:$0x3F74] =	sst s9;
	s0 =	simm.s32 @!p0 $0x0  }
0x12: {  	s1 =	sld [smem:$0x3F5A];
	s0 =	simm.s32 @p0 $0x1  }
0x13: {  	[smem:$0x3F75] =	sst s0;
	s0 =	simm.s32 @!p1 $0x0  }
0x14: {  	s2 =	sld [smem:$0x3F59];
	s0 =	simm.s32 @p1 $0x1  }
0x15: {  	[smem:$0x3F76] =	sst s0;
	s0 =	simm.s32 @!p2 $0x0  }
0x16: {  	s3 =	sld [smem:$0x3FDB];
	s0 =	simm.s32 @p2 $0x1  }
0x17: {  	s4 =	simm.s32 $0x1BF5;
	[smem:$0x3F78] =	sst s0  }
0x18: {  	s0 =	sld [smem:$0x3F5B];
	_ =	swait.ge [sflag:s4], $0x0  }
0x19: {  	s7 =	sld [smem:$0x3F5C]  }
0x1a: {  	s8 =	sadd.s32 $0xFFFFE003, lr  }
0x1b: {  	s9 =	sadd.s32 $0xFFFFFEF7, lr;
	s5 =	simm.s32 $0xFFFFFFFF;
	p2 =	slt.u32 s8, $0xFFFFF086  }
0x1c: {  	p1 =	slt.u32 s9, $0xF7A;
	s5 =	simm.s32 @!p2 $0x0  }
0x1d: {  	s5 =	simm.s32 @p1 $0x1;
	p0 =	seq.s32 s7, s2  }
0x1e: {  	s7 =	smul.u32 @!p0 $0xF7A, s2;
	p2 =	seq.s32 @!p0 s5, $0x0  }
0x1f: {  	s9 =	smul.u32 $0xF7A, s1;
	s8 =	simm.s32 @!p0 $0x1BF5;
	p2 =	por !p2, p0  }
0x20: {  	[sflag:s8] =	ssyncset.s32 @!p0 $0xFFFFF086;
	s6 =	sadd.s32 @!p0 s3, s7;
	s7 =	simm.s32 @!p0 $0x108  }
0x21: {  	s3 =	sadd.s32 s3, s9;
	s6 =	sadd.s32 @!p0 $0x88, s6;
	s7 =	simm.s32 @p2 $0x1082  }
0x22: {  	[simem:s7], [sflag:s8] =	dma.local @!p0 [hbm:s6], $0xF7A  }
0x23: {  	s9 =	sor.u32 $0xD0000000, s2;
	s6 =	simm.s32 $0x108;
	_ =	swait.ge @!p0 [sflag:s8], $0x0  }
0x24: {  	s3 =	sadd.s32 $0x88, s3;
	s6 =	simm.s32 @!p1 $0x1082;
	[sflag:s4] =	ssyncset.s32 $0xFFFFF086  }
0x25: {  	[simem:s6], [sflag:s4] =	dma.local [hbm:s3], $0xF7A  }
0x26: {  	[smem:$0x3F5C] =	sst s1;
	(tag) =	ssettag s2;
	_ =	strace s9  }
0x27: {  	s1 =	sld [smem:$0x3F6C]  }
0x28: {  	s2 =	sld [smem:$0x3F6D]  }
0x29: {  	s4 =	sld [smem:$0x3F6F]  }
0x2a: {  	p0 =	seq.s32 s5, $0x0;
	s5 =	sld [smem:$0x3F70]  }
0x2b: {  	s6 =	sld [smem:$0x3F71]  }
0x2c: {  	s7 =	sld [smem:$0x3F72]  }
0x2d: {  	s3 =	simm.s32 $0x108;
	s8 =	sld [smem:$0x3F73]  }
0x2e: {  	s3 =	simm.s32 @!p0 $0x1082;
	s9 =	sld [smem:$0x3F74]  }
0x2f: {  	lr =	sadd.s32 s0, s3;
	s0 =	sld [smem:$0x3F6B]  }
0x30: {  	s3 =	sld [smem:$0x3F6E]  }
0x31: {  	[smem:$0x3F77] =	sst s10  }
0x32: {  	s10 =	sld [smem:$0x3F75];
	_ =	sdelay $0x3  }
0x33: {  	p0 =	seq.s32 s10, $0x1;
	s10 =	sld [smem:$0x3F77];
	_ =	sdelay $0x3  }
0x34: {  	[smem:$0x3F77] =	sst s10  }
0x35: {  	s10 =	sld [smem:$0x3F76];
	_ =	sdelay $0x3  }
0x36: {  	p1 =	seq.s32 s10, $0x1;
	s10 =	sld [smem:$0x3F77];
	_ =	sdelay $0x3  }
0x37: {  	[smem:$0x3F77] =	sst s10  }
0x38: {  	s10 =	sld [smem:$0x3F78]  }
0x39: {  	_ = 	snop;
	(pc) =	sbr.ind lr, $3  }
0x3a: {  	_ = 	snop  }
0x3b: {  	_ = 	snop  }
0x3c: {  	p2 =	seq.s32 s10, $0x1;
	s10 =	sld [smem:$0x3F77]  }
0x3d: {  	_ =	shalt  }
0x3e: {  	_ =	shalt  }
0x3f: {  	_ =	shalt  }
0x40: {  	_ =	shalt  }
0x41: {  	_ =	shalt  }
0x42: {  	_ =	shalt  }
0x43: {  	_ =	shalt  }
0x44: {  	_ =	shalt  }
0x45: {  	_ =	shalt  }
0x46: {  	_ =	shalt  }
0x47: {  	_ =	shalt  }
0x48: {  	_ =	shalt  }
0x49: {  	_ =	shalt  }
0x4a: {  	_ =	shalt  }
0x4b: {  	_ =	shalt  }
0x4c: {  	_ =	shalt  }
0x4d: {  	_ =	shalt  }
0x4e: {  	_ =	shalt  }
0x4f: {  	_ =	shalt  }
0x50: {  	_ =	shalt  }
0x51: {  	_ =	shalt  }
0x52: {  	_ =	shalt  }
0x53: {  	_ =	shalt  }
0x54: {  	_ =	shalt  }
0x55: {  	_ =	shalt  }
0x56: {  	_ =	shalt  }
0x57: {  	_ =	shalt  }
0x58: {  	_ =	shalt  }
0x59: {  	_ =	shalt  }
0x5a: {  	_ =	shalt  }
0x5b: {  	_ =	shalt  }
0x5c: {  	_ =	shalt  }
0x5d: {  	_ =	shalt  }
0x5e: {  	_ =	shalt  }
0x5f: {  	_ =	shalt  }
0x60: {  	_ =	shalt  }
0x61: {  	_ =	shalt  }
0x62: {  	_ =	shalt  }
0x63: {  	_ =	shalt  }
0x64: {  	_ =	shalt  }
0x65: {  	_ =	shalt  }
0x66: {  	_ =	shalt  }
0x67: {  	_ =	shalt  }
0x68: {  	_ =	shalt  }
0x69: {  	_ =	shalt  }
0x6a: {  	_ =	shalt  }
0x6b: {  	_ =	shalt  }
0x6c: {  	_ =	shalt  }
0x6d: {  	_ =	shalt  }
0x6e: {  	_ =	shalt  }
0x6f: {  	_ =	shalt  }
0x70: {  	_ =	shalt  }
0x71: {  	_ =	shalt  }
0x72: {  	_ =	shalt  }
0x73: {  	_ =	shalt  }
0x74: {  	_ =	shalt  }
0x75: {  	_ =	shalt  }
0x76: {  	_ =	shalt  }
0x77: {  	_ =	shalt  }
0x78: {  	_ =	shalt  }
0x79: {  	_ =	shalt  }
0x7a: {  	_ =	shalt  }
0x7b: {  	_ =	shalt  }
0x7c: {  	_ =	shalt  }
0x7d: {  	_ =	shalt  }
0x7e: {  	_ =	shalt  }
0x7f: {  	_ =	shalt  }
0x80: {  	_ =	shalt  }
0x81: {  	_ =	shalt  }
0x82: {  	_ =	shalt  }
0x83: {  	_ =	shalt  }
0x84: {  	_ =	shalt  }
0x85: {  	_ =	shalt  }
0x86: {  	_ =	shalt  }
0x87: {  	_ =	shalt  }
.Lfunc_end0:
.L_simem_size_0:
called_computation_lowered:
.L_overlay_start_0:
0x88: {  	s2 =	sld [smem:$0x3FD9]  }
0x89: {  	s3 =	sld [smem:$0x3FFE];
	_ =	sdelay $0x1  }
0x8a: {  	s1 =	srdreg.scid  }
0x8b: {  	s0 =	sand.u32 $0x1, s1  }
0x8c: {  	s16 =	sshll.u32 s0, $0xA;
	s2 =	sadd.s32 s3, s2  }
0x8d: {  	s2 =	sadd.s32 s2, s16  }
0x8e: {  	[smem:$0x3F83] =	sst s2  }
0x8f: {  	_ = 	snop  }
0x90: {  	(tm) =	ssettm $0x1  }
0x91: {  	s17 =	sld [smem:$0x3FFB];
	_ =	sdelay $0x3  }
0x92: {  	_ =	strace s17  }
0x93: {  	s2 =	sld [smem:$0x3FFC];
	_ =	sdelay $0x3  }
0x94: {  	_ =	strace s2  }
0x95: {  	s2 =	sld [smem:$0x3FFD];
	_ =	sdelay $0x3  }
0x96: {  	_ =	strace s2  }
0x97: {  	_ =	strace $0x8FFFFFFF  }
0x98: {  	s18 =	sld [smem:$0x3FDB];
	_ =	sdelay $0x1  }
0x99: {  	s19 =	simm.s32 $_scs_section_size  }
0x9a: {  	s4 =	simm.s32 $_size__tile_overlayer_lowered;
	s5 =	simm.s32 $_tile_overlayer_lowered  }
0x9b: {  	s22 =	simm.s32 $0x1BFF;
	s21 =	sshll.u32 s5, $0x1;
	s2 =	sadd.s32 s19, s18  }
0x9c: {  	s6 =	simm.s32 $0x0;
	s20 =	sshll.u32 s4, $0x1;
	s4 =	sadd.s32 s21, s2  }
0x9d: {  	[timem:s6], [sflag:s22] =	dma.local [hbm:s4], s20  }
0x9e: {  	_ =	swait.ge [sflag:s22], s20  }
0x9f: {  	s3 =	ssub.s32 $0x0, s20;
	[sflag:s22] =	ssyncset.done $0x0  }
0xa0: {  	[sflag:s22] =	ssyncadd.s32 s3;
	_ =	sdelay $0x1  }
0xa1: {  	s23 =	simm.s32 $0x1B8B  }
0xa2: {  	_ =	swait.ge [sflag:s23], $0x1  }
0xa3: {  	[sflag:s23] =	ssyncset.done $0x0  }
0xa4: {  	s25 =	simm.s32 $0x1B8E;
	s24 =	sld [smem:$0x3FFE];
	[sflag:s23] =	ssyncadd.s32 $0xFFFFFFFF  }
0xa5: {  	s26 =	simm.s32 $execute0_lowered;
	[smem:$0x3FD2] =	sst s25  }
0xa6: {  	s4 =	sshll.u32 s26, $0x1;
	_ =	strace $0x80000046;
	[dreg:$0x1] =	wrdreg $0xFFFFFFFF  }
0xa7: {  	s28 =	simm.s32 $_size_execute0_lowered;
	s2 =	sadd.s32 s2, s4;
	[dreg:$0x0] =	wrdreg $0x0  }
0xa8: {  	s4 =	sshll.u32 s28, $0x1;
	[dreg:$0x2] =	wrdreg s2  }
0xa9: {  	[dreg:$0x3] =	wrdreg s4  }
0xaa: {  	[dreg:$0x4] =	wrdreg $0xC0  }
0xab: {  	_ =	task [dreg:s6], $0x5FFFF  }
0xac: {  	[dreg:$0x1] =	wrdreg $0xFFFFFFFF  }
0xad: {  	[dreg:$0x0] =	wrdreg $0x60  }
0xae: {  	[dreg:$0x2] =	wrdreg s24  }
0xaf: {  	[dreg:$0x3] =	wrdreg $0x9  }
0xb0: {  	_ =	task.clear_ibuf [dreg:s6], $0x4FFFF;
	_ =	strace $0x90000046  }
0xb1: {  	s29 =	simm.s32 $0x9;
	_ =	strace $0x80000048  }
0xb2: {  	_ =	swait.ge [sflag:s29], $0x1  }
0xb3: {  	[sflag:s29] =	ssyncadd.s32 $0xFFFFFFFF  }
0xb4: {  	_ =	strace $0x90000048  }
0xb5: {  	_ =	sfence  }
0xb6: {  	s30 =	sld [smem:$0x0];
	_ =	sdelay $0x2  }
0xb7: {  	s31 =	sshll.u32 s1, $0xD;
	s1 =	sshrl.u32 s1, $0x2  }
0xb8: {  	s3 =	sand.u32 $0x4000, s31;
	s1 =	sadd.s32 s1, s30  }
0xb9: {  	s0 =	sor.u32 s3, s0;
	s1 =	sshll.u32 s1, $0x11  }
0xba: {  	s0 =	sor.u32 s1, s0  }
0xbb: {  	s0 =	sadd.s32 $0x8F2B, s0  }
0xbc: {  	[sflag:s0] =	ssyncadd.remote.s32 $0x1  }
0xbd: {  	_ =	sfence.sel $0xFFFF  }
0xbe: {  	[dreg:$0x0] =	wrdreg $0xFFFFFFFF;
	(pc) =	sbr.abs _section_cstart, $3  }
0xbf: {  	[dreg:$0x1] =	wrdreg $0xFFFFFFFF  }
0xc0: {  	_ =	task.clear_ibuf [dreg:s6], $0x2FFFF;
	_ =	strace $0x9FFFFFFF  }
0xc1: {  	(tm) =	ssettm $0x7FFFFFFF  }
tec
execute0_lowered:
.L_overlay_start_1:
0x0: {  	(tag) =	ssettag $0x1  }
0x1: {  	s1 =	srdreg.scid  }
0x2: {  	s0 =	stileid.u32;
	s5 =	rddreg [dreg:$0x0];
	s2 =	simm.s32 $0x0  }
0x3: {  	s11 =	simm.s32 $0x80;
	s12 =	simm.s32 $0x4F00;
	s13 =	simm.s32 $0x0  }
0x4: {  	s4 =	sand.u32 $0x1, s1;
	s28 =	sshll.u32 s0, $0x1;
	s1 =	rddreg [dreg:$0x1]  }
0x5: {  	[smem:$0x7FF] =	sst s2;
	s8 =	smul.u32 $0xF0000, s0;
	s10 =	sadd.s32 $0x23CC00, s5  }
0x6: {  	s3 =	sor.u32 s4, s28;
	s9 =	ssub.s32 $0x2, s4;
	s4 =	smul.u32 $0x78000, s4  }
0x7: {  	_ =	strace $0x80000047;
	s6 =	smul.u32 $0x1E0, s3;
	s29 =	sshrl.u32 s9, $0x1  }
0x8: {  	s7 =	smul.u32 $0x78000, s3;
	s3 =	sadd.s32 $0x209000, s5;
	s9 =	ssub.s32 s9, s29  }
0x9: {  	s31 =	sadd.s32 s4, s8;
	s8 =	simm.s32 $0x2;
	s6 =	sadd.s32 s6, s5  }
0xa: {  	s30 =	sshrl.u32 s7, $0x3;
	s7 =	sshrl.u32 s31, $0x3;
	s4 =	sadd.s32 $0x239000, s6  }
0xb: {  	s5 =	sadd.s32 s10, s30;
	s6 =	smax.u32 s9, $0x1;
	s7 =	sadd.s32 s7, s10  }
0xc: {  	s9 =	simm.s32 $0xF00;
	s10 =	simm.s32 $0x1;
	s5 =	sadd.s32 $0xE800, s5  }
.LBB2_1:
0xd: {  	[tilespmem:s2], [sflag:$0x2] =	stream.linear.gather [hbm4b:s4+s2], $0xF00, $0x38;
	[tilespmem:$0x8F00] =	vst v63  }
0xe: {  	_ =	swait.ge [sflag:s8], $0xF00  }
0xf: {  	[sflag:s8] =	ssyncset.done $0x0  }
0x10: {  	[sflag:s8] =	ssyncadd.s32 $0xFFFFF100  }
0x11: {  	[tilespmem:s9], [sflag:$0x1] =	stream.indirect.gather [hbm4b:s3+s11], $0x80, s2, s11, $0xb8;
	[tilespmem:$0x8F00] =	vst v63  }
0x12: {  	s14 =	simm.s32 $0x0;
	_ =	swait.ge [sflag:s10], $0x4000  }
0x13: {  	s14 =	sand.u32 $0x4000, s14;
	[sflag:s10] =	ssyncset.done $0x0  }
0x14: {  	s15 =	sxor.u32 $0x4F00, s14;
	[sflag:s10] =	ssyncadd.s32 $0xFFFFC000  }
0x15: {  	[tilespmem:s15], [sflag:$0x1] =	stream.indirect.gather [hbm4b:s3+s11], $0x80, s11, s11, $0xb8;
	[tilespmem:$0x8F00] =	vst v63  }
0x16: {  	s14 =	sor.u32 $0xF00, s14  }
0x17: {  	[hbm4b:s7+s2] =	stream.linear.scatter [tilespmem:s14], [sflag:$0x2], $0x4000, $0x38;
	[tilespmem:$0x8F00] =	vst v63  }
0x18: {  	s16 =	simm.s32 $0x80;
	_ =	swait.ge [sflag:s8], $0x4000  }
0x19: {  	s15 =	smov.u32 s7;
	s14 =	simm.s32 $0x1;
	[sflag:s8] =	ssyncset.done $0x0  }
.LBB2_2:
0x1a: {  	[sflag:s8] =	ssyncadd.s32 $0xFFFFC000  }
0x1b: {  	s15 =	sadd.s32 $0x800, s15;
	s16 =	sadd.s32 $0x80, s16;
	s17 =	smov.u32 s14  }
0x1c: {  	p0 =	sne.s32 s14, $0x1C;
	s14 =	sadd.s32 $0x1, s14;
	_ =	swait.ge [sflag:s10], $0x4000  }
0x1d: {  	s17 =	sshll.u32 s17, $0xE;
	[sflag:s10] =	ssyncset.done $0x0  }
0x1e: {  	s17 =	sand.u32 $0x4000, s17;
	[sflag:s10] =	ssyncadd.s32 $0xFFFFC000  }
0x1f: {  	s18 =	sxor.u32 $0x4F00, s17  }
0x20: {  	[tilespmem:s18], [sflag:$0x1] =	stream.indirect.gather [hbm4b:s3+s11], $0x80, s16, s11, $0xb8;
	[tilespmem:$0x8F00] =	vst v63  }
.Ltmp0:
0x21: {  	_ = 	snop;
	(pc) =	sbr.rel @p0 .LBB2_2-.Ltmp0, $4  }
0x22: {  	s17 =	sor.u32 $0xF00, s17  }
0x23: {  	[hbm4b:s15+s2] =	stream.linear.scatter [tilespmem:s17], [sflag:$0x2], $0x4000, $0x38;
	[tilespmem:$0x8F00] =	vst v63  }
0x24: {  	_ =	swait.ge [sflag:s8], $0x4000  }
0x25: {  	[sflag:s8] =	ssyncset.done $0x0  }
0x26: {  	[sflag:s8] =	ssyncadd.s32 $0xFFFFC000  }
0x27: {  	s13 =	sadd.s32 $0x1, s13;
	_ =	swait.ge [sflag:s10], $0x4000  }
0x28: {  	p0 =	sne.s32 s13, s6;
	[sflag:s10] =	ssyncset.done $0x0  }
.Ltmp1:
0x29: {  	[sflag:s10] =	ssyncadd.s32 $0xFFFFC000;
	(pc) =	sbr.rel @p0 .LBB2_1-.Ltmp1, $4  }
0x2a: {  	[hbm4b:s5+s2] =	stream.linear.scatter [tilespmem:s12], [sflag:$0x2], $0x4000, $0x38;
	[tilespmem:$0x8F00] =	vst v63  }
0x2b: {  	_ =	swait.ge [sflag:s8], $0x4000  }
0x2c: {  	[sflag:s8] =	ssyncset.done $0x0  }
0x2d: {  	[sflag:s8] =	ssyncadd.s32 $0xFFFFC000  }
0x2e: {  	_ =	sfence.sel $0x180000  }
0x2f: {  	[bflag:$0x0] =	sbarrier.arrive $0xFFFF  }
0x30: {  	p0 =	sne.s32 s0, $0x0;
	_ =	strace $0x90000047  }
0x31: {  	s0 =	sadd.s32 @!p0 $0x100000, s1;
	[bflag:$0x2] =	sbarrier.arrive $0xFFFF  }
0x32: {  	[sflag:s0] =	ssyncadd.tile.s32 @!p0 $0x1;
	_ =	shalt  }
.Lfunc_end2:
_tile_overlayer_lowered:
.L_overlay_start_2:
0x33: {  	(tag) =	ssettag $0x2  }
0x34: {  	s0 =	rddreg [dreg:$0x0];
	s2 =	stileid.u32  }
0x35: {  	s1 =	rddreg [dreg:$0x1];
	p0 =	sne.s32 s2, $0x0  }
0x36: {  	s3 =	rddreg [dreg:$0x2];
	[bflag:$0x3] =	sbarrier.arrive $0xFFFF;
	s2 =	simm.s32 @!p0 $0x1C02  }
0x37: {  	[timem:s3], [sflag:s2] =	dma.local @!p0 [hbm:s0], s1  }
0x38: {  	s0 =	simm.s32 @!p0 $0x2  }
0x39: {  	_ =	swait.ge @!p0 [sflag:s0], s1  }
0x3a: {  	s1 =	ssub.s32 @!p0 $0x0, s1;
	[sflag:s0] =	ssyncset.done @!p0 $0x0  }
0x3b: {  	[sflag:s0] =	ssyncadd.s32 @!p0 s1  }
0x3c: {  	[bflag:$0x3] =	sbarrier.arrive $0xFFFF  }
0x3d: {  	_ =	shalt  }

// kernel: kernel.20.cloned.1.call-start
scs
__scs_entry_jumppad:
0x0: {  	(pc) =	sbr.rel $0x88, $3  }
0x1: {  	(tag) =	ssettag $0x0;
	lr =	simm.s32 $0x1  }
0x2: {  	[smem:$0x3F5C] =	sst lr;
	_ =	strace $0xD0000000  }
0x3: {  	_ = 	snop  }
0x4: {  	_ = 	snop  }
0x5: {  	_ = 	snop  }
0x6: {  	_ = 	snop  }
0x7: {  	_ = 	snop  }
__scs_overlays_trampoline_lowered:
0x8: {  	[smem:$0x3F6B] =	sst s0  }
0x9: {  	[smem:$0x3F6C] =	sst s1  }
0xa: {  	[smem:$0x3F6D] =	sst s2  }
0xb: {  	[smem:$0x3F6E] =	sst s3  }
0xc: {  	[smem:$0x3F6F] =	sst s4  }
0xd: {  	[smem:$0x3F70] =	sst s5  }
0xe: {  	[smem:$0x3F71] =	sst s6  }
0xf: {  	[smem:$0x3F72] =	sst s7  }
0x10: {  	[smem:$0x3F73] =	sst s8  }
0x11: {  	[smem:$0x3F74] =	sst s9;
	s0 =	simm.s32 @!p0 $0x0  }
0x12: {  	s1 =	sld [smem:$0x3F5A];
	s0 =	simm.s32 @p0 $0x1  }
0x13: {  	[smem:$0x3F75] =	sst s0;
	s0 =	simm.s32 @!p1 $0x0  }
0x14: {  	s2 =	sld [smem:$0x3F59];
	s0 =	simm.s32 @p1 $0x1  }
0x15: {  	[smem:$0x3F76] =	sst s0;
	s0 =	simm.s32 @!p2 $0x0  }
0x16: {  	s3 =	sld [smem:$0x3FDB];
	s0 =	simm.s32 @p2 $0x1  }
0x17: {  	s4 =	simm.s32 $0x1BF5;
	[smem:$0x3F78] =	sst s0  }
0x18: {  	s0 =	sld [smem:$0x3F5B];
	_ =	swait.ge [sflag:s4], $0x0  }
0x19: {  	s7 =	sld [smem:$0x3F5C]  }
0x1a: {  	s8 =	sadd.s32 $0xFFFFE003, lr  }
0x1b: {  	s9 =	sadd.s32 $0xFFFFFEF7, lr;
	s5 =	simm.s32 $0xFFFFFFFF;
	p2 =	slt.u32 s8, $0xFFFFF086  }
0x1c: {  	p1 =	slt.u32 s9, $0xF7A;
	s5 =	simm.s32 @!p2 $0x0  }
0x1d: {  	s5 =	simm.s32 @p1 $0x1;
	p0 =	seq.s32 s7, s2  }
0x1e: {  	s7 =	smul.u32 @!p0 $0xF7A, s2;
	p2 =	seq.s32 @!p0 s5, $0x0  }
0x1f: {  	s9 =	smul.u32 $0xF7A, s1;
	s8 =	simm.s32 @!p0 $0x1BF5;
	p2 =	por !p2, p0  }
0x20: {  	[sflag:s8] =	ssyncset.s32 @!p0 $0xFFFFF086;
	s6 =	sadd.s32 @!p0 s3, s7;
	s7 =	simm.s32 @!p0 $0x108  }
0x21: {  	s3 =	sadd.s32 s3, s9;
	s6 =	sadd.s32 @!p0 $0x88, s6;
	s7 =	simm.s32 @p2 $0x1082  }
0x22: {  	[simem:s7], [sflag:s8] =	dma.local @!p0 [hbm:s6], $0xF7A  }
0x23: {  	s9 =	sor.u32 $0xD0000000, s2;
	s6 =	simm.s32 $0x108;
	_ =	swait.ge @!p0 [sflag:s8], $0x0  }
0x24: {  	s3 =	sadd.s32 $0x88, s3;
	s6 =	simm.s32 @!p1 $0x1082;
	[sflag:s4] =	ssyncset.s32 $0xFFFFF086  }
0x25: {  	[simem:s6], [sflag:s4] =	dma.local [hbm:s3], $0xF7A  }
0x26: {  	[smem:$0x3F5C] =	sst s1;
	(tag) =	ssettag s2;
	_ =	strace s9  }
0x27: {  	s1 =	sld [smem:$0x3F6C]  }
0x28: {  	s2 =	sld [smem:$0x3F6D]  }
0x29: {  	s4 =	sld [smem:$0x3F6F]  }
0x2a: {  	p0 =	seq.s32 s5, $0x0;
	s5 =	sld [smem:$0x3F70]  }
0x2b: {  	s6 =	sld [smem:$0x3F71]  }
0x2c: {  	s7 =	sld [smem:$0x3F72]  }
0x2d: {  	s3 =	simm.s32 $0x108;
	s8 =	sld [smem:$0x3F73]  }
0x2e: {  	s3 =	simm.s32 @!p0 $0x1082;
	s9 =	sld [smem:$0x3F74]  }
0x2f: {  	lr =	sadd.s32 s0, s3;
	s0 =	sld [smem:$0x3F6B]  }
0x30: {  	s3 =	sld [smem:$0x3F6E]  }
0x31: {  	[smem:$0x3F77] =	sst s10  }
0x32: {  	s10 =	sld [smem:$0x3F75];
	_ =	sdelay $0x3  }
0x33: {  	p0 =	seq.s32 s10, $0x1;
	s10 =	sld [smem:$0x3F77];
	_ =	sdelay $0x3  }
0x34: {  	[smem:$0x3F77] =	sst s10  }
0x35: {  	s10 =	sld [smem:$0x3F76];
	_ =	sdelay $0x3  }
0x36: {  	p1 =	seq.s32 s10, $0x1;
	s10 =	sld [smem:$0x3F77];
	_ =	sdelay $0x3  }
0x37: {  	[smem:$0x3F77] =	sst s10  }
0x38: {  	s10 =	sld [smem:$0x3F78]  }
0x39: {  	_ = 	snop;
	(pc) =	sbr.ind lr, $3  }
0x3a: {  	_ = 	snop  }
0x3b: {  	_ = 	snop  }
0x3c: {  	p2 =	seq.s32 s10, $0x1;
	s10 =	sld [smem:$0x3F77]  }
0x3d: {  	_ =	shalt  }
0x3e: {  	_ =	shalt  }
0x3f: {  	_ =	shalt  }
0x40: {  	_ =	shalt  }
0x41: {  	_ =	shalt  }
0x42: {  	_ =	shalt  }
0x43: {  	_ =	shalt  }
0x44: {  	_ =	shalt  }
0x45: {  	_ =	shalt  }
0x46: {  	_ =	shalt  }
0x47: {  	_ =	shalt  }
0x48: {  	_ =	shalt  }
0x49: {  	_ =	shalt  }
0x4a: {  	_ =	shalt  }
0x4b: {  	_ =	shalt  }
0x4c: {  	_ =	shalt  }
0x4d: {  	_ =	shalt  }
0x4e: {  	_ =	shalt  }
0x4f: {  	_ =	shalt  }
0x50: {  	_ =	shalt  }
0x51: {  	_ =	shalt  }
0x52: {  	_ =	shalt  }
0x53: {  	_ =	shalt  }
0x54: {  	_ =	shalt  }
0x55: {  	_ =	shalt  }
0x56: {  	_ =	shalt  }
0x57: {  	_ =	shalt  }
0x58: {  	_ =	shalt  }
0x59: {  	_ =	shalt  }
0x5a: {  	_ =	shalt  }
0x5b: {  	_ =	shalt  }
0x5c: {  	_ =	shalt  }
0x5d: {  	_ =	shalt  }
0x5e: {  	_ =	shalt  }
0x5f: {  	_ =	shalt  }
0x60: {  	_ =	shalt  }
0x61: {  	_ =	shalt  }
0x62: {  	_ =	shalt  }
0x63: {  	_ =	shalt  }
0x64: {  	_ =	shalt  }
0x65: {  	_ =	shalt  }
0x66: {  	_ =	shalt  }
0x67: {  	_ =	shalt  }
0x68: {  	_ =	shalt  }
0x69: {  	_ =	shalt  }
0x6a: {  	_ =	shalt  }
0x6b: {  	_ =	shalt  }
0x6c: {  	_ =	shalt  }
0x6d: {  	_ =	shalt  }
0x6e: {  	_ =	shalt  }
0x6f: {  	_ =	shalt  }
0x70: {  	_ =	shalt  }
0x71: {  	_ =	shalt  }
0x72: {  	_ =	shalt  }
0x73: {  	_ =	shalt  }
0x74: {  	_ =	shalt  }
0x75: {  	_ =	shalt  }
0x76: {  	_ =	shalt  }
0x77: {  	_ =	shalt  }
0x78: {  	_ =	shalt  }
0x79: {  	_ =	shalt  }
0x7a: {  	_ =	shalt  }
0x7b: {  	_ =	shalt  }
0x7c: {  	_ =	shalt  }
0x7d: {  	_ =	shalt  }
0x7e: {  	_ =	shalt  }
0x7f: {  	_ =	shalt  }
0x80: {  	_ =	shalt  }
0x81: {  	_ =	shalt  }
0x82: {  	_ =	shalt  }
0x83: {  	_ =	shalt  }
0x84: {  	_ =	shalt  }
0x85: {  	_ =	shalt  }
0x86: {  	_ =	shalt  }
0x87: {  	_ =	shalt  }
.Lfunc_end0:
.L_simem_size_0:
called_computation.1_lowered:
.L_overlay_start_0:
0x88: {  	s2 =	sld [smem:$0x3FD9]  }
0x89: {  	s3 =	sld [smem:$0x3FFE];
	_ =	sdelay $0x1  }
0x8a: {  	s1 =	srdreg.scid  }
0x8b: {  	s0 =	sand.u32 $0x1, s1  }
0x8c: {  	s16 =	sshll.u32 s0, $0xA;
	s2 =	sadd.s32 s3, s2  }
0x8d: {  	s2 =	sadd.s32 s2, s16  }
0x8e: {  	[smem:$0x3F83] =	sst s2  }
0x8f: {  	_ = 	snop  }
0x90: {  	(tm) =	ssettm $0x1  }
0x91: {  	s17 =	sld [smem:$0x3FFB];
	_ =	sdelay $0x3  }
0x92: {  	_ =	strace s17  }
0x93: {  	s2 =	sld [smem:$0x3FFC];
	_ =	sdelay $0x3  }
0x94: {  	_ =	strace s2  }
0x95: {  	s2 =	sld [smem:$0x3FFD];
	_ =	sdelay $0x3  }
0x96: {  	_ =	strace s2  }
0x97: {  	_ =	strace $0x8FFFFFFF  }
0x98: {  	s18 =	sld [smem:$0x3FDB];
	_ =	sdelay $0x1  }
0x99: {  	s19 =	simm.s32 $_scs_section_size  }
0x9a: {  	s4 =	simm.s32 $_size__tile_overlayer_lowered;
	s5 =	simm.s32 $_tile_overlayer_lowered  }
0x9b: {  	s22 =	simm.s32 $0x1BFF;
	s21 =	sshll.u32 s5, $0x1;
	s2 =	sadd.s32 s19, s18  }
0x9c: {  	s6 =	simm.s32 $0x0;
	s20 =	sshll.u32 s4, $0x1;
	s4 =	sadd.s32 s21, s2  }
0x9d: {  	[timem:s6], [sflag:s22] =	dma.local [hbm:s4], s20  }
0x9e: {  	_ =	swait.ge [sflag:s22], s20  }
0x9f: {  	s3 =	ssub.s32 $0x0, s20;
	[sflag:s22] =	ssyncset.done $0x0  }
0xa0: {  	[sflag:s22] =	ssyncadd.s32 s3;
	_ =	sdelay $0x1  }
0xa1: {  	s23 =	simm.s32 $0x1B8B  }
0xa2: {  	_ =	swait.ge [sflag:s23], $0x1  }
0xa3: {  	[sflag:s23] =	ssyncset.done $0x0  }
0xa4: {  	s25 =	simm.s32 $0x1B8E;
	s24 =	sld [smem:$0x3FFE];
	[sflag:s23] =	ssyncadd.s32 $0xFFFFFFFF  }
0xa5: {  	s26 =	simm.s32 $execute0_lowered;
	[smem:$0x3FD2] =	sst s25  }
0xa6: {  	s4 =	sshll.u32 s26, $0x1;
	_ =	strace $0x80000049;
	[dreg:$0x1] =	wrdreg $0xFFFFFFFF  }
0xa7: {  	s28 =	simm.s32 $_size_execute0_lowered;
	s2 =	sadd.s32 s2, s4;
	[dreg:$0x0] =	wrdreg $0x0  }
0xa8: {  	s4 =	sshll.u32 s28, $0x1;
	[dreg:$0x2] =	wrdreg s2  }
0xa9: {  	[dreg:$0x3] =	wrdreg s4  }
0xaa: {  	[dreg:$0x4] =	wrdreg $0xC0  }
0xab: {  	_ =	task [dreg:s6], $0x5FFFF  }
0xac: {  	[dreg:$0x1] =	wrdreg $0xFFFFFFFF  }
0xad: {  	[dreg:$0x0] =	wrdreg $0x60  }
0xae: {  	[dreg:$0x2] =	wrdreg s24  }
0xaf: {  	[dreg:$0x3] =	wrdreg $0x9  }
0xb0: {  	_ =	task.clear_ibuf [dreg:s6], $0x4FFFF;
	_ =	strace $0x90000049  }
0xb1: {  	s29 =	simm.s32 $0x9;
	_ =	strace $0x8000004B  }
0xb2: {  	_ =	swait.ge [sflag:s29], $0x1  }
0xb3: {  	[sflag:s29] =	ssyncadd.s32 $0xFFFFFFFF  }
0xb4: {  	_ =	strace $0x9000004B  }
0xb5: {  	_ =	sfence  }
0xb6: {  	s30 =	sld [smem:$0x0];
	_ =	sdelay $0x2  }
0xb7: {  	s31 =	sshll.u32 s1, $0xD;
	s1 =	sshrl.u32 s1, $0x2  }
0xb8: {  	s3 =	sand.u32 $0x4000, s31;
	s1 =	sadd.s32 s1, s30  }
0xb9: {  	s0 =	sor.u32 s3, s0;
	s1 =	sshll.u32 s1, $0x11  }
0xba: {  	s0 =	sor.u32 s1, s0  }
0xbb: {  	s0 =	sadd.s32 $0x8F2B, s0  }
0xbc: {  	[sflag:s0] =	ssyncadd.remote.s32 $0x1  }
0xbd: {  	_ =	sfence.sel $0xFFFF  }
0xbe: {  	[dreg:$0x0] =	wrdreg $0xFFFFFFFF;
	(pc) =	sbr.abs _section_cstart, $3  }
0xbf: {  	[dreg:$0x1] =	wrdreg $0xFFFFFFFF  }
0xc0: {  	_ =	task.clear_ibuf [dreg:s6], $0x2FFFF;
	_ =	strace $0x9FFFFFFF  }
0xc1: {  	(tm) =	ssettm $0x7FFFFFFF  }
tec
execute0_lowered:
.L_overlay_start_1:
0x0: {  	(tag) =	ssettag $0x1  }
0x1: {  	s1 =	srdreg.scid  }
0x2: {  	s0 =	stileid.u32;
	s5 =	rddreg [dreg:$0x0];
	s2 =	simm.s32 $0x0  }
0x3: {  	s11 =	simm.s32 $0x80;
	s12 =	simm.s32 $0x4F00;
	s13 =	simm.s32 $0x0  }
0x4: {  	s4 =	sand.u32 $0x1, s1;
	s28 =	sshll.u32 s0, $0x1;
	s1 =	rddreg [dreg:$0x1]  }
0x5: {  	[smem:$0x7FF] =	sst s2;
	s8 =	smul.u32 $0xF0000, s0;
	s10 =	sadd.s32 $0x9000, s5  }
0x6: {  	s3 =	sor.u32 s4, s28;
	s9 =	ssub.s32 $0x2, s4;
	s4 =	smul.u32 $0x78000, s4  }
0x7: {  	_ =	strace $0x8000004A;
	s6 =	smul.u32 $0x1E0, s3;
	s29 =	sshrl.u32 s9, $0x1  }
0x8: {  	s7 =	smul.u32 $0x78000, s3;
	s3 =	sadd.s32 $0x23CC00, s5;
	s9 =	ssub.s32 s9, s29  }
0x9: {  	s31 =	sadd.s32 s4, s8;
	s8 =	simm.s32 $0x2;
	s6 =	sadd.s32 s6, s5  }
0xa: {  	s30 =	sshrl.u32 s7, $0x3;
	s7 =	sshrl.u32 s31, $0x3;
	s4 =	sadd.s32 $0x239000, s6  }
0xb: {  	s5 =	sadd.s32 s10, s30;
	s6 =	smax.u32 s9, $0x1;
	s7 =	sadd.s32 s7, s10  }
0xc: {  	s9 =	simm.s32 $0xF00;
	s10 =	simm.s32 $0x1;
	s5 =	sadd.s32 $0xE800, s5  }
.LBB2_1:
0xd: {  	[tilespmem:s2], [sflag:$0x2] =	stream.linear.gather [hbm4b:s4+s2], $0xF00, $0x38;
	[tilespmem:$0x8F00] =	vst v63  }
0xe: {  	_ =	swait.ge [sflag:s8], $0xF00  }
0xf: {  	[sflag:s8] =	ssyncset.done $0x0  }
0x10: {  	[sflag:s8] =	ssyncadd.s32 $0xFFFFF100  }
0x11: {  	[tilespmem:s9], [sflag:$0x1] =	stream.indirect.gather [hbm4b:s3+s11], $0x80, s2, s11, $0xb8;
	[tilespmem:$0x8F00] =	vst v63  }
0x12: {  	s14 =	simm.s32 $0x0;
	_ =	swait.ge [sflag:s10], $0x4000  }
0x13: {  	s14 =	sand.u32 $0x4000, s14;
	[sflag:s10] =	ssyncset.done $0x0  }
0x14: {  	s15 =	sxor.u32 $0x4F00, s14;
	[sflag:s10] =	ssyncadd.s32 $0xFFFFC000  }
0x15: {  	[tilespmem:s15], [sflag:$0x1] =	stream.indirect.gather [hbm4b:s3+s11], $0x80, s11, s11, $0xb8;
	[tilespmem:$0x8F00] =	vst v63  }
0x16: {  	s14 =	sor.u32 $0xF00, s14  }
0x17: {  	[hbm4b:s7+s2] =	stream.linear.scatter [tilespmem:s14], [sflag:$0x2], $0x4000, $0x38;
	[tilespmem:$0x8F00] =	vst v63  }
0x18: {  	s16 =	simm.s32 $0x80;
	_ =	swait.ge [sflag:s8], $0x4000  }
0x19: {  	s15 =	smov.u32 s7;
	s14 =	simm.s32 $0x1;
	[sflag:s8] =	ssyncset.done $0x0  }
.LBB2_2:
0x1a: {  	[sflag:s8] =	ssyncadd.s32 $0xFFFFC000  }
0x1b: {  	s15 =	sadd.s32 $0x800, s15;
	s16 =	sadd.s32 $0x80, s16;
	s17 =	smov.u32 s14  }
0x1c: {  	p0 =	sne.s32 s14, $0x1C;
	s14 =	sadd.s32 $0x1, s14;
	_ =	swait.ge [sflag:s10], $0x4000  }
0x1d: {  	s17 =	sshll.u32 s17, $0xE;
	[sflag:s10] =	ssyncset.done $0x0  }
0x1e: {  	s17 =	sand.u32 $0x4000, s17;
	[sflag:s10] =	ssyncadd.s32 $0xFFFFC000  }
0x1f: {  	s18 =	sxor.u32 $0x4F00, s17  }
0x20: {  	[tilespmem:s18], [sflag:$0x1] =	stream.indirect.gather [hbm4b:s3+s11], $0x80, s16, s11, $0xb8;
	[tilespmem:$0x8F00] =	vst v63  }
.Ltmp0:
0x21: {  	_ = 	snop;
	(pc) =	sbr.rel @p0 .LBB2_2-.Ltmp0, $4  }
0x22: {  	s17 =	sor.u32 $0xF00, s17  }
0x23: {  	[hbm4b:s15+s2] =	stream.linear.scatter [tilespmem:s17], [sflag:$0x2], $0x4000, $0x38;
	[tilespmem:$0x8F00] =	vst v63  }
0x24: {  	_ =	swait.ge [sflag:s8], $0x4000  }
0x25: {  	[sflag:s8] =	ssyncset.done $0x0  }
0x26: {  	[sflag:s8] =	ssyncadd.s32 $0xFFFFC000  }
0x27: {  	s13 =	sadd.s32 $0x1, s13;
	_ =	swait.ge [sflag:s10], $0x4000  }
0x28: {  	p0 =	sne.s32 s13, s6;
	[sflag:s10] =	ssyncset.done $0x0  }
.Ltmp1:
0x29: {  	[sflag:s10] =	ssyncadd.s32 $0xFFFFC000;
	(pc) =	sbr.rel @p0 .LBB2_1-.Ltmp1, $4  }
0x2a: {  	[hbm4b:s5+s2] =	stream.linear.scatter [tilespmem:s12], [sflag:$0x2], $0x4000, $0x38;
	[tilespmem:$0x8F00] =	vst v63  }
0x2b: {  	_ =	swait.ge [sflag:s8], $0x4000  }
0x2c: {  	[sflag:s8] =	ssyncset.done $0x0  }
0x2d: {  	[sflag:s8] =	ssyncadd.s32 $0xFFFFC000  }
0x2e: {  	_ =	sfence.sel $0x180000  }
0x2f: {  	[bflag:$0x0] =	sbarrier.arrive $0xFFFF  }
0x30: {  	p0 =	sne.s32 s0, $0x0;
	_ =	strace $0x9000004A  }
0x31: {  	s0 =	sadd.s32 @!p0 $0x100000, s1;
	[bflag:$0x2] =	sbarrier.arrive $0xFFFF  }
0x32: {  	[sflag:s0] =	ssyncadd.tile.s32 @!p0 $0x1;
	_ =	shalt  }
.Lfunc_end2:
_tile_overlayer_lowered:
.L_overlay_start_2:
0x33: {  	(tag) =	ssettag $0x2  }
0x34: {  	s0 =	rddreg [dreg:$0x0];
	s2 =	stileid.u32  }
0x35: {  	s1 =	rddreg [dreg:$0x1];
	p0 =	sne.s32 s2, $0x0  }
0x36: {  	s3 =	rddreg [dreg:$0x2];
	[bflag:$0x3] =	sbarrier.arrive $0xFFFF;
	s2 =	simm.s32 @!p0 $0x1C02  }
0x37: {  	[timem:s3], [sflag:s2] =	dma.local @!p0 [hbm:s0], s1  }
0x38: {  	s0 =	simm.s32 @!p0 $0x2  }
0x39: {  	_ =	swait.ge @!p0 [sflag:s0], s1  }
0x3a: {  	s1 =	ssub.s32 @!p0 $0x0, s1;
	[sflag:s0] =	ssyncset.done @!p0 $0x0  }
0x3b: {  	[sflag:s0] =	ssyncadd.s32 @!p0 s1  }
0x3c: {  	[bflag:$0x3] =	sbarrier.arrive $0xFFFF  }
0x3d: {  	_ =	shalt  }

// kernel: kernel.23.cloned.1.call-start
scs
__scs_entry_jumppad:
0x0: {  	(pc) =	sbr.rel $0x88, $3  }
0x1: {  	(tag) =	ssettag $0x0;
	lr =	simm.s32 $0x1  }
0x2: {  	[smem:$0x3F5C] =	sst lr;
	_ =	strace $0xD0000000  }
0x3: {  	_ = 	snop  }
0x4: {  	_ = 	snop  }
0x5: {  	_ = 	snop  }
0x6: {  	_ = 	snop  }
0x7: {  	_ = 	snop  }
__scs_overlays_trampoline_lowered:
0x8: {  	[smem:$0x3F6B] =	sst s0  }
0x9: {  	[smem:$0x3F6C] =	sst s1  }
0xa: {  	[smem:$0x3F6D] =	sst s2  }
0xb: {  	[smem:$0x3F6E] =	sst s3  }
0xc: {  	[smem:$0x3F6F] =	sst s4  }
0xd: {  	[smem:$0x3F70] =	sst s5  }
0xe: {  	[smem:$0x3F71] =	sst s6  }
0xf: {  	[smem:$0x3F72] =	sst s7  }
0x10: {  	[smem:$0x3F73] =	sst s8  }
0x11: {  	[smem:$0x3F74] =	sst s9;
	s0 =	simm.s32 @!p0 $0x0  }
0x12: {  	s1 =	sld [smem:$0x3F5A];
	s0 =	simm.s32 @p0 $0x1  }
0x13: {  	[smem:$0x3F75] =	sst s0;
	s0 =	simm.s32 @!p1 $0x0  }
0x14: {  	s2 =	sld [smem:$0x3F59];
	s0 =	simm.s32 @p1 $0x1  }
0x15: {  	[smem:$0x3F76] =	sst s0;
	s0 =	simm.s32 @!p2 $0x0  }
0x16: {  	s3 =	sld [smem:$0x3FDB];
	s0 =	simm.s32 @p2 $0x1  }
0x17: {  	s4 =	simm.s32 $0x1BF5;
	[smem:$0x3F78] =	sst s0  }
0x18: {  	s0 =	sld [smem:$0x3F5B];
	_ =	swait.ge [sflag:s4], $0x0  }
0x19: {  	s7 =	sld [smem:$0x3F5C]  }
0x1a: {  	s8 =	sadd.s32 $0xFFFFE003, lr  }
0x1b: {  	s9 =	sadd.s32 $0xFFFFFEF7, lr;
	s5 =	simm.s32 $0xFFFFFFFF;
	p2 =	slt.u32 s8, $0xFFFFF086  }
0x1c: {  	p1 =	slt.u32 s9, $0xF7A;
	s5 =	simm.s32 @!p2 $0x0  }
0x1d: {  	s5 =	simm.s32 @p1 $0x1;
	p0 =	seq.s32 s7, s2  }
0x1e: {  	s7 =	smul.u32 @!p0 $0xF7A, s2;
	p2 =	seq.s32 @!p0 s5, $0x0  }
0x1f: {  	s9 =	smul.u32 $0xF7A, s1;
	s8 =	simm.s32 @!p0 $0x1BF5;
	p2 =	por !p2, p0  }
0x20: {  	[sflag:s8] =	ssyncset.s32 @!p0 $0xFFFFF086;
	s6 =	sadd.s32 @!p0 s3, s7;
	s7 =	simm.s32 @!p0 $0x108  }
0x21: {  	s3 =	sadd.s32 s3, s9;
	s6 =	sadd.s32 @!p0 $0x88, s6;
	s7 =	simm.s32 @p2 $0x1082  }
0x22: {  	[simem:s7], [sflag:s8] =	dma.local @!p0 [hbm:s6], $0xF7A  }
0x23: {  	s9 =	sor.u32 $0xD0000000, s2;
	s6 =	simm.s32 $0x108;
	_ =	swait.ge @!p0 [sflag:s8], $0x0  }
0x24: {  	s3 =	sadd.s32 $0x88, s3;
	s6 =	simm.s32 @!p1 $0x1082;
	[sflag:s4] =	ssyncset.s32 $0xFFFFF086  }
0x25: {  	[simem:s6], [sflag:s4] =	dma.local [hbm:s3], $0xF7A  }
0x26: {  	[smem:$0x3F5C] =	sst s1;
	(tag) =	ssettag s2;
	_ =	strace s9  }
0x27: {  	s1 =	sld [smem:$0x3F6C]  }
0x28: {  	s2 =	sld [smem:$0x3F6D]  }
0x29: {  	s4 =	sld [smem:$0x3F6F]  }
0x2a: {  	p0 =	seq.s32 s5, $0x0;
	s5 =	sld [smem:$0x3F70]  }
0x2b: {  	s6 =	sld [smem:$0x3F71]  }
0x2c: {  	s7 =	sld [smem:$0x3F72]  }
0x2d: {  	s3 =	simm.s32 $0x108;
	s8 =	sld [smem:$0x3F73]  }
0x2e: {  	s3 =	simm.s32 @!p0 $0x1082;
	s9 =	sld [smem:$0x3F74]  }
0x2f: {  	lr =	sadd.s32 s0, s3;
	s0 =	sld [smem:$0x3F6B]  }
0x30: {  	s3 =	sld [smem:$0x3F6E]  }
0x31: {  	[smem:$0x3F77] =	sst s10  }
0x32: {  	s10 =	sld [smem:$0x3F75];
	_ =	sdelay $0x3  }
0x33: {  	p0 =	seq.s32 s10, $0x1;
	s10 =	sld [smem:$0x3F77];
	_ =	sdelay $0x3  }
0x34: {  	[smem:$0x3F77] =	sst s10  }
0x35: {  	s10 =	sld [smem:$0x3F76];
	_ =	sdelay $0x3  }
0x36: {  	p1 =	seq.s32 s10, $0x1;
	s10 =	sld [smem:$0x3F77];
	_ =	sdelay $0x3  }
0x37: {  	[smem:$0x3F77] =	sst s10  }
0x38: {  	s10 =	sld [smem:$0x3F78]  }
0x39: {  	_ = 	snop;
	(pc) =	sbr.ind lr, $3  }
0x3a: {  	_ = 	snop  }
0x3b: {  	_ = 	snop  }
0x3c: {  	p2 =	seq.s32 s10, $0x1;
	s10 =	sld [smem:$0x3F77]  }
0x3d: {  	_ =	shalt  }
0x3e: {  	_ =	shalt  }
0x3f: {  	_ =	shalt  }
0x40: {  	_ =	shalt  }
0x41: {  	_ =	shalt  }
0x42: {  	_ =	shalt  }
0x43: {  	_ =	shalt  }
0x44: {  	_ =	shalt  }
0x45: {  	_ =	shalt  }
0x46: {  	_ =	shalt  }
0x47: {  	_ =	shalt  }
0x48: {  	_ =	shalt  }
0x49: {  	_ =	shalt  }
0x4a: {  	_ =	shalt  }
0x4b: {  	_ =	shalt  }
0x4c: {  	_ =	shalt  }
0x4d: {  	_ =	shalt  }
0x4e: {  	_ =	shalt  }
0x4f: {  	_ =	shalt  }
0x50: {  	_ =	shalt  }
0x51: {  	_ =	shalt  }
0x52: {  	_ =	shalt  }
0x53: {  	_ =	shalt  }
0x54: {  	_ =	shalt  }
0x55: {  	_ =	shalt  }
0x56: {  	_ =	shalt  }
0x57: {  	_ =	shalt  }
0x58: {  	_ =	shalt  }
0x59: {  	_ =	shalt  }
0x5a: {  	_ =	shalt  }
0x5b: {  	_ =	shalt  }
0x5c: {  	_ =	shalt  }
0x5d: {  	_ =	shalt  }
0x5e: {  	_ =	shalt  }
0x5f: {  	_ =	shalt  }
0x60: {  	_ =	shalt  }
0x61: {  	_ =	shalt  }
0x62: {  	_ =	shalt  }
0x63: {  	_ =	shalt  }
0x64: {  	_ =	shalt  }
0x65: {  	_ =	shalt  }
0x66: {  	_ =	shalt  }
0x67: {  	_ =	shalt  }
0x68: {  	_ =	shalt  }
0x69: {  	_ =	shalt  }
0x6a: {  	_ =	shalt  }
0x6b: {  	_ =	shalt  }
0x6c: {  	_ =	shalt  }
0x6d: {  	_ =	shalt  }
0x6e: {  	_ =	shalt  }
0x6f: {  	_ =	shalt  }
0x70: {  	_ =	shalt  }
0x71: {  	_ =	shalt  }
0x72: {  	_ =	shalt  }
0x73: {  	_ =	shalt  }
0x74: {  	_ =	shalt  }
0x75: {  	_ =	shalt  }
0x76: {  	_ =	shalt  }
0x77: {  	_ =	shalt  }
0x78: {  	_ =	shalt  }
0x79: {  	_ =	shalt  }
0x7a: {  	_ =	shalt  }
0x7b: {  	_ =	shalt  }
0x7c: {  	_ =	shalt  }
0x7d: {  	_ =	shalt  }
0x7e: {  	_ =	shalt  }
0x7f: {  	_ =	shalt  }
0x80: {  	_ =	shalt  }
0x81: {  	_ =	shalt  }
0x82: {  	_ =	shalt  }
0x83: {  	_ =	shalt  }
0x84: {  	_ =	shalt  }
0x85: {  	_ =	shalt  }
0x86: {  	_ =	shalt  }
0x87: {  	_ =	shalt  }
.Lfunc_end0:
.L_simem_size_0:
called_computation.2_lowered:
.L_overlay_start_0:
0x88: {  	s2 =	sld [smem:$0x3FD9]  }
0x89: {  	s3 =	sld [smem:$0x3FFE];
	_ =	sdelay $0x1  }
0x8a: {  	s1 =	srdreg.scid  }
0x8b: {  	s0 =	sand.u32 $0x1, s1  }
0x8c: {  	s16 =	sshll.u32 s0, $0xA;
	s2 =	sadd.s32 s3, s2  }
0x8d: {  	s2 =	sadd.s32 s2, s16  }
0x8e: {  	[smem:$0x3F83] =	sst s2  }
0x8f: {  	_ = 	snop  }
0x90: {  	(tm) =	ssettm $0x1  }
0x91: {  	s17 =	sld [smem:$0x3FFB];
	_ =	sdelay $0x3  }
0x92: {  	_ =	strace s17  }
0x93: {  	s2 =	sld [smem:$0x3FFC];
	_ =	sdelay $0x3  }
0x94: {  	_ =	strace s2  }
0x95: {  	s2 =	sld [smem:$0x3FFD];
	_ =	sdelay $0x3  }
0x96: {  	_ =	strace s2  }
0x97: {  	_ =	strace $0x8FFFFFFF  }
0x98: {  	s18 =	sld [smem:$0x3FDB];
	_ =	sdelay $0x1  }
0x99: {  	s19 =	simm.s32 $_scs_section_size  }
0x9a: {  	s4 =	simm.s32 $_size__tile_overlayer_lowered;
	s5 =	simm.s32 $_tile_overlayer_lowered  }
0x9b: {  	s22 =	simm.s32 $0x1BFF;
	s21 =	sshll.u32 s5, $0x1;
	s2 =	sadd.s32 s19, s18  }
0x9c: {  	s6 =	simm.s32 $0x0;
	s20 =	sshll.u32 s4, $0x1;
	s4 =	sadd.s32 s21, s2  }
0x9d: {  	[timem:s6], [sflag:s22] =	dma.local [hbm:s4], s20  }
0x9e: {  	_ =	swait.ge [sflag:s22], s20  }
0x9f: {  	s3 =	ssub.s32 $0x0, s20;
	[sflag:s22] =	ssyncset.done $0x0  }
0xa0: {  	[sflag:s22] =	ssyncadd.s32 s3;
	_ =	sdelay $0x1  }
0xa1: {  	s23 =	simm.s32 $0x1B8B  }
0xa2: {  	_ =	swait.ge [sflag:s23], $0x1  }
0xa3: {  	[sflag:s23] =	ssyncset.done $0x0  }
0xa4: {  	s25 =	simm.s32 $0x1B8E;
	s24 =	sld [smem:$0x3FFE];
	[sflag:s23] =	ssyncadd.s32 $0xFFFFFFFF  }
0xa5: {  	s26 =	simm.s32 $execute0_lowered;
	[smem:$0x3FD2] =	sst s25  }
0xa6: {  	s4 =	sshll.u32 s26, $0x1;
	_ =	strace $0x8000004C;
	[dreg:$0x1] =	wrdreg $0xFFFFFFFF  }
0xa7: {  	s28 =	simm.s32 $_size_execute0_lowered;
	s2 =	sadd.s32 s2, s4;
	[dreg:$0x0] =	wrdreg $0x0  }
0xa8: {  	s4 =	sshll.u32 s28, $0x1;
	[dreg:$0x2] =	wrdreg s2  }
0xa9: {  	[dreg:$0x3] =	wrdreg s4  }
0xaa: {  	[dreg:$0x4] =	wrdreg $0xC0  }
0xab: {  	_ =	task [dreg:s6], $0x5FFFF  }
0xac: {  	[dreg:$0x1] =	wrdreg $0xFFFFFFFF  }
0xad: {  	[dreg:$0x0] =	wrdreg $0x60  }
0xae: {  	[dreg:$0x2] =	wrdreg s24  }
0xaf: {  	[dreg:$0x3] =	wrdreg $0x9  }
0xb0: {  	_ =	task.clear_ibuf [dreg:s6], $0x4FFFF;
	_ =	strace $0x9000004C  }
0xb1: {  	s29 =	simm.s32 $0x9;
	_ =	strace $0x8000004E  }
0xb2: {  	_ =	swait.ge [sflag:s29], $0x1  }
0xb3: {  	[sflag:s29] =	ssyncadd.s32 $0xFFFFFFFF  }
0xb4: {  	_ =	strace $0x9000004E  }
0xb5: {  	_ =	sfence  }
0xb6: {  	s30 =	sld [smem:$0x0];
	_ =	sdelay $0x2  }
0xb7: {  	s31 =	sshll.u32 s1, $0xD;
	s1 =	sshrl.u32 s1, $0x2  }
0xb8: {  	s3 =	sand.u32 $0x4000, s31;
	s1 =	sadd.s32 s1, s30  }
0xb9: {  	s0 =	sor.u32 s3, s0;
	s1 =	sshll.u32 s1, $0x11  }
0xba: {  	s0 =	sor.u32 s1, s0  }
0xbb: {  	s0 =	sadd.s32 $0x8F2B, s0  }
0xbc: {  	[sflag:s0] =	ssyncadd.remote.s32 $0x1  }
0xbd: {  	_ =	sfence.sel $0xFFFF  }
0xbe: {  	[dreg:$0x0] =	wrdreg $0xFFFFFFFF;
	(pc) =	sbr.abs _section_cstart, $3  }
0xbf: {  	[dreg:$0x1] =	wrdreg $0xFFFFFFFF  }
0xc0: {  	_ =	task.clear_ibuf [dreg:s6], $0x2FFFF;
	_ =	strace $0x9FFFFFFF  }
0xc1: {  	(tm) =	ssettm $0x7FFFFFFF  }
tec
execute0_lowered:
.L_overlay_start_1:
0x0: {  	(tag) =	ssettag $0x1  }
0x1: {  	s1 =	srdreg.scid  }
0x2: {  	s0 =	stileid.u32;
	s5 =	rddreg [dreg:$0x0];
	s2 =	simm.s32 $0x0  }
0x3: {  	s11 =	simm.s32 $0x80;
	s12 =	simm.s32 $0x4F00;
	s13 =	simm.s32 $0x0  }
0x4: {  	s4 =	sand.u32 $0x1, s1;
	s28 =	sshll.u32 s0, $0x1;
	s1 =	rddreg [dreg:$0x1]  }
0x5: {  	[smem:$0x7FF] =	sst s2;
	s8 =	smul.u32 $0xF0000, s0;
	s10 =	sadd.s32 $0x9000, s5  }
0x6: {  	s3 =	sor.u32 s4, s28;
	s9 =	ssub.s32 $0x2, s4;
	s4 =	smul.u32 $0x78000, s4  }
0x7: {  	_ =	strace $0x8000004D;
	s6 =	smul.u32 $0x1E0, s3;
	s29 =	sshrl.u32 s9, $0x1  }
0x8: {  	s7 =	smul.u32 $0x78000, s3;
	s3 =	sadd.s32 $0x23CC00, s5;
	s9 =	ssub.s32 s9, s29  }
0x9: {  	s31 =	sadd.s32 s4, s8;
	s8 =	simm.s32 $0x2;
	s6 =	sadd.s32 s6, s5  }
0xa: {  	s30 =	sshrl.u32 s7, $0x3;
	s7 =	sshrl.u32 s31, $0x3;
	s4 =	sadd.s32 $0x239000, s6  }
0xb: {  	s5 =	sadd.s32 s10, s30;
	s6 =	smax.u32 s9, $0x1;
	s7 =	sadd.s32 s7, s10  }
0xc: {  	s9 =	simm.s32 $0xF00;
	s10 =	simm.s32 $0x1;
	s5 =	sadd.s32 $0xE800, s5  }
.LBB2_1:
0xd: {  	[tilespmem:s2], [sflag:$0x2] =	stream.linear.gather [hbm4b:s4+s2], $0xF00, $0x38;
	[tilespmem:$0x8F00] =	vst v63  }
0xe: {  	_ =	swait.ge [sflag:s8], $0xF00  }
0xf: {  	[sflag:s8] =	ssyncset.done $0x0  }
0x10: {  	[sflag:s8] =	ssyncadd.s32 $0xFFFFF100  }
0x11: {  	[tilespmem:s9], [sflag:$0x1] =	stream.indirect.gather [hbm4b:s3+s11], $0x80, s2, s11, $0xb8;
	[tilespmem:$0x8F00] =	vst v63  }
0x12: {  	s14 =	simm.s32 $0x0;
	_ =	swait.ge [sflag:s10], $0x4000  }
0x13: {  	s14 =	sand.u32 $0x4000, s14;
	[sflag:s10] =	ssyncset.done $0x0  }
0x14: {  	s15 =	sxor.u32 $0x4F00, s14;
	[sflag:s10] =	ssyncadd.s32 $0xFFFFC000  }
0x15: {  	[tilespmem:s15], [sflag:$0x1] =	stream.indirect.gather [hbm4b:s3+s11], $0x80, s11, s11, $0xb8;
	[tilespmem:$0x8F00] =	vst v63  }
0x16: {  	s14 =	sor.u32 $0xF00, s14  }
0x17: {  	[hbm4b:s7+s2] =	stream.linear.scatter [tilespmem:s14], [sflag:$0x2], $0x4000, $0x38;
	[tilespmem:$0x8F00] =	vst v63  }
0x18: {  	s16 =	simm.s32 $0x80;
	_ =	swait.ge [sflag:s8], $0x4000  }
0x19: {  	s15 =	smov.u32 s7;
	s14 =	simm.s32 $0x1;
	[sflag:s8] =	ssyncset.done $0x0  }
.LBB2_2:
0x1a: {  	[sflag:s8] =	ssyncadd.s32 $0xFFFFC000  }
0x1b: {  	s15 =	sadd.s32 $0x800, s15;
	s16 =	sadd.s32 $0x80, s16;
	s17 =	smov.u32 s14  }
0x1c: {  	p0 =	sne.s32 s14, $0x1C;
	s14 =	sadd.s32 $0x1, s14;
	_ =	swait.ge [sflag:s10], $0x4000  }
0x1d: {  	s17 =	sshll.u32 s17, $0xE;
	[sflag:s10] =	ssyncset.done $0x0  }
0x1e: {  	s17 =	sand.u32 $0x4000, s17;
	[sflag:s10] =	ssyncadd.s32 $0xFFFFC000  }
0x1f: {  	s18 =	sxor.u32 $0x4F00, s17  }
0x20: {  	[tilespmem:s18], [sflag:$0x1] =	stream.indirect.gather [hbm4b:s3+s11], $0x80, s16, s11, $0xb8;
	[tilespmem:$0x8F00] =	vst v63  }
.Ltmp0:
0x21: {  	_ = 	snop;
	(pc) =	sbr.rel @p0 .LBB2_2-.Ltmp0, $4  }
0x22: {  	s17 =	sor.u32 $0xF00, s17  }
0x23: {  	[hbm4b:s15+s2] =	stream.linear.scatter [tilespmem:s17], [sflag:$0x2], $0x4000, $0x38;
	[tilespmem:$0x8F00] =	vst v63  }
0x24: {  	_ =	swait.ge [sflag:s8], $0x4000  }
0x25: {  	[sflag:s8] =	ssyncset.done $0x0  }
0x26: {  	[sflag:s8] =	ssyncadd.s32 $0xFFFFC000  }
0x27: {  	s13 =	sadd.s32 $0x1, s13;
	_ =	swait.ge [sflag:s10], $0x4000  }
0x28: {  	p0 =	sne.s32 s13, s6;
	[sflag:s10] =	ssyncset.done $0x0  }
.Ltmp1:
0x29: {  	[sflag:s10] =	ssyncadd.s32 $0xFFFFC000;
	(pc) =	sbr.rel @p0 .LBB2_1-.Ltmp1, $4  }
0x2a: {  	[hbm4b:s5+s2] =	stream.linear.scatter [tilespmem:s12], [sflag:$0x2], $0x4000, $0x38;
	[tilespmem:$0x8F00] =	vst v63  }
0x2b: {  	_ =	swait.ge [sflag:s8], $0x4000  }
0x2c: {  	[sflag:s8] =	ssyncset.done $0x0  }
0x2d: {  	[sflag:s8] =	ssyncadd.s32 $0xFFFFC000  }
0x2e: {  	_ =	sfence.sel $0x180000  }
0x2f: {  	[bflag:$0x0] =	sbarrier.arrive $0xFFFF  }
0x30: {  	p0 =	sne.s32 s0, $0x0;
	_ =	strace $0x9000004D  }
0x31: {  	s0 =	sadd.s32 @!p0 $0x100000, s1;
	[bflag:$0x2] =	sbarrier.arrive $0xFFFF  }
0x32: {  	[sflag:s0] =	ssyncadd.tile.s32 @!p0 $0x1;
	_ =	shalt  }
.Lfunc_end2:
_tile_overlayer_lowered:
.L_overlay_start_2:
0x33: {  	(tag) =	ssettag $0x2  }
0x34: {  	s0 =	rddreg [dreg:$0x0];
	s2 =	stileid.u32  }
0x35: {  	s1 =	rddreg [dreg:$0x1];
	p0 =	sne.s32 s2, $0x0  }
0x36: {  	s3 =	rddreg [dreg:$0x2];
	[bflag:$0x3] =	sbarrier.arrive $0xFFFF;
	s2 =	simm.s32 @!p0 $0x1C02  }
0x37: {  	[timem:s3], [sflag:s2] =	dma.local @!p0 [hbm:s0], s1  }
0x38: {  	s0 =	simm.s32 @!p0 $0x2  }
0x39: {  	_ =	swait.ge @!p0 [sflag:s0], s1  }
0x3a: {  	s1 =	ssub.s32 @!p0 $0x0, s1;
	[sflag:s0] =	ssyncset.done @!p0 $0x0  }
0x3b: {  	[sflag:s0] =	ssyncadd.s32 @!p0 s1  }
0x3c: {  	[bflag:$0x3] =	sbarrier.arrive $0xFFFF  }
0x3d: {  	_ =	shalt  }

// kernel: kernel.26.cloned.1.call-start
scs
__scs_entry_jumppad:
0x0: {  	(pc) =	sbr.rel $0x88, $3  }
0x1: {  	(tag) =	ssettag $0x0;
	lr =	simm.s32 $0x1  }
0x2: {  	[smem:$0x3F5C] =	sst lr;
	_ =	strace $0xD0000000  }
0x3: {  	_ = 	snop  }
0x4: {  	_ = 	snop  }
0x5: {  	_ = 	snop  }
0x6: {  	_ = 	snop  }
0x7: {  	_ = 	snop  }
__scs_overlays_trampoline_lowered:
0x8: {  	[smem:$0x3F6B] =	sst s0  }
0x9: {  	[smem:$0x3F6C] =	sst s1  }
0xa: {  	[smem:$0x3F6D] =	sst s2  }
0xb: {  	[smem:$0x3F6E] =	sst s3  }
0xc: {  	[smem:$0x3F6F] =	sst s4  }
0xd: {  	[smem:$0x3F70] =	sst s5  }
0xe: {  	[smem:$0x3F71] =	sst s6  }
0xf: {  	[smem:$0x3F72] =	sst s7  }
0x10: {  	[smem:$0x3F73] =	sst s8  }
0x11: {  	[smem:$0x3F74] =	sst s9;
	s0 =	simm.s32 @!p0 $0x0  }
0x12: {  	s1 =	sld [smem:$0x3F5A];
	s0 =	simm.s32 @p0 $0x1  }
0x13: {  	[smem:$0x3F75] =	sst s0;
	s0 =	simm.s32 @!p1 $0x0  }
0x14: {  	s2 =	sld [smem:$0x3F59];
	s0 =	simm.s32 @p1 $0x1  }
0x15: {  	[smem:$0x3F76] =	sst s0;
	s0 =	simm.s32 @!p2 $0x0  }
0x16: {  	s3 =	sld [smem:$0x3FDB];
	s0 =	simm.s32 @p2 $0x1  }
0x17: {  	s4 =	simm.s32 $0x1BF5;
	[smem:$0x3F78] =	sst s0  }
0x18: {  	s0 =	sld [smem:$0x3F5B];
	_ =	swait.ge [sflag:s4], $0x0  }
0x19: {  	s7 =	sld [smem:$0x3F5C]  }
0x1a: {  	s8 =	sadd.s32 $0xFFFFE003, lr  }
0x1b: {  	s9 =	sadd.s32 $0xFFFFFEF7, lr;
	s5 =	simm.s32 $0xFFFFFFFF;
	p2 =	slt.u32 s8, $0xFFFFF086  }
0x1c: {  	p1 =	slt.u32 s9, $0xF7A;
	s5 =	simm.s32 @!p2 $0x0  }
0x1d: {  	s5 =	simm.s32 @p1 $0x1;
	p0 =	seq.s32 s7, s2  }
0x1e: {  	s7 =	smul.u32 @!p0 $0xF7A, s2;
	p2 =	seq.s32 @!p0 s5, $0x0  }
0x1f: {  	s9 =	smul.u32 $0xF7A, s1;
	s8 =	simm.s32 @!p0 $0x1BF5;
	p2 =	por !p2, p0  }
0x20: {  	[sflag:s8] =	ssyncset.s32 @!p0 $0xFFFFF086;
	s6 =	sadd.s32 @!p0 s3, s7;
	s7 =	simm.s32 @!p0 $0x108  }
0x21: {  	s3 =	sadd.s32 s3, s9;
	s6 =	sadd.s32 @!p0 $0x88, s6;
	s7 =	simm.s32 @p2 $0x1082  }
0x22: {  	[simem:s7], [sflag:s8] =	dma.local @!p0 [hbm:s6], $0xF7A  }
0x23: {  	s9 =	sor.u32 $0xD0000000, s2;
	s6 =	simm.s32 $0x108;
	_ =	swait.ge @!p0 [sflag:s8], $0x0  }
0x24: {  	s3 =	sadd.s32 $0x88, s3;
	s6 =	simm.s32 @!p1 $0x1082;
	[sflag:s4] =	ssyncset.s32 $0xFFFFF086  }
0x25: {  	[simem:s6], [sflag:s4] =	dma.local [hbm:s3], $0xF7A  }
0x26: {  	[smem:$0x3F5C] =	sst s1;
	(tag) =	ssettag s2;
	_ =	strace s9  }
0x27: {  	s1 =	sld [smem:$0x3F6C]  }
0x28: {  	s2 =	sld [smem:$0x3F6D]  }
0x29: {  	s4 =	sld [smem:$0x3F6F]  }
0x2a: {  	p0 =	seq.s32 s5, $0x0;
	s5 =	sld [smem:$0x3F70]  }
0x2b: {  	s6 =	sld [smem:$0x3F71]  }
0x2c: {  	s7 =	sld [smem:$0x3F72]  }
0x2d: {  	s3 =	simm.s32 $0x108;
	s8 =	sld [smem:$0x3F73]  }
0x2e: {  	s3 =	simm.s32 @!p0 $0x1082;
	s9 =	sld [smem:$0x3F74]  }
0x2f: {  	lr =	sadd.s32 s0, s3;
	s0 =	sld [smem:$0x3F6B]  }
0x30: {  	s3 =	sld [smem:$0x3F6E]  }
0x31: {  	[smem:$0x3F77] =	sst s10  }
0x32: {  	s10 =	sld [smem:$0x3F75];
	_ =	sdelay $0x3  }
0x33: {  	p0 =	seq.s32 s10, $0x1;
	s10 =	sld [smem:$0x3F77];
	_ =	sdelay $0x3  }
0x34: {  	[smem:$0x3F77] =	sst s10  }
0x35: {  	s10 =	sld [smem:$0x3F76];
	_ =	sdelay $0x3  }
0x36: {  	p1 =	seq.s32 s10, $0x1;
	s10 =	sld [smem:$0x3F77];
	_ =	sdelay $0x3  }
0x37: {  	[smem:$0x3F77] =	sst s10  }
0x38: {  	s10 =	sld [smem:$0x3F78]  }
0x39: {  	_ = 	snop;
	(pc) =	sbr.ind lr, $3  }
0x3a: {  	_ = 	snop  }
0x3b: {  	_ = 	snop  }
0x3c: {  	p2 =	seq.s32 s10, $0x1;
	s10 =	sld [smem:$0x3F77]  }
0x3d: {  	_ =	shalt  }
0x3e: {  	_ =	shalt  }
0x3f: {  	_ =	shalt  }
0x40: {  	_ =	shalt  }
0x41: {  	_ =	shalt  }
0x42: {  	_ =	shalt  }
0x43: {  	_ =	shalt  }
0x44: {  	_ =	shalt  }
0x45: {  	_ =	shalt  }
0x46: {  	_ =	shalt  }
0x47: {  	_ =	shalt  }
0x48: {  	_ =	shalt  }
0x49: {  	_ =	shalt  }
0x4a: {  	_ =	shalt  }
0x4b: {  	_ =	shalt  }
0x4c: {  	_ =	shalt  }
0x4d: {  	_ =	shalt  }
0x4e: {  	_ =	shalt  }
0x4f: {  	_ =	shalt  }
0x50: {  	_ =	shalt  }
0x51: {  	_ =	shalt  }
0x52: {  	_ =	shalt  }
0x53: {  	_ =	shalt  }
0x54: {  	_ =	shalt  }
0x55: {  	_ =	shalt  }
0x56: {  	_ =	shalt  }
0x57: {  	_ =	shalt  }
0x58: {  	_ =	shalt  }
0x59: {  	_ =	shalt  }
0x5a: {  	_ =	shalt  }
0x5b: {  	_ =	shalt  }
0x5c: {  	_ =	shalt  }
0x5d: {  	_ =	shalt  }
0x5e: {  	_ =	shalt  }
0x5f: {  	_ =	shalt  }
0x60: {  	_ =	shalt  }
0x61: {  	_ =	shalt  }
0x62: {  	_ =	shalt  }
0x63: {  	_ =	shalt  }
0x64: {  	_ =	shalt  }
0x65: {  	_ =	shalt  }
0x66: {  	_ =	shalt  }
0x67: {  	_ =	shalt  }
0x68: {  	_ =	shalt  }
0x69: {  	_ =	shalt  }
0x6a: {  	_ =	shalt  }
0x6b: {  	_ =	shalt  }
0x6c: {  	_ =	shalt  }
0x6d: {  	_ =	shalt  }
0x6e: {  	_ =	shalt  }
0x6f: {  	_ =	shalt  }
0x70: {  	_ =	shalt  }
0x71: {  	_ =	shalt  }
0x72: {  	_ =	shalt  }
0x73: {  	_ =	shalt  }
0x74: {  	_ =	shalt  }
0x75: {  	_ =	shalt  }
0x76: {  	_ =	shalt  }
0x77: {  	_ =	shalt  }
0x78: {  	_ =	shalt  }
0x79: {  	_ =	shalt  }
0x7a: {  	_ =	shalt  }
0x7b: {  	_ =	shalt  }
0x7c: {  	_ =	shalt  }
0x7d: {  	_ =	shalt  }
0x7e: {  	_ =	shalt  }
0x7f: {  	_ =	shalt  }
0x80: {  	_ =	shalt  }
0x81: {  	_ =	shalt  }
0x82: {  	_ =	shalt  }
0x83: {  	_ =	shalt  }
0x84: {  	_ =	shalt  }
0x85: {  	_ =	shalt  }
0x86: {  	_ =	shalt  }
0x87: {  	_ =	shalt  }
.Lfunc_end0:
.L_simem_size_0:
called_computation.3_lowered:
.L_overlay_start_0:
0x88: {  	s2 =	sld [smem:$0x3FD9]  }
0x89: {  	s3 =	sld [smem:$0x3FFE];
	_ =	sdelay $0x1  }
0x8a: {  	s1 =	srdreg.scid  }
0x8b: {  	s0 =	sand.u32 $0x1, s1  }
0x8c: {  	s16 =	sshll.u32 s0, $0xA;
	s2 =	sadd.s32 s3, s2  }
0x8d: {  	s2 =	sadd.s32 s2, s16  }
0x8e: {  	[smem:$0x3F83] =	sst s2  }
0x8f: {  	_ = 	snop  }
0x90: {  	(tm) =	ssettm $0x1  }
0x91: {  	s17 =	sld [smem:$0x3FFB];
	_ =	sdelay $0x3  }
0x92: {  	_ =	strace s17  }
0x93: {  	s2 =	sld [smem:$0x3FFC];
	_ =	sdelay $0x3  }
0x94: {  	_ =	strace s2  }
0x95: {  	s2 =	sld [smem:$0x3FFD];
	_ =	sdelay $0x3  }
0x96: {  	_ =	strace s2  }
0x97: {  	_ =	strace $0x8FFFFFFF  }
0x98: {  	s18 =	sld [smem:$0x3FDB];
	_ =	sdelay $0x1  }
0x99: {  	s19 =	simm.s32 $_scs_section_size  }
0x9a: {  	s4 =	simm.s32 $_size__tile_overlayer_lowered;
	s5 =	simm.s32 $_tile_overlayer_lowered  }
0x9b: {  	s22 =	simm.s32 $0x1BFF;
	s21 =	sshll.u32 s5, $0x1;
	s2 =	sadd.s32 s19, s18  }
0x9c: {  	s6 =	simm.s32 $0x0;
	s20 =	sshll.u32 s4, $0x1;
	s4 =	sadd.s32 s21, s2  }
0x9d: {  	[timem:s6], [sflag:s22] =	dma.local [hbm:s4], s20  }
0x9e: {  	_ =	swait.ge [sflag:s22], s20  }
0x9f: {  	s3 =	ssub.s32 $0x0, s20;
	[sflag:s22] =	ssyncset.done $0x0  }
0xa0: {  	[sflag:s22] =	ssyncadd.s32 s3;
	_ =	sdelay $0x1  }
0xa1: {  	s23 =	simm.s32 $0x1B8B  }
0xa2: {  	_ =	swait.ge [sflag:s23], $0x1  }
0xa3: {  	[sflag:s23] =	ssyncset.done $0x0  }
0xa4: {  	s25 =	simm.s32 $0x1B8E;
	s24 =	sld [smem:$0x3FFE];
	[sflag:s23] =	ssyncadd.s32 $0xFFFFFFFF  }
0xa5: {  	s26 =	simm.s32 $execute0_lowered;
	[smem:$0x3FD2] =	sst s25  }
0xa6: {  	s4 =	sshll.u32 s26, $0x1;
	_ =	strace $0x8000004F;
	[dreg:$0x1] =	wrdreg $0xFFFFFFFF  }
0xa7: {  	s28 =	simm.s32 $_size_execute0_lowered;
	s2 =	sadd.s32 s2, s4;
	[dreg:$0x0] =	wrdreg $0x0  }
0xa8: {  	s4 =	sshll.u32 s28, $0x1;
	[dreg:$0x2] =	wrdreg s2  }
0xa9: {  	[dreg:$0x3] =	wrdreg s4  }
0xaa: {  	[dreg:$0x4] =	wrdreg $0xC0  }
0xab: {  	_ =	task [dreg:s6], $0x5FFFF  }
0xac: {  	[dreg:$0x1] =	wrdreg $0xFFFFFFFF  }
0xad: {  	[dreg:$0x0] =	wrdreg $0x60  }
0xae: {  	[dreg:$0x2] =	wrdreg s24  }
0xaf: {  	[dreg:$0x3] =	wrdreg $0x9  }
0xb0: {  	_ =	task.clear_ibuf [dreg:s6], $0x4FFFF;
	_ =	strace $0x9000004F  }
0xb1: {  	s29 =	simm.s32 $0x9;
	_ =	strace $0x80000051  }
0xb2: {  	_ =	swait.ge [sflag:s29], $0x1  }
0xb3: {  	[sflag:s29] =	ssyncadd.s32 $0xFFFFFFFF  }
0xb4: {  	_ =	strace $0x90000051  }
0xb5: {  	_ =	sfence  }
0xb6: {  	s30 =	sld [smem:$0x0];
	_ =	sdelay $0x2  }
0xb7: {  	s31 =	sshll.u32 s1, $0xD;
	s1 =	sshrl.u32 s1, $0x2  }
0xb8: {  	s3 =	sand.u32 $0x4000, s31;
	s1 =	sadd.s32 s1, s30  }
0xb9: {  	s0 =	sor.u32 s3, s0;
	s1 =	sshll.u32 s1, $0x11  }
0xba: {  	s0 =	sor.u32 s1, s0  }
0xbb: {  	s0 =	sadd.s32 $0x8F2B, s0  }
0xbc: {  	[sflag:s0] =	ssyncadd.remote.s32 $0x1  }
0xbd: {  	_ =	sfence.sel $0xFFFF  }
0xbe: {  	[dreg:$0x0] =	wrdreg $0xFFFFFFFF;
	(pc) =	sbr.abs _section_cstart, $3  }
0xbf: {  	[dreg:$0x1] =	wrdreg $0xFFFFFFFF  }
0xc0: {  	_ =	task.clear_ibuf [dreg:s6], $0x2FFFF;
	_ =	strace $0x9FFFFFFF  }
0xc1: {  	(tm) =	ssettm $0x7FFFFFFF  }
tec
execute0_lowered:
.L_overlay_start_1:
0x0: {  	(tag) =	ssettag $0x1  }
0x1: {  	s1 =	srdreg.scid;
	s0 =	stileid.u32  }
0x2: {  	s4 =	rddreg [dreg:$0x0];
	s2 =	simm.s32 $0x0;
	s11 =	simm.s32 $0x1F00  }
0x3: {  	s12 =	simm.s32 $0x2700;
	s13 =	simm.s32 $0x2F00;
	s14 =	simm.s32 $0x3700  }
0x4: {  	s15 =	simm.s32 $0x3F00;
	s16 =	simm.s32 $0x4700;
	s17 =	simm.s32 $0x4F00  }
0x5: {  	s18 =	simm.s32 $0x5700;
	s19 =	simm.s32 $0x5F00;
	s20 =	simm.s32 $0x6700  }
0x6: {  	s21 =	simm.s32 $0x6F00;
	s22 =	simm.s32 $0x7700;
	s23 =	simm.s32 $0x7F00  }
0x7: {  	s24 =	simm.s32 $0x8700;
	s25 =	simm.s32 $0x1;
	s26 =	simm.s32 $0x8F00  }
0x8: {  	s28 =	simm.s32 $0x0;
	s1 =	sand.u32 $0x1, s1;
	s3 =	sshll.u32 s0, $0x1  }
0x9: {  	[smem:$0x7FF] =	sst s2;
	s8 =	smul.u32 $0x1E0000, s0;
	s10 =	sadd.s32 $0x5FCC00, s4  }
0xa: {  	s3 =	sor.u32 s1, s3;
	s7 =	ssub.s32 $0x2, s1;
	s1 =	smul.u32 $0xF0000, s1  }
0xb: {  	_ =	strace $0x80000050;
	s5 =	smul.u32 $0x1E0, s3;
	s9 =	sshrl.u32 s7, $0x1  }
0xc: {  	s6 =	smul.u32 $0xF0000, s3;
	s3 =	sadd.s32 $0x24CC00, s4;
	s7 =	ssub.s32 s7, s9  }
0xd: {  	s1 =	sadd.s32 s1, s8;
	s8 =	simm.s32 $0x2;
	s9 =	simm.s32 $0xF00  }
0xe: {  	v2 =	vlaneseq.u32;
	s5 =	sadd.s32 s5, s4;
	s6 =	sshrl.u32 s6, $0x3;
	s1 =	sshrl.u32 s1, $0x3  }
0xf: {  	vm0 =	vmmov $0xffff;
	v1 =	vshrl.u32 v2, $0x3;
	s4 =	sadd.s32 $0x239000, s5;
	s31 =	sadd.s32 s10, s6;
	s6 =	smax.u32 s7, $0x1  }
0x10: {  	v0 =	vand.u32 $0x7, v2;
	v2 =	vor.u32 $0x8, v2;
	v1 =	vmul.u32 $0x8, v1;
	s7 =	sadd.s32 s1, s10;
	s10 =	simm.s32 $0x1700;
	s5 =	sadd.s32 $0x1D000, s31  }
.LBB2_1:
0x11: {  	[tilespmem:s2], [sflag:$0x2] =	stream.linear.gather [hbm4b:s4+s2], $0xF00, $0x38;
	[tilespmem:$0x10F00] =	vst v63  }
0x12: {  	_ =	swait.ge [sflag:s8], $0xF00  }
0x13: {  	[sflag:s8] =	ssyncset.done $0x0  }
0x14: {  	[sflag:s8] =	ssyncadd.s32 $0xFFFFF100  }
0x15: {  	v3 =	vld [tilespmem:$0x0];
	_ =	sdelay $0x4  }
0x16: {  	v4 =	vshll.u32 v3, $0x1  }
0x17: {  	v3 =	vand.u32 $0x7, v3;
	v4 =	vand.u32 $0xFFFFFFF0, v4  }
0x18: {  	v3 =	vor.u32 v3, v4  }
0x19: {  	v4 =	vperm.xlane v3, v0;
	_ =	sdelay $0x1  }
0x1a: {  	v3 =	vperm.xlane v3, v2;
	v4 =	vadd.s32 v1, v4;
	_ =	sdelay $0x1  }
0x1b: {  	v3 =	vadd.s32 v1, v3;
	_ =	sdelay $0x2  }
0x1c: {  	[tilespmem:s9], [sflag:$0x1] =	stream.indirect_vreg.gather [hbm4b:s3+s2], $0x80, v4, vm0, $0xb8;
	[tilespmem:$0x10F00] =	vst v63  }
0x1d: {  	_ = 	snop  }
0x1e: {  	[tilespmem:s10], [sflag:$0x1] =	stream.indirect_vreg.gather [hbm4b:s3+s2], $0x80, v3, vm0, $0xb8;
	[tilespmem:$0x10F00] =	vst v63  }
0x1f: {  	v3 =	vld [tilespmem:$0x10];
	_ =	sdelay $0x4  }
0x20: {  	v57 =	vshll.u32 v3, $0x1  }
0x21: {  	v3 =	vand.u32 $0x7, v3;
	v4 =	vand.u32 $0xFFFFFFF0, v57  }
0x22: {  	v3 =	vor.u32 v3, v4  }
0x23: {  	v4 =	vperm.xlane v3, v0;
	_ =	sdelay $0x1  }
0x24: {  	v3 =	vperm.xlane v3, v2;
	v4 =	vadd.s32 v1, v4;
	_ =	sdelay $0x1  }
0x25: {  	v3 =	vadd.s32 v1, v3;
	_ =	sdelay $0x2  }
0x26: {  	[tilespmem:s11], [sflag:$0x1] =	stream.indirect_vreg.gather [hbm4b:s3+s2], $0x80, v4, vm0, $0xb8;
	[tilespmem:$0x10F00] =	vst v63  }
0x27: {  	_ = 	snop  }
0x28: {  	[tilespmem:s12], [sflag:$0x1] =	stream.indirect_vreg.gather [hbm4b:s3+s2], $0x80, v3, vm0, $0xb8;
	[tilespmem:$0x10F00] =	vst v63  }
0x29: {  	v3 =	vld [tilespmem:$0x20];
	_ =	sdelay $0x4  }
0x2a: {  	v58 =	vshll.u32 v3, $0x1  }
0x2b: {  	v3 =	vand.u32 $0x7, v3;
	v4 =	vand.u32 $0xFFFFFFF0, v58  }
0x2c: {  	v3 =	vor.u32 v3, v4  }
0x2d: {  	v4 =	vperm.xlane v3, v0;
	_ =	sdelay $0x1  }
0x2e: {  	v3 =	vperm.xlane v3, v2;
	v4 =	vadd.s32 v1, v4;
	_ =	sdelay $0x1  }
0x2f: {  	v3 =	vadd.s32 v1, v3;
	_ =	sdelay $0x2  }
0x30: {  	[tilespmem:s13], [sflag:$0x1] =	stream.indirect_vreg.gather [hbm4b:s3+s2], $0x80, v4, vm0, $0xb8;
	[tilespmem:$0x10F00] =	vst v63  }
0x31: {  	_ = 	snop  }
0x32: {  	[tilespmem:s14], [sflag:$0x1] =	stream.indirect_vreg.gather [hbm4b:s3+s2], $0x80, v3, vm0, $0xb8;
	[tilespmem:$0x10F00] =	vst v63  }
0x33: {  	v3 =	vld [tilespmem:$0x30];
	_ =	sdelay $0x4  }
0x34: {  	v59 =	vshll.u32 v3, $0x1  }
0x35: {  	v3 =	vand.u32 $0x7, v3;
	v4 =	vand.u32 $0xFFFFFFF0, v59  }
0x36: {  	v3 =	vor.u32 v3, v4  }
0x37: {  	v4 =	vperm.xlane v3, v0;
	_ =	sdelay $0x1  }
0x38: {  	v3 =	vperm.xlane v3, v2;
	v4 =	vadd.s32 v1, v4;
	_ =	sdelay $0x1  }
0x39: {  	v3 =	vadd.s32 v1, v3;
	_ =	sdelay $0x2  }
0x3a: {  	[tilespmem:s15], [sflag:$0x1] =	stream.indirect_vreg.gather [hbm4b:s3+s2], $0x80, v4, vm0, $0xb8;
	[tilespmem:$0x10F00] =	vst v63  }
0x3b: {  	_ = 	snop  }
0x3c: {  	[tilespmem:s16], [sflag:$0x1] =	stream.indirect_vreg.gather [hbm4b:s3+s2], $0x80, v3, vm0, $0xb8;
	[tilespmem:$0x10F00] =	vst v63  }
0x3d: {  	v3 =	vld [tilespmem:$0x40];
	_ =	sdelay $0x4  }
0x3e: {  	v60 =	vshll.u32 v3, $0x1  }
0x3f: {  	v3 =	vand.u32 $0x7, v3;
	v4 =	vand.u32 $0xFFFFFFF0, v60  }
0x40: {  	v3 =	vor.u32 v3, v4  }
0x41: {  	v4 =	vperm.xlane v3, v0;
	_ =	sdelay $0x1  }
0x42: {  	v3 =	vperm.xlane v3, v2;
	v4 =	vadd.s32 v1, v4;
	_ =	sdelay $0x1  }
0x43: {  	v3 =	vadd.s32 v1, v3;
	_ =	sdelay $0x2  }
0x44: {  	[tilespmem:s17], [sflag:$0x1] =	stream.indirect_vreg.gather [hbm4b:s3+s2], $0x80, v4, vm0, $0xb8;
	[tilespmem:$0x10F00] =	vst v63  }
0x45: {  	_ = 	snop  }
0x46: {  	[tilespmem:s18], [sflag:$0x1] =	stream.indirect_vreg.gather [hbm4b:s3+s2], $0x80, v3, vm0, $0xb8;
	[tilespmem:$0x10F00] =	vst v63  }
0x47: {  	v3 =	vld [tilespmem:$0x50];
	_ =	sdelay $0x4  }
0x48: {  	v61 =	vshll.u32 v3, $0x1  }
0x49: {  	v3 =	vand.u32 $0x7, v3;
	v4 =	vand.u32 $0xFFFFFFF0, v61  }
0x4a: {  	v3 =	vor.u32 v3, v4  }
0x4b: {  	v4 =	vperm.xlane v3, v0;
	_ =	sdelay $0x1  }
0x4c: {  	v3 =	vperm.xlane v3, v2;
	v4 =	vadd.s32 v1, v4;
	_ =	sdelay $0x1  }
0x4d: {  	v3 =	vadd.s32 v1, v3;
	_ =	sdelay $0x2  }
0x4e: {  	[tilespmem:s19], [sflag:$0x1] =	stream.indirect_vreg.gather [hbm4b:s3+s2], $0x80, v4, vm0, $0xb8;
	[tilespmem:$0x10F00] =	vst v63  }
0x4f: {  	_ = 	snop  }
0x50: {  	[tilespmem:s20], [sflag:$0x1] =	stream.indirect_vreg.gather [hbm4b:s3+s2], $0x80, v3, vm0, $0xb8;
	[tilespmem:$0x10F00] =	vst v63  }
0x51: {  	v3 =	vld [tilespmem:$0x60];
	_ =	sdelay $0x4  }
0x52: {  	v62 =	vshll.u32 v3, $0x1  }
0x53: {  	v3 =	vand.u32 $0x7, v3;
	v4 =	vand.u32 $0xFFFFFFF0, v62  }
0x54: {  	v3 =	vor.u32 v3, v4  }
0x55: {  	v4 =	vperm.xlane v3, v0;
	_ =	sdelay $0x1  }
0x56: {  	v3 =	vperm.xlane v3, v2;
	v4 =	vadd.s32 v1, v4;
	_ =	sdelay $0x1  }
0x57: {  	v3 =	vadd.s32 v1, v3;
	_ =	sdelay $0x2  }
0x58: {  	[tilespmem:s21], [sflag:$0x1] =	stream.indirect_vreg.gather [hbm4b:s3+s2], $0x80, v4, vm0, $0xb8;
	[tilespmem:$0x10F00] =	vst v63  }
0x59: {  	_ = 	snop  }
0x5a: {  	[tilespmem:s22], [sflag:$0x1] =	stream.indirect_vreg.gather [hbm4b:s3+s2], $0x80, v3, vm0, $0xb8;
	[tilespmem:$0x10F00] =	vst v63  }
0x5b: {  	v3 =	vld [tilespmem:$0x70];
	_ =	sdelay $0x4  }
0x5c: {  	v63 =	vshll.u32 v3, $0x1  }
0x5d: {  	v3 =	vand.u32 $0x7, v3;
	v4 =	vand.u32 $0xFFFFFFF0, v63  }
0x5e: {  	v3 =	vor.u32 v3, v4  }
0x5f: {  	v4 =	vperm.xlane v3, v0;
	_ =	sdelay $0x1  }
0x60: {  	v3 =	vperm.xlane v3, v2;
	v4 =	vadd.s32 v1, v4;
	_ =	sdelay $0x1  }
0x61: {  	v3 =	vadd.s32 v1, v3;
	_ =	sdelay $0x2  }
0x62: {  	[tilespmem:s23], [sflag:$0x1] =	stream.indirect_vreg.gather [hbm4b:s3+s2], $0x80, v4, vm0, $0xb8;
	[tilespmem:$0x10F00] =	vst v63  }
0x63: {  	s29 =	simm.s32 $0xF0;
	s30 =	smov.u32 s7;
	s31 =	simm.s32 $0x0  }
0x64: {  	[tilespmem:s24], [sflag:$0x1] =	stream.indirect_vreg.gather [hbm4b:s3+s2], $0x80, v3, vm0, $0xb8;
	[tilespmem:$0x10F00] =	vst v63  }
.LBB2_2:
0x65: {  	_ =	swait.ge [sflag:s25], $0x8000  }
0x66: {  	[sflag:s25] =	ssyncset.done $0x0  }
0x67: {  	[sflag:s25] =	ssyncadd.s32 $0xFFFF8000  }
0x68: {  	v3 =	vld [tilespmem:s29+$0xFFFFFF90];
	_ =	sdelay $0x4  }
0x69: {  	v4 =	vshll.u32 v3, $0x1  }
0x6a: {  	v3 =	vand.u32 $0x7, v3;
	v4 =	vand.u32 $0xFFFFFFF0, v4  }
0x6b: {  	v3 =	vor.u32 v3, v4  }
0x6c: {  	v4 =	vperm.xlane v3, v0;
	_ =	sdelay $0x1  }
0x6d: {  	v3 =	vperm.xlane v3, v2;
	v4 =	vadd.s32 v1, v4;
	_ =	sdelay $0x1  }
0x6e: {  	s1 =	sshll.u32 s31, $0xF;
	v3 =	vadd.s32 v1, v3  }
0x6f: {  	s1 =	sand.u32 $0x8000, s1  }
0x70: {  	s0 =	sxor.u32 $0x8F00, s1  }
0x71: {  	[tilespmem:s0], [sflag:$0x1] =	stream.indirect_vreg.gather [hbm4b:s3+s2], $0x80, v4, vm0, $0xb8;
	[tilespmem:$0x10F00] =	vst v63  }
0x72: {  	s0 =	sxor.u32 $0x9700, s1  }
0x73: {  	[tilespmem:s0], [sflag:$0x1] =	stream.indirect_vreg.gather [hbm4b:s3+s2], $0x80, v3, vm0, $0xb8;
	[tilespmem:$0x10F00] =	vst v63  }
0x74: {  	v3 =	vld [tilespmem:s29+$0xFFFFFFA0];
	_ =	sdelay $0x4  }
0x75: {  	v57 =	vshll.u32 v3, $0x1  }
0x76: {  	v3 =	vand.u32 $0x7, v3;
	v4 =	vand.u32 $0xFFFFFFF0, v57  }
0x77: {  	v3 =	vor.u32 v3, v4  }
0x78: {  	v4 =	vperm.xlane v3, v0;
	_ =	sdelay $0x1  }
0x79: {  	v3 =	vperm.xlane v3, v2;
	v4 =	vadd.s32 v1, v4;
	_ =	sdelay $0x1  }
0x7a: {  	v3 =	vadd.s32 v1, v3;
	_ =	sdelay $0x1  }
0x7b: {  	s0 =	sxor.u32 $0x9F00, s1  }
0x7c: {  	[tilespmem:s0], [sflag:$0x1] =	stream.indirect_vreg.gather [hbm4b:s3+s2], $0x80, v4, vm0, $0xb8;
	[tilespmem:$0x10F00] =	vst v63  }
0x7d: {  	s0 =	sxor.u32 $0xA700, s1  }
0x7e: {  	[tilespmem:s0], [sflag:$0x1] =	stream.indirect_vreg.gather [hbm4b:s3+s2], $0x80, v3, vm0, $0xb8;
	[tilespmem:$0x10F00] =	vst v63  }
0x7f: {  	v3 =	vld [tilespmem:s29+$0xFFFFFFB0];
	_ =	sdelay $0x4  }
0x80: {  	v58 =	vshll.u32 v3, $0x1  }
0x81: {  	v3 =	vand.u32 $0x7, v3;
	v4 =	vand.u32 $0xFFFFFFF0, v58  }
0x82: {  	v3 =	vor.u32 v3, v4  }
0x83: {  	v4 =	vperm.xlane v3, v0;
	_ =	sdelay $0x1  }
0x84: {  	v3 =	vperm.xlane v3, v2;
	v4 =	vadd.s32 v1, v4;
	_ =	sdelay $0x1  }
0x85: {  	v3 =	vadd.s32 v1, v3;
	_ =	sdelay $0x1  }
0x86: {  	s0 =	sxor.u32 $0xAF00, s1  }
0x87: {  	[tilespmem:s0], [sflag:$0x1] =	stream.indirect_vreg.gather [hbm4b:s3+s2], $0x80, v4, vm0, $0xb8;
	[tilespmem:$0x10F00] =	vst v63  }
0x88: {  	s0 =	sxor.u32 $0xB700, s1  }
0x89: {  	[tilespmem:s0], [sflag:$0x1] =	stream.indirect_vreg.gather [hbm4b:s3+s2], $0x80, v3, vm0, $0xb8;
	[tilespmem:$0x10F00] =	vst v63  }
0x8a: {  	v3 =	vld [tilespmem:s29+$0xFFFFFFC0];
	_ =	sdelay $0x4  }
0x8b: {  	v59 =	vshll.u32 v3, $0x1  }
0x8c: {  	v3 =	vand.u32 $0x7, v3;
	v4 =	vand.u32 $0xFFFFFFF0, v59  }
0x8d: {  	v3 =	vor.u32 v3, v4  }
0x8e: {  	v4 =	vperm.xlane v3, v0;
	_ =	sdelay $0x1  }
0x8f: {  	v3 =	vperm.xlane v3, v2;
	v4 =	vadd.s32 v1, v4;
	_ =	sdelay $0x1  }
0x90: {  	v3 =	vadd.s32 v1, v3;
	_ =	sdelay $0x1  }
0x91: {  	s0 =	sxor.u32 $0xBF00, s1  }
0x92: {  	[tilespmem:s0], [sflag:$0x1] =	stream.indirect_vreg.gather [hbm4b:s3+s2], $0x80, v4, vm0, $0xb8;
	[tilespmem:$0x10F00] =	vst v63  }
0x93: {  	s0 =	sxor.u32 $0xC700, s1  }
0x94: {  	[tilespmem:s0], [sflag:$0x1] =	stream.indirect_vreg.gather [hbm4b:s3+s2], $0x80, v3, vm0, $0xb8;
	[tilespmem:$0x10F00] =	vst v63  }
0x95: {  	v3 =	vld [tilespmem:s29+$0xFFFFFFD0];
	_ =	sdelay $0x4  }
0x96: {  	v60 =	vshll.u32 v3, $0x1  }
0x97: {  	v3 =	vand.u32 $0x7, v3;
	v4 =	vand.u32 $0xFFFFFFF0, v60  }
0x98: {  	v3 =	vor.u32 v3, v4  }
0x99: {  	v4 =	vperm.xlane v3, v0;
	_ =	sdelay $0x1  }
0x9a: {  	v3 =	vperm.xlane v3, v2;
	v4 =	vadd.s32 v1, v4;
	_ =	sdelay $0x1  }
0x9b: {  	v3 =	vadd.s32 v1, v3;
	_ =	sdelay $0x1  }
0x9c: {  	s0 =	sxor.u32 $0xCF00, s1  }
0x9d: {  	[tilespmem:s0], [sflag:$0x1] =	stream.indirect_vreg.gather [hbm4b:s3+s2], $0x80, v4, vm0, $0xb8;
	[tilespmem:$0x10F00] =	vst v63  }
0x9e: {  	s0 =	sxor.u32 $0xD700, s1  }
0x9f: {  	[tilespmem:s0], [sflag:$0x1] =	stream.indirect_vreg.gather [hbm4b:s3+s2], $0x80, v3, vm0, $0xb8;
	[tilespmem:$0x10F00] =	vst v63  }
0xa0: {  	v3 =	vld [tilespmem:s29+$0xFFFFFFE0];
	_ =	sdelay $0x4  }
0xa1: {  	v61 =	vshll.u32 v3, $0x1  }
0xa2: {  	v3 =	vand.u32 $0x7, v3;
	v4 =	vand.u32 $0xFFFFFFF0, v61  }
0xa3: {  	v3 =	vor.u32 v3, v4  }
0xa4: {  	v4 =	vperm.xlane v3, v0;
	_ =	sdelay $0x1  }
0xa5: {  	v3 =	vperm.xlane v3, v2;
	v4 =	vadd.s32 v1, v4;
	_ =	sdelay $0x1  }
0xa6: {  	v3 =	vadd.s32 v1, v3;
	_ =	sdelay $0x1  }
0xa7: {  	s0 =	sxor.u32 $0xDF00, s1  }
0xa8: {  	[tilespmem:s0], [sflag:$0x1] =	stream.indirect_vreg.gather [hbm4b:s3+s2], $0x80, v4, vm0, $0xb8;
	[tilespmem:$0x10F00] =	vst v63  }
0xa9: {  	s0 =	sxor.u32 $0xE700, s1  }
0xaa: {  	[tilespmem:s0], [sflag:$0x1] =	stream.indirect_vreg.gather [hbm4b:s3+s2], $0x80, v3, vm0, $0xb8;
	[tilespmem:$0x10F00] =	vst v63  }
0xab: {  	v3 =	vld [tilespmem:s29+$0xFFFFFFF0];
	_ =	sdelay $0x4  }
0xac: {  	v62 =	vshll.u32 v3, $0x1  }
0xad: {  	v3 =	vand.u32 $0x7, v3;
	v4 =	vand.u32 $0xFFFFFFF0, v62  }
0xae: {  	v3 =	vor.u32 v3, v4  }
0xaf: {  	v4 =	vperm.xlane v3, v0;
	_ =	sdelay $0x1  }
0xb0: {  	v3 =	vperm.xlane v3, v2;
	v4 =	vadd.s32 v1, v4;
	_ =	sdelay $0x1  }
0xb1: {  	v3 =	vadd.s32 v1, v3;
	_ =	sdelay $0x1  }
0xb2: {  	s0 =	sxor.u32 $0xEF00, s1  }
0xb3: {  	[tilespmem:s0], [sflag:$0x1] =	stream.indirect_vreg.gather [hbm4b:s3+s2], $0x80, v4, vm0, $0xb8;
	[tilespmem:$0x10F00] =	vst v63  }
0xb4: {  	s0 =	sxor.u32 $0xF700, s1  }
0xb5: {  	[tilespmem:s0], [sflag:$0x1] =	stream.indirect_vreg.gather [hbm4b:s3+s2], $0x80, v3, vm0, $0xb8;
	[tilespmem:$0x10F00] =	vst v63  }
0xb6: {  	v3 =	vld [tilespmem:s29+$0x0];
	_ =	sdelay $0x4  }
0xb7: {  	v63 =	vshll.u32 v3, $0x1  }
0xb8: {  	v3 =	vand.u32 $0x7, v3;
	v4 =	vand.u32 $0xFFFFFFF0, v63  }
0xb9: {  	v3 =	vor.u32 v3, v4  }
0xba: {  	v4 =	vperm.xlane v3, v0;
	_ =	sdelay $0x1  }
0xbb: {  	v3 =	vperm.xlane v3, v2;
	v4 =	vadd.s32 v1, v4;
	_ =	sdelay $0x1  }
0xbc: {  	v3 =	vadd.s32 v1, v3;
	_ =	sdelay $0x1  }
0xbd: {  	s0 =	sxor.u32 $0xFF00, s1  }
0xbe: {  	[tilespmem:s0], [sflag:$0x1] =	stream.indirect_vreg.gather [hbm4b:s3+s2], $0x80, v4, vm0, $0xb8;
	[tilespmem:$0x10F00] =	vst v63  }
0xbf: {  	p0 =	sne.s32 s31, $0x1C;
	s0 =	ssub.s32 $0x10700, s1  }
0xc0: {  	[tilespmem:s0], [sflag:$0x1] =	stream.indirect_vreg.gather [hbm4b:s3+s2], $0x80, v3, vm0, $0xb8;
	[tilespmem:$0x10F00] =	vst v63  }
.Ltmp0:
0xc1: {  	s1 =	sor.u32 $0xF00, s1;
	(pc) =	sbr.rel @p0 .LBB2_2-.Ltmp0, $4  }
0xc2: {  	[hbm4b:s30+s2] =	stream.linear.scatter [tilespmem:s1], [sflag:$0x2], $0x8000, $0x38;
	[tilespmem:$0x10F00] =	vst v63  }
0xc3: {  	_ =	swait.ge [sflag:s8], $0x8000  }
0xc4: {  	s31 =	sadd.s32 $0x1, s31;
	[sflag:s8] =	ssyncset.done $0x0  }
0xc5: {  	s29 =	sadd.s32 $0x80, s29;
	s30 =	sadd.s32 $0x1000, s30;
	[sflag:s8] =	ssyncadd.s32 $0xFFFF8000  }
0xc6: {  	_ =	swait.ge [sflag:s25], $0x8000;
	s28 =	sadd.s32 $0x1, s28  }
0xc7: {  	[sflag:s25] =	ssyncset.done $0x0;
	p0 =	sne.s32 s28, s6  }
.Ltmp1:
0xc8: {  	[sflag:s25] =	ssyncadd.s32 $0xFFFF8000;
	(pc) =	sbr.rel @p0 .LBB2_1-.Ltmp1, $4  }
0xc9: {  	[hbm4b:s5+s2] =	stream.linear.scatter [tilespmem:s26], [sflag:$0x2], $0x8000, $0x38;
	[tilespmem:$0x10F00] =	vst v63  }
0xca: {  	_ =	swait.ge [sflag:s8], $0x8000  }
0xcb: {  	[sflag:s8] =	ssyncset.done $0x0  }
0xcc: {  	[sflag:s8] =	ssyncadd.s32 $0xFFFF8000  }
0xcd: {  	_ =	sfence.sel $0x180000  }
0xce: {  	[bflag:$0x0] =	sbarrier.arrive $0xFFFF  }
0xcf: {  	_ =	strace $0x90000050  }
0xd0: {  	s0 =	stileid.u32;
	[bflag:$0x2] =	sbarrier.arrive $0xFFFF  }
0xd1: {  	p0 =	sne.s32 s0, $0x0;
	s0 =	rddreg [dreg:$0x1]  }
0xd2: {  	s0 =	sadd.s32 @!p0 $0x100000, s0  }
0xd3: {  	[sflag:s0] =	ssyncadd.tile.s32 @!p0 $0x1;
	_ =	shalt  }
.Lfunc_end2:
_tile_overlayer_lowered:
.L_overlay_start_2:
0xd4: {  	(tag) =	ssettag $0x2  }
0xd5: {  	s0 =	rddreg [dreg:$0x0];
	s2 =	stileid.u32  }
0xd6: {  	s1 =	rddreg [dreg:$0x1];
	p0 =	sne.s32 s2, $0x0  }
0xd7: {  	s3 =	rddreg [dreg:$0x2];
	[bflag:$0x3] =	sbarrier.arrive $0xFFFF;
	s2 =	simm.s32 @!p0 $0x1C02  }
0xd8: {  	[timem:s3], [sflag:s2] =	dma.local @!p0 [hbm:s0], s1  }
0xd9: {  	s0 =	simm.s32 @!p0 $0x2  }
0xda: {  	_ =	swait.ge @!p0 [sflag:s0], s1  }
0xdb: {  	s1 =	ssub.s32 @!p0 $0x0, s1;
	[sflag:s0] =	ssyncset.done @!p0 $0x0  }
0xdc: {  	[sflag:s0] =	ssyncadd.s32 @!p0 s1  }
0xdd: {  	[bflag:$0x3] =	sbarrier.arrive $0xFFFF  }
0xde: {  	_ =	shalt  }

// kernel: kernel.29.cloned.1.call-start
scs
__scs_entry_jumppad:
0x0: {  	(pc) =	sbr.rel $0x88, $3  }
0x1: {  	(tag) =	ssettag $0x0;
	lr =	simm.s32 $0x1  }
0x2: {  	[smem:$0x3F5C] =	sst lr;
	_ =	strace $0xD0000000  }
0x3: {  	_ = 	snop  }
0x4: {  	_ = 	snop  }
0x5: {  	_ = 	snop  }
0x6: {  	_ = 	snop  }
0x7: {  	_ = 	snop  }
__scs_overlays_trampoline_lowered:
0x8: {  	[smem:$0x3F6B] =	sst s0  }
0x9: {  	[smem:$0x3F6C] =	sst s1  }
0xa: {  	[smem:$0x3F6D] =	sst s2  }
0xb: {  	[smem:$0x3F6E] =	sst s3  }
0xc: {  	[smem:$0x3F6F] =	sst s4  }
0xd: {  	[smem:$0x3F70] =	sst s5  }
0xe: {  	[smem:$0x3F71] =	sst s6  }
0xf: {  	[smem:$0x3F72] =	sst s7  }
0x10: {  	[smem:$0x3F73] =	sst s8  }
0x11: {  	[smem:$0x3F74] =	sst s9;
	s0 =	simm.s32 @!p0 $0x0  }
0x12: {  	s1 =	sld [smem:$0x3F5A];
	s0 =	simm.s32 @p0 $0x1  }
0x13: {  	[smem:$0x3F75] =	sst s0;
	s0 =	simm.s32 @!p1 $0x0  }
0x14: {  	s2 =	sld [smem:$0x3F59];
	s0 =	simm.s32 @p1 $0x1  }
0x15: {  	[smem:$0x3F76] =	sst s0;
	s0 =	simm.s32 @!p2 $0x0  }
0x16: {  	s3 =	sld [smem:$0x3FDB];
	s0 =	simm.s32 @p2 $0x1  }
0x17: {  	s4 =	simm.s32 $0x1BF5;
	[smem:$0x3F78] =	sst s0  }
0x18: {  	s0 =	sld [smem:$0x3F5B];
	_ =	swait.ge [sflag:s4], $0x0  }
0x19: {  	s7 =	sld [smem:$0x3F5C]  }
0x1a: {  	s8 =	sadd.s32 $0xFFFFE003, lr  }
0x1b: {  	s9 =	sadd.s32 $0xFFFFFEF7, lr;
	s5 =	simm.s32 $0xFFFFFFFF;
	p2 =	slt.u32 s8, $0xFFFFF086  }
0x1c: {  	p1 =	slt.u32 s9, $0xF7A;
	s5 =	simm.s32 @!p2 $0x0  }
0x1d: {  	s5 =	simm.s32 @p1 $0x1;
	p0 =	seq.s32 s7, s2  }
0x1e: {  	s7 =	smul.u32 @!p0 $0xF7A, s2;
	p2 =	seq.s32 @!p0 s5, $0x0  }
0x1f: {  	s9 =	smul.u32 $0xF7A, s1;
	s8 =	simm.s32 @!p0 $0x1BF5;
	p2 =	por !p2, p0  }
0x20: {  	[sflag:s8] =	ssyncset.s32 @!p0 $0xFFFFF086;
	s6 =	sadd.s32 @!p0 s3, s7;
	s7 =	simm.s32 @!p0 $0x108  }
0x21: {  	s3 =	sadd.s32 s3, s9;
	s6 =	sadd.s32 @!p0 $0x88, s6;
	s7 =	simm.s32 @p2 $0x1082  }
0x22: {  	[simem:s7], [sflag:s8] =	dma.local @!p0 [hbm:s6], $0xF7A  }
0x23: {  	s9 =	sor.u32 $0xD0000000, s2;
	s6 =	simm.s32 $0x108;
	_ =	swait.ge @!p0 [sflag:s8], $0x0  }
0x24: {  	s3 =	sadd.s32 $0x88, s3;
	s6 =	simm.s32 @!p1 $0x1082;
	[sflag:s4] =	ssyncset.s32 $0xFFFFF086  }
0x25: {  	[simem:s6], [sflag:s4] =	dma.local [hbm:s3], $0xF7A  }
0x26: {  	[smem:$0x3F5C] =	sst s1;
	(tag) =	ssettag s2;
	_ =	strace s9  }
0x27: {  	s1 =	sld [smem:$0x3F6C]  }
0x28: {  	s2 =	sld [smem:$0x3F6D]  }
0x29: {  	s4 =	sld [smem:$0x3F6F]  }
0x2a: {  	p0 =	seq.s32 s5, $0x0;
	s5 =	sld [smem:$0x3F70]  }
0x2b: {  	s6 =	sld [smem:$0x3F71]  }
0x2c: {  	s7 =	sld [smem:$0x3F72]  }
0x2d: {  	s3 =	simm.s32 $0x108;
	s8 =	sld [smem:$0x3F73]  }
0x2e: {  	s3 =	simm.s32 @!p0 $0x1082;
	s9 =	sld [smem:$0x3F74]  }
0x2f: {  	lr =	sadd.s32 s0, s3;
	s0 =	sld [smem:$0x3F6B]  }
0x30: {  	s3 =	sld [smem:$0x3F6E]  }
0x31: {  	[smem:$0x3F77] =	sst s10  }
0x32: {  	s10 =	sld [smem:$0x3F75];
	_ =	sdelay $0x3  }
0x33: {  	p0 =	seq.s32 s10, $0x1;
	s10 =	sld [smem:$0x3F77];
	_ =	sdelay $0x3  }
0x34: {  	[smem:$0x3F77] =	sst s10  }
0x35: {  	s10 =	sld [smem:$0x3F76];
	_ =	sdelay $0x3  }
0x36: {  	p1 =	seq.s32 s10, $0x1;
	s10 =	sld [smem:$0x3F77];
	_ =	sdelay $0x3  }
0x37: {  	[smem:$0x3F77] =	sst s10  }
0x38: {  	s10 =	sld [smem:$0x3F78]  }
0x39: {  	_ = 	snop;
	(pc) =	sbr.ind lr, $3  }
0x3a: {  	_ = 	snop  }
0x3b: {  	_ = 	snop  }
0x3c: {  	p2 =	seq.s32 s10, $0x1;
	s10 =	sld [smem:$0x3F77]  }
0x3d: {  	_ =	shalt  }
0x3e: {  	_ =	shalt  }
0x3f: {  	_ =	shalt  }
0x40: {  	_ =	shalt  }
0x41: {  	_ =	shalt  }
0x42: {  	_ =	shalt  }
0x43: {  	_ =	shalt  }
0x44: {  	_ =	shalt  }
0x45: {  	_ =	shalt  }
0x46: {  	_ =	shalt  }
0x47: {  	_ =	shalt  }
0x48: {  	_ =	shalt  }
0x49: {  	_ =	shalt  }
0x4a: {  	_ =	shalt  }
0x4b: {  	_ =	shalt  }
0x4c: {  	_ =	shalt  }
0x4d: {  	_ =	shalt  }
0x4e: {  	_ =	shalt  }
0x4f: {  	_ =	shalt  }
0x50: {  	_ =	shalt  }
0x51: {  	_ =	shalt  }
0x52: {  	_ =	shalt  }
0x53: {  	_ =	shalt  }
0x54: {  	_ =	shalt  }
0x55: {  	_ =	shalt  }
0x56: {  	_ =	shalt  }
0x57: {  	_ =	shalt  }
0x58: {  	_ =	shalt  }
0x59: {  	_ =	shalt  }
0x5a: {  	_ =	shalt  }
0x5b: {  	_ =	shalt  }
0x5c: {  	_ =	shalt  }
0x5d: {  	_ =	shalt  }
0x5e: {  	_ =	shalt  }
0x5f: {  	_ =	shalt  }
0x60: {  	_ =	shalt  }
0x61: {  	_ =	shalt  }
0x62: {  	_ =	shalt  }
0x63: {  	_ =	shalt  }
0x64: {  	_ =	shalt  }
0x65: {  	_ =	shalt  }
0x66: {  	_ =	shalt  }
0x67: {  	_ =	shalt  }
0x68: {  	_ =	shalt  }
0x69: {  	_ =	shalt  }
0x6a: {  	_ =	shalt  }
0x6b: {  	_ =	shalt  }
0x6c: {  	_ =	shalt  }
0x6d: {  	_ =	shalt  }
0x6e: {  	_ =	shalt  }
0x6f: {  	_ =	shalt  }
0x70: {  	_ =	shalt  }
0x71: {  	_ =	shalt  }
0x72: {  	_ =	shalt  }
0x73: {  	_ =	shalt  }
0x74: {  	_ =	shalt  }
0x75: {  	_ =	shalt  }
0x76: {  	_ =	shalt  }
0x77: {  	_ =	shalt  }
0x78: {  	_ =	shalt  }
0x79: {  	_ =	shalt  }
0x7a: {  	_ =	shalt  }
0x7b: {  	_ =	shalt  }
0x7c: {  	_ =	shalt  }
0x7d: {  	_ =	shalt  }
0x7e: {  	_ =	shalt  }
0x7f: {  	_ =	shalt  }
0x80: {  	_ =	shalt  }
0x81: {  	_ =	shalt  }
0x82: {  	_ =	shalt  }
0x83: {  	_ =	shalt  }
0x84: {  	_ =	shalt  }
0x85: {  	_ =	shalt  }
0x86: {  	_ =	shalt  }
0x87: {  	_ =	shalt  }
.Lfunc_end0:
.L_simem_size_0:
called_computation.4_lowered:
.L_overlay_start_0:
0x88: {  	s2 =	sld [smem:$0x3FD9]  }
0x89: {  	s3 =	sld [smem:$0x3FFE];
	_ =	sdelay $0x1  }
0x8a: {  	s1 =	srdreg.scid  }
0x8b: {  	s0 =	sand.u32 $0x1, s1  }
0x8c: {  	s17 =	sshll.u32 s0, $0xA;
	s2 =	sadd.s32 s3, s2  }
0x8d: {  	s2 =	sadd.s32 s2, s17  }
0x8e: {  	[smem:$0x3F83] =	sst s2  }
0x8f: {  	_ = 	snop  }
0x90: {  	(tm) =	ssettm $0x1  }
0x91: {  	s18 =	sld [smem:$0x3FFB];
	_ =	sdelay $0x3  }
0x92: {  	_ =	strace s18  }
0x93: {  	s2 =	sld [smem:$0x3FFC];
	_ =	sdelay $0x3  }
0x94: {  	_ =	strace s2  }
0x95: {  	s2 =	sld [smem:$0x3FFD];
	_ =	sdelay $0x3  }
0x96: {  	_ =	strace s2  }
0x97: {  	_ =	strace $0x8FFFFFFF  }
0x98: {  	s19 =	sld [smem:$0x3FDB];
	_ =	sdelay $0x1  }
0x99: {  	s20 =	simm.s32 $_scs_section_size  }
0x9a: {  	s4 =	simm.s32 $_size__tile_overlayer_lowered;
	s5 =	simm.s32 $_tile_overlayer_lowered  }
0x9b: {  	s6 =	simm.s32 $0x1BFF;
	s21 =	sshll.u32 s5, $0x1;
	s3 =	sadd.s32 s20, s19  }
0x9c: {  	s22 =	simm.s32 $0x0;
	s4 =	sshll.u32 s4, $0x1;
	s5 =	sadd.s32 s21, s3  }
0x9d: {  	[timem:s22], [sflag:s6] =	dma.local [hbm:s5], s4  }
0x9e: {  	_ =	swait.ge [sflag:s6], s4  }
0x9f: {  	s4 =	ssub.s32 $0x0, s4;
	[sflag:s6] =	ssyncset.done $0x0  }
0xa0: {  	[sflag:s6] =	ssyncadd.s32 s4;
	_ =	sdelay $0x1  }
0xa1: {  	s23 =	simm.s32 $0x1B8B  }
0xa2: {  	_ =	swait.ge [sflag:s23], $0x1  }
0xa3: {  	[sflag:s23] =	ssyncset.done $0x0  }
0xa4: {  	[sflag:s23] =	ssyncadd.s32 $0xFFFFFFFF  }
0xa5: {  	s4 =	sld [smem:$0x0]  }
0xa6: {  	s5 =	sand.u32 $0xFFFFFFFE, s1  }
0xa7: {  	p0 =	sne.s32 s1, s5  }
0xa8: {  	s5 =	sshll.u32 @p0 s5, $0xE  }
0xa9: {  	s5 =	sadd.s32 @p0 $0x11B8D, s5;
	s6 =	sshll.u32 @p0 s4, $0x11  }
0xaa: {  	s5 =	sor.u32 @p0 s6, s5  }
0xab: {  	[sflag:s5] =	ssyncadd.remote.s32 @p0 $0x1;
	_ =	sdelay $0x1  }
0xac: {  	s5 =	simm.s32 @p0 $0x1B8D  }
0xad: {  	_ =	swait.eq @p0 [sflag:s5], $0x1  }
0xae: {  	[sflag:s5] =	ssyncadd.s32 @p0 $0xFFFFFFFF  }
0xaf: {  	s6 =	sshll.u32 @!p0 s1, $0xE  }
0xb0: {  	s6 =	sor.u32 @!p0 $0x4000, s6;
	s5 =	simm.s32 @!p0 $0x1B8D  }
0xb1: {  	s4 =	sshll.u32 @!p0 s4, $0x11;
	s6 =	sadd.s32 @!p0 $0x11B8D, s6;
	_ =	swait.eq @!p0 [sflag:s5], $0x1  }
0xb2: {  	s4 =	sor.u32 @!p0 s4, s6;
	[sflag:s5] =	ssyncadd.s32 @!p0 $0xFFFFFFFF  }
0xb3: {  	s25 =	simm.s32 $0x1B8E;
	s24 =	sld [smem:$0x3FFE];
	[sflag:s4] =	ssyncadd.remote.s32 @!p0 $0x1  }
0xb4: {  	s26 =	simm.s32 $execute0_lowered;
	[smem:$0x3FD2] =	sst s25  }
0xb5: {  	s5 =	sshll.u32 s26, $0x1;
	_ =	strace $0x80000052;
	[dreg:$0x1] =	wrdreg $0xFFFFFFFF  }
0xb6: {  	s28 =	simm.s32 $_size_execute0_lowered;
	s3 =	sadd.s32 s3, s5;
	[dreg:$0x0] =	wrdreg $0x0  }
0xb7: {  	s5 =	sshll.u32 s28, $0x1;
	[dreg:$0x2] =	wrdreg s3  }
0xb8: {  	[dreg:$0x3] =	wrdreg s5  }
0xb9: {  	[dreg:$0x4] =	wrdreg $0xC0  }
0xba: {  	_ =	task [dreg:s22], $0x5FFFF  }
0xbb: {  	[dreg:$0x1] =	wrdreg $0xFFFFFFFF  }
0xbc: {  	[dreg:$0x0] =	wrdreg $0x60  }
0xbd: {  	[dreg:$0x2] =	wrdreg s24  }
0xbe: {  	[dreg:$0x3] =	wrdreg $0xA  }
0xbf: {  	_ =	task.clear_ibuf [dreg:s22], $0x4FFFF;
	_ =	strace $0x90000052  }
0xc0: {  	s29 =	simm.s32 $0xA;
	_ =	strace $0x80000054  }
0xc1: {  	_ =	swait.ge [sflag:s29], $0x1  }
0xc2: {  	[sflag:s29] =	ssyncadd.s32 $0xFFFFFFFF  }
0xc3: {  	_ =	strace $0x90000054  }
0xc4: {  	_ =	sfence  }
0xc5: {  	s30 =	sld [smem:$0x0];
	_ =	sdelay $0x2  }
0xc6: {  	s31 =	sshll.u32 s1, $0xD;
	s1 =	sshrl.u32 s1, $0x2  }
0xc7: {  	s4 =	sand.u32 $0x4000, s31;
	s1 =	sadd.s32 s1, s30  }
0xc8: {  	s0 =	sor.u32 s4, s0;
	s1 =	sshll.u32 s1, $0x11  }
0xc9: {  	s0 =	sor.u32 s1, s0  }
0xca: {  	s0 =	sadd.s32 $0x8F2B, s0  }
0xcb: {  	[sflag:s0] =	ssyncadd.remote.s32 $0x1  }
0xcc: {  	_ =	sfence.sel $0xFFFF  }
0xcd: {  	[dreg:$0x0] =	wrdreg $0xFFFFFFFF;
	(pc) =	sbr.abs _section_cstart, $3  }
0xce: {  	[dreg:$0x1] =	wrdreg $0xFFFFFFFF  }
0xcf: {  	_ =	task.clear_ibuf [dreg:s22], $0x2FFFF;
	_ =	strace $0x9FFFFFFF  }
0xd0: {  	(tm) =	ssettm $0x7FFFFFFF  }
0xd1: {  	_ =	shalt  }
tec
execute0_lowered:
.L_overlay_start_1:
0x0: {  	(tag) =	ssettag $0x1  }
0x1: {  	s1 =	srdreg.scid  }
0x2: {  	s0 =	stileid.u32;
	s5 =	rddreg [dreg:$0x0];
	s2 =	simm.s32 $0x0  }
0x3: {  	s11 =	simm.s32 $0x80;
	s12 =	simm.s32 $0x4F00;
	s13 =	simm.s32 $0x0  }
0x4: {  	s4 =	sand.u32 $0x1, s1;
	s28 =	sshll.u32 s0, $0x1;
	s1 =	rddreg [dreg:$0x1]  }
0x5: {  	[smem:$0x7FF] =	sst s2;
	s8 =	smul.u32 $0xF0000, s0;
	s10 =	sadd.s32 $0x9000, s5  }
0x6: {  	s3 =	sor.u32 s4, s28;
	s9 =	ssub.s32 $0x2, s4;
	s4 =	smul.u32 $0x78000, s4  }
0x7: {  	_ =	strace $0x80000053;
	s6 =	smul.u32 $0x1E0, s3;
	s29 =	sshrl.u32 s9, $0x1  }
0x8: {  	s7 =	smul.u32 $0x78000, s3;
	s3 =	sadd.s32 $0x23CC00, s5;
	s9 =	ssub.s32 s9, s29  }
0x9: {  	s31 =	sadd.s32 s4, s8;
	s8 =	simm.s32 $0x2;
	s6 =	sadd.s32 s6, s5  }
0xa: {  	s30 =	sshrl.u32 s7, $0x3;
	s7 =	sshrl.u32 s31, $0x3;
	s4 =	sadd.s32 $0x239000, s6  }
0xb: {  	s5 =	sadd.s32 s10, s30;
	s6 =	smax.u32 s9, $0x1;
	s7 =	sadd.s32 s7, s10  }
0xc: {  	s9 =	simm.s32 $0xF00;
	s10 =	simm.s32 $0x1;
	s5 =	sadd.s32 $0xE800, s5  }
.LBB2_1:
0xd: {  	[tilespmem:s2], [sflag:$0x2] =	stream.linear.gather [hbm4b:s4+s2], $0xF00, $0x38;
	[tilespmem:$0x8F00] =	vst v63  }
0xe: {  	_ =	swait.ge [sflag:s8], $0xF00  }
0xf: {  	[sflag:s8] =	ssyncset.done $0x0  }
0x10: {  	[sflag:s8] =	ssyncadd.s32 $0xFFFFF100  }
0x11: {  	[tilespmem:s9], [sflag:$0x1] =	stream.indirect.gather [hbm4b:s3+s11], $0x80, s2, s11, $0xb8;
	[tilespmem:$0x8F00] =	vst v63  }
0x12: {  	s14 =	simm.s32 $0x0;
	_ =	swait.ge [sflag:s10], $0x4000  }
0x13: {  	s14 =	sand.u32 $0x4000, s14;
	[sflag:s10] =	ssyncset.done $0x0  }
0x14: {  	s15 =	sxor.u32 $0x4F00, s14;
	[sflag:s10] =	ssyncadd.s32 $0xFFFFC000  }
0x15: {  	[tilespmem:s15], [sflag:$0x1] =	stream.indirect.gather [hbm4b:s3+s11], $0x80, s11, s11, $0xb8;
	[tilespmem:$0x8F00] =	vst v63  }
0x16: {  	s14 =	sor.u32 $0xF00, s14  }
0x17: {  	[hbm4b:s7+s2] =	stream.linear.scatter [tilespmem:s14], [sflag:$0x2], $0x4000, $0x38;
	[tilespmem:$0x8F00] =	vst v63  }
0x18: {  	s16 =	simm.s32 $0x80;
	_ =	swait.ge [sflag:s8], $0x4000  }
0x19: {  	s15 =	smov.u32 s7;
	s14 =	simm.s32 $0x1;
	[sflag:s8] =	ssyncset.done $0x0  }
.LBB2_2:
0x1a: {  	[sflag:s8] =	ssyncadd.s32 $0xFFFFC000  }
0x1b: {  	s15 =	sadd.s32 $0x800, s15;
	s16 =	sadd.s32 $0x80, s16;
	s17 =	smov.u32 s14  }
0x1c: {  	p0 =	sne.s32 s14, $0x1C;
	s14 =	sadd.s32 $0x1, s14;
	_ =	swait.ge [sflag:s10], $0x4000  }
0x1d: {  	s17 =	sshll.u32 s17, $0xE;
	[sflag:s10] =	ssyncset.done $0x0  }
0x1e: {  	s17 =	sand.u32 $0x4000, s17;
	[sflag:s10] =	ssyncadd.s32 $0xFFFFC000  }
0x1f: {  	s18 =	sxor.u32 $0x4F00, s17  }
0x20: {  	[tilespmem:s18], [sflag:$0x1] =	stream.indirect.gather [hbm4b:s3+s11], $0x80, s16, s11, $0xb8;
	[tilespmem:$0x8F00] =	vst v63  }
.Ltmp0:
0x21: {  	_ = 	snop;
	(pc) =	sbr.rel @p0 .LBB2_2-.Ltmp0, $4  }
0x22: {  	s17 =	sor.u32 $0xF00, s17  }
0x23: {  	[hbm4b:s15+s2] =	stream.linear.scatter [tilespmem:s17], [sflag:$0x2], $0x4000, $0x38;
	[tilespmem:$0x8F00] =	vst v63  }
0x24: {  	_ =	swait.ge [sflag:s8], $0x4000  }
0x25: {  	[sflag:s8] =	ssyncset.done $0x0  }
0x26: {  	[sflag:s8] =	ssyncadd.s32 $0xFFFFC000  }
0x27: {  	s13 =	sadd.s32 $0x1, s13;
	_ =	swait.ge [sflag:s10], $0x4000  }
0x28: {  	p0 =	sne.s32 s13, s6;
	[sflag:s10] =	ssyncset.done $0x0  }
.Ltmp1:
0x29: {  	[sflag:s10] =	ssyncadd.s32 $0xFFFFC000;
	(pc) =	sbr.rel @p0 .LBB2_1-.Ltmp1, $4  }
0x2a: {  	[hbm4b:s5+s2] =	stream.linear.scatter [tilespmem:s12], [sflag:$0x2], $0x4000, $0x38;
	[tilespmem:$0x8F00] =	vst v63  }
0x2b: {  	_ =	swait.ge [sflag:s8], $0x4000  }
0x2c: {  	[sflag:s8] =	ssyncset.done $0x0  }
0x2d: {  	[sflag:s8] =	ssyncadd.s32 $0xFFFFC000  }
0x2e: {  	_ =	sfence.sel $0x180000  }
0x2f: {  	[bflag:$0x0] =	sbarrier.arrive $0xFFFF  }
0x30: {  	p0 =	sne.s32 s0, $0x0;
	_ =	strace $0x90000053  }
0x31: {  	s0 =	sadd.s32 @!p0 $0x100000, s1;
	[bflag:$0x2] =	sbarrier.arrive $0xFFFF  }
0x32: {  	[sflag:s0] =	ssyncadd.tile.s32 @!p0 $0x1;
	_ =	shalt  }
.Lfunc_end2:
_tile_overlayer_lowered:
.L_overlay_start_2:
0x33: {  	(tag) =	ssettag $0x2  }
0x34: {  	s0 =	rddreg [dreg:$0x0];
	s2 =	stileid.u32  }
0x35: {  	s1 =	rddreg [dreg:$0x1];
	p0 =	sne.s32 s2, $0x0  }
0x36: {  	s3 =	rddreg [dreg:$0x2];
	[bflag:$0x3] =	sbarrier.arrive $0xFFFF;
	s2 =	simm.s32 @!p0 $0x1C02  }
0x37: {  	[timem:s3], [sflag:s2] =	dma.local @!p0 [hbm:s0], s1  }
0x38: {  	s0 =	simm.s32 @!p0 $0x2  }
0x39: {  	_ =	swait.ge @!p0 [sflag:s0], s1  }
0x3a: {  	s1 =	ssub.s32 @!p0 $0x0, s1;
	[sflag:s0] =	ssyncset.done @!p0 $0x0  }
0x3b: {  	[sflag:s0] =	ssyncadd.s32 @!p0 s1  }
0x3c: {  	[bflag:$0x3] =	sbarrier.arrive $0xFFFF  }
0x3d: {  	_ =	shalt  }

// kernel: kernel.32.cloned.1.call-start
scs
__scs_entry_jumppad:
0x0: {  	(pc) =	sbr.rel $0x88, $3  }
0x1: {  	(tag) =	ssettag $0x0;
	lr =	simm.s32 $0x1  }
0x2: {  	[smem:$0x3F5C] =	sst lr;
	_ =	strace $0xD0000000  }
0x3: {  	_ = 	snop  }
0x4: {  	_ = 	snop  }
0x5: {  	_ = 	snop  }
0x6: {  	_ = 	snop  }
0x7: {  	_ = 	snop  }
__scs_overlays_trampoline_lowered:
0x8: {  	[smem:$0x3F6B] =	sst s0  }
0x9: {  	[smem:$0x3F6C] =	sst s1  }
0xa: {  	[smem:$0x3F6D] =	sst s2  }
0xb: {  	[smem:$0x3F6E] =	sst s3  }
0xc: {  	[smem:$0x3F6F] =	sst s4  }
0xd: {  	[smem:$0x3F70] =	sst s5  }
0xe: {  	[smem:$0x3F71] =	sst s6  }
0xf: {  	[smem:$0x3F72] =	sst s7  }
0x10: {  	[smem:$0x3F73] =	sst s8  }
0x11: {  	[smem:$0x3F74] =	sst s9;
	s0 =	simm.s32 @!p0 $0x0  }
0x12: {  	s1 =	sld [smem:$0x3F5A];
	s0 =	simm.s32 @p0 $0x1  }
0x13: {  	[smem:$0x3F75] =	sst s0;
	s0 =	simm.s32 @!p1 $0x0  }
0x14: {  	s2 =	sld [smem:$0x3F59];
	s0 =	simm.s32 @p1 $0x1  }
0x15: {  	[smem:$0x3F76] =	sst s0;
	s0 =	simm.s32 @!p2 $0x0  }
0x16: {  	s3 =	sld [smem:$0x3FDB];
	s0 =	simm.s32 @p2 $0x1  }
0x17: {  	s4 =	simm.s32 $0x1BF5;
	[smem:$0x3F78] =	sst s0  }
0x18: {  	s0 =	sld [smem:$0x3F5B];
	_ =	swait.ge [sflag:s4], $0x0  }
0x19: {  	s7 =	sld [smem:$0x3F5C]  }
0x1a: {  	s8 =	sadd.s32 $0xFFFFE003, lr  }
0x1b: {  	s9 =	sadd.s32 $0xFFFFFEF7, lr;
	s5 =	simm.s32 $0xFFFFFFFF;
	p2 =	slt.u32 s8, $0xFFFFF086  }
0x1c: {  	p1 =	slt.u32 s9, $0xF7A;
	s5 =	simm.s32 @!p2 $0x0  }
0x1d: {  	s5 =	simm.s32 @p1 $0x1;
	p0 =	seq.s32 s7, s2  }
0x1e: {  	s7 =	smul.u32 @!p0 $0xF7A, s2;
	p2 =	seq.s32 @!p0 s5, $0x0  }
0x1f: {  	s9 =	smul.u32 $0xF7A, s1;
	s8 =	simm.s32 @!p0 $0x1BF5;
	p2 =	por !p2, p0  }
0x20: {  	[sflag:s8] =	ssyncset.s32 @!p0 $0xFFFFF086;
	s6 =	sadd.s32 @!p0 s3, s7;
	s7 =	simm.s32 @!p0 $0x108  }
0x21: {  	s3 =	sadd.s32 s3, s9;
	s6 =	sadd.s32 @!p0 $0x88, s6;
	s7 =	simm.s32 @p2 $0x1082  }
0x22: {  	[simem:s7], [sflag:s8] =	dma.local @!p0 [hbm:s6], $0xF7A  }
0x23: {  	s9 =	sor.u32 $0xD0000000, s2;
	s6 =	simm.s32 $0x108;
	_ =	swait.ge @!p0 [sflag:s8], $0x0  }
0x24: {  	s3 =	sadd.s32 $0x88, s3;
	s6 =	simm.s32 @!p1 $0x1082;
	[sflag:s4] =	ssyncset.s32 $0xFFFFF086  }
0x25: {  	[simem:s6], [sflag:s4] =	dma.local [hbm:s3], $0xF7A  }
0x26: {  	[smem:$0x3F5C] =	sst s1;
	(tag) =	ssettag s2;
	_ =	strace s9  }
0x27: {  	s1 =	sld [smem:$0x3F6C]  }
0x28: {  	s2 =	sld [smem:$0x3F6D]  }
0x29: {  	s4 =	sld [smem:$0x3F6F]  }
0x2a: {  	p0 =	seq.s32 s5, $0x0;
	s5 =	sld [smem:$0x3F70]  }
0x2b: {  	s6 =	sld [smem:$0x3F71]  }
0x2c: {  	s7 =	sld [smem:$0x3F72]  }
0x2d: {  	s3 =	simm.s32 $0x108;
	s8 =	sld [smem:$0x3F73]  }
0x2e: {  	s3 =	simm.s32 @!p0 $0x1082;
	s9 =	sld [smem:$0x3F74]  }
0x2f: {  	lr =	sadd.s32 s0, s3;
	s0 =	sld [smem:$0x3F6B]  }
0x30: {  	s3 =	sld [smem:$0x3F6E]  }
0x31: {  	[smem:$0x3F77] =	sst s10  }
0x32: {  	s10 =	sld [smem:$0x3F75];
	_ =	sdelay $0x3  }
0x33: {  	p0 =	seq.s32 s10, $0x1;
	s10 =	sld [smem:$0x3F77];
	_ =	sdelay $0x3  }
0x34: {  	[smem:$0x3F77] =	sst s10  }
0x35: {  	s10 =	sld [smem:$0x3F76];
	_ =	sdelay $0x3  }
0x36: {  	p1 =	seq.s32 s10, $0x1;
	s10 =	sld [smem:$0x3F77];
	_ =	sdelay $0x3  }
0x37: {  	[smem:$0x3F77] =	sst s10  }
0x38: {  	s10 =	sld [smem:$0x3F78]  }
0x39: {  	_ = 	snop;
	(pc) =	sbr.ind lr, $3  }
0x3a: {  	_ = 	snop  }
0x3b: {  	_ = 	snop  }
0x3c: {  	p2 =	seq.s32 s10, $0x1;
	s10 =	sld [smem:$0x3F77]  }
0x3d: {  	_ =	shalt  }
0x3e: {  	_ =	shalt  }
0x3f: {  	_ =	shalt  }
0x40: {  	_ =	shalt  }
0x41: {  	_ =	shalt  }
0x42: {  	_ =	shalt  }
0x43: {  	_ =	shalt  }
0x44: {  	_ =	shalt  }
0x45: {  	_ =	shalt  }
0x46: {  	_ =	shalt  }
0x47: {  	_ =	shalt  }
0x48: {  	_ =	shalt  }
0x49: {  	_ =	shalt  }
0x4a: {  	_ =	shalt  }
0x4b: {  	_ =	shalt  }
0x4c: {  	_ =	shalt  }
0x4d: {  	_ =	shalt  }
0x4e: {  	_ =	shalt  }
0x4f: {  	_ =	shalt  }
0x50: {  	_ =	shalt  }
0x51: {  	_ =	shalt  }
0x52: {  	_ =	shalt  }
0x53: {  	_ =	shalt  }
0x54: {  	_ =	shalt  }
0x55: {  	_ =	shalt  }
0x56: {  	_ =	shalt  }
0x57: {  	_ =	shalt  }
0x58: {  	_ =	shalt  }
0x59: {  	_ =	shalt  }
0x5a: {  	_ =	shalt  }
0x5b: {  	_ =	shalt  }
0x5c: {  	_ =	shalt  }
0x5d: {  	_ =	shalt  }
0x5e: {  	_ =	shalt  }
0x5f: {  	_ =	shalt  }
0x60: {  	_ =	shalt  }
0x61: {  	_ =	shalt  }
0x62: {  	_ =	shalt  }
0x63: {  	_ =	shalt  }
0x64: {  	_ =	shalt  }
0x65: {  	_ =	shalt  }
0x66: {  	_ =	shalt  }
0x67: {  	_ =	shalt  }
0x68: {  	_ =	shalt  }
0x69: {  	_ =	shalt  }
0x6a: {  	_ =	shalt  }
0x6b: {  	_ =	shalt  }
0x6c: {  	_ =	shalt  }
0x6d: {  	_ =	shalt  }
0x6e: {  	_ =	shalt  }
0x6f: {  	_ =	shalt  }
0x70: {  	_ =	shalt  }
0x71: {  	_ =	shalt  }
0x72: {  	_ =	shalt  }
0x73: {  	_ =	shalt  }
0x74: {  	_ =	shalt  }
0x75: {  	_ =	shalt  }
0x76: {  	_ =	shalt  }
0x77: {  	_ =	shalt  }
0x78: {  	_ =	shalt  }
0x79: {  	_ =	shalt  }
0x7a: {  	_ =	shalt  }
0x7b: {  	_ =	shalt  }
0x7c: {  	_ =	shalt  }
0x7d: {  	_ =	shalt  }
0x7e: {  	_ =	shalt  }
0x7f: {  	_ =	shalt  }
0x80: {  	_ =	shalt  }
0x81: {  	_ =	shalt  }
0x82: {  	_ =	shalt  }
0x83: {  	_ =	shalt  }
0x84: {  	_ =	shalt  }
0x85: {  	_ =	shalt  }
0x86: {  	_ =	shalt  }
0x87: {  	_ =	shalt  }
.Lfunc_end0:
.L_simem_size_0:
called_computation.5_lowered:
.L_overlay_start_0:
0x88: {  	s2 =	sld [smem:$0x3FD9]  }
0x89: {  	s3 =	sld [smem:$0x3FFE];
	_ =	sdelay $0x1  }
0x8a: {  	s1 =	srdreg.scid  }
0x8b: {  	s0 =	sand.u32 $0x1, s1  }
0x8c: {  	s16 =	sshll.u32 s0, $0xA;
	s2 =	sadd.s32 s3, s2  }
0x8d: {  	s2 =	sadd.s32 s2, s16  }
0x8e: {  	[smem:$0x3F83] =	sst s2  }
0x8f: {  	_ = 	snop  }
0x90: {  	(tm) =	ssettm $0x1  }
0x91: {  	s17 =	sld [smem:$0x3FFB];
	_ =	sdelay $0x3  }
0x92: {  	_ =	strace s17  }
0x93: {  	s2 =	sld [smem:$0x3FFC];
	_ =	sdelay $0x3  }
0x94: {  	_ =	strace s2  }
0x95: {  	s2 =	sld [smem:$0x3FFD];
	_ =	sdelay $0x3  }
0x96: {  	_ =	strace s2  }
0x97: {  	_ =	strace $0x8FFFFFFF  }
0x98: {  	s18 =	sld [smem:$0x3FDB];
	_ =	sdelay $0x1  }
0x99: {  	s19 =	simm.s32 $_scs_section_size  }
0x9a: {  	s4 =	simm.s32 $_size__tile_overlayer_lowered;
	s5 =	simm.s32 $_tile_overlayer_lowered  }
0x9b: {  	s22 =	simm.s32 $0x1BFF;
	s21 =	sshll.u32 s5, $0x1;
	s2 =	sadd.s32 s19, s18  }
0x9c: {  	s6 =	simm.s32 $0x0;
	s20 =	sshll.u32 s4, $0x1;
	s4 =	sadd.s32 s21, s2  }
0x9d: {  	[timem:s6], [sflag:s22] =	dma.local [hbm:s4], s20  }
0x9e: {  	_ =	swait.ge [sflag:s22], s20  }
0x9f: {  	s3 =	ssub.s32 $0x0, s20;
	[sflag:s22] =	ssyncset.done $0x0  }
0xa0: {  	[sflag:s22] =	ssyncadd.s32 s3;
	_ =	sdelay $0x1  }
0xa1: {  	s23 =	simm.s32 $0x1B8B  }
0xa2: {  	_ =	swait.ge [sflag:s23], $0x1  }
0xa3: {  	[sflag:s23] =	ssyncset.done $0x0  }
0xa4: {  	s25 =	simm.s32 $0x1B8E;
	s24 =	sld [smem:$0x3FFE];
	[sflag:s23] =	ssyncadd.s32 $0xFFFFFFFF  }
0xa5: {  	s26 =	simm.s32 $execute0_lowered;
	[smem:$0x3FD2] =	sst s25  }
0xa6: {  	s4 =	sshll.u32 s26, $0x1;
	_ =	strace $0x80000055;
	[dreg:$0x1] =	wrdreg $0xFFFFFFFF  }
0xa7: {  	s28 =	simm.s32 $_size_execute0_lowered;
	s2 =	sadd.s32 s2, s4;
	[dreg:$0x0] =	wrdreg $0x0  }
0xa8: {  	s4 =	sshll.u32 s28, $0x1;
	[dreg:$0x2] =	wrdreg s2  }
0xa9: {  	[dreg:$0x3] =	wrdreg s4  }
0xaa: {  	[dreg:$0x4] =	wrdreg $0xC0  }
0xab: {  	_ =	task [dreg:s6], $0x5FFFF  }
0xac: {  	[dreg:$0x1] =	wrdreg $0xFFFFFFFF  }
0xad: {  	[dreg:$0x0] =	wrdreg $0x60  }
0xae: {  	[dreg:$0x2] =	wrdreg s24  }
0xaf: {  	[dreg:$0x3] =	wrdreg $0x9  }
0xb0: {  	_ =	task.clear_ibuf [dreg:s6], $0x4FFFF;
	_ =	strace $0x90000055  }
0xb1: {  	s29 =	simm.s32 $0x9;
	_ =	strace $0x80000057  }
0xb2: {  	_ =	swait.ge [sflag:s29], $0x1  }
0xb3: {  	[sflag:s29] =	ssyncadd.s32 $0xFFFFFFFF  }
0xb4: {  	_ =	strace $0x90000057  }
0xb5: {  	_ =	sfence  }
0xb6: {  	s30 =	sld [smem:$0x0];
	_ =	sdelay $0x2  }
0xb7: {  	s31 =	sshll.u32 s1, $0xD;
	s1 =	sshrl.u32 s1, $0x2  }
0xb8: {  	s3 =	sand.u32 $0x4000, s31;
	s1 =	sadd.s32 s1, s30  }
0xb9: {  	s0 =	sor.u32 s3, s0;
	s1 =	sshll.u32 s1, $0x11  }
0xba: {  	s0 =	sor.u32 s1, s0  }
0xbb: {  	s0 =	sadd.s32 $0x8F2B, s0  }
0xbc: {  	[sflag:s0] =	ssyncadd.remote.s32 $0x1  }
0xbd: {  	_ =	sfence.sel $0xFFFF  }
0xbe: {  	[dreg:$0x0] =	wrdreg $0xFFFFFFFF;
	(pc) =	sbr.abs _section_cstart, $3  }
0xbf: {  	[dreg:$0x1] =	wrdreg $0xFFFFFFFF  }
0xc0: {  	_ =	task.clear_ibuf [dreg:s6], $0x2FFFF;
	_ =	strace $0x9FFFFFFF  }
0xc1: {  	(tm) =	ssettm $0x7FFFFFFF  }
tec
execute0_lowered:
.L_overlay_start_1:
0x0: {  	(tag) =	ssettag $0x1  }
0x1: {  	s1 =	srdreg.scid  }
0x2: {  	s0 =	stileid.u32;
	s5 =	rddreg [dreg:$0x0];
	s2 =	simm.s32 $0x0  }
0x3: {  	s11 =	simm.s32 $0x80;
	s12 =	simm.s32 $0x4F00;
	s13 =	simm.s32 $0x0  }
0x4: {  	s4 =	sand.u32 $0x1, s1;
	s28 =	sshll.u32 s0, $0x1;
	s1 =	rddreg [dreg:$0x1]  }
0x5: {  	[smem:$0x7FF] =	sst s2;
	s8 =	smul.u32 $0xF0000, s0;
	s10 =	sadd.s32 $0x9000, s5  }
0x6: {  	s3 =	sor.u32 s4, s28;
	s9 =	ssub.s32 $0x2, s4;
	s4 =	smul.u32 $0x78000, s4  }
0x7: {  	_ =	strace $0x80000056;
	s6 =	smul.u32 $0x1E0, s3;
	s29 =	sshrl.u32 s9, $0x1  }
0x8: {  	s7 =	smul.u32 $0x78000, s3;
	s3 =	sadd.s32 $0x23CC00, s5;
	s9 =	ssub.s32 s9, s29  }
0x9: {  	s31 =	sadd.s32 s4, s8;
	s8 =	simm.s32 $0x2;
	s6 =	sadd.s32 s6, s5  }
0xa: {  	s30 =	sshrl.u32 s7, $0x3;
	s7 =	sshrl.u32 s31, $0x3;
	s4 =	sadd.s32 $0x239000, s6  }
0xb: {  	s5 =	sadd.s32 s10, s30;
	s6 =	smax.u32 s9, $0x1;
	s7 =	sadd.s32 s7, s10  }
0xc: {  	s9 =	simm.s32 $0xF00;
	s10 =	simm.s32 $0x1;
	s5 =	sadd.s32 $0xE800, s5  }
.LBB2_1:
0xd: {  	[tilespmem:s2], [sflag:$0x2] =	stream.linear.gather [hbm4b:s4+s2], $0xF00, $0x38;
	[tilespmem:$0x8F00] =	vst v63  }
0xe: {  	_ =	swait.ge [sflag:s8], $0xF00  }
0xf: {  	[sflag:s8] =	ssyncset.done $0x0  }
0x10: {  	[sflag:s8] =	ssyncadd.s32 $0xFFFFF100  }
0x11: {  	[tilespmem:s9], [sflag:$0x1] =	stream.indirect.gather [hbm4b:s3+s11], $0x80, s2, s11, $0xb8;
	[tilespmem:$0x8F00] =	vst v63  }
0x12: {  	s14 =	simm.s32 $0x0;
	_ =	swait.ge [sflag:s10], $0x4000  }
0x13: {  	s14 =	sand.u32 $0x4000, s14;
	[sflag:s10] =	ssyncset.done $0x0  }
0x14: {  	s15 =	sxor.u32 $0x4F00, s14;
	[sflag:s10] =	ssyncadd.s32 $0xFFFFC000  }
0x15: {  	[tilespmem:s15], [sflag:$0x1] =	stream.indirect.gather [hbm4b:s3+s11], $0x80, s11, s11, $0xb8;
	[tilespmem:$0x8F00] =	vst v63  }
0x16: {  	s14 =	sor.u32 $0xF00, s14  }
0x17: {  	[hbm4b:s7+s2] =	stream.linear.scatter [tilespmem:s14], [sflag:$0x2], $0x4000, $0x38;
	[tilespmem:$0x8F00] =	vst v63  }
0x18: {  	s16 =	simm.s32 $0x80;
	_ =	swait.ge [sflag:s8], $0x4000  }
0x19: {  	s15 =	smov.u32 s7;
	s14 =	simm.s32 $0x1;
	[sflag:s8] =	ssyncset.done $0x0  }
.LBB2_2:
0x1a: {  	[sflag:s8] =	ssyncadd.s32 $0xFFFFC000  }
0x1b: {  	s15 =	sadd.s32 $0x800, s15;
	s16 =	sadd.s32 $0x80, s16;
	s17 =	smov.u32 s14  }
0x1c: {  	p0 =	sne.s32 s14, $0x1C;
	s14 =	sadd.s32 $0x1, s14;
	_ =	swait.ge [sflag:s10], $0x4000  }
0x1d: {  	s17 =	sshll.u32 s17, $0xE;
	[sflag:s10] =	ssyncset.done $0x0  }
0x1e: {  	s17 =	sand.u32 $0x4000, s17;
	[sflag:s10] =	ssyncadd.s32 $0xFFFFC000  }
0x1f: {  	s18 =	sxor.u32 $0x4F00, s17  }
0x20: {  	[tilespmem:s18], [sflag:$0x1] =	stream.indirect.gather [hbm4b:s3+s11], $0x80, s16, s11, $0xb8;
	[tilespmem:$0x8F00] =	vst v63  }
.Ltmp0:
0x21: {  	_ = 	snop;
	(pc) =	sbr.rel @p0 .LBB2_2-.Ltmp0, $4  }
0x22: {  	s17 =	sor.u32 $0xF00, s17  }
0x23: {  	[hbm4b:s15+s2] =	stream.linear.scatter [tilespmem:s17], [sflag:$0x2], $0x4000, $0x38;
	[tilespmem:$0x8F00] =	vst v63  }
0x24: {  	_ =	swait.ge [sflag:s8], $0x4000  }
0x25: {  	[sflag:s8] =	ssyncset.done $0x0  }
0x26: {  	[sflag:s8] =	ssyncadd.s32 $0xFFFFC000  }
0x27: {  	s13 =	sadd.s32 $0x1, s13;
	_ =	swait.ge [sflag:s10], $0x4000  }
0x28: {  	p0 =	sne.s32 s13, s6;
	[sflag:s10] =	ssyncset.done $0x0  }
.Ltmp1:
0x29: {  	[sflag:s10] =	ssyncadd.s32 $0xFFFFC000;
	(pc) =	sbr.rel @p0 .LBB2_1-.Ltmp1, $4  }
0x2a: {  	[hbm4b:s5+s2] =	stream.linear.scatter [tilespmem:s12], [sflag:$0x2], $0x4000, $0x38;
	[tilespmem:$0x8F00] =	vst v63  }
0x2b: {  	_ =	swait.ge [sflag:s8], $0x4000  }
0x2c: {  	[sflag:s8] =	ssyncset.done $0x0  }
0x2d: {  	[sflag:s8] =	ssyncadd.s32 $0xFFFFC000  }
0x2e: {  	_ =	sfence.sel $0x180000  }
0x2f: {  	[bflag:$0x0] =	sbarrier.arrive $0xFFFF  }
0x30: {  	p0 =	sne.s32 s0, $0x0;
	_ =	strace $0x90000056  }
0x31: {  	s0 =	sadd.s32 @!p0 $0x100000, s1;
	[bflag:$0x2] =	sbarrier.arrive $0xFFFF  }
0x32: {  	[sflag:s0] =	ssyncadd.tile.s32 @!p0 $0x1;
	_ =	shalt  }
.Lfunc_end2:
_tile_overlayer_lowered:
.L_overlay_start_2:
0x33: {  	(tag) =	ssettag $0x2  }
0x34: {  	s0 =	rddreg [dreg:$0x0];
	s2 =	stileid.u32  }
0x35: {  	s1 =	rddreg [dreg:$0x1];
	p0 =	sne.s32 s2, $0x0  }
0x36: {  	s3 =	rddreg [dreg:$0x2];
	[bflag:$0x3] =	sbarrier.arrive $0xFFFF;
	s2 =	simm.s32 @!p0 $0x1C02  }
0x37: {  	[timem:s3], [sflag:s2] =	dma.local @!p0 [hbm:s0], s1  }
0x38: {  	s0 =	simm.s32 @!p0 $0x2  }
0x39: {  	_ =	swait.ge @!p0 [sflag:s0], s1  }
0x3a: {  	s1 =	ssub.s32 @!p0 $0x0, s1;
	[sflag:s0] =	ssyncset.done @!p0 $0x0  }
0x3b: {  	[sflag:s0] =	ssyncadd.s32 @!p0 s1  }
0x3c: {  	[bflag:$0x3] =	sbarrier.arrive $0xFFFF  }
0x3d: {  	_ =	shalt  }

// kernel: kernel.35.cloned.1.call-start
scs
__scs_entry_jumppad:
0x0: {  	(pc) =	sbr.rel $0x88, $3  }
0x1: {  	(tag) =	ssettag $0x0;
	lr =	simm.s32 $0x1  }
0x2: {  	[smem:$0x3F5C] =	sst lr;
	_ =	strace $0xD0000000  }
0x3: {  	_ = 	snop  }
0x4: {  	_ = 	snop  }
0x5: {  	_ = 	snop  }
0x6: {  	_ = 	snop  }
0x7: {  	_ = 	snop  }
__scs_overlays_trampoline_lowered:
0x8: {  	[smem:$0x3F6B] =	sst s0  }
0x9: {  	[smem:$0x3F6C] =	sst s1  }
0xa: {  	[smem:$0x3F6D] =	sst s2  }
0xb: {  	[smem:$0x3F6E] =	sst s3  }
0xc: {  	[smem:$0x3F6F] =	sst s4  }
0xd: {  	[smem:$0x3F70] =	sst s5  }
0xe: {  	[smem:$0x3F71] =	sst s6  }
0xf: {  	[smem:$0x3F72] =	sst s7  }
0x10: {  	[smem:$0x3F73] =	sst s8  }
0x11: {  	[smem:$0x3F74] =	sst s9;
	s0 =	simm.s32 @!p0 $0x0  }
0x12: {  	s1 =	sld [smem:$0x3F5A];
	s0 =	simm.s32 @p0 $0x1  }
0x13: {  	[smem:$0x3F75] =	sst s0;
	s0 =	simm.s32 @!p1 $0x0  }
0x14: {  	s2 =	sld [smem:$0x3F59];
	s0 =	simm.s32 @p1 $0x1  }
0x15: {  	[smem:$0x3F76] =	sst s0;
	s0 =	simm.s32 @!p2 $0x0  }
0x16: {  	s3 =	sld [smem:$0x3FDB];
	s0 =	simm.s32 @p2 $0x1  }
0x17: {  	s4 =	simm.s32 $0x1BF5;
	[smem:$0x3F78] =	sst s0  }
0x18: {  	s0 =	sld [smem:$0x3F5B];
	_ =	swait.ge [sflag:s4], $0x0  }
0x19: {  	s7 =	sld [smem:$0x3F5C]  }
0x1a: {  	s8 =	sadd.s32 $0xFFFFE003, lr  }
0x1b: {  	s9 =	sadd.s32 $0xFFFFFEF7, lr;
	s5 =	simm.s32 $0xFFFFFFFF;
	p2 =	slt.u32 s8, $0xFFFFF086  }
0x1c: {  	p1 =	slt.u32 s9, $0xF7A;
	s5 =	simm.s32 @!p2 $0x0  }
0x1d: {  	s5 =	simm.s32 @p1 $0x1;
	p0 =	seq.s32 s7, s2  }
0x1e: {  	s7 =	smul.u32 @!p0 $0xF7A, s2;
	p2 =	seq.s32 @!p0 s5, $0x0  }
0x1f: {  	s9 =	smul.u32 $0xF7A, s1;
	s8 =	simm.s32 @!p0 $0x1BF5;
	p2 =	por !p2, p0  }
0x20: {  	[sflag:s8] =	ssyncset.s32 @!p0 $0xFFFFF086;
	s6 =	sadd.s32 @!p0 s3, s7;
	s7 =	simm.s32 @!p0 $0x108  }
0x21: {  	s3 =	sadd.s32 s3, s9;
	s6 =	sadd.s32 @!p0 $0x88, s6;
	s7 =	simm.s32 @p2 $0x1082  }
0x22: {  	[simem:s7], [sflag:s8] =	dma.local @!p0 [hbm:s6], $0xF7A  }
0x23: {  	s9 =	sor.u32 $0xD0000000, s2;
	s6 =	simm.s32 $0x108;
	_ =	swait.ge @!p0 [sflag:s8], $0x0  }
0x24: {  	s3 =	sadd.s32 $0x88, s3;
	s6 =	simm.s32 @!p1 $0x1082;
	[sflag:s4] =	ssyncset.s32 $0xFFFFF086  }
0x25: {  	[simem:s6], [sflag:s4] =	dma.local [hbm:s3], $0xF7A  }
0x26: {  	[smem:$0x3F5C] =	sst s1;
	(tag) =	ssettag s2;
	_ =	strace s9  }
0x27: {  	s1 =	sld [smem:$0x3F6C]  }
0x28: {  	s2 =	sld [smem:$0x3F6D]  }
0x29: {  	s4 =	sld [smem:$0x3F6F]  }
0x2a: {  	p0 =	seq.s32 s5, $0x0;
	s5 =	sld [smem:$0x3F70]  }
0x2b: {  	s6 =	sld [smem:$0x3F71]  }
0x2c: {  	s7 =	sld [smem:$0x3F72]  }
0x2d: {  	s3 =	simm.s32 $0x108;
	s8 =	sld [smem:$0x3F73]  }
0x2e: {  	s3 =	simm.s32 @!p0 $0x1082;
	s9 =	sld [smem:$0x3F74]  }
0x2f: {  	lr =	sadd.s32 s0, s3;
	s0 =	sld [smem:$0x3F6B]  }
0x30: {  	s3 =	sld [smem:$0x3F6E]  }
0x31: {  	[smem:$0x3F77] =	sst s10  }
0x32: {  	s10 =	sld [smem:$0x3F75];
	_ =	sdelay $0x3  }
0x33: {  	p0 =	seq.s32 s10, $0x1;
	s10 =	sld [smem:$0x3F77];
	_ =	sdelay $0x3  }
0x34: {  	[smem:$0x3F77] =	sst s10  }
0x35: {  	s10 =	sld [smem:$0x3F76];
	_ =	sdelay $0x3  }
0x36: {  	p1 =	seq.s32 s10, $0x1;
	s10 =	sld [smem:$0x3F77];
	_ =	sdelay $0x3  }
0x37: {  	[smem:$0x3F77] =	sst s10  }
0x38: {  	s10 =	sld [smem:$0x3F78]  }
0x39: {  	_ = 	snop;
	(pc) =	sbr.ind lr, $3  }
0x3a: {  	_ = 	snop  }
0x3b: {  	_ = 	snop  }
0x3c: {  	p2 =	seq.s32 s10, $0x1;
	s10 =	sld [smem:$0x3F77]  }
0x3d: {  	_ =	shalt  }
0x3e: {  	_ =	shalt  }
0x3f: {  	_ =	shalt  }
0x40: {  	_ =	shalt  }
0x41: {  	_ =	shalt  }
0x42: {  	_ =	shalt  }
0x43: {  	_ =	shalt  }
0x44: {  	_ =	shalt  }
0x45: {  	_ =	shalt  }
0x46: {  	_ =	shalt  }
0x47: {  	_ =	shalt  }
0x48: {  	_ =	shalt  }
0x49: {  	_ =	shalt  }
0x4a: {  	_ =	shalt  }
0x4b: {  	_ =	shalt  }
0x4c: {  	_ =	shalt  }
0x4d: {  	_ =	shalt  }
0x4e: {  	_ =	shalt  }
0x4f: {  	_ =	shalt  }
0x50: {  	_ =	shalt  }
0x51: {  	_ =	shalt  }
0x52: {  	_ =	shalt  }
0x53: {  	_ =	shalt  }
0x54: {  	_ =	shalt  }
0x55: {  	_ =	shalt  }
0x56: {  	_ =	shalt  }
0x57: {  	_ =	shalt  }
0x58: {  	_ =	shalt  }
0x59: {  	_ =	shalt  }
0x5a: {  	_ =	shalt  }
0x5b: {  	_ =	shalt  }
0x5c: {  	_ =	shalt  }
0x5d: {  	_ =	shalt  }
0x5e: {  	_ =	shalt  }
0x5f: {  	_ =	shalt  }
0x60: {  	_ =	shalt  }
0x61: {  	_ =	shalt  }
0x62: {  	_ =	shalt  }
0x63: {  	_ =	shalt  }
0x64: {  	_ =	shalt  }
0x65: {  	_ =	shalt  }
0x66: {  	_ =	shalt  }
0x67: {  	_ =	shalt  }
0x68: {  	_ =	shalt  }
0x69: {  	_ =	shalt  }
0x6a: {  	_ =	shalt  }
0x6b: {  	_ =	shalt  }
0x6c: {  	_ =	shalt  }
0x6d: {  	_ =	shalt  }
0x6e: {  	_ =	shalt  }
0x6f: {  	_ =	shalt  }
0x70: {  	_ =	shalt  }
0x71: {  	_ =	shalt  }
0x72: {  	_ =	shalt  }
0x73: {  	_ =	shalt  }
0x74: {  	_ =	shalt  }
0x75: {  	_ =	shalt  }
0x76: {  	_ =	shalt  }
0x77: {  	_ =	shalt  }
0x78: {  	_ =	shalt  }
0x79: {  	_ =	shalt  }
0x7a: {  	_ =	shalt  }
0x7b: {  	_ =	shalt  }
0x7c: {  	_ =	shalt  }
0x7d: {  	_ =	shalt  }
0x7e: {  	_ =	shalt  }
0x7f: {  	_ =	shalt  }
0x80: {  	_ =	shalt  }
0x81: {  	_ =	shalt  }
0x82: {  	_ =	shalt  }
0x83: {  	_ =	shalt  }
0x84: {  	_ =	shalt  }
0x85: {  	_ =	shalt  }
0x86: {  	_ =	shalt  }
0x87: {  	_ =	shalt  }
.Lfunc_end0:
.L_simem_size_0:
called_computation.6_lowered:
.L_overlay_start_0:
0x88: {  	s2 =	sld [smem:$0x3FD9]  }
0x89: {  	s3 =	sld [smem:$0x3FFE];
	_ =	sdelay $0x1  }
0x8a: {  	s1 =	srdreg.scid  }
0x8b: {  	s0 =	sand.u32 $0x1, s1  }
0x8c: {  	s16 =	sshll.u32 s0, $0xA;
	s2 =	sadd.s32 s3, s2  }
0x8d: {  	s2 =	sadd.s32 s2, s16  }
0x8e: {  	[smem:$0x3F83] =	sst s2  }
0x8f: {  	_ = 	snop  }
0x90: {  	(tm) =	ssettm $0x1  }
0x91: {  	s17 =	sld [smem:$0x3FFB];
	_ =	sdelay $0x3  }
0x92: {  	_ =	strace s17  }
0x93: {  	s2 =	sld [smem:$0x3FFC];
	_ =	sdelay $0x3  }
0x94: {  	_ =	strace s2  }
0x95: {  	s2 =	sld [smem:$0x3FFD];
	_ =	sdelay $0x3  }
0x96: {  	_ =	strace s2  }
0x97: {  	_ =	strace $0x8FFFFFFF  }
0x98: {  	s18 =	sld [smem:$0x3FDB];
	_ =	sdelay $0x1  }
0x99: {  	s19 =	simm.s32 $_scs_section_size  }
0x9a: {  	s4 =	simm.s32 $_size__tile_overlayer_lowered;
	s5 =	simm.s32 $_tile_overlayer_lowered  }
0x9b: {  	s22 =	simm.s32 $0x1BFF;
	s21 =	sshll.u32 s5, $0x1;
	s2 =	sadd.s32 s19, s18  }
0x9c: {  	s6 =	simm.s32 $0x0;
	s20 =	sshll.u32 s4, $0x1;
	s4 =	sadd.s32 s21, s2  }
0x9d: {  	[timem:s6], [sflag:s22] =	dma.local [hbm:s4], s20  }
0x9e: {  	_ =	swait.ge [sflag:s22], s20  }
0x9f: {  	s3 =	ssub.s32 $0x0, s20;
	[sflag:s22] =	ssyncset.done $0x0  }
0xa0: {  	[sflag:s22] =	ssyncadd.s32 s3;
	_ =	sdelay $0x1  }
0xa1: {  	s23 =	simm.s32 $0x1B8B  }
0xa2: {  	_ =	swait.ge [sflag:s23], $0x1  }
0xa3: {  	[sflag:s23] =	ssyncset.done $0x0  }
0xa4: {  	s25 =	simm.s32 $0x1B8E;
	s24 =	sld [smem:$0x3FFE];
	[sflag:s23] =	ssyncadd.s32 $0xFFFFFFFF  }
0xa5: {  	s26 =	simm.s32 $execute0_lowered;
	[smem:$0x3FD2] =	sst s25  }
0xa6: {  	s4 =	sshll.u32 s26, $0x1;
	_ =	strace $0x80000058;
	[dreg:$0x1] =	wrdreg $0xFFFFFFFF  }
0xa7: {  	s28 =	simm.s32 $_size_execute0_lowered;
	s2 =	sadd.s32 s2, s4;
	[dreg:$0x0] =	wrdreg $0x0  }
0xa8: {  	s4 =	sshll.u32 s28, $0x1;
	[dreg:$0x2] =	wrdreg s2  }
0xa9: {  	[dreg:$0x3] =	wrdreg s4  }
0xaa: {  	[dreg:$0x4] =	wrdreg $0xC0  }
0xab: {  	_ =	task [dreg:s6], $0x5FFFF  }
0xac: {  	[dreg:$0x1] =	wrdreg $0xFFFFFFFF  }
0xad: {  	[dreg:$0x0] =	wrdreg $0x60  }
0xae: {  	[dreg:$0x2] =	wrdreg s24  }
0xaf: {  	[dreg:$0x3] =	wrdreg $0x9  }
0xb0: {  	_ =	task.clear_ibuf [dreg:s6], $0x4FFFF;
	_ =	strace $0x90000058  }
0xb1: {  	s29 =	simm.s32 $0x9;
	_ =	strace $0x8000005A  }
0xb2: {  	_ =	swait.ge [sflag:s29], $0x1  }
0xb3: {  	[sflag:s29] =	ssyncadd.s32 $0xFFFFFFFF  }
0xb4: {  	_ =	strace $0x9000005A  }
0xb5: {  	_ =	sfence  }
0xb6: {  	s30 =	sld [smem:$0x0];
	_ =	sdelay $0x2  }
0xb7: {  	s31 =	sshll.u32 s1, $0xD;
	s1 =	sshrl.u32 s1, $0x2  }
0xb8: {  	s3 =	sand.u32 $0x4000, s31;
	s1 =	sadd.s32 s1, s30  }
0xb9: {  	s0 =	sor.u32 s3, s0;
	s1 =	sshll.u32 s1, $0x11  }
0xba: {  	s0 =	sor.u32 s1, s0  }
0xbb: {  	s0 =	sadd.s32 $0x8F2B, s0  }
0xbc: {  	[sflag:s0] =	ssyncadd.remote.s32 $0x1  }
0xbd: {  	_ =	sfence.sel $0xFFFF  }
0xbe: {  	[dreg:$0x0] =	wrdreg $0xFFFFFFFF;
	(pc) =	sbr.abs _section_cstart, $3  }
0xbf: {  	[dreg:$0x1] =	wrdreg $0xFFFFFFFF  }
0xc0: {  	_ =	task.clear_ibuf [dreg:s6], $0x2FFFF;
	_ =	strace $0x9FFFFFFF  }
0xc1: {  	(tm) =	ssettm $0x7FFFFFFF  }
tec
execute0_lowered:
.L_overlay_start_1:
0x0: {  	(tag) =	ssettag $0x1  }
0x1: {  	s1 =	srdreg.scid  }
0x2: {  	s0 =	stileid.u32;
	s5 =	rddreg [dreg:$0x0];
	s2 =	simm.s32 $0x0  }
0x3: {  	s11 =	simm.s32 $0x80;
	s12 =	simm.s32 $0x4F00;
	s13 =	simm.s32 $0x0  }
0x4: {  	s4 =	sand.u32 $0x1, s1;
	s28 =	sshll.u32 s0, $0x1;
	s1 =	rddreg [dreg:$0x1]  }
0x5: {  	[smem:$0x7FF] =	sst s2;
	s8 =	smul.u32 $0xF0000, s0;
	s10 =	sadd.s32 $0x9000, s5  }
0x6: {  	s3 =	sor.u32 s4, s28;
	s9 =	ssub.s32 $0x2, s4;
	s4 =	smul.u32 $0x78000, s4  }
0x7: {  	_ =	strace $0x80000059;
	s6 =	smul.u32 $0x1E0, s3;
	s29 =	sshrl.u32 s9, $0x1  }
0x8: {  	s7 =	smul.u32 $0x78000, s3;
	s3 =	sadd.s32 $0x23CC00, s5;
	s9 =	ssub.s32 s9, s29  }
0x9: {  	s31 =	sadd.s32 s4, s8;
	s8 =	simm.s32 $0x2;
	s6 =	sadd.s32 s6, s5  }
0xa: {  	s30 =	sshrl.u32 s7, $0x3;
	s7 =	sshrl.u32 s31, $0x3;
	s4 =	sadd.s32 $0x239000, s6  }
0xb: {  	s5 =	sadd.s32 s10, s30;
	s6 =	smax.u32 s9, $0x1;
	s7 =	sadd.s32 s7, s10  }
0xc: {  	s9 =	simm.s32 $0xF00;
	s10 =	simm.s32 $0x1;
	s5 =	sadd.s32 $0xE800, s5  }
.LBB2_1:
0xd: {  	[tilespmem:s2], [sflag:$0x2] =	stream.linear.gather [hbm4b:s4+s2], $0xF00, $0x38;
	[tilespmem:$0x8F00] =	vst v63  }
0xe: {  	_ =	swait.ge [sflag:s8], $0xF00  }
0xf: {  	[sflag:s8] =	ssyncset.done $0x0  }
0x10: {  	[sflag:s8] =	ssyncadd.s32 $0xFFFFF100  }
0x11: {  	[tilespmem:s9], [sflag:$0x1] =	stream.indirect.gather [hbm4b:s3+s11], $0x80, s2, s11, $0xb8;
	[tilespmem:$0x8F00] =	vst v63  }
0x12: {  	s14 =	simm.s32 $0x0;
	_ =	swait.ge [sflag:s10], $0x4000  }
0x13: {  	s14 =	sand.u32 $0x4000, s14;
	[sflag:s10] =	ssyncset.done $0x0  }
0x14: {  	s15 =	sxor.u32 $0x4F00, s14;
	[sflag:s10] =	ssyncadd.s32 $0xFFFFC000  }
0x15: {  	[tilespmem:s15], [sflag:$0x1] =	stream.indirect.gather [hbm4b:s3+s11], $0x80, s11, s11, $0xb8;
	[tilespmem:$0x8F00] =	vst v63  }
0x16: {  	s14 =	sor.u32 $0xF00, s14  }
0x17: {  	[hbm4b:s7+s2] =	stream.linear.scatter [tilespmem:s14], [sflag:$0x2], $0x4000, $0x38;
	[tilespmem:$0x8F00] =	vst v63  }
0x18: {  	s16 =	simm.s32 $0x80;
	_ =	swait.ge [sflag:s8], $0x4000  }
0x19: {  	s15 =	smov.u32 s7;
	s14 =	simm.s32 $0x1;
	[sflag:s8] =	ssyncset.done $0x0  }
.LBB2_2:
0x1a: {  	[sflag:s8] =	ssyncadd.s32 $0xFFFFC000  }
0x1b: {  	s15 =	sadd.s32 $0x800, s15;
	s16 =	sadd.s32 $0x80, s16;
	s17 =	smov.u32 s14  }
0x1c: {  	p0 =	sne.s32 s14, $0x1C;
	s14 =	sadd.s32 $0x1, s14;
	_ =	swait.ge [sflag:s10], $0x4000  }
0x1d: {  	s17 =	sshll.u32 s17, $0xE;
	[sflag:s10] =	ssyncset.done $0x0  }
0x1e: {  	s17 =	sand.u32 $0x4000, s17;
	[sflag:s10] =	ssyncadd.s32 $0xFFFFC000  }
0x1f: {  	s18 =	sxor.u32 $0x4F00, s17  }
0x20: {  	[tilespmem:s18], [sflag:$0x1] =	stream.indirect.gather [hbm4b:s3+s11], $0x80, s16, s11, $0xb8;
	[tilespmem:$0x8F00] =	vst v63  }
.Ltmp0:
0x21: {  	_ = 	snop;
	(pc) =	sbr.rel @p0 .LBB2_2-.Ltmp0, $4  }
0x22: {  	s17 =	sor.u32 $0xF00, s17  }
0x23: {  	[hbm4b:s15+s2] =	stream.linear.scatter [tilespmem:s17], [sflag:$0x2], $0x4000, $0x38;
	[tilespmem:$0x8F00] =	vst v63  }
0x24: {  	_ =	swait.ge [sflag:s8], $0x4000  }
0x25: {  	[sflag:s8] =	ssyncset.done $0x0  }
0x26: {  	[sflag:s8] =	ssyncadd.s32 $0xFFFFC000  }
0x27: {  	s13 =	sadd.s32 $0x1, s13;
	_ =	swait.ge [sflag:s10], $0x4000  }
0x28: {  	p0 =	sne.s32 s13, s6;
	[sflag:s10] =	ssyncset.done $0x0  }
.Ltmp1:
0x29: {  	[sflag:s10] =	ssyncadd.s32 $0xFFFFC000;
	(pc) =	sbr.rel @p0 .LBB2_1-.Ltmp1, $4  }
0x2a: {  	[hbm4b:s5+s2] =	stream.linear.scatter [tilespmem:s12], [sflag:$0x2], $0x4000, $0x38;
	[tilespmem:$0x8F00] =	vst v63  }
0x2b: {  	_ =	swait.ge [sflag:s8], $0x4000  }
0x2c: {  	[sflag:s8] =	ssyncset.done $0x0  }
0x2d: {  	[sflag:s8] =	ssyncadd.s32 $0xFFFFC000  }
0x2e: {  	_ =	sfence.sel $0x180000  }
0x2f: {  	[bflag:$0x0] =	sbarrier.arrive $0xFFFF  }
0x30: {  	p0 =	sne.s32 s0, $0x0;
	_ =	strace $0x90000059  }
0x31: {  	s0 =	sadd.s32 @!p0 $0x100000, s1;
	[bflag:$0x2] =	sbarrier.arrive $0xFFFF  }
0x32: {  	[sflag:s0] =	ssyncadd.tile.s32 @!p0 $0x1;
	_ =	shalt  }
.Lfunc_end2:
_tile_overlayer_lowered:
.L_overlay_start_2:
0x33: {  	(tag) =	ssettag $0x2  }
0x34: {  	s0 =	rddreg [dreg:$0x0];
	s2 =	stileid.u32  }
0x35: {  	s1 =	rddreg [dreg:$0x1];
	p0 =	sne.s32 s2, $0x0  }
0x36: {  	s3 =	rddreg [dreg:$0x2];
	[bflag:$0x3] =	sbarrier.arrive $0xFFFF;
	s2 =	simm.s32 @!p0 $0x1C02  }
0x37: {  	[timem:s3], [sflag:s2] =	dma.local @!p0 [hbm:s0], s1  }
0x38: {  	s0 =	simm.s32 @!p0 $0x2  }
0x39: {  	_ =	swait.ge @!p0 [sflag:s0], s1  }
0x3a: {  	s1 =	ssub.s32 @!p0 $0x0, s1;
	[sflag:s0] =	ssyncset.done @!p0 $0x0  }
0x3b: {  	[sflag:s0] =	ssyncadd.s32 @!p0 s1  }
0x3c: {  	[bflag:$0x3] =	sbarrier.arrive $0xFFFF  }
0x3d: {  	_ =	shalt  }

</sc_bundles>
